<compile_context>
chip_gen: v7x
topology: tpu7x:2x2x1
jax: 0.10.2.dev20260603
libtpu: 0.0.44.dev20260713+nightly
codegen_flags: <defaults>
</compile_context>

<pallas_src>
import functools

import jax
import jax.numpy as jnp
from jax import lax
from jax.experimental import pallas as pl
from jax.experimental.pallas import tpu as pltpu, tpu_sc as plsc

_NC = 2
_NS = 16
_L = 16
_NW = _NC * _NS
_G = 8


def _make_kernel(B, V, D):
    assert B % (8 * _NW) == 0 and D % _L == 0
    b_per_w = B // _NW
    n_pairs = b_per_w // (2 * _G)
    mesh = plsc.VectorSubcoreMesh(core_axis_name="c", subcore_axis_name="s")

    @functools.partial(
        pl.kernel,
        out_type=jax.ShapeDtypeStruct((B, D), jnp.float32),
        mesh=mesh,
        scratch_types=[
            pltpu.VMEM((b_per_w + _L,), jnp.int32),
            pltpu.VMEM((2, _G, D, 128), jnp.float32),
            pltpu.VMEM((2, _G, D), jnp.float32),
            pltpu.SemaphoreType.DMA,
            pltpu.SemaphoreType.DMA,
            pltpu.SemaphoreType.DMA,
        ],
        compiler_params=pltpu.CompilerParams(
            use_tc_tiling_on_sc=True,
            needs_layout_passes=False,
        ),
    )
    def k(idx_hbm, tab_hbm, out_hbm, idx_v, tb, ob, sem0, sem1, osem):
        wid = lax.axis_index("s") * _NC + lax.axis_index("c")
        base = wid * b_per_w
        pltpu.sync_copy(idx_hbm.at[pl.ds(base, b_per_w)], idx_v.at[pl.ds(0, b_per_w)])
        lane = lax.iota(jnp.int32, _L)

        def chunk_of(h):
            start = pl.multiple_of(h * _G, _G)
            return idx_v[pl.ds(start, _L)]

        def fire(h, bi, sem):
            ch = chunk_of(h)
            for gi in range(_G):
                off = pl.multiple_of((ch[gi] >> 7) * 128, 128)
                pltpu.async_copy(
                    tab_hbm.at[:, pl.ds(off, 128)], tb.at[bi, gi], sem
                )

        def drain(bi, sem):
            for gi in range(_G):
                pltpu.make_async_copy(
                    tab_hbm.at[:, pl.ds(0, 128)], tb.at[bi, gi], sem
                ).wait()

        def drain_out(bi):
            pltpu.make_async_copy(
                ob.at[bi], out_hbm.at[pl.ds(base, _G), :], osem
            ).wait()

        def extract_store(h, bi, first):
            ch = chunk_of(h)
            if not first:
                drain_out(bi)
            for gi in range(_G):
                lv = jnp.zeros((_L,), jnp.int32) + (ch[gi] & 127)
                for h2 in range(D // _L):
                    vals = plsc.load_gather(tb.at[bi, gi], [lane + h2 * _L, lv])
                    ob[bi, gi, pl.ds(h2 * _L, _L)] = vals
            pltpu.async_copy(ob.at[bi], out_hbm.at[pl.ds(base + h * _G, _G), :], osem)

        fire(0, 0, sem0)
        fire(1, 1, sem1)
        drain(0, sem0)
        extract_store(0, 0, True)
        fire(2, 0, sem0)
        drain(1, sem1)
        extract_store(1, 1, True)

        def pair(p, _):
            fire(2 * p + 3, 1, sem1)
            drain(0, sem0)
            extract_store(2 * p + 2, 0, False)

            @pl.when(p < n_pairs - 2)
            def _():
                fire(2 * p + 4, 0, sem0)

            drain(1, sem1)
            extract_store(2 * p + 3, 1, False)
            return 0

        lax.fori_loop(0, n_pairs - 1, pair, 0)
        drain_out(0)
        drain_out(1)

    return k


@jax.jit
def kernel(user_fea, embedding_location):
    B, _ = user_fea.shape
    V, D = embedding_location.shape
    idx = user_fea[:, 0].astype(jnp.int32)
    k = _make_kernel(B, V, D)
    return k(idx, embedding_location.T)

# --- scband reference (transcript-rebuilt; emitter-appended) ---
"""Pipeline reference for scband-user-embedding-db-6622839570494 (READ-ONLY COPY).

The authoritative reference and input builder live on the scoring server;
editing this copy changes nothing except your own understanding.
"""

import jax, jax.numpy as jnp
import numpy as np

NUM_LOCATION = 1000000
EMBEDDING_DIM = 32
BATCH = 16384
N_FEA = 8

def setup_inputs(seed: int = 0) -> dict:
    key = jax.random.key(seed)
    k1, k2 = jax.random.split(key)
    user_fea = jax.random.randint(k1, (BATCH, N_FEA), 0, NUM_LOCATION, dtype=jnp.int64) if jax.config.jax_enable_x64 else jax.random.randint(k1, (BATCH, N_FEA), 0, NUM_LOCATION, dtype=jnp.int32)
    embedding_location = jax.random.normal(k2, (NUM_LOCATION, EMBEDDING_DIM), dtype=jnp.float32)
    return {"user_fea": user_fea, "embedding_location": embedding_location}

def reference(user_fea, embedding_location):
    # location_idx = user_fea[:, 0]; location_emb = Embedding(location_idx)
    location_idx = user_fea[:, 0]
    location_emb = jnp.take(embedding_location, location_idx, axis=0)
    return location_emb

if __name__ == "__main__":
    import jax
    _d = setup_inputs()
    print(jax.jit(kernel)(*tuple(_d.values())))

</pallas_src>

<mosaic_0001>
#map = affine_map<(d0, d1) -> (0)>
#map1 = affine_map<(d0, d1) -> (0, 0)>
module attributes {stable_mosaic.version = 14 : i64} {
  func.func @k(%arg0: i32, %arg1: i32, %arg2: memref<16384xi32, #tpu.memory_space<hbm>>, %arg3: memref<32x1000000xf32, #tpu.memory_space<hbm>>, %arg4: memref<16384x32xf32, #tpu.memory_space<hbm>>, %arg5: memref<528xi32, #tpu.memory_space<vmem>>, %arg6: memref<2x8x32x128xf32, #tpu.memory_space<vmem>>, %arg7: memref<2x8x32xf32, #tpu.memory_space<vmem>>, %arg8: memref<!tpu.dma_semaphore, #tpu.memory_space<semaphore_mem>>, %arg9: memref<!tpu.dma_semaphore, #tpu.memory_space<semaphore_mem>>, %arg10: memref<!tpu.dma_semaphore, #tpu.memory_space<semaphore_mem>>) attributes {dimension_semantics = [#tpu.dimension_semantics<core_parallel>, #tpu.dimension_semantics<subcore_parallel>], iteration_bounds = array<i64: 2, 16>, scalar_prefetch = 0 : i64, scratch_operands = 6 : i64, tpu.core_type = #tpu.core_type<sc_vector_subcore>, window_params = [{transform_indices = #map}, {transform_indices = #map1}, {transform_indices = #map1}]} {
    %mul3A = arith.constant 2 : i32
    %mul3A_0 = arith.muli %arg1, %mul3A : i32
    %add3A = arith.addi %mul3A_0, %arg0 : i32
    %mul3A_1 = arith.constant 512 : i32
    %mul3A_2 = arith.muli %add3A, %mul3A_1 : i32
    "tpu.region"() ({
      %run_scoped3A = tpu.sem_alloc : memref<!tpu.dma_semaphore, #tpu.memory_space<semaphore_mem>>
      %dma_start3A_1474 = arith.constant 0 : i32
      %dma_start3A_1475 = tpu.memref_slice %arg5[%dma_start3A_1474] : memref<528xi32, #tpu.memory_space<vmem>> -> memref<512xi32, #tpu.memory_space<vmem>>
      %dma_start3A_1476 = tpu.memref_slice %arg2[%mul3A_2] : memref<16384xi32, #tpu.memory_space<hbm>> -> memref<512xi32, #tpu.memory_space<hbm>>
      %dma_start3A_1477 = arith.constant 0 : i32
      %dma_start3A_1478 = tpu.memref_slice %arg5[%dma_start3A_1477] : memref<528xi32, #tpu.memory_space<vmem>> -> memref<512xi32, #tpu.memory_space<vmem>>
      %dma_start3A_1479 = tpu.memref_slice %arg2[%mul3A_2] : memref<16384xi32, #tpu.memory_space<hbm>> -> memref<512xi32, #tpu.memory_space<hbm>>
      tpu.enqueue_dma source(%dma_start3A_1479 : memref<512xi32, #tpu.memory_space<hbm>>) target(%dma_start3A_1478 : memref<512xi32, #tpu.memory_space<vmem>>) target_semaphore(%run_scoped3A : memref<!tpu.dma_semaphore, #tpu.memory_space<semaphore_mem>>)
      %dma_wait3A_1480 = arith.constant 0 : i32
      %dma_wait3A_1481 = tpu.memref_slice %arg5[%dma_wait3A_1480] : memref<528xi32, #tpu.memory_space<vmem>> -> memref<512xi32, #tpu.memory_space<vmem>>
      %dma_wait3A_1482 = tpu.memref_slice %arg2[%mul3A_2] : memref<16384xi32, #tpu.memory_space<hbm>> -> memref<512xi32, #tpu.memory_space<hbm>>
      %dma_wait3A_1483 = arith.constant 0 : i32
      %dma_wait3A_1484 = tpu.memref_slice %arg5[%dma_wait3A_1483] : memref<528xi32, #tpu.memory_space<vmem>> -> memref<512xi32, #tpu.memory_space<vmem>>
      %dma_wait3A_1485 = tpu.memref_slice %arg2[%mul3A_2] : memref<16384xi32, #tpu.memory_space<hbm>> -> memref<512xi32, #tpu.memory_space<hbm>>
      tpu.wait_dma2 semaphore(%run_scoped3A : memref<!tpu.dma_semaphore, #tpu.memory_space<semaphore_mem>>) src(%dma_wait3A_1485 : memref<512xi32, #tpu.memory_space<hbm>>) dst(%dma_wait3A_1484 : memref<512xi32, #tpu.memory_space<vmem>>)
      tpu.yield
    }) : () -> ()
    %iota3A = tpu.iota {dimensions = array<i32: 0>} : vector<16xi32>
    %multiple_of3A = arith.constant 0 : i32
    %multiple_of3A_3 = tpu.assume_multiple %multiple_of3A, 8 : i32
    %get3A = arith.index_cast %multiple_of3A_3 : i32 to index
    %get3A_4 = tpu.vector_load %arg5[%get3A] {strides = array<i32>} : memref<528xi32, #tpu.memory_space<vmem>>, vector<16xi32>,
    %slice3A = vector.extract_strided_slice %get3A_4 {offsets = [0], sizes = [1], strides = [1]} : vector<16xi32> to vector<1xi32>
    %squeeze3A = vector.extract %slice3A[0] : i32 from vector<1xi32>
    %shift_right_arithmetic3A = arith.constant 7 : i32
    %shift_right_arithmetic3A_5 = arith.shrsi %squeeze3A, %shift_right_arithmetic3A : i32
    %mul3A_6 = arith.constant 128 : i32
    %mul3A_7 = arith.muli %shift_right_arithmetic3A_5, %mul3A_6 : i32
    %multiple_of3A_8 = tpu.assume_multiple %mul3A_7, 128 : i32
    %dma_start3A = arith.constant 0 : i32
    %dma_start3A_9 = arith.constant 0 : i32
    %dma_start3A_10 = arith.constant 0 : i32
    %dma_start3A_11 = arith.constant 0 : i32
    %dma_start3A_12 = tpu.memref_slice %arg6[%dma_start3A, %dma_start3A_9, %dma_start3A_10, %dma_start3A_11] : memref<2x8x32x128xf32, #tpu.memory_space<vmem>> -> memref<1x1x32x128xf32, #tpu.memory_space<vmem>>
    %dma_start3A_13 = tpu.memref_squeeze %dma_start3A_12 : memref<1x1x32x128xf32, #tpu.memory_space<vmem>> -> memref<32x128xf32, #tpu.memory_space<vmem>>
    %dma_start3A_14 = arith.constant 0 : i32
    %dma_start3A_15 = tpu.memref_slice %arg3[%dma_start3A_14, %multiple_of3A_8] : memref<32x1000000xf32, #tpu.memory_space<hbm>> -> memref<32x128xf32, #tpu.memory_space<hbm>>
    %dma_start3A_16 = arith.constant 0 : i32
    %dma_start3A_17 = arith.constant 0 : i32
    %dma_start3A_18 = tpu.memref_slice %arg6[%dma_start3A, %dma_start3A_9, %dma_start3A_16, %dma_start3A_17] : memref<2x8x32x128xf32, #tpu.memory_space<vmem>> -> memref<1x1x32x128xf32, #tpu.memory_space<vmem>>
    %dma_start3A_19 = tpu.memref_squeeze %dma_start3A_18 : memref<1x1x32x128xf32, #tpu.memory_space<vmem>> -> memref<32x128xf32, #tpu.memory_space<vmem>>
    %dma_start3A_20 = arith.constant 0 : i32
    %dma_start3A_21 = tpu.memref_slice %arg3[%dma_start3A_20, %multiple_of3A_8] : memref<32x1000000xf32, #tpu.memory_space<hbm>> -> memref<32x128xf32, #tpu.memory_space<hbm>>
    tpu.enqueue_dma source(%dma_start3A_21 : memref<32x128xf32, #tpu.memory_space<hbm>>) target(%dma_start3A_19 : memref<32x128xf32, #tpu.memory_space<vmem>>) target_semaphore(%arg8 : memref<!tpu.dma_semaphore, #tpu.memory_space<semaphore_mem>>)
    %slice3A_22 = vector.extract_strided_slice %get3A_4 {offsets = [1], sizes = [1], strides = [1]} : vector<16xi32> to vector<1xi32>
    %squeeze3A_23 = vector.extract %slice3A_22[0] : i32 from vector<1xi32>
    %shift_right_arithmetic3A_24 = arith.constant 7 : i32
    %shift_right_arithmetic3A_25 = arith.shrsi %squeeze3A_23, %shift_right_arithmetic3A_24 : i32
    %mul3A_26 = arith.constant 128 : i32
    %mul3A_27 = arith.muli %shift_right_arithmetic3A_25, %mul3A_26 : i32
    %multiple_of3A_28 = tpu.assume_multiple %mul3A_27, 128 : i32
    %dma_start3A_29 = arith.constant 0 : i32
    %dma_start3A_30 = arith.constant 1 : i32
    %dma_start3A_31 = arith.constant 0 : i32
    %dma_start3A_32 = arith.constant 0 : i32
    %dma_start3A_33 = tpu.memref_slice %arg6[%dma_start3A_29, %dma_start3A_30, %dma_start3A_31, %dma_start3A_32] : memref<2x8x32x128xf32, #tpu.memory_space<vmem>> -> memref<1x1x32x128xf32, #tpu.memory_space<vmem>>
    %dma_start3A_34 = tpu.memref_squeeze %dma_start3A_33 : memref<1x1x32x128xf32, #tpu.memory_space<vmem>> -> memref<32x128xf32, #tpu.memory_space<vmem>>
    %dma_start3A_35 = arith.constant 0 : i32
    %dma_start3A_36 = tpu.memref_slice %arg3[%dma_start3A_35, %multiple_of3A_28] : memref<32x1000000xf32, #tpu.memory_space<hbm>> -> memref<32x128xf32, #tpu.memory_space<hbm>>
    %dma_start3A_37 = arith.constant 0 : i32
    %dma_start3A_38 = arith.constant 0 : i32
    %dma_start3A_39 = tpu.memref_slice %arg6[%dma_start3A_29, %dma_start3A_30, %dma_start3A_37, %dma_start3A_38] : memref<2x8x32x128xf32, #tpu.memory_space<vmem>> -> memref<1x1x32x128xf32, #tpu.memory_space<vmem>>
    %dma_start3A_40 = tpu.memref_squeeze %dma_start3A_39 : memref<1x1x32x128xf32, #tpu.memory_space<vmem>> -> memref<32x128xf32, #tpu.memory_space<vmem>>
    %dma_start3A_41 = arith.constant 0 : i32
    %dma_start3A_42 = tpu.memref_slice %arg3[%dma_start3A_41, %multiple_of3A_28] : memref<32x1000000xf32, #tpu.memory_space<hbm>> -> memref<32x128xf32, #tpu.memory_space<hbm>>
    tpu.enqueue_dma source(%dma_start3A_42 : memref<32x128xf32, #tpu.memory_space<hbm>>) target(%dma_start3A_40 : memref<32x128xf32, #tpu.memory_space<vmem>>) target_semaphore(%arg8 : memref<!tpu.dma_semaphore, #tpu.memory_space<semaphore_mem>>)
    %slice3A_43 = vector.extract_strided_slice %get3A_4 {offsets = [2], sizes = [1], strides = [1]} : vector<16xi32> to vector<1xi32>
    %squeeze3A_44 = vector.extract %slice3A_43[0] : i32 from vector<1xi32>
    %shift_right_arithmetic3A_45 = arith.constant 7 : i32
    %shift_right_arithmetic3A_46 = arith.shrsi %squeeze3A_44, %shift_right_arithmetic3A_45 : i32
    %mul3A_47 = arith.constant 128 : i32
    %mul3A_48 = arith.muli %shift_right_arithmetic3A_46, %mul3A_47 : i32
    %multiple_of3A_49 = tpu.assume_multiple %mul3A_48, 128 : i32
    %dma_start3A_50 = arith.constant 0 : i32
    %dma_start3A_51 = arith.constant 2 : i32
    %dma_start3A_52 = arith.constant 0 : i32
    %dma_start3A_53 = arith.constant 0 : i32
    %dma_start3A_54 = tpu.memref_slice %arg6[%dma_start3A_50, %dma_start3A_51, %dma_start3A_52, %dma_start3A_53] : memref<2x8x32x128xf32, #tpu.memory_space<vmem>> -> memref<1x1x32x128xf32, #tpu.memory_space<vmem>>
    %dma_start3A_55 = tpu.memref_squeeze %dma_start3A_54 : memref<1x1x32x128xf32, #tpu.memory_space<vmem>> -> memref<32x128xf32, #tpu.memory_space<vmem>>
    %dma_start3A_56 = arith.constant 0 : i32
    %dma_start3A_57 = tpu.memref_slice %arg3[%dma_start3A_56, %multiple_of3A_49] : memref<32x1000000xf32, #tpu.memory_space<hbm>> -> memref<32x128xf32, #tpu.memory_space<hbm>>
    %dma_start3A_58 = arith.constant 0 : i32
    %dma_start3A_59 = arith.constant 0 : i32
    %dma_start3A_60 = tpu.memref_slice %arg6[%dma_start3A_50, %dma_start3A_51, %dma_start3A_58, %dma_start3A_59] : memref<2x8x32x128xf32, #tpu.memory_space<vmem>> -> memref<1x1x32x128xf32, #tpu.memory_space<vmem>>
    %dma_start3A_61 = tpu.memref_squeeze %dma_start3A_60 : memref<1x1x32x128xf32, #tpu.memory_space<vmem>> -> memref<32x128xf32, #tpu.memory_space<vmem>>
    %dma_start3A_62 = arith.constant 0 : i32
    %dma_start3A_63 = tpu.memref_slice %arg3[%dma_start3A_62, %multiple_of3A_49] : memref<32x1000000xf32, #tpu.memory_space<hbm>> -> memref<32x128xf32, #tpu.memory_space<hbm>>
    tpu.enqueue_dma source(%dma_start3A_63 : memref<32x128xf32, #tpu.memory_space<hbm>>) target(%dma_start3A_61 : memref<32x128xf32, #tpu.memory_space<vmem>>) target_semaphore(%arg8 : memref<!tpu.dma_semaphore, #tpu.memory_space<semaphore_mem>>)
    %slice3A_64 = vector.extract_strided_slice %get3A_4 {offsets = [3], sizes = [1], strides = [1]} : vector<16xi32> to vector<1xi32>
    %squeeze3A_65 = vector.extract %slice3A_64[0] : i32 from vector<1xi32>
    %shift_right_arithmetic3A_66 = arith.constant 7 : i32
    %shift_right_arithmetic3A_67 = arith.shrsi %squeeze3A_65, %shift_right_arithmetic3A_66 : i32
    %mul3A_68 = arith.constant 128 : i32
    %mul3A_69 = arith.muli %shift_right_arithmetic3A_67, %mul3A_68 : i32
    %multiple_of3A_70 = tpu.assume_multiple %mul3A_69, 128 : i32
    %dma_start3A_71 = arith.constant 0 : i32
    %dma_start3A_72 = arith.constant 3 : i32
    %dma_start3A_73 = arith.constant 0 : i32
    %dma_start3A_74 = arith.constant 0 : i32
    %dma_start3A_75 = tpu.memref_slice %arg6[%dma_start3A_71, %dma_start3A_72, %dma_start3A_73, %dma_start3A_74] : memref<2x8x32x128xf32, #tpu.memory_space<vmem>> -> memref<1x1x32x128xf32, #tpu.memory_space<vmem>>
    %dma_start3A_76 = tpu.memref_squeeze %dma_start3A_75 : memref<1x1x32x128xf32, #tpu.memory_space<vmem>> -> memref<32x128xf32, #tpu.memory_space<vmem>>
    %dma_start3A_77 = arith.constant 0 : i32
    %dma_start3A_78 = tpu.memref_slice %arg3[%dma_start3A_77, %multiple_of3A_70] : memref<32x1000000xf32, #tpu.memory_space<hbm>> -> memref<32x128xf32, #tpu.memory_space<hbm>>
    %dma_start3A_79 = arith.constant 0 : i32
    %dma_start3A_80 = arith.constant 0 : i32
    %dma_start3A_81 = tpu.memref_slice %arg6[%dma_start3A_71, %dma_start3A_72, %dma_start3A_79, %dma_start3A_80] : memref<2x8x32x128xf32, #tpu.memory_space<vmem>> -> memref<1x1x32x128xf32, #tpu.memory_space<vmem>>
    %dma_start3A_82 = tpu.memref_squeeze %dma_start3A_81 : memref<1x1x32x128xf32, #tpu.memory_space<vmem>> -> memref<32x128xf32, #tpu.memory_space<vmem>>
    %dma_start3A_83 = arith.constant 0 : i32
    %dma_start3A_84 = tpu.memref_slice %arg3[%dma_start3A_83, %multiple_of3A_70] : memref<32x1000000xf32, #tpu.memory_space<hbm>> -> memref<32x128xf32, #tpu.memory_space<hbm>>
    tpu.enqueue_dma source(%dma_start3A_84 : memref<32x128xf32, #tpu.memory_space<hbm>>) target(%dma_start3A_82 : memref<32x128xf32, #tpu.memory_space<vmem>>) target_semaphore(%arg8 : memref<!tpu.dma_semaphore, #tpu.memory_space<semaphore_mem>>)
    %slice3A_85 = vector.extract_strided_slice %get3A_4 {offsets = [4], sizes = [1], strides = [1]} : vector<16xi32> to vector<1xi32>
    %squeeze3A_86 = vector.extract %slice3A_85[0] : i32 from vector<1xi32>
    %shift_right_arithmetic3A_87 = arith.constant 7 : i32
    %shift_right_arithmetic3A_88 = arith.shrsi %squeeze3A_86, %shift_right_arithmetic3A_87 : i32
    %mul3A_89 = arith.constant 128 : i32
    %mul3A_90 = arith.muli %shift_right_arithmetic3A_88, %mul3A_89 : i32
    %multiple_of3A_91 = tpu.assume_multiple %mul3A_90, 128 : i32
    %dma_start3A_92 = arith.constant 0 : i32
    %dma_start3A_93 = arith.constant 4 : i32
    %dma_start3A_94 = arith.constant 0 : i32
    %dma_start3A_95 = arith.constant 0 : i32
    %dma_start3A_96 = tpu.memref_slice %arg6[%dma_start3A_92, %dma_start3A_93, %dma_start3A_94, %dma_start3A_95] : memref<2x8x32x128xf32, #tpu.memory_space<vmem>> -> memref<1x1x32x128xf32, #tpu.memory_space<vmem>>
    %dma_start3A_97 = tpu.memref_squeeze %dma_start3A_96 : memref<1x1x32x128xf32, #tpu.memory_space<vmem>> -> memref<32x128xf32, #tpu.memory_space<vmem>>
    %dma_start3A_98 = arith.constant 0 : i32
    %dma_start3A_99 = tpu.memref_slice %arg3[%dma_start3A_98, %multiple_of3A_91] : memref<32x1000000xf32, #tpu.memory_space<hbm>> -> memref<32x128xf32, #tpu.memory_space<hbm>>
    %dma_start3A_100 = arith.constant 0 : i32
    %dma_start3A_101 = arith.constant 0 : i32
    %dma_start3A_102 = tpu.memref_slice %arg6[%dma_start3A_92, %dma_start3A_93, %dma_start3A_100, %dma_start3A_101] : memref<2x8x32x128xf32, #tpu.memory_space<vmem>> -> memref<1x1x32x128xf32, #tpu.memory_space<vmem>>
    %dma_start3A_103 = tpu.memref_squeeze %dma_start3A_102 : memref<1x1x32x128xf32, #tpu.memory_space<vmem>> -> memref<32x128xf32, #tpu.memory_space<vmem>>
    %dma_start3A_104 = arith.constant 0 : i32
    %dma_start3A_105 = tpu.memref_slice %arg3[%dma_start3A_104, %multiple_of3A_91] : memref<32x1000000xf32, #tpu.memory_space<hbm>> -> memref<32x128xf32, #tpu.memory_space<hbm>>
    tpu.enqueue_dma source(%dma_start3A_105 : memref<32x128xf32, #tpu.memory_space<hbm>>) target(%dma_start3A_103 : memref<32x128xf32, #tpu.memory_space<vmem>>) target_semaphore(%arg8 : memref<!tpu.dma_semaphore, #tpu.memory_space<semaphore_mem>>)
    %slice3A_106 = vector.extract_strided_slice %get3A_4 {offsets = [5], sizes = [1], strides = [1]} : vector<16xi32> to vector<1xi32>
    %squeeze3A_107 = vector.extract %slice3A_106[0] : i32 from vector<1xi32>
    %shift_right_arithmetic3A_108 = arith.constant 7 : i32
    %shift_right_arithmetic3A_109 = arith.shrsi %squeeze3A_107, %shift_right_arithmetic3A_108 : i32
    %mul3A_110 = arith.constant 128 : i32
    %mul3A_111 = arith.muli %shift_right_arithmetic3A_109, %mul3A_110 : i32
    %multiple_of3A_112 = tpu.assume_multiple %mul3A_111, 128 : i32
    %dma_start3A_113 = arith.constant 0 : i32
    %dma_start3A_114 = arith.constant 5 : i32
    %dma_start3A_115 = arith.constant 0 : i32
    %dma_start3A_116 = arith.constant 0 : i32
    %dma_start3A_117 = tpu.memref_slice %arg6[%dma_start3A_113, %dma_start3A_114, %dma_start3A_115, %dma_start3A_116] : memref<2x8x32x128xf32, #tpu.memory_space<vmem>> -> memref<1x1x32x128xf32, #tpu.memory_space<vmem>>
    %dma_start3A_118 = tpu.memref_squeeze %dma_start3A_117 : memref<1x1x32x128xf32, #tpu.memory_space<vmem>> -> memref<32x128xf32, #tpu.memory_space<vmem>>
    %dma_start3A_119 = arith.constant 0 : i32
    %dma_start3A_120 = tpu.memref_slice %arg3[%dma_start3A_119, %multiple_of3A_112] : memref<32x1000000xf32, #tpu.memory_space<hbm>> -> memref<32x128xf32, #tpu.memory_space<hbm>>
    %dma_start3A_121 = arith.constant 0 : i32
    %dma_start3A_122 = arith.constant 0 : i32
    %dma_start3A_123 = tpu.memref_slice %arg6[%dma_start3A_113, %dma_start3A_114, %dma_start3A_121, %dma_start3A_122] : memref<2x8x32x128xf32, #tpu.memory_space<vmem>> -> memref<1x1x32x128xf32, #tpu.memory_space<vmem>>
    %dma_start3A_124 = tpu.memref_squeeze %dma_start3A_123 : memref<1x1x32x128xf32, #tpu.memory_space<vmem>> -> memref<32x128xf32, #tpu.memory_space<vmem>>
    %dma_start3A_125 = arith.constant 0 : i32
    %dma_start3A_126 = tpu.memref_slice %arg3[%dma_start3A_125, %multiple_of3A_112] : memref<32x1000000xf32, #tpu.memory_space<hbm>> -> memref<32x128xf32, #tpu.memory_space<hbm>>
    tpu.enqueue_dma source(%dma_start3A_126 : memref<32x128xf32, #tpu.memory_space<hbm>>) target(%dma_start3A_124 : memref<32x128xf32, #tpu.memory_space<vmem>>) target_semaphore(%arg8 : memref<!tpu.dma_semaphore, #tpu.memory_space<semaphore_mem>>)
    %slice3A_127 = vector.extract_strided_slice %get3A_4 {offsets = [6], sizes = [1], strides = [1]} : vector<16xi32> to vector<1xi32>
    %squeeze3A_128 = vector.extract %slice3A_127[0] : i32 from vector<1xi32>
    %shift_right_arithmetic3A_129 = arith.constant 7 : i32
    %shift_right_arithmetic3A_130 = arith.shrsi %squeeze3A_128, %shift_right_arithmetic3A_129 : i32
    %mul3A_131 = arith.constant 128 : i32
    %mul3A_132 = arith.muli %shift_right_arithmetic3A_130, %mul3A_131 : i32
    %multiple_of3A_133 = tpu.assume_multiple %mul3A_132, 128 : i32
    %dma_start3A_134 = arith.constant 0 : i32
    %dma_start3A_135 = arith.constant 6 : i32
    %dma_start3A_136 = arith.constant 0 : i32
    %dma_start3A_137 = arith.constant 0 : i32
    %dma_start3A_138 = tpu.memref_slice %arg6[%dma_start3A_134, %dma_start3A_135, %dma_start3A_136, %dma_start3A_137] : memref<2x8x32x128xf32, #tpu.memory_space<vmem>> -> memref<1x1x32x128xf32, #tpu.memory_space<vmem>>
    %dma_start3A_139 = tpu.memref_squeeze %dma_start3A_138 : memref<1x1x32x128xf32, #tpu.memory_space<vmem>> -> memref<32x128xf32, #tpu.memory_space<vmem>>
    %dma_start3A_140 = arith.constant 0 : i32
    %dma_start3A_141 = tpu.memref_slice %arg3[%dma_start3A_140, %multiple_of3A_133] : memref<32x1000000xf32, #tpu.memory_space<hbm>> -> memref<32x128xf32, #tpu.memory_space<hbm>>
    %dma_start3A_142 = arith.constant 0 : i32
    %dma_start3A_143 = arith.constant 0 : i32
    %dma_start3A_144 = tpu.memref_slice %arg6[%dma_start3A_134, %dma_start3A_135, %dma_start3A_142, %dma_start3A_143] : memref<2x8x32x128xf32, #tpu.memory_space<vmem>> -> memref<1x1x32x128xf32, #tpu.memory_space<vmem>>
    %dma_start3A_145 = tpu.memref_squeeze %dma_start3A_144 : memref<1x1x32x128xf32, #tpu.memory_space<vmem>> -> memref<32x128xf32, #tpu.memory_space<vmem>>
    %dma_start3A_146 = arith.constant 0 : i32
    %dma_start3A_147 = tpu.memref_slice %arg3[%dma_start3A_146, %multiple_of3A_133] : memref<32x1000000xf32, #tpu.memory_space<hbm>> -> memref<32x128xf32, #tpu.memory_space<hbm>>
    tpu.enqueue_dma source(%dma_start3A_147 : memref<32x128xf32, #tpu.memory_space<hbm>>) target(%dma_start3A_145 : memref<32x128xf32, #tpu.memory_space<vmem>>) target_semaphore(%arg8 : memref<!tpu.dma_semaphore, #tpu.memory_space<semaphore_mem>>)
    %slice3A_148 = vector.extract_strided_slice %get3A_4 {offsets = [7], sizes = [1], strides = [1]} : vector<16xi32> to vector<1xi32>
    %squeeze3A_149 = vector.extract %slice3A_148[0] : i32 from vector<1xi32>
    %shift_right_arithmetic3A_150 = arith.constant 7 : i32
    %shift_right_arithmetic3A_151 = arith.shrsi %squeeze3A_149, %shift_right_arithmetic3A_150 : i32
    %mul3A_152 = arith.constant 128 : i32
    %mul3A_153 = arith.muli %shift_right_arithmetic3A_151, %mul3A_152 : i32
    %multiple_of3A_154 = tpu.assume_multiple %mul3A_153, 128 : i32
    %dma_start3A_155 = arith.constant 0 : i32
    %dma_start3A_156 = arith.constant 7 : i32
    %dma_start3A_157 = arith.constant 0 : i32
    %dma_start3A_158 = arith.constant 0 : i32
    %dma_start3A_159 = tpu.memref_slice %arg6[%dma_start3A_155, %dma_start3A_156, %dma_start3A_157, %dma_start3A_158] : memref<2x8x32x128xf32, #tpu.memory_space<vmem>> -> memref<1x1x32x128xf32, #tpu.memory_space<vmem>>
    %dma_start3A_160 = tpu.memref_squeeze %dma_start3A_159 : memref<1x1x32x128xf32, #tpu.memory_space<vmem>> -> memref<32x128xf32, #tpu.memory_space<vmem>>
    %dma_start3A_161 = arith.constant 0 : i32
    %dma_start3A_162 = tpu.memref_slice %arg3[%dma_start3A_161, %multiple_of3A_154] : memref<32x1000000xf32, #tpu.memory_space<hbm>> -> memref<32x128xf32, #tpu.memory_space<hbm>>
    %dma_start3A_163 = arith.constant 0 : i32
    %dma_start3A_164 = arith.constant 0 : i32
    %dma_start3A_165 = tpu.memref_slice %arg6[%dma_start3A_155, %dma_start3A_156, %dma_start3A_163, %dma_start3A_164] : memref<2x8x32x128xf32, #tpu.memory_space<vmem>> -> memref<1x1x32x128xf32, #tpu.memory_space<vmem>>
    %dma_start3A_166 = tpu.memref_squeeze %dma_start3A_165 : memref<1x1x32x128xf32, #tpu.memory_space<vmem>> -> memref<32x128xf32, #tpu.memory_space<vmem>>
    %dma_start3A_167 = arith.constant 0 : i32
    %dma_start3A_168 = tpu.memref_slice %arg3[%dma_start3A_167, %multiple_of3A_154] : memref<32x1000000xf32, #tpu.memory_space<hbm>> -> memref<32x128xf32, #tpu.memory_space<hbm>>
    tpu.enqueue_dma source(%dma_start3A_168 : memref<32x128xf32, #tpu.memory_space<hbm>>) target(%dma_start3A_166 : memref<32x128xf32, #tpu.memory_space<vmem>>) target_semaphore(%arg8 : memref<!tpu.dma_semaphore, #tpu.memory_space<semaphore_mem>>)
    %multiple_of3A_169 = arith.constant 8 : i32
    %multiple_of3A_170 = tpu.assume_multiple %multiple_of3A_169, 8 : i32
    %get3A_171 = arith.index_cast %multiple_of3A_170 : i32 to index
    %get3A_172 = tpu.vector_load %arg5[%get3A_171] {strides = array<i32>} : memref<528xi32, #tpu.memory_space<vmem>>, vector<16xi32>,
    %slice3A_173 = vector.extract_strided_slice %get3A_172 {offsets = [0], sizes = [1], strides = [1]} : vector<16xi32> to vector<1xi32>
    %squeeze3A_174 = vector.extract %slice3A_173[0] : i32 from vector<1xi32>
    %shift_right_arithmetic3A_175 = arith.constant 7 : i32
    %shift_right_arithmetic3A_176 = arith.shrsi %squeeze3A_174, %shift_right_arithmetic3A_175 : i32
    %mul3A_177 = arith.constant 128 : i32
    %mul3A_178 = arith.muli %shift_right_arithmetic3A_176, %mul3A_177 : i32
    %multiple_of3A_179 = tpu.assume_multiple %mul3A_178, 128 : i32
    %dma_start3A_180 = arith.constant 1 : i32
    %dma_start3A_181 = arith.constant 0 : i32
    %dma_start3A_182 = arith.constant 0 : i32
    %dma_start3A_183 = arith.constant 0 : i32
    %dma_start3A_184 = tpu.memref_slice %arg6[%dma_start3A_180, %dma_start3A_181, %dma_start3A_182, %dma_start3A_183] : memref<2x8x32x128xf32, #tpu.memory_space<vmem>> -> memref<1x1x32x128xf32, #tpu.memory_space<vmem>>
    %dma_start3A_185 = tpu.memref_squeeze %dma_start3A_184 : memref<1x1x32x128xf32, #tpu.memory_space<vmem>> -> memref<32x128xf32, #tpu.memory_space<vmem>>
    %dma_start3A_186 = arith.constant 0 : i32
    %dma_start3A_187 = tpu.memref_slice %arg3[%dma_start3A_186, %multiple_of3A_179] : memref<32x1000000xf32, #tpu.memory_space<hbm>> -> memref<32x128xf32, #tpu.memory_space<hbm>>
    %dma_start3A_188 = arith.constant 0 : i32
    %dma_start3A_189 = arith.constant 0 : i32
    %dma_start3A_190 = tpu.memref_slice %arg6[%dma_start3A_180, %dma_start3A_181, %dma_start3A_188, %dma_start3A_189] : memref<2x8x32x128xf32, #tpu.memory_space<vmem>> -> memref<1x1x32x128xf32, #tpu.memory_space<vmem>>
    %dma_start3A_191 = tpu.memref_squeeze %dma_start3A_190 : memref<1x1x32x128xf32, #tpu.memory_space<vmem>> -> memref<32x128xf32, #tpu.memory_space<vmem>>
    %dma_start3A_192 = arith.constant 0 : i32
    %dma_start3A_193 = tpu.memref_slice %arg3[%dma_start3A_192, %multiple_of3A_179] : memref<32x1000000xf32, #tpu.memory_space<hbm>> -> memref<32x128xf32, #tpu.memory_space<hbm>>
    tpu.enqueue_dma source(%dma_start3A_193 : memref<32x128xf32, #tpu.memory_space<hbm>>) target(%dma_start3A_191 : memref<32x128xf32, #tpu.memory_space<vmem>>) target_semaphore(%arg9 : memref<!tpu.dma_semaphore, #tpu.memory_space<semaphore_mem>>)
    %slice3A_194 = vector.extract_strided_slice %get3A_172 {offsets = [1], sizes = [1], strides = [1]} : vector<16xi32> to vector<1xi32>
    %squeeze3A_195 = vector.extract %slice3A_194[0] : i32 from vector<1xi32>
    %shift_right_arithmetic3A_196 = arith.constant 7 : i32
    %shift_right_arithmetic3A_197 = arith.shrsi %squeeze3A_195, %shift_right_arithmetic3A_196 : i32
    %mul3A_198 = arith.constant 128 : i32
    %mul3A_199 = arith.muli %shift_right_arithmetic3A_197, %mul3A_198 : i32
    %multiple_of3A_200 = tpu.assume_multiple %mul3A_199, 128 : i32
    %dma_start3A_201 = arith.constant 1 : i32
    %dma_start3A_202 = arith.constant 1 : i32
    %dma_start3A_203 = arith.constant 0 : i32
    %dma_start3A_204 = arith.constant 0 : i32
    %dma_start3A_205 = tpu.memref_slice %arg6[%dma_start3A_201, %dma_start3A_202, %dma_start3A_203, %dma_start3A_204] : memref<2x8x32x128xf32, #tpu.memory_space<vmem>> -> memref<1x1x32x128xf32, #tpu.memory_space<vmem>>
    %dma_start3A_206 = tpu.memref_squeeze %dma_start3A_205 : memref<1x1x32x128xf32, #tpu.memory_space<vmem>> -> memref<32x128xf32, #tpu.memory_space<vmem>>
    %dma_start3A_207 = arith.constant 0 : i32
    %dma_start3A_208 = tpu.memref_slice %arg3[%dma_start3A_207, %multiple_of3A_200] : memref<32x1000000xf32, #tpu.memory_space<hbm>> -> memref<32x128xf32, #tpu.memory_space<hbm>>
    %dma_start3A_209 = arith.constant 0 : i32
    %dma_start3A_210 = arith.constant 0 : i32
    %dma_start3A_211 = tpu.memref_slice %arg6[%dma_start3A_201, %dma_start3A_202, %dma_start3A_209, %dma_start3A_210] : memref<2x8x32x128xf32, #tpu.memory_space<vmem>> -> memref<1x1x32x128xf32, #tpu.memory_space<vmem>>
    %dma_start3A_212 = tpu.memref_squeeze %dma_start3A_211 : memref<1x1x32x128xf32, #tpu.memory_space<vmem>> -> memref<32x128xf32, #tpu.memory_space<vmem>>
    %dma_start3A_213 = arith.constant 0 : i32
    %dma_start3A_214 = tpu.memref_slice %arg3[%dma_start3A_213, %multiple_of3A_200] : memref<32x1000000xf32, #tpu.memory_space<hbm>> -> memref<32x128xf32, #tpu.memory_space<hbm>>
    tpu.enqueue_dma source(%dma_start3A_214 : memref<32x128xf32, #tpu.memory_space<hbm>>) target(%dma_start3A_212 : memref<32x128xf32, #tpu.memory_space<vmem>>) target_semaphore(%arg9 : memref<!tpu.dma_semaphore, #tpu.memory_space<semaphore_mem>>)
    %slice3A_215 = vector.extract_strided_slice %get3A_172 {offsets = [2], sizes = [1], strides = [1]} : vector<16xi32> to vector<1xi32>
    %squeeze3A_216 = vector.extract %slice3A_215[0] : i32 from vector<1xi32>
    %shift_right_arithmetic3A_217 = arith.constant 7 : i32
    %shift_right_arithmetic3A_218 = arith.shrsi %squeeze3A_216, %shift_right_arithmetic3A_217 : i32
    %mul3A_219 = arith.constant 128 : i32
    %mul3A_220 = arith.muli %shift_right_arithmetic3A_218, %mul3A_219 : i32
    %multiple_of3A_221 = tpu.assume_multiple %mul3A_220, 128 : i32
    %dma_start3A_222 = arith.constant 1 : i32
    %dma_start3A_223 = arith.constant 2 : i32
    %dma_start3A_224 = arith.constant 0 : i32
    %dma_start3A_225 = arith.constant 0 : i32
    %dma_start3A_226 = tpu.memref_slice %arg6[%dma_start3A_222, %dma_start3A_223, %dma_start3A_224, %dma_start3A_225] : memref<2x8x32x128xf32, #tpu.memory_space<vmem>> -> memref<1x1x32x128xf32, #tpu.memory_space<vmem>>
    %dma_start3A_227 = tpu.memref_squeeze %dma_start3A_226 : memref<1x1x32x128xf32, #tpu.memory_space<vmem>> -> memref<32x128xf32, #tpu.memory_space<vmem>>
    %dma_start3A_228 = arith.constant 0 : i32
    %dma_start3A_229 = tpu.memref_slice %arg3[%dma_start3A_228, %multiple_of3A_221] : memref<32x1000000xf32, #tpu.memory_space<hbm>> -> memref<32x128xf32, #tpu.memory_space<hbm>>
    %dma_start3A_230 = arith.constant 0 : i32
    %dma_start3A_231 = arith.constant 0 : i32
    %dma_start3A_232 = tpu.memref_slice %arg6[%dma_start3A_222, %dma_start3A_223, %dma_start3A_230, %dma_start3A_231] : memref<2x8x32x128xf32, #tpu.memory_space<vmem>> -> memref<1x1x32x128xf32, #tpu.memory_space<vmem>>
    %dma_start3A_233 = tpu.memref_squeeze %dma_start3A_232 : memref<1x1x32x128xf32, #tpu.memory_space<vmem>> -> memref<32x128xf32, #tpu.memory_space<vmem>>
    %dma_start3A_234 = arith.constant 0 : i32
    %dma_start3A_235 = tpu.memref_slice %arg3[%dma_start3A_234, %multiple_of3A_221] : memref<32x1000000xf32, #tpu.memory_space<hbm>> -> memref<32x128xf32, #tpu.memory_space<hbm>>
    tpu.enqueue_dma source(%dma_start3A_235 : memref<32x128xf32, #tpu.memory_space<hbm>>) target(%dma_start3A_233 : memref<32x128xf32, #tpu.memory_space<vmem>>) target_semaphore(%arg9 : memref<!tpu.dma_semaphore, #tpu.memory_space<semaphore_mem>>)
    %slice3A_236 = vector.extract_strided_slice %get3A_172 {offsets = [3], sizes = [1], strides = [1]} : vector<16xi32> to vector<1xi32>
    %squeeze3A_237 = vector.extract %slice3A_236[0] : i32 from vector<1xi32>
    %shift_right_arithmetic3A_238 = arith.constant 7 : i32
    %shift_right_arithmetic3A_239 = arith.shrsi %squeeze3A_237, %shift_right_arithmetic3A_238 : i32
    %mul3A_240 = arith.constant 128 : i32
    %mul3A_241 = arith.muli %shift_right_arithmetic3A_239, %mul3A_240 : i32
    %multiple_of3A_242 = tpu.assume_multiple %mul3A_241, 128 : i32
    %dma_start3A_243 = arith.constant 1 : i32
    %dma_start3A_244 = arith.constant 3 : i32
    %dma_start3A_245 = arith.constant 0 : i32
    %dma_start3A_246 = arith.constant 0 : i32
    %dma_start3A_247 = tpu.memref_slice %arg6[%dma_start3A_243, %dma_start3A_244, %dma_start3A_245, %dma_start3A_246] : memref<2x8x32x128xf32, #tpu.memory_space<vmem>> -> memref<1x1x32x128xf32, #tpu.memory_space<vmem>>
    %dma_start3A_248 = tpu.memref_squeeze %dma_start3A_247 : memref<1x1x32x128xf32, #tpu.memory_space<vmem>> -> memref<32x128xf32, #tpu.memory_space<vmem>>
    %dma_start3A_249 = arith.constant 0 : i32
    %dma_start3A_250 = tpu.memref_slice %arg3[%dma_start3A_249, %multiple_of3A_242] : memref<32x1000000xf32, #tpu.memory_space<hbm>> -> memref<32x128xf32, #tpu.memory_space<hbm>>
    %dma_start3A_251 = arith.constant 0 : i32
    %dma_start3A_252 = arith.constant 0 : i32
    %dma_start3A_253 = tpu.memref_slice %arg6[%dma_start3A_243, %dma_start3A_244, %dma_start3A_251, %dma_start3A_252] : memref<2x8x32x128xf32, #tpu.memory_space<vmem>> -> memref<1x1x32x128xf32, #tpu.memory_space<vmem>>
    %dma_start3A_254 = tpu.memref_squeeze %dma_start3A_253 : memref<1x1x32x128xf32, #tpu.memory_space<vmem>> -> memref<32x128xf32, #tpu.memory_space<vmem>>
    %dma_start3A_255 = arith.constant 0 : i32
    %dma_start3A_256 = tpu.memref_slice %arg3[%dma_start3A_255, %multiple_of3A_242] : memref<32x1000000xf32, #tpu.memory_space<hbm>> -> memref<32x128xf32, #tpu.memory_space<hbm>>
    tpu.enqueue_dma source(%dma_start3A_256 : memref<32x128xf32, #tpu.memory_space<hbm>>) target(%dma_start3A_254 : memref<32x128xf32, #tpu.memory_space<vmem>>) target_semaphore(%arg9 : memref<!tpu.dma_semaphore, #tpu.memory_space<semaphore_mem>>)
    %slice3A_257 = vector.extract_strided_slice %get3A_172 {offsets = [4], sizes = [1], strides = [1]} : vector<16xi32> to vector<1xi32>
    %squeeze3A_258 = vector.extract %slice3A_257[0] : i32 from vector<1xi32>
    %shift_right_arithmetic3A_259 = arith.constant 7 : i32
    %shift_right_arithmetic3A_260 = arith.shrsi %squeeze3A_258, %shift_right_arithmetic3A_259 : i32
    %mul3A_261 = arith.constant 128 : i32
    %mul3A_262 = arith.muli %shift_right_arithmetic3A_260, %mul3A_261 : i32
    %multiple_of3A_263 = tpu.assume_multiple %mul3A_262, 128 : i32
    %dma_start3A_264 = arith.constant 1 : i32
    %dma_start3A_265 = arith.constant 4 : i32
    %dma_start3A_266 = arith.constant 0 : i32
    %dma_start3A_267 = arith.constant 0 : i32
    %dma_start3A_268 = tpu.memref_slice %arg6[%dma_start3A_264, %dma_start3A_265, %dma_start3A_266, %dma_start3A_267] : memref<2x8x32x128xf32, #tpu.memory_space<vmem>> -> memref<1x1x32x128xf32, #tpu.memory_space<vmem>>
    %dma_start3A_269 = tpu.memref_squeeze %dma_start3A_268 : memref<1x1x32x128xf32, #tpu.memory_space<vmem>> -> memref<32x128xf32, #tpu.memory_space<vmem>>
    %dma_start3A_270 = arith.constant 0 : i32
    %dma_start3A_271 = tpu.memref_slice %arg3[%dma_start3A_270, %multiple_of3A_263] : memref<32x1000000xf32, #tpu.memory_space<hbm>> -> memref<32x128xf32, #tpu.memory_space<hbm>>
    %dma_start3A_272 = arith.constant 0 : i32
    %dma_start3A_273 = arith.constant 0 : i32
    %dma_start3A_274 = tpu.memref_slice %arg6[%dma_start3A_264, %dma_start3A_265, %dma_start3A_272, %dma_start3A_273] : memref<2x8x32x128xf32, #tpu.memory_space<vmem>> -> memref<1x1x32x128xf32, #tpu.memory_space<vmem>>
    %dma_start3A_275 = tpu.memref_squeeze %dma_start3A_274 : memref<1x1x32x128xf32, #tpu.memory_space<vmem>> -> memref<32x128xf32, #tpu.memory_space<vmem>>
    %dma_start3A_276 = arith.constant 0 : i32
    %dma_start3A_277 = tpu.memref_slice %arg3[%dma_start3A_276, %multiple_of3A_263] : memref<32x1000000xf32, #tpu.memory_space<hbm>> -> memref<32x128xf32, #tpu.memory_space<hbm>>
    tpu.enqueue_dma source(%dma_start3A_277 : memref<32x128xf32, #tpu.memory_space<hbm>>) target(%dma_start3A_275 : memref<32x128xf32, #tpu.memory_space<vmem>>) target_semaphore(%arg9 : memref<!tpu.dma_semaphore, #tpu.memory_space<semaphore_mem>>)
    %slice3A_278 = vector.extract_strided_slice %get3A_172 {offsets = [5], sizes = [1], strides = [1]} : vector<16xi32> to vector<1xi32>
    %squeeze3A_279 = vector.extract %slice3A_278[0] : i32 from vector<1xi32>
    %shift_right_arithmetic3A_280 = arith.constant 7 : i32
    %shift_right_arithmetic3A_281 = arith.shrsi %squeeze3A_279, %shift_right_arithmetic3A_280 : i32
    %mul3A_282 = arith.constant 128 : i32
    %mul3A_283 = arith.muli %shift_right_arithmetic3A_281, %mul3A_282 : i32
    %multiple_of3A_284 = tpu.assume_multiple %mul3A_283, 128 : i32
    %dma_start3A_285 = arith.constant 1 : i32
    %dma_start3A_286 = arith.constant 5 : i32
    %dma_start3A_287 = arith.constant 0 : i32
    %dma_start3A_288 = arith.constant 0 : i32
    %dma_start3A_289 = tpu.memref_slice %arg6[%dma_start3A_285, %dma_start3A_286, %dma_start3A_287, %dma_start3A_288] : memref<2x8x32x128xf32, #tpu.memory_space<vmem>> -> memref<1x1x32x128xf32, #tpu.memory_space<vmem>>
    %dma_start3A_290 = tpu.memref_squeeze %dma_start3A_289 : memref<1x1x32x128xf32, #tpu.memory_space<vmem>> -> memref<32x128xf32, #tpu.memory_space<vmem>>
    %dma_start3A_291 = arith.constant 0 : i32
    %dma_start3A_292 = tpu.memref_slice %arg3[%dma_start3A_291, %multiple_of3A_284] : memref<32x1000000xf32, #tpu.memory_space<hbm>> -> memref<32x128xf32, #tpu.memory_space<hbm>>
    %dma_start3A_293 = arith.constant 0 : i32
    %dma_start3A_294 = arith.constant 0 : i32
    %dma_start3A_295 = tpu.memref_slice %arg6[%dma_start3A_285, %dma_start3A_286, %dma_start3A_293, %dma_start3A_294] : memref<2x8x32x128xf32, #tpu.memory_space<vmem>> -> memref<1x1x32x128xf32, #tpu.memory_space<vmem>>
    %dma_start3A_296 = tpu.memref_squeeze %dma_start3A_295 : memref<1x1x32x128xf32, #tpu.memory_space<vmem>> -> memref<32x128xf32, #tpu.memory_space<vmem>>
    %dma_start3A_297 = arith.constant 0 : i32
    %dma_start3A_298 = tpu.memref_slice %arg3[%dma_start3A_297, %multiple_of3A_284] : memref<32x1000000xf32, #tpu.memory_space<hbm>> -> memref<32x128xf32, #tpu.memory_space<hbm>>
    tpu.enqueue_dma source(%dma_start3A_298 : memref<32x128xf32, #tpu.memory_space<hbm>>) target(%dma_start3A_296 : memref<32x128xf32, #tpu.memory_space<vmem>>) target_semaphore(%arg9 : memref<!tpu.dma_semaphore, #tpu.memory_space<semaphore_mem>>)
    %slice3A_299 = vector.extract_strided_slice %get3A_172 {offsets = [6], sizes = [1], strides = [1]} : vector<16xi32> to vector<1xi32>
    %squeeze3A_300 = vector.extract %slice3A_299[0] : i32 from vector<1xi32>
    %shift_right_arithmetic3A_301 = arith.constant 7 : i32
    %shift_right_arithmetic3A_302 = arith.shrsi %squeeze3A_300, %shift_right_arithmetic3A_301 : i32
    %mul3A_303 = arith.constant 128 : i32
    %mul3A_304 = arith.muli %shift_right_arithmetic3A_302, %mul3A_303 : i32
    %multiple_of3A_305 = tpu.assume_multiple %mul3A_304, 128 : i32
    %dma_start3A_306 = arith.constant 1 : i32
    %dma_start3A_307 = arith.constant 6 : i32
    %dma_start3A_308 = arith.constant 0 : i32
    %dma_start3A_309 = arith.constant 0 : i32
    %dma_start3A_310 = tpu.memref_slice %arg6[%dma_start3A_306, %dma_start3A_307, %dma_start3A_308, %dma_start3A_309] : memref<2x8x32x128xf32, #tpu.memory_space<vmem>> -> memref<1x1x32x128xf32, #tpu.memory_space<vmem>>
    %dma_start3A_311 = tpu.memref_squeeze %dma_start3A_310 : memref<1x1x32x128xf32, #tpu.memory_space<vmem>> -> memref<32x128xf32, #tpu.memory_space<vmem>>
    %dma_start3A_312 = arith.constant 0 : i32
    %dma_start3A_313 = tpu.memref_slice %arg3[%dma_start3A_312, %multiple_of3A_305] : memref<32x1000000xf32, #tpu.memory_space<hbm>> -> memref<32x128xf32, #tpu.memory_space<hbm>>
    %dma_start3A_314 = arith.constant 0 : i32
    %dma_start3A_315 = arith.constant 0 : i32
    %dma_start3A_316 = tpu.memref_slice %arg6[%dma_start3A_306, %dma_start3A_307, %dma_start3A_314, %dma_start3A_315] : memref<2x8x32x128xf32, #tpu.memory_space<vmem>> -> memref<1x1x32x128xf32, #tpu.memory_space<vmem>>
    %dma_start3A_317 = tpu.memref_squeeze %dma_start3A_316 : memref<1x1x32x128xf32, #tpu.memory_space<vmem>> -> memref<32x128xf32, #tpu.memory_space<vmem>>
    %dma_start3A_318 = arith.constant 0 : i32
    %dma_start3A_319 = tpu.memref_slice %arg3[%dma_start3A_318, %multiple_of3A_305] : memref<32x1000000xf32, #tpu.memory_space<hbm>> -> memref<32x128xf32, #tpu.memory_space<hbm>>
    tpu.enqueue_dma source(%dma_start3A_319 : memref<32x128xf32, #tpu.memory_space<hbm>>) target(%dma_start3A_317 : memref<32x128xf32, #tpu.memory_space<vmem>>) target_semaphore(%arg9 : memref<!tpu.dma_semaphore, #tpu.memory_space<semaphore_mem>>)
    %slice3A_320 = vector.extract_strided_slice %get3A_172 {offsets = [7], sizes = [1], strides = [1]} : vector<16xi32> to vector<1xi32>
    %squeeze3A_321 = vector.extract %slice3A_320[0] : i32 from vector<1xi32>
    %shift_right_arithmetic3A_322 = arith.constant 7 : i32
    %shift_right_arithmetic3A_323 = arith.shrsi %squeeze3A_321, %shift_right_arithmetic3A_322 : i32
    %mul3A_324 = arith.constant 128 : i32
    %mul3A_325 = arith.muli %shift_right_arithmetic3A_323, %mul3A_324 : i32
    %multiple_of3A_326 = tpu.assume_multiple %mul3A_325, 128 : i32
    %dma_start3A_327 = arith.constant 1 : i32
    %dma_start3A_328 = arith.constant 7 : i32
    %dma_start3A_329 = arith.constant 0 : i32
    %dma_start3A_330 = arith.constant 0 : i32
    %dma_start3A_331 = tpu.memref_slice %arg6[%dma_start3A_327, %dma_start3A_328, %dma_start3A_329, %dma_start3A_330] : memref<2x8x32x128xf32, #tpu.memory_space<vmem>> -> memref<1x1x32x128xf32, #tpu.memory_space<vmem>>
    %dma_start3A_332 = tpu.memref_squeeze %dma_start3A_331 : memref<1x1x32x128xf32, #tpu.memory_space<vmem>> -> memref<32x128xf32, #tpu.memory_space<vmem>>
    %dma_start3A_333 = arith.constant 0 : i32
    %dma_start3A_334 = tpu.memref_slice %arg3[%dma_start3A_333, %multiple_of3A_326] : memref<32x1000000xf32, #tpu.memory_space<hbm>> -> memref<32x128xf32, #tpu.memory_space<hbm>>
    %dma_start3A_335 = arith.constant 0 : i32
    %dma_start3A_336 = arith.constant 0 : i32
    %dma_start3A_337 = tpu.memref_slice %arg6[%dma_start3A_327, %dma_start3A_328, %dma_start3A_335, %dma_start3A_336] : memref<2x8x32x128xf32, #tpu.memory_space<vmem>> -> memref<1x1x32x128xf32, #tpu.memory_space<vmem>>
    %dma_start3A_338 = tpu.memref_squeeze %dma_start3A_337 : memref<1x1x32x128xf32, #tpu.memory_space<vmem>> -> memref<32x128xf32, #tpu.memory_space<vmem>>
    %dma_start3A_339 = arith.constant 0 : i32
    %dma_start3A_340 = tpu.memref_slice %arg3[%dma_start3A_339, %multiple_of3A_326] : memref<32x1000000xf32, #tpu.memory_space<hbm>> -> memref<32x128xf32, #tpu.memory_space<hbm>>
    tpu.enqueue_dma source(%dma_start3A_340 : memref<32x128xf32, #tpu.memory_space<hbm>>) target(%dma_start3A_338 : memref<32x128xf32, #tpu.memory_space<vmem>>) target_semaphore(%arg9 : memref<!tpu.dma_semaphore, #tpu.memory_space<semaphore_mem>>)
    %dma_wait3A = arith.constant 0 : i32
    %dma_wait3A_341 = arith.constant 0 : i32
    %dma_wait3A_342 = arith.constant 0 : i32
    %dma_wait3A_343 = arith.constant 0 : i32
    %dma_wait3A_344 = tpu.memref_slice %arg6[%dma_wait3A, %dma_wait3A_341, %dma_wait3A_342, %dma_wait3A_343] : memref<2x8x32x128xf32, #tpu.memory_space<vmem>> -> memref<1x1x32x128xf32, #tpu.memory_space<vmem>>
    %dma_wait3A_345 = tpu.memref_squeeze %dma_wait3A_344 : memref<1x1x32x128xf32, #tpu.memory_space<vmem>> -> memref<32x128xf32, #tpu.memory_space<vmem>>
    %dma_wait3A_346 = arith.constant 0 : i32
    %dma_wait3A_347 = arith.constant 0 : i32
    %dma_wait3A_348 = tpu.memref_slice %arg3[%dma_wait3A_346, %dma_wait3A_347] : memref<32x1000000xf32, #tpu.memory_space<hbm>> -> memref<32x128xf32, #tpu.memory_space<hbm>>
    %dma_wait3A_349 = arith.constant 0 : i32
    %dma_wait3A_350 = arith.constant 0 : i32
    %dma_wait3A_351 = tpu.memref_slice %arg6[%dma_wait3A, %dma_wait3A_341, %dma_wait3A_349, %dma_wait3A_350] : memref<2x8x32x128xf32, #tpu.memory_space<vmem>> -> memref<1x1x32x128xf32, #tpu.memory_space<vmem>>
    %dma_wait3A_352 = tpu.memref_squeeze %dma_wait3A_351 : memref<1x1x32x128xf32, #tpu.memory_space<vmem>> -> memref<32x128xf32, #tpu.memory_space<vmem>>
    %dma_wait3A_353 = arith.constant 0 : i32
    %dma_wait3A_354 = arith.constant 0 : i32
    %dma_wait3A_355 = tpu.memref_slice %arg3[%dma_wait3A_353, %dma_wait3A_354] : memref<32x1000000xf32, #tpu.memory_space<hbm>> -> memref<32x128xf32, #tpu.memory_space<hbm>>
    tpu.wait_dma2 semaphore(%arg8 : memref<!tpu.dma_semaphore, #tpu.memory_space<semaphore_mem>>) src(%dma_wait3A_355 : memref<32x128xf32, #tpu.memory_space<hbm>>) dst(%dma_wait3A_352 : memref<32x128xf32, #tpu.memory_space<vmem>>)
    %dma_wait3A_356 = arith.constant 0 : i32
    %dma_wait3A_357 = arith.constant 1 : i32
    %dma_wait3A_358 = arith.constant 0 : i32
    %dma_wait3A_359 = arith.constant 0 : i32
    %dma_wait3A_360 = tpu.memref_slice %arg6[%dma_wait3A_356, %dma_wait3A_357, %dma_wait3A_358, %dma_wait3A_359] : memref<2x8x32x128xf32, #tpu.memory_space<vmem>> -> memref<1x1x32x128xf32, #tpu.memory_space<vmem>>
    %dma_wait3A_361 = tpu.memref_squeeze %dma_wait3A_360 : memref<1x1x32x128xf32, #tpu.memory_space<vmem>> -> memref<32x128xf32, #tpu.memory_space<vmem>>
    %dma_wait3A_362 = arith.constant 0 : i32
    %dma_wait3A_363 = arith.constant 0 : i32
    %dma_wait3A_364 = tpu.memref_slice %arg3[%dma_wait3A_362, %dma_wait3A_363] : memref<32x1000000xf32, #tpu.memory_space<hbm>> -> memref<32x128xf32, #tpu.memory_space<hbm>>
    %dma_wait3A_365 = arith.constant 0 : i32
    %dma_wait3A_366 = arith.constant 0 : i32
    %dma_wait3A_367 = tpu.memref_slice %arg6[%dma_wait3A_356, %dma_wait3A_357, %dma_wait3A_365, %dma_wait3A_366] : memref<2x8x32x128xf32, #tpu.memory_space<vmem>> -> memref<1x1x32x128xf32, #tpu.memory_space<vmem>>
    %dma_wait3A_368 = tpu.memref_squeeze %dma_wait3A_367 : memref<1x1x32x128xf32, #tpu.memory_space<vmem>> -> memref<32x128xf32, #tpu.memory_space<vmem>>
    %dma_wait3A_369 = arith.constant 0 : i32
    %dma_wait3A_370 = arith.constant 0 : i32
    %dma_wait3A_371 = tpu.memref_slice %arg3[%dma_wait3A_369, %dma_wait3A_370] : memref<32x1000000xf32, #tpu.memory_space<hbm>> -> memref<32x128xf32, #tpu.memory_space<hbm>>
    tpu.wait_dma2 semaphore(%arg8 : memref<!tpu.dma_semaphore, #tpu.memory_space<semaphore_mem>>) src(%dma_wait3A_371 : memref<32x128xf32, #tpu.memory_space<hbm>>) dst(%dma_wait3A_368 : memref<32x128xf32, #tpu.memory_space<vmem>>)
    %dma_wait3A_372 = arith.constant 0 : i32
    %dma_wait3A_373 = arith.constant 2 : i32
    %dma_wait3A_374 = arith.constant 0 : i32
    %dma_wait3A_375 = arith.constant 0 : i32
    %dma_wait3A_376 = tpu.memref_slice %arg6[%dma_wait3A_372, %dma_wait3A_373, %dma_wait3A_374, %dma_wait3A_375] : memref<2x8x32x128xf32, #tpu.memory_space<vmem>> -> memref<1x1x32x128xf32, #tpu.memory_space<vmem>>
    %dma_wait3A_377 = tpu.memref_squeeze %dma_wait3A_376 : memref<1x1x32x128xf32, #tpu.memory_space<vmem>> -> memref<32x128xf32, #tpu.memory_space<vmem>>
    %dma_wait3A_378 = arith.constant 0 : i32
    %dma_wait3A_379 = arith.constant 0 : i32
    %dma_wait3A_380 = tpu.memref_slice %arg3[%dma_wait3A_378, %dma_wait3A_379] : memref<32x1000000xf32, #tpu.memory_space<hbm>> -> memref<32x128xf32, #tpu.memory_space<hbm>>
    %dma_wait3A_381 = arith.constant 0 : i32
    %dma_wait3A_382 = arith.constant 0 : i32
    %dma_wait3A_383 = tpu.memref_slice %arg6[%dma_wait3A_372, %dma_wait3A_373, %dma_wait3A_381, %dma_wait3A_382] : memref<2x8x32x128xf32, #tpu.memory_space<vmem>> -> memref<1x1x32x128xf32, #tpu.memory_space<vmem>>
    %dma_wait3A_384 = tpu.memref_squeeze %dma_wait3A_383 : memref<1x1x32x128xf32, #tpu.memory_space<vmem>> -> memref<32x128xf32, #tpu.memory_space<vmem>>
    %dma_wait3A_385 = arith.constant 0 : i32
    %dma_wait3A_386 = arith.constant 0 : i32
    %dma_wait3A_387 = tpu.memref_slice %arg3[%dma_wait3A_385, %dma_wait3A_386] : memref<32x1000000xf32, #tpu.memory_space<hbm>> -> memref<32x128xf32, #tpu.memory_space<hbm>>
    tpu.wait_dma2 semaphore(%arg8 : memref<!tpu.dma_semaphore, #tpu.memory_space<semaphore_mem>>) src(%dma_wait3A_387 : memref<32x128xf32, #tpu.memory_space<hbm>>) dst(%dma_wait3A_384 : memref<32x128xf32, #tpu.memory_space<vmem>>)
    %dma_wait3A_388 = arith.constant 0 : i32
    %dma_wait3A_389 = arith.constant 3 : i32
    %dma_wait3A_390 = arith.constant 0 : i32
    %dma_wait3A_391 = arith.constant 0 : i32
    %dma_wait3A_392 = tpu.memref_slice %arg6[%dma_wait3A_388, %dma_wait3A_389, %dma_wait3A_390, %dma_wait3A_391] : memref<2x8x32x128xf32, #tpu.memory_space<vmem>> -> memref<1x1x32x128xf32, #tpu.memory_space<vmem>>
    %dma_wait3A_393 = tpu.memref_squeeze %dma_wait3A_392 : memref<1x1x32x128xf32, #tpu.memory_space<vmem>> -> memref<32x128xf32, #tpu.memory_space<vmem>>
    %dma_wait3A_394 = arith.constant 0 : i32
    %dma_wait3A_395 = arith.constant 0 : i32
    %dma_wait3A_396 = tpu.memref_slice %arg3[%dma_wait3A_394, %dma_wait3A_395] : memref<32x1000000xf32, #tpu.memory_space<hbm>> -> memref<32x128xf32, #tpu.memory_space<hbm>>
    %dma_wait3A_397 = arith.constant 0 : i32
    %dma_wait3A_398 = arith.constant 0 : i32
    %dma_wait3A_399 = tpu.memref_slice %arg6[%dma_wait3A_388, %dma_wait3A_389, %dma_wait3A_397, %dma_wait3A_398] : memref<2x8x32x128xf32, #tpu.memory_space<vmem>> -> memref<1x1x32x128xf32, #tpu.memory_space<vmem>>
    %dma_wait3A_400 = tpu.memref_squeeze %dma_wait3A_399 : memref<1x1x32x128xf32, #tpu.memory_space<vmem>> -> memref<32x128xf32, #tpu.memory_space<vmem>>
    %dma_wait3A_401 = arith.constant 0 : i32
    %dma_wait3A_402 = arith.constant 0 : i32
    %dma_wait3A_403 = tpu.memref_slice %arg3[%dma_wait3A_401, %dma_wait3A_402] : memref<32x1000000xf32, #tpu.memory_space<hbm>> -> memref<32x128xf32, #tpu.memory_space<hbm>>
    tpu.wait_dma2 semaphore(%arg8 : memref<!tpu.dma_semaphore, #tpu.memory_space<semaphore_mem>>) src(%dma_wait3A_403 : memref<32x128xf32, #tpu.memory_space<hbm>>) dst(%dma_wait3A_400 : memref<32x128xf32, #tpu.memory_space<vmem>>)
    %dma_wait3A_404 = arith.constant 0 : i32
    %dma_wait3A_405 = arith.constant 4 : i32
    %dma_wait3A_406 = arith.constant 0 : i32
    %dma_wait3A_407 = arith.constant 0 : i32
    %dma_wait3A_408 = tpu.memref_slice %arg6[%dma_wait3A_404, %dma_wait3A_405, %dma_wait3A_406, %dma_wait3A_407] : memref<2x8x32x128xf32, #tpu.memory_space<vmem>> -> memref<1x1x32x128xf32, #tpu.memory_space<vmem>>
    %dma_wait3A_409 = tpu.memref_squeeze %dma_wait3A_408 : memref<1x1x32x128xf32, #tpu.memory_space<vmem>> -> memref<32x128xf32, #tpu.memory_space<vmem>>
    %dma_wait3A_410 = arith.constant 0 : i32
    %dma_wait3A_411 = arith.constant 0 : i32
    %dma_wait3A_412 = tpu.memref_slice %arg3[%dma_wait3A_410, %dma_wait3A_411] : memref<32x1000000xf32, #tpu.memory_space<hbm>> -> memref<32x128xf32, #tpu.memory_space<hbm>>
    %dma_wait3A_413 = arith.constant 0 : i32
    %dma_wait3A_414 = arith.constant 0 : i32
    %dma_wait3A_415 = tpu.memref_slice %arg6[%dma_wait3A_404, %dma_wait3A_405, %dma_wait3A_413, %dma_wait3A_414] : memref<2x8x32x128xf32, #tpu.memory_space<vmem>> -> memref<1x1x32x128xf32, #tpu.memory_space<vmem>>
    %dma_wait3A_416 = tpu.memref_squeeze %dma_wait3A_415 : memref<1x1x32x128xf32, #tpu.memory_space<vmem>> -> memref<32x128xf32, #tpu.memory_space<vmem>>
    %dma_wait3A_417 = arith.constant 0 : i32
    %dma_wait3A_418 = arith.constant 0 : i32
    %dma_wait3A_419 = tpu.memref_slice %arg3[%dma_wait3A_417, %dma_wait3A_418] : memref<32x1000000xf32, #tpu.memory_space<hbm>> -> memref<32x128xf32, #tpu.memory_space<hbm>>
    tpu.wait_dma2 semaphore(%arg8 : memref<!tpu.dma_semaphore, #tpu.memory_space<semaphore_mem>>) src(%dma_wait3A_419 : memref<32x128xf32, #tpu.memory_space<hbm>>) dst(%dma_wait3A_416 : memref<32x128xf32, #tpu.memory_space<vmem>>)
    %dma_wait3A_420 = arith.constant 0 : i32
    %dma_wait3A_421 = arith.constant 5 : i32
    %dma_wait3A_422 = arith.constant 0 : i32
    %dma_wait3A_423 = arith.constant 0 : i32
    %dma_wait3A_424 = tpu.memref_slice %arg6[%dma_wait3A_420, %dma_wait3A_421, %dma_wait3A_422, %dma_wait3A_423] : memref<2x8x32x128xf32, #tpu.memory_space<vmem>> -> memref<1x1x32x128xf32, #tpu.memory_space<vmem>>
    %dma_wait3A_425 = tpu.memref_squeeze %dma_wait3A_424 : memref<1x1x32x128xf32, #tpu.memory_space<vmem>> -> memref<32x128xf32, #tpu.memory_space<vmem>>
    %dma_wait3A_426 = arith.constant 0 : i32
    %dma_wait3A_427 = arith.constant 0 : i32
    %dma_wait3A_428 = tpu.memref_slice %arg3[%dma_wait3A_426, %dma_wait3A_427] : memref<32x1000000xf32, #tpu.memory_space<hbm>> -> memref<32x128xf32, #tpu.memory_space<hbm>>
    %dma_wait3A_429 = arith.constant 0 : i32
    %dma_wait3A_430 = arith.constant 0 : i32
    %dma_wait3A_431 = tpu.memref_slice %arg6[%dma_wait3A_420, %dma_wait3A_421, %dma_wait3A_429, %dma_wait3A_430] : memref<2x8x32x128xf32, #tpu.memory_space<vmem>> -> memref<1x1x32x128xf32, #tpu.memory_space<vmem>>
    %dma_wait3A_432 = tpu.memref_squeeze %dma_wait3A_431 : memref<1x1x32x128xf32, #tpu.memory_space<vmem>> -> memref<32x128xf32, #tpu.memory_space<vmem>>
    %dma_wait3A_433 = arith.constant 0 : i32
    %dma_wait3A_434 = arith.constant 0 : i32
    %dma_wait3A_435 = tpu.memref_slice %arg3[%dma_wait3A_433, %dma_wait3A_434] : memref<32x1000000xf32, #tpu.memory_space<hbm>> -> memref<32x128xf32, #tpu.memory_space<hbm>>
    tpu.wait_dma2 semaphore(%arg8 : memref<!tpu.dma_semaphore, #tpu.memory_space<semaphore_mem>>) src(%dma_wait3A_435 : memref<32x128xf32, #tpu.memory_space<hbm>>) dst(%dma_wait3A_432 : memref<32x128xf32, #tpu.memory_space<vmem>>)
    %dma_wait3A_436 = arith.constant 0 : i32
    %dma_wait3A_437 = arith.constant 6 : i32
    %dma_wait3A_438 = arith.constant 0 : i32
    %dma_wait3A_439 = arith.constant 0 : i32
    %dma_wait3A_440 = tpu.memref_slice %arg6[%dma_wait3A_436, %dma_wait3A_437, %dma_wait3A_438, %dma_wait3A_439] : memref<2x8x32x128xf32, #tpu.memory_space<vmem>> -> memref<1x1x32x128xf32, #tpu.memory_space<vmem>>
    %dma_wait3A_441 = tpu.memref_squeeze %dma_wait3A_440 : memref<1x1x32x128xf32, #tpu.memory_space<vmem>> -> memref<32x128xf32, #tpu.memory_space<vmem>>
    %dma_wait3A_442 = arith.constant 0 : i32
    %dma_wait3A_443 = arith.constant 0 : i32
    %dma_wait3A_444 = tpu.memref_slice %arg3[%dma_wait3A_442, %dma_wait3A_443] : memref<32x1000000xf32, #tpu.memory_space<hbm>> -> memref<32x128xf32, #tpu.memory_space<hbm>>
    %dma_wait3A_445 = arith.constant 0 : i32
    %dma_wait3A_446 = arith.constant 0 : i32
    %dma_wait3A_447 = tpu.memref_slice %arg6[%dma_wait3A_436, %dma_wait3A_437, %dma_wait3A_445, %dma_wait3A_446] : memref<2x8x32x128xf32, #tpu.memory_space<vmem>> -> memref<1x1x32x128xf32, #tpu.memory_space<vmem>>
    %dma_wait3A_448 = tpu.memref_squeeze %dma_wait3A_447 : memref<1x1x32x128xf32, #tpu.memory_space<vmem>> -> memref<32x128xf32, #tpu.memory_space<vmem>>
    %dma_wait3A_449 = arith.constant 0 : i32
    %dma_wait3A_450 = arith.constant 0 : i32
    %dma_wait3A_451 = tpu.memref_slice %arg3[%dma_wait3A_449, %dma_wait3A_450] : memref<32x1000000xf32, #tpu.memory_space<hbm>> -> memref<32x128xf32, #tpu.memory_space<hbm>>
    tpu.wait_dma2 semaphore(%arg8 : memref<!tpu.dma_semaphore, #tpu.memory_space<semaphore_mem>>) src(%dma_wait3A_451 : memref<32x128xf32, #tpu.memory_space<hbm>>) dst(%dma_wait3A_448 : memref<32x128xf32, #tpu.memory_space<vmem>>)
    %dma_wait3A_452 = arith.constant 0 : i32
    %dma_wait3A_453 = arith.constant 7 : i32
    %dma_wait3A_454 = arith.constant 0 : i32
    %dma_wait3A_455 = arith.constant 0 : i32
    %dma_wait3A_456 = tpu.memref_slice %arg6[%dma_wait3A_452, %dma_wait3A_453, %dma_wait3A_454, %dma_wait3A_455] : memref<2x8x32x128xf32, #tpu.memory_space<vmem>> -> memref<1x1x32x128xf32, #tpu.memory_space<vmem>>
    %dma_wait3A_457 = tpu.memref_squeeze %dma_wait3A_456 : memref<1x1x32x128xf32, #tpu.memory_space<vmem>> -> memref<32x128xf32, #tpu.memory_space<vmem>>
    %dma_wait3A_458 = arith.constant 0 : i32
    %dma_wait3A_459 = arith.constant 0 : i32
    %dma_wait3A_460 = tpu.memref_slice %arg3[%dma_wait3A_458, %dma_wait3A_459] : memref<32x1000000xf32, #tpu.memory_space<hbm>> -> memref<32x128xf32, #tpu.memory_space<hbm>>
    %dma_wait3A_461 = arith.constant 0 : i32
    %dma_wait3A_462 = arith.constant 0 : i32
    %dma_wait3A_463 = tpu.memref_slice %arg6[%dma_wait3A_452, %dma_wait3A_453, %dma_wait3A_461, %dma_wait3A_462] : memref<2x8x32x128xf32, #tpu.memory_space<vmem>> -> memref<1x1x32x128xf32, #tpu.memory_space<vmem>>
    %dma_wait3A_464 = tpu.memref_squeeze %dma_wait3A_463 : memref<1x1x32x128xf32, #tpu.memory_space<vmem>> -> memref<32x128xf32, #tpu.memory_space<vmem>>
    %dma_wait3A_465 = arith.constant 0 : i32
    %dma_wait3A_466 = arith.constant 0 : i32
    %dma_wait3A_467 = tpu.memref_slice %arg3[%dma_wait3A_465, %dma_wait3A_466] : memref<32x1000000xf32, #tpu.memory_space<hbm>> -> memref<32x128xf32, #tpu.memory_space<hbm>>
    tpu.wait_dma2 semaphore(%arg8 : memref<!tpu.dma_semaphore, #tpu.memory_space<semaphore_mem>>) src(%dma_wait3A_467 : memref<32x128xf32, #tpu.memory_space<hbm>>) dst(%dma_wait3A_464 : memref<32x128xf32, #tpu.memory_space<vmem>>)
    %multiple_of3A_468 = arith.constant 0 : i32
    %multiple_of3A_469 = tpu.assume_multiple %multiple_of3A_468, 8 : i32
    %get3A_470 = arith.index_cast %multiple_of3A_469 : i32 to index
    %get3A_471 = tpu.vector_load %arg5[%get3A_470] {strides = array<i32>} : memref<528xi32, #tpu.memory_space<vmem>>, vector<16xi32>,
    %broadcast_in_dim3A = arith.constant 0 : i32
    %broadcast_in_dim3A_472 = vector.broadcast %broadcast_in_dim3A : i32 to vector<16xi32>
    %slice3A_473 = vector.extract_strided_slice %get3A_471 {offsets = [0], sizes = [1], strides = [1]} : vector<16xi32> to vector<1xi32>
    %squeeze3A_474 = vector.extract %slice3A_473[0] : i32 from vector<1xi32>
    %and3A = arith.constant 127 : i32
    %and3A_475 = arith.andi %squeeze3A_474, %and3A : i32
    %add3A_476 = vector.broadcast %and3A_475 : i32 to vector<16xi32>
    %add3A_477 = arith.addi %broadcast_in_dim3A_472, %add3A_476 : vector<16xi32>
    %add3A_478 = arith.constant 0 : i32
    %add3A_479 = vector.broadcast %add3A_478 : i32 to vector<16xi32>
    %add3A_480 = arith.addi %iota3A, %add3A_479 : vector<16xi32>
    %gather3A = arith.constant 0 : i32
    %gather3A_481 = arith.constant 0 : i32
    %gather3A_482 = arith.constant 0 : i32
    %gather3A_483 = arith.constant 0 : i32
    %gather3A_484 = tpu.memref_slice %arg6[%gather3A, %gather3A_481, %gather3A_482, %gather3A_483] : memref<2x8x32x128xf32, #tpu.memory_space<vmem>> -> memref<1x1x32x128xf32, #tpu.memory_space<vmem>>
    %gather3A_485 = tpu.memref_squeeze %gather3A_484 : memref<1x1x32x128xf32, #tpu.memory_space<vmem>> -> memref<32x128xf32, #tpu.memory_space<vmem>>
    %gather3A_486 = tpu.vector_load_idx %gather3A_485[%add3A_480, %add3A_477] : memref<32x128xf32, #tpu.memory_space<vmem>>[vector<16xi32>, vector<16xi32>], vector<16xf32>,
    %swap3A = arith.constant 0 : i32
    %swap3A_487 = arith.constant 0 : i32
    %swap3A_488 = arith.index_cast %swap3A : i32 to index
    %swap3A_489 = arith.index_cast %swap3A_487 : i32 to index
    %swap3A_490 = arith.constant 0 : index
    %swap3A_491 = tpu.vector_load %arg7[%swap3A_488, %swap3A_489, %swap3A_490] {strides = array<i32>} : memref<2x8x32xf32, #tpu.memory_space<vmem>>, vector<16xf32>,
    tpu.vector_store %arg7[%swap3A_488, %swap3A_489, %swap3A_490], %gather3A_486 {strides = array<i32>} : memref<2x8x32xf32, #tpu.memory_space<vmem>>, vector<16xf32>,
    %add3A_492 = arith.constant 16 : i32
    %add3A_493 = vector.broadcast %add3A_492 : i32 to vector<16xi32>
    %add3A_494 = arith.addi %iota3A, %add3A_493 : vector<16xi32>
    %gather3A_495 = arith.constant 0 : i32
    %gather3A_496 = arith.constant 0 : i32
    %gather3A_497 = arith.constant 0 : i32
    %gather3A_498 = arith.constant 0 : i32
    %gather3A_499 = tpu.memref_slice %arg6[%gather3A_495, %gather3A_496, %gather3A_497, %gather3A_498] : memref<2x8x32x128xf32, #tpu.memory_space<vmem>> -> memref<1x1x32x128xf32, #tpu.memory_space<vmem>>
    %gather3A_500 = tpu.memref_squeeze %gather3A_499 : memref<1x1x32x128xf32, #tpu.memory_space<vmem>> -> memref<32x128xf32, #tpu.memory_space<vmem>>
    %gather3A_501 = tpu.vector_load_idx %gather3A_500[%add3A_494, %add3A_477] : memref<32x128xf32, #tpu.memory_space<vmem>>[vector<16xi32>, vector<16xi32>], vector<16xf32>,
    %swap3A_502 = arith.constant 0 : i32
    %swap3A_503 = arith.constant 0 : i32
    %swap3A_504 = arith.index_cast %swap3A_502 : i32 to index
    %swap3A_505 = arith.index_cast %swap3A_503 : i32 to index
    %swap3A_506 = arith.constant 16 : index
    %swap3A_507 = tpu.vector_load %arg7[%swap3A_504, %swap3A_505, %swap3A_506] {strides = array<i32>} : memref<2x8x32xf32, #tpu.memory_space<vmem>>, vector<16xf32>,
    tpu.vector_store %arg7[%swap3A_504, %swap3A_505, %swap3A_506], %gather3A_501 {strides = array<i32>} : memref<2x8x32xf32, #tpu.memory_space<vmem>>, vector<16xf32>,
    %broadcast_in_dim3A_508 = arith.constant 0 : i32
    %broadcast_in_dim3A_509 = vector.broadcast %broadcast_in_dim3A_508 : i32 to vector<16xi32>
    %slice3A_510 = vector.extract_strided_slice %get3A_471 {offsets = [1], sizes = [1], strides = [1]} : vector<16xi32> to vector<1xi32>
    %squeeze3A_511 = vector.extract %slice3A_510[0] : i32 from vector<1xi32>
    %and3A_512 = arith.constant 127 : i32
    %and3A_513 = arith.andi %squeeze3A_511, %and3A_512 : i32
    %add3A_514 = vector.broadcast %and3A_513 : i32 to vector<16xi32>
    %add3A_515 = arith.addi %broadcast_in_dim3A_509, %add3A_514 : vector<16xi32>
    %add3A_516 = arith.constant 0 : i32
    %add3A_517 = vector.broadcast %add3A_516 : i32 to vector<16xi32>
    %add3A_518 = arith.addi %iota3A, %add3A_517 : vector<16xi32>
    %gather3A_519 = arith.constant 0 : i32
    %gather3A_520 = arith.constant 1 : i32
    %gather3A_521 = arith.constant 0 : i32
    %gather3A_522 = arith.constant 0 : i32
    %gather3A_523 = tpu.memref_slice %arg6[%gather3A_519, %gather3A_520, %gather3A_521, %gather3A_522] : memref<2x8x32x128xf32, #tpu.memory_space<vmem>> -> memref<1x1x32x128xf32, #tpu.memory_space<vmem>>
    %gather3A_524 = tpu.memref_squeeze %gather3A_523 : memref<1x1x32x128xf32, #tpu.memory_space<vmem>> -> memref<32x128xf32, #tpu.memory_space<vmem>>
    %gather3A_525 = tpu.vector_load_idx %gather3A_524[%add3A_518, %add3A_515] : memref<32x128xf32, #tpu.memory_space<vmem>>[vector<16xi32>, vector<16xi32>], vector<16xf32>,
    %swap3A_526 = arith.constant 0 : i32
    %swap3A_527 = arith.constant 1 : i32
    %swap3A_528 = arith.index_cast %swap3A_526 : i32 to index
    %swap3A_529 = arith.index_cast %swap3A_527 : i32 to index
    %swap3A_530 = arith.constant 0 : index
    %swap3A_531 = tpu.vector_load %arg7[%swap3A_528, %swap3A_529, %swap3A_530] {strides = array<i32>} : memref<2x8x32xf32, #tpu.memory_space<vmem>>, vector<16xf32>,
    tpu.vector_store %arg7[%swap3A_528, %swap3A_529, %swap3A_530], %gather3A_525 {strides = array<i32>} : memref<2x8x32xf32, #tpu.memory_space<vmem>>, vector<16xf32>,
    %add3A_532 = arith.constant 16 : i32
    %add3A_533 = vector.broadcast %add3A_532 : i32 to vector<16xi32>
    %add3A_534 = arith.addi %iota3A, %add3A_533 : vector<16xi32>
    %gather3A_535 = arith.constant 0 : i32
    %gather3A_536 = arith.constant 1 : i32
    %gather3A_537 = arith.constant 0 : i32
    %gather3A_538 = arith.constant 0 : i32
    %gather3A_539 = tpu.memref_slice %arg6[%gather3A_535, %gather3A_536, %gather3A_537, %gather3A_538] : memref<2x8x32x128xf32, #tpu.memory_space<vmem>> -> memref<1x1x32x128xf32, #tpu.memory_space<vmem>>
    %gather3A_540 = tpu.memref_squeeze %gather3A_539 : memref<1x1x32x128xf32, #tpu.memory_space<vmem>> -> memref<32x128xf32, #tpu.memory_space<vmem>>
    %gather3A_541 = tpu.vector_load_idx %gather3A_540[%add3A_534, %add3A_515] : memref<32x128xf32, #tpu.memory_space<vmem>>[vector<16xi32>, vector<16xi32>], vector<16xf32>,
    %swap3A_542 = arith.constant 0 : i32
    %swap3A_543 = arith.constant 1 : i32
    %swap3A_544 = arith.index_cast %swap3A_542 : i32 to index
    %swap3A_545 = arith.index_cast %swap3A_543 : i32 to index
    %swap3A_546 = arith.constant 16 : index
    %swap3A_547 = tpu.vector_load %arg7[%swap3A_544, %swap3A_545, %swap3A_546] {strides = array<i32>} : memref<2x8x32xf32, #tpu.memory_space<vmem>>, vector<16xf32>,
    tpu.vector_store %arg7[%swap3A_544, %swap3A_545, %swap3A_546], %gather3A_541 {strides = array<i32>} : memref<2x8x32xf32, #tpu.memory_space<vmem>>, vector<16xf32>,
    %broadcast_in_dim3A_548 = arith.constant 0 : i32
    %broadcast_in_dim3A_549 = vector.broadcast %broadcast_in_dim3A_548 : i32 to vector<16xi32>
    %slice3A_550 = vector.extract_strided_slice %get3A_471 {offsets = [2], sizes = [1], strides = [1]} : vector<16xi32> to vector<1xi32>
    %squeeze3A_551 = vector.extract %slice3A_550[0] : i32 from vector<1xi32>
    %and3A_552 = arith.constant 127 : i32
    %and3A_553 = arith.andi %squeeze3A_551, %and3A_552 : i32
    %add3A_554 = vector.broadcast %and3A_553 : i32 to vector<16xi32>
    %add3A_555 = arith.addi %broadcast_in_dim3A_549, %add3A_554 : vector<16xi32>
    %add3A_556 = arith.constant 0 : i32
    %add3A_557 = vector.broadcast %add3A_556 : i32 to vector<16xi32>
    %add3A_558 = arith.addi %iota3A, %add3A_557 : vector<16xi32>
    %gather3A_559 = arith.constant 0 : i32
    %gather3A_560 = arith.constant 2 : i32
    %gather3A_561 = arith.constant 0 : i32
    %gather3A_562 = arith.constant 0 : i32
    %gather3A_563 = tpu.memref_slice %arg6[%gather3A_559, %gather3A_560, %gather3A_561, %gather3A_562] : memref<2x8x32x128xf32, #tpu.memory_space<vmem>> -> memref<1x1x32x128xf32, #tpu.memory_space<vmem>>
    %gather3A_564 = tpu.memref_squeeze %gather3A_563 : memref<1x1x32x128xf32, #tpu.memory_space<vmem>> -> memref<32x128xf32, #tpu.memory_space<vmem>>
    %gather3A_565 = tpu.vector_load_idx %gather3A_564[%add3A_558, %add3A_555] : memref<32x128xf32, #tpu.memory_space<vmem>>[vector<16xi32>, vector<16xi32>], vector<16xf32>,
    %swap3A_566 = arith.constant 0 : i32
    %swap3A_567 = arith.constant 2 : i32
    %swap3A_568 = arith.index_cast %swap3A_566 : i32 to index
    %swap3A_569 = arith.index_cast %swap3A_567 : i32 to index
    %swap3A_570 = arith.constant 0 : index
    %swap3A_571 = tpu.vector_load %arg7[%swap3A_568, %swap3A_569, %swap3A_570] {strides = array<i32>} : memref<2x8x32xf32, #tpu.memory_space<vmem>>, vector<16xf32>,
    tpu.vector_store %arg7[%swap3A_568, %swap3A_569, %swap3A_570], %gather3A_565 {strides = array<i32>} : memref<2x8x32xf32, #tpu.memory_space<vmem>>, vector<16xf32>,
    %add3A_572 = arith.constant 16 : i32
    %add3A_573 = vector.broadcast %add3A_572 : i32 to vector<16xi32>
    %add3A_574 = arith.addi %iota3A, %add3A_573 : vector<16xi32>
    %gather3A_575 = arith.constant 0 : i32
    %gather3A_576 = arith.constant 2 : i32
    %gather3A_577 = arith.constant 0 : i32
    %gather3A_578 = arith.constant 0 : i32
    %gather3A_579 = tpu.memref_slice %arg6[%gather3A_575, %gather3A_576, %gather3A_577, %gather3A_578] : memref<2x8x32x128xf32, #tpu.memory_space<vmem>> -> memref<1x1x32x128xf32, #tpu.memory_space<vmem>>
    %gather3A_580 = tpu.memref_squeeze %gather3A_579 : memref<1x1x32x128xf32, #tpu.memory_space<vmem>> -> memref<32x128xf32, #tpu.memory_space<vmem>>
    %gather3A_581 = tpu.vector_load_idx %gather3A_580[%add3A_574, %add3A_555] : memref<32x128xf32, #tpu.memory_space<vmem>>[vector<16xi32>, vector<16xi32>], vector<16xf32>,
    %swap3A_582 = arith.constant 0 : i32
    %swap3A_583 = arith.constant 2 : i32
    %swap3A_584 = arith.index_cast %swap3A_582 : i32 to index
    %swap3A_585 = arith.index_cast %swap3A_583 : i32 to index
    %swap3A_586 = arith.constant 16 : index
    %swap3A_587 = tpu.vector_load %arg7[%swap3A_584, %swap3A_585, %swap3A_586] {strides = array<i32>} : memref<2x8x32xf32, #tpu.memory_space<vmem>>, vector<16xf32>,
    tpu.vector_store %arg7[%swap3A_584, %swap3A_585, %swap3A_586], %gather3A_581 {strides = array<i32>} : memref<2x8x32xf32, #tpu.memory_space<vmem>>, vector<16xf32>,
    %broadcast_in_dim3A_588 = arith.constant 0 : i32
    %broadcast_in_dim3A_589 = vector.broadcast %broadcast_in_dim3A_588 : i32 to vector<16xi32>
    %slice3A_590 = vector.extract_strided_slice %get3A_471 {offsets = [3], sizes = [1], strides = [1]} : vector<16xi32> to vector<1xi32>
    %squeeze3A_591 = vector.extract %slice3A_590[0] : i32 from vector<1xi32>
    %and3A_592 = arith.constant 127 : i32
    %and3A_593 = arith.andi %squeeze3A_591, %and3A_592 : i32
    %add3A_594 = vector.broadcast %and3A_593 : i32 to vector<16xi32>
    %add3A_595 = arith.addi %broadcast_in_dim3A_589, %add3A_594 : vector<16xi32>
    %add3A_596 = arith.constant 0 : i32
    %add3A_597 = vector.broadcast %add3A_596 : i32 to vector<16xi32>
    %add3A_598 = arith.addi %iota3A, %add3A_597 : vector<16xi32>
    %gather3A_599 = arith.constant 0 : i32
    %gather3A_600 = arith.constant 3 : i32
    %gather3A_601 = arith.constant 0 : i32
    %gather3A_602 = arith.constant 0 : i32
    %gather3A_603 = tpu.memref_slice %arg6[%gather3A_599, %gather3A_600, %gather3A_601, %gather3A_602] : memref<2x8x32x128xf32, #tpu.memory_space<vmem>> -> memref<1x1x32x128xf32, #tpu.memory_space<vmem>>
    %gather3A_604 = tpu.memref_squeeze %gather3A_603 : memref<1x1x32x128xf32, #tpu.memory_space<vmem>> -> memref<32x128xf32, #tpu.memory_space<vmem>>
    %gather3A_605 = tpu.vector_load_idx %gather3A_604[%add3A_598, %add3A_595] : memref<32x128xf32, #tpu.memory_space<vmem>>[vector<16xi32>, vector<16xi32>], vector<16xf32>,
    %swap3A_606 = arith.constant 0 : i32
    %swap3A_607 = arith.constant 3 : i32
    %swap3A_608 = arith.index_cast %swap3A_606 : i32 to index
    %swap3A_609 = arith.index_cast %swap3A_607 : i32 to index
    %swap3A_610 = arith.constant 0 : index
    %swap3A_611 = tpu.vector_load %arg7[%swap3A_608, %swap3A_609, %swap3A_610] {strides = array<i32>} : memref<2x8x32xf32, #tpu.memory_space<vmem>>, vector<16xf32>,
    tpu.vector_store %arg7[%swap3A_608, %swap3A_609, %swap3A_610], %gather3A_605 {strides = array<i32>} : memref<2x8x32xf32, #tpu.memory_space<vmem>>, vector<16xf32>,
    %add3A_612 = arith.constant 16 : i32
    %add3A_613 = vector.broadcast %add3A_612 : i32 to vector<16xi32>
    %add3A_614 = arith.addi %iota3A, %add3A_613 : vector<16xi32>
    %gather3A_615 = arith.constant 0 : i32
    %gather3A_616 = arith.constant 3 : i32
    %gather3A_617 = arith.constant 0 : i32
    %gather3A_618 = arith.constant 0 : i32
    %gather3A_619 = tpu.memref_slice %arg6[%gather3A_615, %gather3A_616, %gather3A_617, %gather3A_618] : memref<2x8x32x128xf32, #tpu.memory_space<vmem>> -> memref<1x1x32x128xf32, #tpu.memory_space<vmem>>
    %gather3A_620 = tpu.memref_squeeze %gather3A_619 : memref<1x1x32x128xf32, #tpu.memory_space<vmem>> -> memref<32x128xf32, #tpu.memory_space<vmem>>
    %gather3A_621 = tpu.vector_load_idx %gather3A_620[%add3A_614, %add3A_595] : memref<32x128xf32, #tpu.memory_space<vmem>>[vector<16xi32>, vector<16xi32>], vector<16xf32>,
    %swap3A_622 = arith.constant 0 : i32
    %swap3A_623 = arith.constant 3 : i32
    %swap3A_624 = arith.index_cast %swap3A_622 : i32 to index
    %swap3A_625 = arith.index_cast %swap3A_623 : i32 to index
    %swap3A_626 = arith.constant 16 : index
    %swap3A_627 = tpu.vector_load %arg7[%swap3A_624, %swap3A_625, %swap3A_626] {strides = array<i32>} : memref<2x8x32xf32, #tpu.memory_space<vmem>>, vector<16xf32>,
    tpu.vector_store %arg7[%swap3A_624, %swap3A_625, %swap3A_626], %gather3A_621 {strides = array<i32>} : memref<2x8x32xf32, #tpu.memory_space<vmem>>, vector<16xf32>,
    %broadcast_in_dim3A_628 = arith.constant 0 : i32
    %broadcast_in_dim3A_629 = vector.broadcast %broadcast_in_dim3A_628 : i32 to vector<16xi32>
    %slice3A_630 = vector.extract_strided_slice %get3A_471 {offsets = [4], sizes = [1], strides = [1]} : vector<16xi32> to vector<1xi32>
    %squeeze3A_631 = vector.extract %slice3A_630[0] : i32 from vector<1xi32>
    %and3A_632 = arith.constant 127 : i32
    %and3A_633 = arith.andi %squeeze3A_631, %and3A_632 : i32
    %add3A_634 = vector.broadcast %and3A_633 : i32 to vector<16xi32>
    %add3A_635 = arith.addi %broadcast_in_dim3A_629, %add3A_634 : vector<16xi32>
    %add3A_636 = arith.constant 0 : i32
    %add3A_637 = vector.broadcast %add3A_636 : i32 to vector<16xi32>
    %add3A_638 = arith.addi %iota3A, %add3A_637 : vector<16xi32>
    %gather3A_639 = arith.constant 0 : i32
    %gather3A_640 = arith.constant 4 : i32
    %gather3A_641 = arith.constant 0 : i32
    %gather3A_642 = arith.constant 0 : i32
    %gather3A_643 = tpu.memref_slice %arg6[%gather3A_639, %gather3A_640, %gather3A_641, %gather3A_642] : memref<2x8x32x128xf32, #tpu.memory_space<vmem>> -> memref<1x1x32x128xf32, #tpu.memory_space<vmem>>
    %gather3A_644 = tpu.memref_squeeze %gather3A_643 : memref<1x1x32x128xf32, #tpu.memory_space<vmem>> -> memref<32x128xf32, #tpu.memory_space<vmem>>
    %gather3A_645 = tpu.vector_load_idx %gather3A_644[%add3A_638, %add3A_635] : memref<32x128xf32, #tpu.memory_space<vmem>>[vector<16xi32>, vector<16xi32>], vector<16xf32>,
    %swap3A_646 = arith.constant 0 : i32
    %swap3A_647 = arith.constant 4 : i32
    %swap3A_648 = arith.index_cast %swap3A_646 : i32 to index
    %swap3A_649 = arith.index_cast %swap3A_647 : i32 to index
    %swap3A_650 = arith.constant 0 : index
    %swap3A_651 = tpu.vector_load %arg7[%swap3A_648, %swap3A_649, %swap3A_650] {strides = array<i32>} : memref<2x8x32xf32, #tpu.memory_space<vmem>>, vector<16xf32>,
    tpu.vector_store %arg7[%swap3A_648, %swap3A_649, %swap3A_650], %gather3A_645 {strides = array<i32>} : memref<2x8x32xf32, #tpu.memory_space<vmem>>, vector<16xf32>,
    %add3A_652 = arith.constant 16 : i32
    %add3A_653 = vector.broadcast %add3A_652 : i32 to vector<16xi32>
    %add3A_654 = arith.addi %iota3A, %add3A_653 : vector<16xi32>
    %gather3A_655 = arith.constant 0 : i32
    %gather3A_656 = arith.constant 4 : i32
    %gather3A_657 = arith.constant 0 : i32
    %gather3A_658 = arith.constant 0 : i32
    %gather3A_659 = tpu.memref_slice %arg6[%gather3A_655, %gather3A_656, %gather3A_657, %gather3A_658] : memref<2x8x32x128xf32, #tpu.memory_space<vmem>> -> memref<1x1x32x128xf32, #tpu.memory_space<vmem>>
    %gather3A_660 = tpu.memref_squeeze %gather3A_659 : memref<1x1x32x128xf32, #tpu.memory_space<vmem>> -> memref<32x128xf32, #tpu.memory_space<vmem>>
    %gather3A_661 = tpu.vector_load_idx %gather3A_660[%add3A_654, %add3A_635] : memref<32x128xf32, #tpu.memory_space<vmem>>[vector<16xi32>, vector<16xi32>], vector<16xf32>,
    %swap3A_662 = arith.constant 0 : i32
    %swap3A_663 = arith.constant 4 : i32
    %swap3A_664 = arith.index_cast %swap3A_662 : i32 to index
    %swap3A_665 = arith.index_cast %swap3A_663 : i32 to index
    %swap3A_666 = arith.constant 16 : index
    %swap3A_667 = tpu.vector_load %arg7[%swap3A_664, %swap3A_665, %swap3A_666] {strides = array<i32>} : memref<2x8x32xf32, #tpu.memory_space<vmem>>, vector<16xf32>,
    tpu.vector_store %arg7[%swap3A_664, %swap3A_665, %swap3A_666], %gather3A_661 {strides = array<i32>} : memref<2x8x32xf32, #tpu.memory_space<vmem>>, vector<16xf32>,
    %broadcast_in_dim3A_668 = arith.constant 0 : i32
    %broadcast_in_dim3A_669 = vector.broadcast %broadcast_in_dim3A_668 : i32 to vector<16xi32>
    %slice3A_670 = vector.extract_strided_slice %get3A_471 {offsets = [5], sizes = [1], strides = [1]} : vector<16xi32> to vector<1xi32>
    %squeeze3A_671 = vector.extract %slice3A_670[0] : i32 from vector<1xi32>
    %and3A_672 = arith.constant 127 : i32
    %and3A_673 = arith.andi %squeeze3A_671, %and3A_672 : i32
    %add3A_674 = vector.broadcast %and3A_673 : i32 to vector<16xi32>
    %add3A_675 = arith.addi %broadcast_in_dim3A_669, %add3A_674 : vector<16xi32>
    %add3A_676 = arith.constant 0 : i32
    %add3A_677 = vector.broadcast %add3A_676 : i32 to vector<16xi32>
    %add3A_678 = arith.addi %iota3A, %add3A_677 : vector<16xi32>
    %gather3A_679 = arith.constant 0 : i32
    %gather3A_680 = arith.constant 5 : i32
    %gather3A_681 = arith.constant 0 : i32
    %gather3A_682 = arith.constant 0 : i32
    %gather3A_683 = tpu.memref_slice %arg6[%gather3A_679, %gather3A_680, %gather3A_681, %gather3A_682] : memref<2x8x32x128xf32, #tpu.memory_space<vmem>> -> memref<1x1x32x128xf32, #tpu.memory_space<vmem>>
    %gather3A_684 = tpu.memref_squeeze %gather3A_683 : memref<1x1x32x128xf32, #tpu.memory_space<vmem>> -> memref<32x128xf32, #tpu.memory_space<vmem>>
    %gather3A_685 = tpu.vector_load_idx %gather3A_684[%add3A_678, %add3A_675] : memref<32x128xf32, #tpu.memory_space<vmem>>[vector<16xi32>, vector<16xi32>], vector<16xf32>,
    %swap3A_686 = arith.constant 0 : i32
    %swap3A_687 = arith.constant 5 : i32
    %swap3A_688 = arith.index_cast %swap3A_686 : i32 to index
    %swap3A_689 = arith.index_cast %swap3A_687 : i32 to index
    %swap3A_690 = arith.constant 0 : index
    %swap3A_691 = tpu.vector_load %arg7[%swap3A_688, %swap3A_689, %swap3A_690] {strides = array<i32>} : memref<2x8x32xf32, #tpu.memory_space<vmem>>, vector<16xf32>,
    tpu.vector_store %arg7[%swap3A_688, %swap3A_689, %swap3A_690], %gather3A_685 {strides = array<i32>} : memref<2x8x32xf32, #tpu.memory_space<vmem>>, vector<16xf32>,
    %add3A_692 = arith.constant 16 : i32
    %add3A_693 = vector.broadcast %add3A_692 : i32 to vector<16xi32>
    %add3A_694 = arith.addi %iota3A, %add3A_693 : vector<16xi32>
    %gather3A_695 = arith.constant 0 : i32
    %gather3A_696 = arith.constant 5 : i32
    %gather3A_697 = arith.constant 0 : i32
    %gather3A_698 = arith.constant 0 : i32
    %gather3A_699 = tpu.memref_slice %arg6[%gather3A_695, %gather3A_696, %gather3A_697, %gather3A_698] : memref<2x8x32x128xf32, #tpu.memory_space<vmem>> -> memref<1x1x32x128xf32, #tpu.memory_space<vmem>>
    %gather3A_700 = tpu.memref_squeeze %gather3A_699 : memref<1x1x32x128xf32, #tpu.memory_space<vmem>> -> memref<32x128xf32, #tpu.memory_space<vmem>>
    %gather3A_701 = tpu.vector_load_idx %gather3A_700[%add3A_694, %add3A_675] : memref<32x128xf32, #tpu.memory_space<vmem>>[vector<16xi32>, vector<16xi32>], vector<16xf32>,
    %swap3A_702 = arith.constant 0 : i32
    %swap3A_703 = arith.constant 5 : i32
    %swap3A_704 = arith.index_cast %swap3A_702 : i32 to index
    %swap3A_705 = arith.index_cast %swap3A_703 : i32 to index
    %swap3A_706 = arith.constant 16 : index
    %swap3A_707 = tpu.vector_load %arg7[%swap3A_704, %swap3A_705, %swap3A_706] {strides = array<i32>} : memref<2x8x32xf32, #tpu.memory_space<vmem>>, vector<16xf32>,
    tpu.vector_store %arg7[%swap3A_704, %swap3A_705, %swap3A_706], %gather3A_701 {strides = array<i32>} : memref<2x8x32xf32, #tpu.memory_space<vmem>>, vector<16xf32>,
    %broadcast_in_dim3A_708 = arith.constant 0 : i32
    %broadcast_in_dim3A_709 = vector.broadcast %broadcast_in_dim3A_708 : i32 to vector<16xi32>
    %slice3A_710 = vector.extract_strided_slice %get3A_471 {offsets = [6], sizes = [1], strides = [1]} : vector<16xi32> to vector<1xi32>
    %squeeze3A_711 = vector.extract %slice3A_710[0] : i32 from vector<1xi32>
    %and3A_712 = arith.constant 127 : i32
    %and3A_713 = arith.andi %squeeze3A_711, %and3A_712 : i32
    %add3A_714 = vector.broadcast %and3A_713 : i32 to vector<16xi32>
    %add3A_715 = arith.addi %broadcast_in_dim3A_709, %add3A_714 : vector<16xi32>
    %add3A_716 = arith.constant 0 : i32
    %add3A_717 = vector.broadcast %add3A_716 : i32 to vector<16xi32>
    %add3A_718 = arith.addi %iota3A, %add3A_717 : vector<16xi32>
    %gather3A_719 = arith.constant 0 : i32
    %gather3A_720 = arith.constant 6 : i32
    %gather3A_721 = arith.constant 0 : i32
    %gather3A_722 = arith.constant 0 : i32
    %gather3A_723 = tpu.memref_slice %arg6[%gather3A_719, %gather3A_720, %gather3A_721, %gather3A_722] : memref<2x8x32x128xf32, #tpu.memory_space<vmem>> -> memref<1x1x32x128xf32, #tpu.memory_space<vmem>>
    %gather3A_724 = tpu.memref_squeeze %gather3A_723 : memref<1x1x32x128xf32, #tpu.memory_space<vmem>> -> memref<32x128xf32, #tpu.memory_space<vmem>>
    %gather3A_725 = tpu.vector_load_idx %gather3A_724[%add3A_718, %add3A_715] : memref<32x128xf32, #tpu.memory_space<vmem>>[vector<16xi32>, vector<16xi32>], vector<16xf32>,
    %swap3A_726 = arith.constant 0 : i32
    %swap3A_727 = arith.constant 6 : i32
    %swap3A_728 = arith.index_cast %swap3A_726 : i32 to index
    %swap3A_729 = arith.index_cast %swap3A_727 : i32 to index
    %swap3A_730 = arith.constant 0 : index
    %swap3A_731 = tpu.vector_load %arg7[%swap3A_728, %swap3A_729, %swap3A_730] {strides = array<i32>} : memref<2x8x32xf32, #tpu.memory_space<vmem>>, vector<16xf32>,
    tpu.vector_store %arg7[%swap3A_728, %swap3A_729, %swap3A_730], %gather3A_725 {strides = array<i32>} : memref<2x8x32xf32, #tpu.memory_space<vmem>>, vector<16xf32>,
    %add3A_732 = arith.constant 16 : i32
    %add3A_733 = vector.broadcast %add3A_732 : i32 to vector<16xi32>
    %add3A_734 = arith.addi %iota3A, %add3A_733 : vector<16xi32>
    %gather3A_735 = arith.constant 0 : i32
    %gather3A_736 = arith.constant 6 : i32
    %gather3A_737 = arith.constant 0 : i32
    %gather3A_738 = arith.constant 0 : i32
    %gather3A_739 = tpu.memref_slice %arg6[%gather3A_735, %gather3A_736, %gather3A_737, %gather3A_738] : memref<2x8x32x128xf32, #tpu.memory_space<vmem>> -> memref<1x1x32x128xf32, #tpu.memory_space<vmem>>
    %gather3A_740 = tpu.memref_squeeze %gather3A_739 : memref<1x1x32x128xf32, #tpu.memory_space<vmem>> -> memref<32x128xf32, #tpu.memory_space<vmem>>
    %gather3A_741 = tpu.vector_load_idx %gather3A_740[%add3A_734, %add3A_715] : memref<32x128xf32, #tpu.memory_space<vmem>>[vector<16xi32>, vector<16xi32>], vector<16xf32>,
    %swap3A_742 = arith.constant 0 : i32
    %swap3A_743 = arith.constant 6 : i32
    %swap3A_744 = arith.index_cast %swap3A_742 : i32 to index
    %swap3A_745 = arith.index_cast %swap3A_743 : i32 to index
    %swap3A_746 = arith.constant 16 : index
    %swap3A_747 = tpu.vector_load %arg7[%swap3A_744, %swap3A_745, %swap3A_746] {strides = array<i32>} : memref<2x8x32xf32, #tpu.memory_space<vmem>>, vector<16xf32>,
    tpu.vector_store %arg7[%swap3A_744, %swap3A_745, %swap3A_746], %gather3A_741 {strides = array<i32>} : memref<2x8x32xf32, #tpu.memory_space<vmem>>, vector<16xf32>,
    %broadcast_in_dim3A_748 = arith.constant 0 : i32
    %broadcast_in_dim3A_749 = vector.broadcast %broadcast_in_dim3A_748 : i32 to vector<16xi32>
    %slice3A_750 = vector.extract_strided_slice %get3A_471 {offsets = [7], sizes = [1], strides = [1]} : vector<16xi32> to vector<1xi32>
    %squeeze3A_751 = vector.extract %slice3A_750[0] : i32 from vector<1xi32>
    %and3A_752 = arith.constant 127 : i32
    %and3A_753 = arith.andi %squeeze3A_751, %and3A_752 : i32
    %add3A_754 = vector.broadcast %and3A_753 : i32 to vector<16xi32>
    %add3A_755 = arith.addi %broadcast_in_dim3A_749, %add3A_754 : vector<16xi32>
    %add3A_756 = arith.constant 0 : i32
    %add3A_757 = vector.broadcast %add3A_756 : i32 to vector<16xi32>
    %add3A_758 = arith.addi %iota3A, %add3A_757 : vector<16xi32>
    %gather3A_759 = arith.constant 0 : i32
    %gather3A_760 = arith.constant 7 : i32
    %gather3A_761 = arith.constant 0 : i32
    %gather3A_762 = arith.constant 0 : i32
    %gather3A_763 = tpu.memref_slice %arg6[%gather3A_759, %gather3A_760, %gather3A_761, %gather3A_762] : memref<2x8x32x128xf32, #tpu.memory_space<vmem>> -> memref<1x1x32x128xf32, #tpu.memory_space<vmem>>
    %gather3A_764 = tpu.memref_squeeze %gather3A_763 : memref<1x1x32x128xf32, #tpu.memory_space<vmem>> -> memref<32x128xf32, #tpu.memory_space<vmem>>
    %gather3A_765 = tpu.vector_load_idx %gather3A_764[%add3A_758, %add3A_755] : memref<32x128xf32, #tpu.memory_space<vmem>>[vector<16xi32>, vector<16xi32>], vector<16xf32>,
    %swap3A_766 = arith.constant 0 : i32
    %swap3A_767 = arith.constant 7 : i32
    %swap3A_768 = arith.index_cast %swap3A_766 : i32 to index
    %swap3A_769 = arith.index_cast %swap3A_767 : i32 to index
    %swap3A_770 = arith.constant 0 : index
    %swap3A_771 = tpu.vector_load %arg7[%swap3A_768, %swap3A_769, %swap3A_770] {strides = array<i32>} : memref<2x8x32xf32, #tpu.memory_space<vmem>>, vector<16xf32>,
    tpu.vector_store %arg7[%swap3A_768, %swap3A_769, %swap3A_770], %gather3A_765 {strides = array<i32>} : memref<2x8x32xf32, #tpu.memory_space<vmem>>, vector<16xf32>,
    %add3A_772 = arith.constant 16 : i32
    %add3A_773 = vector.broadcast %add3A_772 : i32 to vector<16xi32>
    %add3A_774 = arith.addi %iota3A, %add3A_773 : vector<16xi32>
    %gather3A_775 = arith.constant 0 : i32
    %gather3A_776 = arith.constant 7 : i32
    %gather3A_777 = arith.constant 0 : i32
    %gather3A_778 = arith.constant 0 : i32
    %gather3A_779 = tpu.memref_slice %arg6[%gather3A_775, %gather3A_776, %gather3A_777, %gather3A_778] : memref<2x8x32x128xf32, #tpu.memory_space<vmem>> -> memref<1x1x32x128xf32, #tpu.memory_space<vmem>>
    %gather3A_780 = tpu.memref_squeeze %gather3A_779 : memref<1x1x32x128xf32, #tpu.memory_space<vmem>> -> memref<32x128xf32, #tpu.memory_space<vmem>>
    %gather3A_781 = tpu.vector_load_idx %gather3A_780[%add3A_774, %add3A_755] : memref<32x128xf32, #tpu.memory_space<vmem>>[vector<16xi32>, vector<16xi32>], vector<16xf32>,
    %swap3A_782 = arith.constant 0 : i32
    %swap3A_783 = arith.constant 7 : i32
    %swap3A_784 = arith.index_cast %swap3A_782 : i32 to index
    %swap3A_785 = arith.index_cast %swap3A_783 : i32 to index
    %swap3A_786 = arith.constant 16 : index
    %swap3A_787 = tpu.vector_load %arg7[%swap3A_784, %swap3A_785, %swap3A_786] {strides = array<i32>} : memref<2x8x32xf32, #tpu.memory_space<vmem>>, vector<16xf32>,
    tpu.vector_store %arg7[%swap3A_784, %swap3A_785, %swap3A_786], %gather3A_781 {strides = array<i32>} : memref<2x8x32xf32, #tpu.memory_space<vmem>>, vector<16xf32>,
    %add3A_788 = arith.constant 0 : i32
    %add3A_789 = arith.addi %mul3A_2, %add3A_788 : i32
    %dma_start3A_790 = arith.constant 0 : i32
    %dma_start3A_791 = arith.constant 0 : i32
    %dma_start3A_792 = arith.constant 0 : i32
    %dma_start3A_793 = tpu.memref_slice %arg7[%dma_start3A_790, %dma_start3A_791, %dma_start3A_792] : memref<2x8x32xf32, #tpu.memory_space<vmem>> -> memref<1x8x32xf32, #tpu.memory_space<vmem>>
    %dma_start3A_794 = tpu.memref_squeeze %dma_start3A_793 : memref<1x8x32xf32, #tpu.memory_space<vmem>> -> memref<8x32xf32, #tpu.memory_space<vmem>>
    %dma_start3A_795 = arith.constant 0 : i32
    %dma_start3A_796 = tpu.memref_slice %arg4[%add3A_789, %dma_start3A_795] : memref<16384x32xf32, #tpu.memory_space<hbm>> -> memref<8x32xf32, #tpu.memory_space<hbm>>
    %dma_start3A_797 = arith.constant 0 : i32
    %dma_start3A_798 = tpu.memref_slice %arg4[%add3A_789, %dma_start3A_797] : memref<16384x32xf32, #tpu.memory_space<hbm>> -> memref<8x32xf32, #tpu.memory_space<hbm>>
    %dma_start3A_799 = arith.constant 0 : i32
    %dma_start3A_800 = arith.constant 0 : i32
    %dma_start3A_801 = tpu.memref_slice %arg7[%dma_start3A_790, %dma_start3A_799, %dma_start3A_800] : memref<2x8x32xf32, #tpu.memory_space<vmem>> -> memref<1x8x32xf32, #tpu.memory_space<vmem>>
    %dma_start3A_802 = tpu.memref_squeeze %dma_start3A_801 : memref<1x8x32xf32, #tpu.memory_space<vmem>> -> memref<8x32xf32, #tpu.memory_space<vmem>>
    tpu.enqueue_dma source(%dma_start3A_802 : memref<8x32xf32, #tpu.memory_space<vmem>>) target(%dma_start3A_798 : memref<8x32xf32, #tpu.memory_space<hbm>>) target_semaphore(%arg10 : memref<!tpu.dma_semaphore, #tpu.memory_space<semaphore_mem>>)
    %multiple_of3A_803 = arith.constant 16 : i32
    %multiple_of3A_804 = tpu.assume_multiple %multiple_of3A_803, 8 : i32
    %get3A_805 = arith.index_cast %multiple_of3A_804 : i32 to index
    %get3A_806 = tpu.vector_load %arg5[%get3A_805] {strides = array<i32>} : memref<528xi32, #tpu.memory_space<vmem>>, vector<16xi32>,
    %slice3A_807 = vector.extract_strided_slice %get3A_806 {offsets = [0], sizes = [1], strides = [1]} : vector<16xi32> to vector<1xi32>
    %squeeze3A_808 = vector.extract %slice3A_807[0] : i32 from vector<1xi32>
    %shift_right_arithmetic3A_809 = arith.constant 7 : i32
    %shift_right_arithmetic3A_810 = arith.shrsi %squeeze3A_808, %shift_right_arithmetic3A_809 : i32
    %mul3A_811 = arith.constant 128 : i32
    %mul3A_812 = arith.muli %shift_right_arithmetic3A_810, %mul3A_811 : i32
    %multiple_of3A_813 = tpu.assume_multiple %mul3A_812, 128 : i32
    %dma_start3A_814 = arith.constant 0 : i32
    %dma_start3A_815 = arith.constant 0 : i32
    %dma_start3A_816 = arith.constant 0 : i32
    %dma_start3A_817 = arith.constant 0 : i32
    %dma_start3A_818 = tpu.memref_slice %arg6[%dma_start3A_814, %dma_start3A_815, %dma_start3A_816, %dma_start3A_817] : memref<2x8x32x128xf32, #tpu.memory_space<vmem>> -> memref<1x1x32x128xf32, #tpu.memory_space<vmem>>
    %dma_start3A_819 = tpu.memref_squeeze %dma_start3A_818 : memref<1x1x32x128xf32, #tpu.memory_space<vmem>> -> memref<32x128xf32, #tpu.memory_space<vmem>>
    %dma_start3A_820 = arith.constant 0 : i32
    %dma_start3A_821 = tpu.memref_slice %arg3[%dma_start3A_820, %multiple_of3A_813] : memref<32x1000000xf32, #tpu.memory_space<hbm>> -> memref<32x128xf32, #tpu.memory_space<hbm>>
    %dma_start3A_822 = arith.constant 0 : i32
    %dma_start3A_823 = arith.constant 0 : i32
    %dma_start3A_824 = tpu.memref_slice %arg6[%dma_start3A_814, %dma_start3A_815, %dma_start3A_822, %dma_start3A_823] : memref<2x8x32x128xf32, #tpu.memory_space<vmem>> -> memref<1x1x32x128xf32, #tpu.memory_space<vmem>>
    %dma_start3A_825 = tpu.memref_squeeze %dma_start3A_824 : memref<1x1x32x128xf32, #tpu.memory_space<vmem>> -> memref<32x128xf32, #tpu.memory_space<vmem>>
    %dma_start3A_826 = arith.constant 0 : i32
    %dma_start3A_827 = tpu.memref_slice %arg3[%dma_start3A_826, %multiple_of3A_813] : memref<32x1000000xf32, #tpu.memory_space<hbm>> -> memref<32x128xf32, #tpu.memory_space<hbm>>
    tpu.enqueue_dma source(%dma_start3A_827 : memref<32x128xf32, #tpu.memory_space<hbm>>) target(%dma_start3A_825 : memref<32x128xf32, #tpu.memory_space<vmem>>) target_semaphore(%arg8 : memref<!tpu.dma_semaphore, #tpu.memory_space<semaphore_mem>>)
    %slice3A_828 = vector.extract_strided_slice %get3A_806 {offsets = [1], sizes = [1], strides = [1]} : vector<16xi32> to vector<1xi32>
    %squeeze3A_829 = vector.extract %slice3A_828[0] : i32 from vector<1xi32>
    %shift_right_arithmetic3A_830 = arith.constant 7 : i32
    %shift_right_arithmetic3A_831 = arith.shrsi %squeeze3A_829, %shift_right_arithmetic3A_830 : i32
    %mul3A_832 = arith.constant 128 : i32
    %mul3A_833 = arith.muli %shift_right_arithmetic3A_831, %mul3A_832 : i32
    %multiple_of3A_834 = tpu.assume_multiple %mul3A_833, 128 : i32
    %dma_start3A_835 = arith.constant 0 : i32
    %dma_start3A_836 = arith.constant 1 : i32
    %dma_start3A_837 = arith.constant 0 : i32
    %dma_start3A_838 = arith.constant 0 : i32
    %dma_start3A_839 = tpu.memref_slice %arg6[%dma_start3A_835, %dma_start3A_836, %dma_start3A_837, %dma_start3A_838] : memref<2x8x32x128xf32, #tpu.memory_space<vmem>> -> memref<1x1x32x128xf32, #tpu.memory_space<vmem>>
    %dma_start3A_840 = tpu.memref_squeeze %dma_start3A_839 : memref<1x1x32x128xf32, #tpu.memory_space<vmem>> -> memref<32x128xf32, #tpu.memory_space<vmem>>
    %dma_start3A_841 = arith.constant 0 : i32
    %dma_start3A_842 = tpu.memref_slice %arg3[%dma_start3A_841, %multiple_of3A_834] : memref<32x1000000xf32, #tpu.memory_space<hbm>> -> memref<32x128xf32, #tpu.memory_space<hbm>>
    %dma_start3A_843 = arith.constant 0 : i32
    %dma_start3A_844 = arith.constant 0 : i32
    %dma_start3A_845 = tpu.memref_slice %arg6[%dma_start3A_835, %dma_start3A_836, %dma_start3A_843, %dma_start3A_844] : memref<2x8x32x128xf32, #tpu.memory_space<vmem>> -> memref<1x1x32x128xf32, #tpu.memory_space<vmem>>
    %dma_start3A_846 = tpu.memref_squeeze %dma_start3A_845 : memref<1x1x32x128xf32, #tpu.memory_space<vmem>> -> memref<32x128xf32, #tpu.memory_space<vmem>>
    %dma_start3A_847 = arith.constant 0 : i32
    %dma_start3A_848 = tpu.memref_slice %arg3[%dma_start3A_847, %multiple_of3A_834] : memref<32x1000000xf32, #tpu.memory_space<hbm>> -> memref<32x128xf32, #tpu.memory_space<hbm>>
    tpu.enqueue_dma source(%dma_start3A_848 : memref<32x128xf32, #tpu.memory_space<hbm>>) target(%dma_start3A_846 : memref<32x128xf32, #tpu.memory_space<vmem>>) target_semaphore(%arg8 : memref<!tpu.dma_semaphore, #tpu.memory_space<semaphore_mem>>)
    %slice3A_849 = vector.extract_strided_slice %get3A_806 {offsets = [2], sizes = [1], strides = [1]} : vector<16xi32> to vector<1xi32>
    %squeeze3A_850 = vector.extract %slice3A_849[0] : i32 from vector<1xi32>
    %shift_right_arithmetic3A_851 = arith.constant 7 : i32
    %shift_right_arithmetic3A_852 = arith.shrsi %squeeze3A_850, %shift_right_arithmetic3A_851 : i32
    %mul3A_853 = arith.constant 128 : i32
    %mul3A_854 = arith.muli %shift_right_arithmetic3A_852, %mul3A_853 : i32
    %multiple_of3A_855 = tpu.assume_multiple %mul3A_854, 128 : i32
    %dma_start3A_856 = arith.constant 0 : i32
    %dma_start3A_857 = arith.constant 2 : i32
    %dma_start3A_858 = arith.constant 0 : i32
    %dma_start3A_859 = arith.constant 0 : i32
    %dma_start3A_860 = tpu.memref_slice %arg6[%dma_start3A_856, %dma_start3A_857, %dma_start3A_858, %dma_start3A_859] : memref<2x8x32x128xf32, #tpu.memory_space<vmem>> -> memref<1x1x32x128xf32, #tpu.memory_space<vmem>>
    %dma_start3A_861 = tpu.memref_squeeze %dma_start3A_860 : memref<1x1x32x128xf32, #tpu.memory_space<vmem>> -> memref<32x128xf32, #tpu.memory_space<vmem>>
    %dma_start3A_862 = arith.constant 0 : i32
    %dma_start3A_863 = tpu.memref_slice %arg3[%dma_start3A_862, %multiple_of3A_855] : memref<32x1000000xf32, #tpu.memory_space<hbm>> -> memref<32x128xf32, #tpu.memory_space<hbm>>
    %dma_start3A_864 = arith.constant 0 : i32
    %dma_start3A_865 = arith.constant 0 : i32
    %dma_start3A_866 = tpu.memref_slice %arg6[%dma_start3A_856, %dma_start3A_857, %dma_start3A_864, %dma_start3A_865] : memref<2x8x32x128xf32, #tpu.memory_space<vmem>> -> memref<1x1x32x128xf32, #tpu.memory_space<vmem>>
    %dma_start3A_867 = tpu.memref_squeeze %dma_start3A_866 : memref<1x1x32x128xf32, #tpu.memory_space<vmem>> -> memref<32x128xf32, #tpu.memory_space<vmem>>
    %dma_start3A_868 = arith.constant 0 : i32
    %dma_start3A_869 = tpu.memref_slice %arg3[%dma_start3A_868, %multiple_of3A_855] : memref<32x1000000xf32, #tpu.memory_space<hbm>> -> memref<32x128xf32, #tpu.memory_space<hbm>>
    tpu.enqueue_dma source(%dma_start3A_869 : memref<32x128xf32, #tpu.memory_space<hbm>>) target(%dma_start3A_867 : memref<32x128xf32, #tpu.memory_space<vmem>>) target_semaphore(%arg8 : memref<!tpu.dma_semaphore, #tpu.memory_space<semaphore_mem>>)
    %slice3A_870 = vector.extract_strided_slice %get3A_806 {offsets = [3], sizes = [1], strides = [1]} : vector<16xi32> to vector<1xi32>
    %squeeze3A_871 = vector.extract %slice3A_870[0] : i32 from vector<1xi32>
    %shift_right_arithmetic3A_872 = arith.constant 7 : i32
    %shift_right_arithmetic3A_873 = arith.shrsi %squeeze3A_871, %shift_right_arithmetic3A_872 : i32
    %mul3A_874 = arith.constant 128 : i32
    %mul3A_875 = arith.muli %shift_right_arithmetic3A_873, %mul3A_874 : i32
    %multiple_of3A_876 = tpu.assume_multiple %mul3A_875, 128 : i32
    %dma_start3A_877 = arith.constant 0 : i32
    %dma_start3A_878 = arith.constant 3 : i32
    %dma_start3A_879 = arith.constant 0 : i32
    %dma_start3A_880 = arith.constant 0 : i32
    %dma_start3A_881 = tpu.memref_slice %arg6[%dma_start3A_877, %dma_start3A_878, %dma_start3A_879, %dma_start3A_880] : memref<2x8x32x128xf32, #tpu.memory_space<vmem>> -> memref<1x1x32x128xf32, #tpu.memory_space<vmem>>
    %dma_start3A_882 = tpu.memref_squeeze %dma_start3A_881 : memref<1x1x32x128xf32, #tpu.memory_space<vmem>> -> memref<32x128xf32, #tpu.memory_space<vmem>>
    %dma_start3A_883 = arith.constant 0 : i32
    %dma_start3A_884 = tpu.memref_slice %arg3[%dma_start3A_883, %multiple_of3A_876] : memref<32x1000000xf32, #tpu.memory_space<hbm>> -> memref<32x128xf32, #tpu.memory_space<hbm>>
    %dma_start3A_885 = arith.constant 0 : i32
    %dma_start3A_886 = arith.constant 0 : i32
    %dma_start3A_887 = tpu.memref_slice %arg6[%dma_start3A_877, %dma_start3A_878, %dma_start3A_885, %dma_start3A_886] : memref<2x8x32x128xf32, #tpu.memory_space<vmem>> -> memref<1x1x32x128xf32, #tpu.memory_space<vmem>>
    %dma_start3A_888 = tpu.memref_squeeze %dma_start3A_887 : memref<1x1x32x128xf32, #tpu.memory_space<vmem>> -> memref<32x128xf32, #tpu.memory_space<vmem>>
    %dma_start3A_889 = arith.constant 0 : i32
    %dma_start3A_890 = tpu.memref_slice %arg3[%dma_start3A_889, %multiple_of3A_876] : memref<32x1000000xf32, #tpu.memory_space<hbm>> -> memref<32x128xf32, #tpu.memory_space<hbm>>
    tpu.enqueue_dma source(%dma_start3A_890 : memref<32x128xf32, #tpu.memory_space<hbm>>) target(%dma_start3A_888 : memref<32x128xf32, #tpu.memory_space<vmem>>) target_semaphore(%arg8 : memref<!tpu.dma_semaphore, #tpu.memory_space<semaphore_mem>>)
    %slice3A_891 = vector.extract_strided_slice %get3A_806 {offsets = [4], sizes = [1], strides = [1]} : vector<16xi32> to vector<1xi32>
    %squeeze3A_892 = vector.extract %slice3A_891[0] : i32 from vector<1xi32>
    %shift_right_arithmetic3A_893 = arith.constant 7 : i32
    %shift_right_arithmetic3A_894 = arith.shrsi %squeeze3A_892, %shift_right_arithmetic3A_893 : i32
    %mul3A_895 = arith.constant 128 : i32
    %mul3A_896 = arith.muli %shift_right_arithmetic3A_894, %mul3A_895 : i32
    %multiple_of3A_897 = tpu.assume_multiple %mul3A_896, 128 : i32
    %dma_start3A_898 = arith.constant 0 : i32
    %dma_start3A_899 = arith.constant 4 : i32
    %dma_start3A_900 = arith.constant 0 : i32
    %dma_start3A_901 = arith.constant 0 : i32
    %dma_start3A_902 = tpu.memref_slice %arg6[%dma_start3A_898, %dma_start3A_899, %dma_start3A_900, %dma_start3A_901] : memref<2x8x32x128xf32, #tpu.memory_space<vmem>> -> memref<1x1x32x128xf32, #tpu.memory_space<vmem>>
    %dma_start3A_903 = tpu.memref_squeeze %dma_start3A_902 : memref<1x1x32x128xf32, #tpu.memory_space<vmem>> -> memref<32x128xf32, #tpu.memory_space<vmem>>
    %dma_start3A_904 = arith.constant 0 : i32
    %dma_start3A_905 = tpu.memref_slice %arg3[%dma_start3A_904, %multiple_of3A_897] : memref<32x1000000xf32, #tpu.memory_space<hbm>> -> memref<32x128xf32, #tpu.memory_space<hbm>>
    %dma_start3A_906 = arith.constant 0 : i32
    %dma_start3A_907 = arith.constant 0 : i32
    %dma_start3A_908 = tpu.memref_slice %arg6[%dma_start3A_898, %dma_start3A_899, %dma_start3A_906, %dma_start3A_907] : memref<2x8x32x128xf32, #tpu.memory_space<vmem>> -> memref<1x1x32x128xf32, #tpu.memory_space<vmem>>
    %dma_start3A_909 = tpu.memref_squeeze %dma_start3A_908 : memref<1x1x32x128xf32, #tpu.memory_space<vmem>> -> memref<32x128xf32, #tpu.memory_space<vmem>>
    %dma_start3A_910 = arith.constant 0 : i32
    %dma_start3A_911 = tpu.memref_slice %arg3[%dma_start3A_910, %multiple_of3A_897] : memref<32x1000000xf32, #tpu.memory_space<hbm>> -> memref<32x128xf32, #tpu.memory_space<hbm>>
    tpu.enqueue_dma source(%dma_start3A_911 : memref<32x128xf32, #tpu.memory_space<hbm>>) target(%dma_start3A_909 : memref<32x128xf32, #tpu.memory_space<vmem>>) target_semaphore(%arg8 : memref<!tpu.dma_semaphore, #tpu.memory_space<semaphore_mem>>)
    %slice3A_912 = vector.extract_strided_slice %get3A_806 {offsets = [5], sizes = [1], strides = [1]} : vector<16xi32> to vector<1xi32>
    %squeeze3A_913 = vector.extract %slice3A_912[0] : i32 from vector<1xi32>
    %shift_right_arithmetic3A_914 = arith.constant 7 : i32
    %shift_right_arithmetic3A_915 = arith.shrsi %squeeze3A_913, %shift_right_arithmetic3A_914 : i32
    %mul3A_916 = arith.constant 128 : i32
    %mul3A_917 = arith.muli %shift_right_arithmetic3A_915, %mul3A_916 : i32
    %multiple_of3A_918 = tpu.assume_multiple %mul3A_917, 128 : i32
    %dma_start3A_919 = arith.constant 0 : i32
    %dma_start3A_920 = arith.constant 5 : i32
    %dma_start3A_921 = arith.constant 0 : i32
    %dma_start3A_922 = arith.constant 0 : i32
    %dma_start3A_923 = tpu.memref_slice %arg6[%dma_start3A_919, %dma_start3A_920, %dma_start3A_921, %dma_start3A_922] : memref<2x8x32x128xf32, #tpu.memory_space<vmem>> -> memref<1x1x32x128xf32, #tpu.memory_space<vmem>>
    %dma_start3A_924 = tpu.memref_squeeze %dma_start3A_923 : memref<1x1x32x128xf32, #tpu.memory_space<vmem>> -> memref<32x128xf32, #tpu.memory_space<vmem>>
    %dma_start3A_925 = arith.constant 0 : i32
    %dma_start3A_926 = tpu.memref_slice %arg3[%dma_start3A_925, %multiple_of3A_918] : memref<32x1000000xf32, #tpu.memory_space<hbm>> -> memref<32x128xf32, #tpu.memory_space<hbm>>
    %dma_start3A_927 = arith.constant 0 : i32
    %dma_start3A_928 = arith.constant 0 : i32
    %dma_start3A_929 = tpu.memref_slice %arg6[%dma_start3A_919, %dma_start3A_920, %dma_start3A_927, %dma_start3A_928] : memref<2x8x32x128xf32, #tpu.memory_space<vmem>> -> memref<1x1x32x128xf32, #tpu.memory_space<vmem>>
    %dma_start3A_930 = tpu.memref_squeeze %dma_start3A_929 : memref<1x1x32x128xf32, #tpu.memory_space<vmem>> -> memref<32x128xf32, #tpu.memory_space<vmem>>
    %dma_start3A_931 = arith.constant 0 : i32
    %dma_start3A_932 = tpu.memref_slice %arg3[%dma_start3A_931, %multiple_of3A_918] : memref<32x1000000xf32, #tpu.memory_space<hbm>> -> memref<32x128xf32, #tpu.memory_space<hbm>>
    tpu.enqueue_dma source(%dma_start3A_932 : memref<32x128xf32, #tpu.memory_space<hbm>>) target(%dma_start3A_930 : memref<32x128xf32, #tpu.memory_space<vmem>>) target_semaphore(%arg8 : memref<!tpu.dma_semaphore, #tpu.memory_space<semaphore_mem>>)
    %slice3A_933 = vector.extract_strided_slice %get3A_806 {offsets = [6], sizes = [1], strides = [1]} : vector<16xi32> to vector<1xi32>
    %squeeze3A_934 = vector.extract %slice3A_933[0] : i32 from vector<1xi32>
    %shift_right_arithmetic3A_935 = arith.constant 7 : i32
    %shift_right_arithmetic3A_936 = arith.shrsi %squeeze3A_934, %shift_right_arithmetic3A_935 : i32
    %mul3A_937 = arith.constant 128 : i32
    %mul3A_938 = arith.muli %shift_right_arithmetic3A_936, %mul3A_937 : i32
    %multiple_of3A_939 = tpu.assume_multiple %mul3A_938, 128 : i32
    %dma_start3A_940 = arith.constant 0 : i32
    %dma_start3A_941 = arith.constant 6 : i32
    %dma_start3A_942 = arith.constant 0 : i32
    %dma_start3A_943 = arith.constant 0 : i32
    %dma_start3A_944 = tpu.memref_slice %arg6[%dma_start3A_940, %dma_start3A_941, %dma_start3A_942, %dma_start3A_943] : memref<2x8x32x128xf32, #tpu.memory_space<vmem>> -> memref<1x1x32x128xf32, #tpu.memory_space<vmem>>
    %dma_start3A_945 = tpu.memref_squeeze %dma_start3A_944 : memref<1x1x32x128xf32, #tpu.memory_space<vmem>> -> memref<32x128xf32, #tpu.memory_space<vmem>>
    %dma_start3A_946 = arith.constant 0 : i32
    %dma_start3A_947 = tpu.memref_slice %arg3[%dma_start3A_946, %multiple_of3A_939] : memref<32x1000000xf32, #tpu.memory_space<hbm>> -> memref<32x128xf32, #tpu.memory_space<hbm>>
    %dma_start3A_948 = arith.constant 0 : i32
    %dma_start3A_949 = arith.constant 0 : i32
    %dma_start3A_950 = tpu.memref_slice %arg6[%dma_start3A_940, %dma_start3A_941, %dma_start3A_948, %dma_start3A_949] : memref<2x8x32x128xf32, #tpu.memory_space<vmem>> -> memref<1x1x32x128xf32, #tpu.memory_space<vmem>>
    %dma_start3A_951 = tpu.memref_squeeze %dma_start3A_950 : memref<1x1x32x128xf32, #tpu.memory_space<vmem>> -> memref<32x128xf32, #tpu.memory_space<vmem>>
    %dma_start3A_952 = arith.constant 0 : i32
    %dma_start3A_953 = tpu.memref_slice %arg3[%dma_start3A_952, %multiple_of3A_939] : memref<32x1000000xf32, #tpu.memory_space<hbm>> -> memref<32x128xf32, #tpu.memory_space<hbm>>
    tpu.enqueue_dma source(%dma_start3A_953 : memref<32x128xf32, #tpu.memory_space<hbm>>) target(%dma_start3A_951 : memref<32x128xf32, #tpu.memory_space<vmem>>) target_semaphore(%arg8 : memref<!tpu.dma_semaphore, #tpu.memory_space<semaphore_mem>>)
    %slice3A_954 = vector.extract_strided_slice %get3A_806 {offsets = [7], sizes = [1], strides = [1]} : vector<16xi32> to vector<1xi32>
    %squeeze3A_955 = vector.extract %slice3A_954[0] : i32 from vector<1xi32>
    %shift_right_arithmetic3A_956 = arith.constant 7 : i32
    %shift_right_arithmetic3A_957 = arith.shrsi %squeeze3A_955, %shift_right_arithmetic3A_956 : i32
    %mul3A_958 = arith.constant 128 : i32
    %mul3A_959 = arith.muli %shift_right_arithmetic3A_957, %mul3A_958 : i32
    %multiple_of3A_960 = tpu.assume_multiple %mul3A_959, 128 : i32
    %dma_start3A_961 = arith.constant 0 : i32
    %dma_start3A_962 = arith.constant 7 : i32
    %dma_start3A_963 = arith.constant 0 : i32
    %dma_start3A_964 = arith.constant 0 : i32
    %dma_start3A_965 = tpu.memref_slice %arg6[%dma_start3A_961, %dma_start3A_962, %dma_start3A_963, %dma_start3A_964] : memref<2x8x32x128xf32, #tpu.memory_space<vmem>> -> memref<1x1x32x128xf32, #tpu.memory_space<vmem>>
    %dma_start3A_966 = tpu.memref_squeeze %dma_start3A_965 : memref<1x1x32x128xf32, #tpu.memory_space<vmem>> -> memref<32x128xf32, #tpu.memory_space<vmem>>
    %dma_start3A_967 = arith.constant 0 : i32
    %dma_start3A_968 = tpu.memref_slice %arg3[%dma_start3A_967, %multiple_of3A_960] : memref<32x1000000xf32, #tpu.memory_space<hbm>> -> memref<32x128xf32, #tpu.memory_space<hbm>>
    %dma_start3A_969 = arith.constant 0 : i32
    %dma_start3A_970 = arith.constant 0 : i32
    %dma_start3A_971 = tpu.memref_slice %arg6[%dma_start3A_961, %dma_start3A_962, %dma_start3A_969, %dma_start3A_970] : memref<2x8x32x128xf32, #tpu.memory_space<vmem>> -> memref<1x1x32x128xf32, #tpu.memory_space<vmem>>
    %dma_start3A_972 = tpu.memref_squeeze %dma_start3A_971 : memref<1x1x32x128xf32, #tpu.memory_space<vmem>> -> memref<32x128xf32, #tpu.memory_space<vmem>>
    %dma_start3A_973 = arith.constant 0 : i32
    %dma_start3A_974 = tpu.memref_slice %arg3[%dma_start3A_973, %multiple_of3A_960] : memref<32x1000000xf32, #tpu.memory_space<hbm>> -> memref<32x128xf32, #tpu.memory_space<hbm>>
    tpu.enqueue_dma source(%dma_start3A_974 : memref<32x128xf32, #tpu.memory_space<hbm>>) target(%dma_start3A_972 : memref<32x128xf32, #tpu.memory_space<vmem>>) target_semaphore(%arg8 : memref<!tpu.dma_semaphore, #tpu.memory_space<semaphore_mem>>)
    %dma_wait3A_975 = arith.constant 1 : i32
    %dma_wait3A_976 = arith.constant 0 : i32
    %dma_wait3A_977 = arith.constant 0 : i32
    %dma_wait3A_978 = arith.constant 0 : i32
    %dma_wait3A_979 = tpu.memref_slice %arg6[%dma_wait3A_975, %dma_wait3A_976, %dma_wait3A_977, %dma_wait3A_978] : memref<2x8x32x128xf32, #tpu.memory_space<vmem>> -> memref<1x1x32x128xf32, #tpu.memory_space<vmem>>
    %dma_wait3A_980 = tpu.memref_squeeze %dma_wait3A_979 : memref<1x1x32x128xf32, #tpu.memory_space<vmem>> -> memref<32x128xf32, #tpu.memory_space<vmem>>
    %dma_wait3A_981 = arith.constant 0 : i32
    %dma_wait3A_982 = arith.constant 0 : i32
    %dma_wait3A_983 = tpu.memref_slice %arg3[%dma_wait3A_981, %dma_wait3A_982] : memref<32x1000000xf32, #tpu.memory_space<hbm>> -> memref<32x128xf32, #tpu.memory_space<hbm>>
    %dma_wait3A_984 = arith.constant 0 : i32
    %dma_wait3A_985 = arith.constant 0 : i32
    %dma_wait3A_986 = tpu.memref_slice %arg6[%dma_wait3A_975, %dma_wait3A_976, %dma_wait3A_984, %dma_wait3A_985] : memref<2x8x32x128xf32, #tpu.memory_space<vmem>> -> memref<1x1x32x128xf32, #tpu.memory_space<vmem>>
    %dma_wait3A_987 = tpu.memref_squeeze %dma_wait3A_986 : memref<1x1x32x128xf32, #tpu.memory_space<vmem>> -> memref<32x128xf32, #tpu.memory_space<vmem>>
    %dma_wait3A_988 = arith.constant 0 : i32
    %dma_wait3A_989 = arith.constant 0 : i32
    %dma_wait3A_990 = tpu.memref_slice %arg3[%dma_wait3A_988, %dma_wait3A_989] : memref<32x1000000xf32, #tpu.memory_space<hbm>> -> memref<32x128xf32, #tpu.memory_space<hbm>>
    tpu.wait_dma2 semaphore(%arg9 : memref<!tpu.dma_semaphore, #tpu.memory_space<semaphore_mem>>) src(%dma_wait3A_990 : memref<32x128xf32, #tpu.memory_space<hbm>>) dst(%dma_wait3A_987 : memref<32x128xf32, #tpu.memory_space<vmem>>)
    %dma_wait3A_991 = arith.constant 1 : i32
    %dma_wait3A_992 = arith.constant 1 : i32
    %dma_wait3A_993 = arith.constant 0 : i32
    %dma_wait3A_994 = arith.constant 0 : i32
    %dma_wait3A_995 = tpu.memref_slice %arg6[%dma_wait3A_991, %dma_wait3A_992, %dma_wait3A_993, %dma_wait3A_994] : memref<2x8x32x128xf32, #tpu.memory_space<vmem>> -> memref<1x1x32x128xf32, #tpu.memory_space<vmem>>
    %dma_wait3A_996 = tpu.memref_squeeze %dma_wait3A_995 : memref<1x1x32x128xf32, #tpu.memory_space<vmem>> -> memref<32x128xf32, #tpu.memory_space<vmem>>
    %dma_wait3A_997 = arith.constant 0 : i32
    %dma_wait3A_998 = arith.constant 0 : i32
    %dma_wait3A_999 = tpu.memref_slice %arg3[%dma_wait3A_997, %dma_wait3A_998] : memref<32x1000000xf32, #tpu.memory_space<hbm>> -> memref<32x128xf32, #tpu.memory_space<hbm>>
    %dma_wait3A_1000 = arith.constant 0 : i32
    %dma_wait3A_1001 = arith.constant 0 : i32
    %dma_wait3A_1002 = tpu.memref_slice %arg6[%dma_wait3A_991, %dma_wait3A_992, %dma_wait3A_1000, %dma_wait3A_1001] : memref<2x8x32x128xf32, #tpu.memory_space<vmem>> -> memref<1x1x32x128xf32, #tpu.memory_space<vmem>>
    %dma_wait3A_1003 = tpu.memref_squeeze %dma_wait3A_1002 : memref<1x1x32x128xf32, #tpu.memory_space<vmem>> -> memref<32x128xf32, #tpu.memory_space<vmem>>
    %dma_wait3A_1004 = arith.constant 0 : i32
    %dma_wait3A_1005 = arith.constant 0 : i32
    %dma_wait3A_1006 = tpu.memref_slice %arg3[%dma_wait3A_1004, %dma_wait3A_1005] : memref<32x1000000xf32, #tpu.memory_space<hbm>> -> memref<32x128xf32, #tpu.memory_space<hbm>>
    tpu.wait_dma2 semaphore(%arg9 : memref<!tpu.dma_semaphore, #tpu.memory_space<semaphore_mem>>) src(%dma_wait3A_1006 : memref<32x128xf32, #tpu.memory_space<hbm>>) dst(%dma_wait3A_1003 : memref<32x128xf32, #tpu.memory_space<vmem>>)
    %dma_wait3A_1007 = arith.constant 1 : i32
    %dma_wait3A_1008 = arith.constant 2 : i32
    %dma_wait3A_1009 = arith.constant 0 : i32
    %dma_wait3A_1010 = arith.constant 0 : i32
    %dma_wait3A_1011 = tpu.memref_slice %arg6[%dma_wait3A_1007, %dma_wait3A_1008, %dma_wait3A_1009, %dma_wait3A_1010] : memref<2x8x32x128xf32, #tpu.memory_space<vmem>> -> memref<1x1x32x128xf32, #tpu.memory_space<vmem>>
    %dma_wait3A_1012 = tpu.memref_squeeze %dma_wait3A_1011 : memref<1x1x32x128xf32, #tpu.memory_space<vmem>> -> memref<32x128xf32, #tpu.memory_space<vmem>>
    %dma_wait3A_1013 = arith.constant 0 : i32
    %dma_wait3A_1014 = arith.constant 0 : i32
    %dma_wait3A_1015 = tpu.memref_slice %arg3[%dma_wait3A_1013, %dma_wait3A_1014] : memref<32x1000000xf32, #tpu.memory_space<hbm>> -> memref<32x128xf32, #tpu.memory_space<hbm>>
    %dma_wait3A_1016 = arith.constant 0 : i32
    %dma_wait3A_1017 = arith.constant 0 : i32
    %dma_wait3A_1018 = tpu.memref_slice %arg6[%dma_wait3A_1007, %dma_wait3A_1008, %dma_wait3A_1016, %dma_wait3A_1017] : memref<2x8x32x128xf32, #tpu.memory_space<vmem>> -> memref<1x1x32x128xf32, #tpu.memory_space<vmem>>
    %dma_wait3A_1019 = tpu.memref_squeeze %dma_wait3A_1018 : memref<1x1x32x128xf32, #tpu.memory_space<vmem>> -> memref<32x128xf32, #tpu.memory_space<vmem>>
    %dma_wait3A_1020 = arith.constant 0 : i32
    %dma_wait3A_1021 = arith.constant 0 : i32
    %dma_wait3A_1022 = tpu.memref_slice %arg3[%dma_wait3A_1020, %dma_wait3A_1021] : memref<32x1000000xf32, #tpu.memory_space<hbm>> -> memref<32x128xf32, #tpu.memory_space<hbm>>
    tpu.wait_dma2 semaphore(%arg9 : memref<!tpu.dma_semaphore, #tpu.memory_space<semaphore_mem>>) src(%dma_wait3A_1022 : memref<32x128xf32, #tpu.memory_space<hbm>>) dst(%dma_wait3A_1019 : memref<32x128xf32, #tpu.memory_space<vmem>>)
    %dma_wait3A_1023 = arith.constant 1 : i32
    %dma_wait3A_1024 = arith.constant 3 : i32
    %dma_wait3A_1025 = arith.constant 0 : i32
    %dma_wait3A_1026 = arith.constant 0 : i32
    %dma_wait3A_1027 = tpu.memref_slice %arg6[%dma_wait3A_1023, %dma_wait3A_1024, %dma_wait3A_1025, %dma_wait3A_1026] : memref<2x8x32x128xf32, #tpu.memory_space<vmem>> -> memref<1x1x32x128xf32, #tpu.memory_space<vmem>>
    %dma_wait3A_1028 = tpu.memref_squeeze %dma_wait3A_1027 : memref<1x1x32x128xf32, #tpu.memory_space<vmem>> -> memref<32x128xf32, #tpu.memory_space<vmem>>
    %dma_wait3A_1029 = arith.constant 0 : i32
    %dma_wait3A_1030 = arith.constant 0 : i32
    %dma_wait3A_1031 = tpu.memref_slice %arg3[%dma_wait3A_1029, %dma_wait3A_1030] : memref<32x1000000xf32, #tpu.memory_space<hbm>> -> memref<32x128xf32, #tpu.memory_space<hbm>>
    %dma_wait3A_1032 = arith.constant 0 : i32
    %dma_wait3A_1033 = arith.constant 0 : i32
    %dma_wait3A_1034 = tpu.memref_slice %arg6[%dma_wait3A_1023, %dma_wait3A_1024, %dma_wait3A_1032, %dma_wait3A_1033] : memref<2x8x32x128xf32, #tpu.memory_space<vmem>> -> memref<1x1x32x128xf32, #tpu.memory_space<vmem>>
    %dma_wait3A_1035 = tpu.memref_squeeze %dma_wait3A_1034 : memref<1x1x32x128xf32, #tpu.memory_space<vmem>> -> memref<32x128xf32, #tpu.memory_space<vmem>>
    %dma_wait3A_1036 = arith.constant 0 : i32
    %dma_wait3A_1037 = arith.constant 0 : i32
    %dma_wait3A_1038 = tpu.memref_slice %arg3[%dma_wait3A_1036, %dma_wait3A_1037] : memref<32x1000000xf32, #tpu.memory_space<hbm>> -> memref<32x128xf32, #tpu.memory_space<hbm>>
    tpu.wait_dma2 semaphore(%arg9 : memref<!tpu.dma_semaphore, #tpu.memory_space<semaphore_mem>>) src(%dma_wait3A_1038 : memref<32x128xf32, #tpu.memory_space<hbm>>) dst(%dma_wait3A_1035 : memref<32x128xf32, #tpu.memory_space<vmem>>)
    %dma_wait3A_1039 = arith.constant 1 : i32
    %dma_wait3A_1040 = arith.constant 4 : i32
    %dma_wait3A_1041 = arith.constant 0 : i32
    %dma_wait3A_1042 = arith.constant 0 : i32
    %dma_wait3A_1043 = tpu.memref_slice %arg6[%dma_wait3A_1039, %dma_wait3A_1040, %dma_wait3A_1041, %dma_wait3A_1042] : memref<2x8x32x128xf32, #tpu.memory_space<vmem>> -> memref<1x1x32x128xf32, #tpu.memory_space<vmem>>
    %dma_wait3A_1044 = tpu.memref_squeeze %dma_wait3A_1043 : memref<1x1x32x128xf32, #tpu.memory_space<vmem>> -> memref<32x128xf32, #tpu.memory_space<vmem>>
    %dma_wait3A_1045 = arith.constant 0 : i32
    %dma_wait3A_1046 = arith.constant 0 : i32
    %dma_wait3A_1047 = tpu.memref_slice %arg3[%dma_wait3A_1045, %dma_wait3A_1046] : memref<32x1000000xf32, #tpu.memory_space<hbm>> -> memref<32x128xf32, #tpu.memory_space<hbm>>
    %dma_wait3A_1048 = arith.constant 0 : i32
    %dma_wait3A_1049 = arith.constant 0 : i32
    %dma_wait3A_1050 = tpu.memref_slice %arg6[%dma_wait3A_1039, %dma_wait3A_1040, %dma_wait3A_1048, %dma_wait3A_1049] : memref<2x8x32x128xf32, #tpu.memory_space<vmem>> -> memref<1x1x32x128xf32, #tpu.memory_space<vmem>>
    %dma_wait3A_1051 = tpu.memref_squeeze %dma_wait3A_1050 : memref<1x1x32x128xf32, #tpu.memory_space<vmem>> -> memref<32x128xf32, #tpu.memory_space<vmem>>
    %dma_wait3A_1052 = arith.constant 0 : i32
    %dma_wait3A_1053 = arith.constant 0 : i32
    %dma_wait3A_1054 = tpu.memref_slice %arg3[%dma_wait3A_1052, %dma_wait3A_1053] : memref<32x1000000xf32, #tpu.memory_space<hbm>> -> memref<32x128xf32, #tpu.memory_space<hbm>>
    tpu.wait_dma2 semaphore(%arg9 : memref<!tpu.dma_semaphore, #tpu.memory_space<semaphore_mem>>) src(%dma_wait3A_1054 : memref<32x128xf32, #tpu.memory_space<hbm>>) dst(%dma_wait3A_1051 : memref<32x128xf32, #tpu.memory_space<vmem>>)
    %dma_wait3A_1055 = arith.constant 1 : i32
    %dma_wait3A_1056 = arith.constant 5 : i32
    %dma_wait3A_1057 = arith.constant 0 : i32
    %dma_wait3A_1058 = arith.constant 0 : i32
    %dma_wait3A_1059 = tpu.memref_slice %arg6[%dma_wait3A_1055, %dma_wait3A_1056, %dma_wait3A_1057, %dma_wait3A_1058] : memref<2x8x32x128xf32, #tpu.memory_space<vmem>> -> memref<1x1x32x128xf32, #tpu.memory_space<vmem>>
    %dma_wait3A_1060 = tpu.memref_squeeze %dma_wait3A_1059 : memref<1x1x32x128xf32, #tpu.memory_space<vmem>> -> memref<32x128xf32, #tpu.memory_space<vmem>>
    %dma_wait3A_1061 = arith.constant 0 : i32
    %dma_wait3A_1062 = arith.constant 0 : i32
    %dma_wait3A_1063 = tpu.memref_slice %arg3[%dma_wait3A_1061, %dma_wait3A_1062] : memref<32x1000000xf32, #tpu.memory_space<hbm>> -> memref<32x128xf32, #tpu.memory_space<hbm>>
    %dma_wait3A_1064 = arith.constant 0 : i32
    %dma_wait3A_1065 = arith.constant 0 : i32
    %dma_wait3A_1066 = tpu.memref_slice %arg6[%dma_wait3A_1055, %dma_wait3A_1056, %dma_wait3A_1064, %dma_wait3A_1065] : memref<2x8x32x128xf32, #tpu.memory_space<vmem>> -> memref<1x1x32x128xf32, #tpu.memory_space<vmem>>
    %dma_wait3A_1067 = tpu.memref_squeeze %dma_wait3A_1066 : memref<1x1x32x128xf32, #tpu.memory_space<vmem>> -> memref<32x128xf32, #tpu.memory_space<vmem>>
    %dma_wait3A_1068 = arith.constant 0 : i32
    %dma_wait3A_1069 = arith.constant 0 : i32
    %dma_wait3A_1070 = tpu.memref_slice %arg3[%dma_wait3A_1068, %dma_wait3A_1069] : memref<32x1000000xf32, #tpu.memory_space<hbm>> -> memref<32x128xf32, #tpu.memory_space<hbm>>
    tpu.wait_dma2 semaphore(%arg9 : memref<!tpu.dma_semaphore, #tpu.memory_space<semaphore_mem>>) src(%dma_wait3A_1070 : memref<32x128xf32, #tpu.memory_space<hbm>>) dst(%dma_wait3A_1067 : memref<32x128xf32, #tpu.memory_space<vmem>>)
    %dma_wait3A_1071 = arith.constant 1 : i32
    %dma_wait3A_1072 = arith.constant 6 : i32
    %dma_wait3A_1073 = arith.constant 0 : i32
    %dma_wait3A_1074 = arith.constant 0 : i32
    %dma_wait3A_1075 = tpu.memref_slice %arg6[%dma_wait3A_1071, %dma_wait3A_1072, %dma_wait3A_1073, %dma_wait3A_1074] : memref<2x8x32x128xf32, #tpu.memory_space<vmem>> -> memref<1x1x32x128xf32, #tpu.memory_space<vmem>>
    %dma_wait3A_1076 = tpu.memref_squeeze %dma_wait3A_1075 : memref<1x1x32x128xf32, #tpu.memory_space<vmem>> -> memref<32x128xf32, #tpu.memory_space<vmem>>
    %dma_wait3A_1077 = arith.constant 0 : i32
    %dma_wait3A_1078 = arith.constant 0 : i32
    %dma_wait3A_1079 = tpu.memref_slice %arg3[%dma_wait3A_1077, %dma_wait3A_1078] : memref<32x1000000xf32, #tpu.memory_space<hbm>> -> memref<32x128xf32, #tpu.memory_space<hbm>>
    %dma_wait3A_1080 = arith.constant 0 : i32
    %dma_wait3A_1081 = arith.constant 0 : i32
    %dma_wait3A_1082 = tpu.memref_slice %arg6[%dma_wait3A_1071, %dma_wait3A_1072, %dma_wait3A_1080, %dma_wait3A_1081] : memref<2x8x32x128xf32, #tpu.memory_space<vmem>> -> memref<1x1x32x128xf32, #tpu.memory_space<vmem>>
    %dma_wait3A_1083 = tpu.memref_squeeze %dma_wait3A_1082 : memref<1x1x32x128xf32, #tpu.memory_space<vmem>> -> memref<32x128xf32, #tpu.memory_space<vmem>>
    %dma_wait3A_1084 = arith.constant 0 : i32
    %dma_wait3A_1085 = arith.constant 0 : i32
    %dma_wait3A_1086 = tpu.memref_slice %arg3[%dma_wait3A_1084, %dma_wait3A_1085] : memref<32x1000000xf32, #tpu.memory_space<hbm>> -> memref<32x128xf32, #tpu.memory_space<hbm>>
    tpu.wait_dma2 semaphore(%arg9 : memref<!tpu.dma_semaphore, #tpu.memory_space<semaphore_mem>>) src(%dma_wait3A_1086 : memref<32x128xf32, #tpu.memory_space<hbm>>) dst(%dma_wait3A_1083 : memref<32x128xf32, #tpu.memory_space<vmem>>)
    %dma_wait3A_1087 = arith.constant 1 : i32
    %dma_wait3A_1088 = arith.constant 7 : i32
    %dma_wait3A_1089 = arith.constant 0 : i32
    %dma_wait3A_1090 = arith.constant 0 : i32
    %dma_wait3A_1091 = tpu.memref_slice %arg6[%dma_wait3A_1087, %dma_wait3A_1088, %dma_wait3A_1089, %dma_wait3A_1090] : memref<2x8x32x128xf32, #tpu.memory_space<vmem>> -> memref<1x1x32x128xf32, #tpu.memory_space<vmem>>
    %dma_wait3A_1092 = tpu.memref_squeeze %dma_wait3A_1091 : memref<1x1x32x128xf32, #tpu.memory_space<vmem>> -> memref<32x128xf32, #tpu.memory_space<vmem>>
    %dma_wait3A_1093 = arith.constant 0 : i32
    %dma_wait3A_1094 = arith.constant 0 : i32
    %dma_wait3A_1095 = tpu.memref_slice %arg3[%dma_wait3A_1093, %dma_wait3A_1094] : memref<32x1000000xf32, #tpu.memory_space<hbm>> -> memref<32x128xf32, #tpu.memory_space<hbm>>
    %dma_wait3A_1096 = arith.constant 0 : i32
    %dma_wait3A_1097 = arith.constant 0 : i32
    %dma_wait3A_1098 = tpu.memref_slice %arg6[%dma_wait3A_1087, %dma_wait3A_1088, %dma_wait3A_1096, %dma_wait3A_1097] : memref<2x8x32x128xf32, #tpu.memory_space<vmem>> -> memref<1x1x32x128xf32, #tpu.memory_space<vmem>>
    %dma_wait3A_1099 = tpu.memref_squeeze %dma_wait3A_1098 : memref<1x1x32x128xf32, #tpu.memory_space<vmem>> -> memref<32x128xf32, #tpu.memory_space<vmem>>
    %dma_wait3A_1100 = arith.constant 0 : i32
    %dma_wait3A_1101 = arith.constant 0 : i32
    %dma_wait3A_1102 = tpu.memref_slice %arg3[%dma_wait3A_1100, %dma_wait3A_1101] : memref<32x1000000xf32, #tpu.memory_space<hbm>> -> memref<32x128xf32, #tpu.memory_space<hbm>>
    tpu.wait_dma2 semaphore(%arg9 : memref<!tpu.dma_semaphore, #tpu.memory_space<semaphore_mem>>) src(%dma_wait3A_1102 : memref<32x128xf32, #tpu.memory_space<hbm>>) dst(%dma_wait3A_1099 : memref<32x128xf32, #tpu.memory_space<vmem>>)
    %multiple_of3A_1103 = arith.constant 8 : i32
    %multiple_of3A_1104 = tpu.assume_multiple %multiple_of3A_1103, 8 : i32
    %get3A_1105 = arith.index_cast %multiple_of3A_1104 : i32 to index
    %get3A_1106 = tpu.vector_load %arg5[%get3A_1105] {strides = array<i32>} : memref<528xi32, #tpu.memory_space<vmem>>, vector<16xi32>,
    %broadcast_in_dim3A_1107 = arith.constant 0 : i32
    %broadcast_in_dim3A_1108 = vector.broadcast %broadcast_in_dim3A_1107 : i32 to vector<16xi32>
    %slice3A_1109 = vector.extract_strided_slice %get3A_1106 {offsets = [0], sizes = [1], strides = [1]} : vector<16xi32> to vector<1xi32>
    %squeeze3A_1110 = vector.extract %slice3A_1109[0] : i32 from vector<1xi32>
    %and3A_1111 = arith.constant 127 : i32
    %and3A_1112 = arith.andi %squeeze3A_1110, %and3A_1111 : i32
    %add3A_1113 = vector.broadcast %and3A_1112 : i32 to vector<16xi32>
    %add3A_1114 = arith.addi %broadcast_in_dim3A_1108, %add3A_1113 : vector<16xi32>
    %add3A_1115 = arith.constant 0 : i32
    %add3A_1116 = vector.broadcast %add3A_1115 : i32 to vector<16xi32>
    %add3A_1117 = arith.addi %iota3A, %add3A_1116 : vector<16xi32>
    %gather3A_1118 = arith.constant 1 : i32
    %gather3A_1119 = arith.constant 0 : i32
    %gather3A_1120 = arith.constant 0 : i32
    %gather3A_1121 = arith.constant 0 : i32
    %gather3A_1122 = tpu.memref_slice %arg6[%gather3A_1118, %gather3A_1119, %gather3A_1120, %gather3A_1121] : memref<2x8x32x128xf32, #tpu.memory_space<vmem>> -> memref<1x1x32x128xf32, #tpu.memory_space<vmem>>
    %gather3A_1123 = tpu.memref_squeeze %gather3A_1122 : memref<1x1x32x128xf32, #tpu.memory_space<vmem>> -> memref<32x128xf32, #tpu.memory_space<vmem>>
    %gather3A_1124 = tpu.vector_load_idx %gather3A_1123[%add3A_1117, %add3A_1114] : memref<32x128xf32, #tpu.memory_space<vmem>>[vector<16xi32>, vector<16xi32>], vector<16xf32>,
    %swap3A_1125 = arith.constant 1 : i32
    %swap3A_1126 = arith.constant 0 : i32
    %swap3A_1127 = arith.index_cast %swap3A_1125 : i32 to index
    %swap3A_1128 = arith.index_cast %swap3A_1126 : i32 to index
    %swap3A_1129 = arith.constant 0 : index
    %swap3A_1130 = tpu.vector_load %arg7[%swap3A_1127, %swap3A_1128, %swap3A_1129] {strides = array<i32>} : memref<2x8x32xf32, #tpu.memory_space<vmem>>, vector<16xf32>,
    tpu.vector_store %arg7[%swap3A_1127, %swap3A_1128, %swap3A_1129], %gather3A_1124 {strides = array<i32>} : memref<2x8x32xf32, #tpu.memory_space<vmem>>, vector<16xf32>,
    %add3A_1131 = arith.constant 16 : i32
    %add3A_1132 = vector.broadcast %add3A_1131 : i32 to vector<16xi32>
    %add3A_1133 = arith.addi %iota3A, %add3A_1132 : vector<16xi32>
    %gather3A_1134 = arith.constant 1 : i32
    %gather3A_1135 = arith.constant 0 : i32
    %gather3A_1136 = arith.constant 0 : i32
    %gather3A_1137 = arith.constant 0 : i32
    %gather3A_1138 = tpu.memref_slice %arg6[%gather3A_1134, %gather3A_1135, %gather3A_1136, %gather3A_1137] : memref<2x8x32x128xf32, #tpu.memory_space<vmem>> -> memref<1x1x32x128xf32, #tpu.memory_space<vmem>>
    %gather3A_1139 = tpu.memref_squeeze %gather3A_1138 : memref<1x1x32x128xf32, #tpu.memory_space<vmem>> -> memref<32x128xf32, #tpu.memory_space<vmem>>
    %gather3A_1140 = tpu.vector_load_idx %gather3A_1139[%add3A_1133, %add3A_1114] : memref<32x128xf32, #tpu.memory_space<vmem>>[vector<16xi32>, vector<16xi32>], vector<16xf32>,
    %swap3A_1141 = arith.constant 1 : i32
    %swap3A_1142 = arith.constant 0 : i32
    %swap3A_1143 = arith.index_cast %swap3A_1141 : i32 to index
    %swap3A_1144 = arith.index_cast %swap3A_1142 : i32 to index
    %swap3A_1145 = arith.constant 16 : index
    %swap3A_1146 = tpu.vector_load %arg7[%swap3A_1143, %swap3A_1144, %swap3A_1145] {strides = array<i32>} : memref<2x8x32xf32, #tpu.memory_space<vmem>>, vector<16xf32>,
    tpu.vector_store %arg7[%swap3A_1143, %swap3A_1144, %swap3A_1145], %gather3A_1140 {strides = array<i32>} : memref<2x8x32xf32, #tpu.memory_space<vmem>>, vector<16xf32>,
    %broadcast_in_dim3A_1147 = arith.constant 0 : i32
    %broadcast_in_dim3A_1148 = vector.broadcast %broadcast_in_dim3A_1147 : i32 to vector<16xi32>
    %slice3A_1149 = vector.extract_strided_slice %get3A_1106 {offsets = [1], sizes = [1], strides = [1]} : vector<16xi32> to vector<1xi32>
    %squeeze3A_1150 = vector.extract %slice3A_1149[0] : i32 from vector<1xi32>
    %and3A_1151 = arith.constant 127 : i32
    %and3A_1152 = arith.andi %squeeze3A_1150, %and3A_1151 : i32
    %add3A_1153 = vector.broadcast %and3A_1152 : i32 to vector<16xi32>
    %add3A_1154 = arith.addi %broadcast_in_dim3A_1148, %add3A_1153 : vector<16xi32>
    %add3A_1155 = arith.constant 0 : i32
    %add3A_1156 = vector.broadcast %add3A_1155 : i32 to vector<16xi32>
    %add3A_1157 = arith.addi %iota3A, %add3A_1156 : vector<16xi32>
    %gather3A_1158 = arith.constant 1 : i32
    %gather3A_1159 = arith.constant 1 : i32
    %gather3A_1160 = arith.constant 0 : i32
    %gather3A_1161 = arith.constant 0 : i32
    %gather3A_1162 = tpu.memref_slice %arg6[%gather3A_1158, %gather3A_1159, %gather3A_1160, %gather3A_1161] : memref<2x8x32x128xf32, #tpu.memory_space<vmem>> -> memref<1x1x32x128xf32, #tpu.memory_space<vmem>>
    %gather3A_1163 = tpu.memref_squeeze %gather3A_1162 : memref<1x1x32x128xf32, #tpu.memory_space<vmem>> -> memref<32x128xf32, #tpu.memory_space<vmem>>
    %gather3A_1164 = tpu.vector_load_idx %gather3A_1163[%add3A_1157, %add3A_1154] : memref<32x128xf32, #tpu.memory_space<vmem>>[vector<16xi32>, vector<16xi32>], vector<16xf32>,
    %swap3A_1165 = arith.constant 1 : i32
    %swap3A_1166 = arith.constant 1 : i32
    %swap3A_1167 = arith.index_cast %swap3A_1165 : i32 to index
    %swap3A_1168 = arith.index_cast %swap3A_1166 : i32 to index
    %swap3A_1169 = arith.constant 0 : index
    %swap3A_1170 = tpu.vector_load %arg7[%swap3A_1167, %swap3A_1168, %swap3A_1169] {strides = array<i32>} : memref<2x8x32xf32, #tpu.memory_space<vmem>>, vector<16xf32>,
    tpu.vector_store %arg7[%swap3A_1167, %swap3A_1168, %swap3A_1169], %gather3A_1164 {strides = array<i32>} : memref<2x8x32xf32, #tpu.memory_space<vmem>>, vector<16xf32>,
    %add3A_1171 = arith.constant 16 : i32
    %add3A_1172 = vector.broadcast %add3A_1171 : i32 to vector<16xi32>
    %add3A_1173 = arith.addi %iota3A, %add3A_1172 : vector<16xi32>
    %gather3A_1174 = arith.constant 1 : i32
    %gather3A_1175 = arith.constant 1 : i32
    %gather3A_1176 = arith.constant 0 : i32
    %gather3A_1177 = arith.constant 0 : i32
    %gather3A_1178 = tpu.memref_slice %arg6[%gather3A_1174, %gather3A_1175, %gather3A_1176, %gather3A_1177] : memref<2x8x32x128xf32, #tpu.memory_space<vmem>> -> memref<1x1x32x128xf32, #tpu.memory_space<vmem>>
    %gather3A_1179 = tpu.memref_squeeze %gather3A_1178 : memref<1x1x32x128xf32, #tpu.memory_space<vmem>> -> memref<32x128xf32, #tpu.memory_space<vmem>>
    %gather3A_1180 = tpu.vector_load_idx %gather3A_1179[%add3A_1173, %add3A_1154] : memref<32x128xf32, #tpu.memory_space<vmem>>[vector<16xi32>, vector<16xi32>], vector<16xf32>,
    %swap3A_1181 = arith.constant 1 : i32
    %swap3A_1182 = arith.constant 1 : i32
    %swap3A_1183 = arith.index_cast %swap3A_1181 : i32 to index
    %swap3A_1184 = arith.index_cast %swap3A_1182 : i32 to index
    %swap3A_1185 = arith.constant 16 : index
    %swap3A_1186 = tpu.vector_load %arg7[%swap3A_1183, %swap3A_1184, %swap3A_1185] {strides = array<i32>} : memref<2x8x32xf32, #tpu.memory_space<vmem>>, vector<16xf32>,
    tpu.vector_store %arg7[%swap3A_1183, %swap3A_1184, %swap3A_1185], %gather3A_1180 {strides = array<i32>} : memref<2x8x32xf32, #tpu.memory_space<vmem>>, vector<16xf32>,
    %broadcast_in_dim3A_1187 = arith.constant 0 : i32
    %broadcast_in_dim3A_1188 = vector.broadcast %broadcast_in_dim3A_1187 : i32 to vector<16xi32>
    %slice3A_1189 = vector.extract_strided_slice %get3A_1106 {offsets = [2], sizes = [1], strides = [1]} : vector<16xi32> to vector<1xi32>
    %squeeze3A_1190 = vector.extract %slice3A_1189[0] : i32 from vector<1xi32>
    %and3A_1191 = arith.constant 127 : i32
    %and3A_1192 = arith.andi %squeeze3A_1190, %and3A_1191 : i32
    %add3A_1193 = vector.broadcast %and3A_1192 : i32 to vector<16xi32>
    %add3A_1194 = arith.addi %broadcast_in_dim3A_1188, %add3A_1193 : vector<16xi32>
    %add3A_1195 = arith.constant 0 : i32
    %add3A_1196 = vector.broadcast %add3A_1195 : i32 to vector<16xi32>
    %add3A_1197 = arith.addi %iota3A, %add3A_1196 : vector<16xi32>
    %gather3A_1198 = arith.constant 1 : i32
    %gather3A_1199 = arith.constant 2 : i32
    %gather3A_1200 = arith.constant 0 : i32
    %gather3A_1201 = arith.constant 0 : i32
    %gather3A_1202 = tpu.memref_slice %arg6[%gather3A_1198, %gather3A_1199, %gather3A_1200, %gather3A_1201] : memref<2x8x32x128xf32, #tpu.memory_space<vmem>> -> memref<1x1x32x128xf32, #tpu.memory_space<vmem>>
    %gather3A_1203 = tpu.memref_squeeze %gather3A_1202 : memref<1x1x32x128xf32, #tpu.memory_space<vmem>> -> memref<32x128xf32, #tpu.memory_space<vmem>>
    %gather3A_1204 = tpu.vector_load_idx %gather3A_1203[%add3A_1197, %add3A_1194] : memref<32x128xf32, #tpu.memory_space<vmem>>[vector<16xi32>, vector<16xi32>], vector<16xf32>,
    %swap3A_1205 = arith.constant 1 : i32
    %swap3A_1206 = arith.constant 2 : i32
    %swap3A_1207 = arith.index_cast %swap3A_1205 : i32 to index
    %swap3A_1208 = arith.index_cast %swap3A_1206 : i32 to index
    %swap3A_1209 = arith.constant 0 : index
    %swap3A_1210 = tpu.vector_load %arg7[%swap3A_1207, %swap3A_1208, %swap3A_1209] {strides = array<i32>} : memref<2x8x32xf32, #tpu.memory_space<vmem>>, vector<16xf32>,
    tpu.vector_store %arg7[%swap3A_1207, %swap3A_1208, %swap3A_1209], %gather3A_1204 {strides = array<i32>} : memref<2x8x32xf32, #tpu.memory_space<vmem>>, vector<16xf32>,
    %add3A_1211 = arith.constant 16 : i32
    %add3A_1212 = vector.broadcast %add3A_1211 : i32 to vector<16xi32>
    %add3A_1213 = arith.addi %iota3A, %add3A_1212 : vector<16xi32>
    %gather3A_1214 = arith.constant 1 : i32
    %gather3A_1215 = arith.constant 2 : i32
    %gather3A_1216 = arith.constant 0 : i32
    %gather3A_1217 = arith.constant 0 : i32
    %gather3A_1218 = tpu.memref_slice %arg6[%gather3A_1214, %gather3A_1215, %gather3A_1216, %gather3A_1217] : memref<2x8x32x128xf32, #tpu.memory_space<vmem>> -> memref<1x1x32x128xf32, #tpu.memory_space<vmem>>
    %gather3A_1219 = tpu.memref_squeeze %gather3A_1218 : memref<1x1x32x128xf32, #tpu.memory_space<vmem>> -> memref<32x128xf32, #tpu.memory_space<vmem>>
    %gather3A_1220 = tpu.vector_load_idx %gather3A_1219[%add3A_1213, %add3A_1194] : memref<32x128xf32, #tpu.memory_space<vmem>>[vector<16xi32>, vector<16xi32>], vector<16xf32>,
    %swap3A_1221 = arith.constant 1 : i32
    %swap3A_1222 = arith.constant 2 : i32
    %swap3A_1223 = arith.index_cast %swap3A_1221 : i32 to index
    %swap3A_1224 = arith.index_cast %swap3A_1222 : i32 to index
    %swap3A_1225 = arith.constant 16 : index
    %swap3A_1226 = tpu.vector_load %arg7[%swap3A_1223, %swap3A_1224, %swap3A_1225] {strides = array<i32>} : memref<2x8x32xf32, #tpu.memory_space<vmem>>, vector<16xf32>,
    tpu.vector_store %arg7[%swap3A_1223, %swap3A_1224, %swap3A_1225], %gather3A_1220 {strides = array<i32>} : memref<2x8x32xf32, #tpu.memory_space<vmem>>, vector<16xf32>,
    %broadcast_in_dim3A_1227 = arith.constant 0 : i32
    %broadcast_in_dim3A_1228 = vector.broadcast %broadcast_in_dim3A_1227 : i32 to vector<16xi32>
    %slice3A_1229 = vector.extract_strided_slice %get3A_1106 {offsets = [3], sizes = [1], strides = [1]} : vector<16xi32> to vector<1xi32>
    %squeeze3A_1230 = vector.extract %slice3A_1229[0] : i32 from vector<1xi32>
    %and3A_1231 = arith.constant 127 : i32
    %and3A_1232 = arith.andi %squeeze3A_1230, %and3A_1231 : i32
    %add3A_1233 = vector.broadcast %and3A_1232 : i32 to vector<16xi32>
    %add3A_1234 = arith.addi %broadcast_in_dim3A_1228, %add3A_1233 : vector<16xi32>
    %add3A_1235 = arith.constant 0 : i32
    %add3A_1236 = vector.broadcast %add3A_1235 : i32 to vector<16xi32>
    %add3A_1237 = arith.addi %iota3A, %add3A_1236 : vector<16xi32>
    %gather3A_1238 = arith.constant 1 : i32
    %gather3A_1239 = arith.constant 3 : i32
    %gather3A_1240 = arith.constant 0 : i32
    %gather3A_1241 = arith.constant 0 : i32
    %gather3A_1242 = tpu.memref_slice %arg6[%gather3A_1238, %gather3A_1239, %gather3A_1240, %gather3A_1241] : memref<2x8x32x128xf32, #tpu.memory_space<vmem>> -> memref<1x1x32x128xf32, #tpu.memory_space<vmem>>
    %gather3A_1243 = tpu.memref_squeeze %gather3A_1242 : memref<1x1x32x128xf32, #tpu.memory_space<vmem>> -> memref<32x128xf32, #tpu.memory_space<vmem>>
    %gather3A_1244 = tpu.vector_load_idx %gather3A_1243[%add3A_1237, %add3A_1234] : memref<32x128xf32, #tpu.memory_space<vmem>>[vector<16xi32>, vector<16xi32>], vector<16xf32>,
    %swap3A_1245 = arith.constant 1 : i32
    %swap3A_1246 = arith.constant 3 : i32
    %swap3A_1247 = arith.index_cast %swap3A_1245 : i32 to index
    %swap3A_1248 = arith.index_cast %swap3A_1246 : i32 to index
    %swap3A_1249 = arith.constant 0 : index
    %swap3A_1250 = tpu.vector_load %arg7[%swap3A_1247, %swap3A_1248, %swap3A_1249] {strides = array<i32>} : memref<2x8x32xf32, #tpu.memory_space<vmem>>, vector<16xf32>,
    tpu.vector_store %arg7[%swap3A_1247, %swap3A_1248, %swap3A_1249], %gather3A_1244 {strides = array<i32>} : memref<2x8x32xf32, #tpu.memory_space<vmem>>, vector<16xf32>,
    %add3A_1251 = arith.constant 16 : i32
    %add3A_1252 = vector.broadcast %add3A_1251 : i32 to vector<16xi32>
    %add3A_1253 = arith.addi %iota3A, %add3A_1252 : vector<16xi32>
    %gather3A_1254 = arith.constant 1 : i32
    %gather3A_1255 = arith.constant 3 : i32
    %gather3A_1256 = arith.constant 0 : i32
    %gather3A_1257 = arith.constant 0 : i32
    %gather3A_1258 = tpu.memref_slice %arg6[%gather3A_1254, %gather3A_1255, %gather3A_1256, %gather3A_1257] : memref<2x8x32x128xf32, #tpu.memory_space<vmem>> -> memref<1x1x32x128xf32, #tpu.memory_space<vmem>>
    %gather3A_1259 = tpu.memref_squeeze %gather3A_1258 : memref<1x1x32x128xf32, #tpu.memory_space<vmem>> -> memref<32x128xf32, #tpu.memory_space<vmem>>
    %gather3A_1260 = tpu.vector_load_idx %gather3A_1259[%add3A_1253, %add3A_1234] : memref<32x128xf32, #tpu.memory_space<vmem>>[vector<16xi32>, vector<16xi32>], vector<16xf32>,
    %swap3A_1261 = arith.constant 1 : i32
    %swap3A_1262 = arith.constant 3 : i32
    %swap3A_1263 = arith.index_cast %swap3A_1261 : i32 to index
    %swap3A_1264 = arith.index_cast %swap3A_1262 : i32 to index
    %swap3A_1265 = arith.constant 16 : index
    %swap3A_1266 = tpu.vector_load %arg7[%swap3A_1263, %swap3A_1264, %swap3A_1265] {strides = array<i32>} : memref<2x8x32xf32, #tpu.memory_space<vmem>>, vector<16xf32>,
    tpu.vector_store %arg7[%swap3A_1263, %swap3A_1264, %swap3A_1265], %gather3A_1260 {strides = array<i32>} : memref<2x8x32xf32, #tpu.memory_space<vmem>>, vector<16xf32>,
    %broadcast_in_dim3A_1267 = arith.constant 0 : i32
    %broadcast_in_dim3A_1268 = vector.broadcast %broadcast_in_dim3A_1267 : i32 to vector<16xi32>
    %slice3A_1269 = vector.extract_strided_slice %get3A_1106 {offsets = [4], sizes = [1], strides = [1]} : vector<16xi32> to vector<1xi32>
    %squeeze3A_1270 = vector.extract %slice3A_1269[0] : i32 from vector<1xi32>
    %and3A_1271 = arith.constant 127 : i32
    %and3A_1272 = arith.andi %squeeze3A_1270, %and3A_1271 : i32
    %add3A_1273 = vector.broadcast %and3A_1272 : i32 to vector<16xi32>
    %add3A_1274 = arith.addi %broadcast_in_dim3A_1268, %add3A_1273 : vector<16xi32>
    %add3A_1275 = arith.constant 0 : i32
    %add3A_1276 = vector.broadcast %add3A_1275 : i32 to vector<16xi32>
    %add3A_1277 = arith.addi %iota3A, %add3A_1276 : vector<16xi32>
    %gather3A_1278 = arith.constant 1 : i32
    %gather3A_1279 = arith.constant 4 : i32
    %gather3A_1280 = arith.constant 0 : i32
    %gather3A_1281 = arith.constant 0 : i32
    %gather3A_1282 = tpu.memref_slice %arg6[%gather3A_1278, %gather3A_1279, %gather3A_1280, %gather3A_1281] : memref<2x8x32x128xf32, #tpu.memory_space<vmem>> -> memref<1x1x32x128xf32, #tpu.memory_space<vmem>>
    %gather3A_1283 = tpu.memref_squeeze %gather3A_1282 : memref<1x1x32x128xf32, #tpu.memory_space<vmem>> -> memref<32x128xf32, #tpu.memory_space<vmem>>
    %gather3A_1284 = tpu.vector_load_idx %gather3A_1283[%add3A_1277, %add3A_1274] : memref<32x128xf32, #tpu.memory_space<vmem>>[vector<16xi32>, vector<16xi32>], vector<16xf32>,
    %swap3A_1285 = arith.constant 1 : i32
    %swap3A_1286 = arith.constant 4 : i32
    %swap3A_1287 = arith.index_cast %swap3A_1285 : i32 to index
    %swap3A_1288 = arith.index_cast %swap3A_1286 : i32 to index
    %swap3A_1289 = arith.constant 0 : index
    %swap3A_1290 = tpu.vector_load %arg7[%swap3A_1287, %swap3A_1288, %swap3A_1289] {strides = array<i32>} : memref<2x8x32xf32, #tpu.memory_space<vmem>>, vector<16xf32>,
    tpu.vector_store %arg7[%swap3A_1287, %swap3A_1288, %swap3A_1289], %gather3A_1284 {strides = array<i32>} : memref<2x8x32xf32, #tpu.memory_space<vmem>>, vector<16xf32>,
    %add3A_1291 = arith.constant 16 : i32
    %add3A_1292 = vector.broadcast %add3A_1291 : i32 to vector<16xi32>
    %add3A_1293 = arith.addi %iota3A, %add3A_1292 : vector<16xi32>
    %gather3A_1294 = arith.constant 1 : i32
    %gather3A_1295 = arith.constant 4 : i32
    %gather3A_1296 = arith.constant 0 : i32
    %gather3A_1297 = arith.constant 0 : i32
    %gather3A_1298 = tpu.memref_slice %arg6[%gather3A_1294, %gather3A_1295, %gather3A_1296, %gather3A_1297] : memref<2x8x32x128xf32, #tpu.memory_space<vmem>> -> memref<1x1x32x128xf32, #tpu.memory_space<vmem>>
    %gather3A_1299 = tpu.memref_squeeze %gather3A_1298 : memref<1x1x32x128xf32, #tpu.memory_space<vmem>> -> memref<32x128xf32, #tpu.memory_space<vmem>>
    %gather3A_1300 = tpu.vector_load_idx %gather3A_1299[%add3A_1293, %add3A_1274] : memref<32x128xf32, #tpu.memory_space<vmem>>[vector<16xi32>, vector<16xi32>], vector<16xf32>,
    %swap3A_1301 = arith.constant 1 : i32
    %swap3A_1302 = arith.constant 4 : i32
    %swap3A_1303 = arith.index_cast %swap3A_1301 : i32 to index
    %swap3A_1304 = arith.index_cast %swap3A_1302 : i32 to index
    %swap3A_1305 = arith.constant 16 : index
    %swap3A_1306 = tpu.vector_load %arg7[%swap3A_1303, %swap3A_1304, %swap3A_1305] {strides = array<i32>} : memref<2x8x32xf32, #tpu.memory_space<vmem>>, vector<16xf32>,
    tpu.vector_store %arg7[%swap3A_1303, %swap3A_1304, %swap3A_1305], %gather3A_1300 {strides = array<i32>} : memref<2x8x32xf32, #tpu.memory_space<vmem>>, vector<16xf32>,
    %broadcast_in_dim3A_1307 = arith.constant 0 : i32
    %broadcast_in_dim3A_1308 = vector.broadcast %broadcast_in_dim3A_1307 : i32 to vector<16xi32>
    %slice3A_1309 = vector.extract_strided_slice %get3A_1106 {offsets = [5], sizes = [1], strides = [1]} : vector<16xi32> to vector<1xi32>
    %squeeze3A_1310 = vector.extract %slice3A_1309[0] : i32 from vector<1xi32>
    %and3A_1311 = arith.constant 127 : i32
    %and3A_1312 = arith.andi %squeeze3A_1310, %and3A_1311 : i32
    %add3A_1313 = vector.broadcast %and3A_1312 : i32 to vector<16xi32>
    %add3A_1314 = arith.addi %broadcast_in_dim3A_1308, %add3A_1313 : vector<16xi32>
    %add3A_1315 = arith.constant 0 : i32
    %add3A_1316 = vector.broadcast %add3A_1315 : i32 to vector<16xi32>
    %add3A_1317 = arith.addi %iota3A, %add3A_1316 : vector<16xi32>
    %gather3A_1318 = arith.constant 1 : i32
    %gather3A_1319 = arith.constant 5 : i32
    %gather3A_1320 = arith.constant 0 : i32
    %gather3A_1321 = arith.constant 0 : i32
    %gather3A_1322 = tpu.memref_slice %arg6[%gather3A_1318, %gather3A_1319, %gather3A_1320, %gather3A_1321] : memref<2x8x32x128xf32, #tpu.memory_space<vmem>> -> memref<1x1x32x128xf32, #tpu.memory_space<vmem>>
    %gather3A_1323 = tpu.memref_squeeze %gather3A_1322 : memref<1x1x32x128xf32, #tpu.memory_space<vmem>> -> memref<32x128xf32, #tpu.memory_space<vmem>>
    %gather3A_1324 = tpu.vector_load_idx %gather3A_1323[%add3A_1317, %add3A_1314] : memref<32x128xf32, #tpu.memory_space<vmem>>[vector<16xi32>, vector<16xi32>], vector<16xf32>,
    %swap3A_1325 = arith.constant 1 : i32
    %swap3A_1326 = arith.constant 5 : i32
    %swap3A_1327 = arith.index_cast %swap3A_1325 : i32 to index
    %swap3A_1328 = arith.index_cast %swap3A_1326 : i32 to index
    %swap3A_1329 = arith.constant 0 : index
    %swap3A_1330 = tpu.vector_load %arg7[%swap3A_1327, %swap3A_1328, %swap3A_1329] {strides = array<i32>} : memref<2x8x32xf32, #tpu.memory_space<vmem>>, vector<16xf32>,
    tpu.vector_store %arg7[%swap3A_1327, %swap3A_1328, %swap3A_1329], %gather3A_1324 {strides = array<i32>} : memref<2x8x32xf32, #tpu.memory_space<vmem>>, vector<16xf32>,
    %add3A_1331 = arith.constant 16 : i32
    %add3A_1332 = vector.broadcast %add3A_1331 : i32 to vector<16xi32>
    %add3A_1333 = arith.addi %iota3A, %add3A_1332 : vector<16xi32>
    %gather3A_1334 = arith.constant 1 : i32
    %gather3A_1335 = arith.constant 5 : i32
    %gather3A_1336 = arith.constant 0 : i32
    %gather3A_1337 = arith.constant 0 : i32
    %gather3A_1338 = tpu.memref_slice %arg6[%gather3A_1334, %gather3A_1335, %gather3A_1336, %gather3A_1337] : memref<2x8x32x128xf32, #tpu.memory_space<vmem>> -> memref<1x1x32x128xf32, #tpu.memory_space<vmem>>
    %gather3A_1339 = tpu.memref_squeeze %gather3A_1338 : memref<1x1x32x128xf32, #tpu.memory_space<vmem>> -> memref<32x128xf32, #tpu.memory_space<vmem>>
    %gather3A_1340 = tpu.vector_load_idx %gather3A_1339[%add3A_1333, %add3A_1314] : memref<32x128xf32, #tpu.memory_space<vmem>>[vector<16xi32>, vector<16xi32>], vector<16xf32>,
    %swap3A_1341 = arith.constant 1 : i32
    %swap3A_1342 = arith.constant 5 : i32
    %swap3A_1343 = arith.index_cast %swap3A_1341 : i32 to index
    %swap3A_1344 = arith.index_cast %swap3A_1342 : i32 to index
    %swap3A_1345 = arith.constant 16 : index
    %swap3A_1346 = tpu.vector_load %arg7[%swap3A_1343, %swap3A_1344, %swap3A_1345] {strides = array<i32>} : memref<2x8x32xf32, #tpu.memory_space<vmem>>, vector<16xf32>,
    tpu.vector_store %arg7[%swap3A_1343, %swap3A_1344, %swap3A_1345], %gather3A_1340 {strides = array<i32>} : memref<2x8x32xf32, #tpu.memory_space<vmem>>, vector<16xf32>,
    %broadcast_in_dim3A_1347 = arith.constant 0 : i32
    %broadcast_in_dim3A_1348 = vector.broadcast %broadcast_in_dim3A_1347 : i32 to vector<16xi32>
    %slice3A_1349 = vector.extract_strided_slice %get3A_1106 {offsets = [6], sizes = [1], strides = [1]} : vector<16xi32> to vector<1xi32>
    %squeeze3A_1350 = vector.extract %slice3A_1349[0] : i32 from vector<1xi32>
    %and3A_1351 = arith.constant 127 : i32
    %and3A_1352 = arith.andi %squeeze3A_1350, %and3A_1351 : i32
    %add3A_1353 = vector.broadcast %and3A_1352 : i32 to vector<16xi32>
    %add3A_1354 = arith.addi %broadcast_in_dim3A_1348, %add3A_1353 : vector<16xi32>
    %add3A_1355 = arith.constant 0 : i32
    %add3A_1356 = vector.broadcast %add3A_1355 : i32 to vector<16xi32>
    %add3A_1357 = arith.addi %iota3A, %add3A_1356 : vector<16xi32>
    %gather3A_1358 = arith.constant 1 : i32
    %gather3A_1359 = arith.constant 6 : i32
    %gather3A_1360 = arith.constant 0 : i32
    %gather3A_1361 = arith.constant 0 : i32
    %gather3A_1362 = tpu.memref_slice %arg6[%gather3A_1358, %gather3A_1359, %gather3A_1360, %gather3A_1361] : memref<2x8x32x128xf32, #tpu.memory_space<vmem>> -> memref<1x1x32x128xf32, #tpu.memory_space<vmem>>
    %gather3A_1363 = tpu.memref_squeeze %gather3A_1362 : memref<1x1x32x128xf32, #tpu.memory_space<vmem>> -> memref<32x128xf32, #tpu.memory_space<vmem>>
    %gather3A_1364 = tpu.vector_load_idx %gather3A_1363[%add3A_1357, %add3A_1354] : memref<32x128xf32, #tpu.memory_space<vmem>>[vector<16xi32>, vector<16xi32>], vector<16xf32>,
    %swap3A_1365 = arith.constant 1 : i32
    %swap3A_1366 = arith.constant 6 : i32
    %swap3A_1367 = arith.index_cast %swap3A_1365 : i32 to index
    %swap3A_1368 = arith.index_cast %swap3A_1366 : i32 to index
    %swap3A_1369 = arith.constant 0 : index
    %swap3A_1370 = tpu.vector_load %arg7[%swap3A_1367, %swap3A_1368, %swap3A_1369] {strides = array<i32>} : memref<2x8x32xf32, #tpu.memory_space<vmem>>, vector<16xf32>,
    tpu.vector_store %arg7[%swap3A_1367, %swap3A_1368, %swap3A_1369], %gather3A_1364 {strides = array<i32>} : memref<2x8x32xf32, #tpu.memory_space<vmem>>, vector<16xf32>,
    %add3A_1371 = arith.constant 16 : i32
    %add3A_1372 = vector.broadcast %add3A_1371 : i32 to vector<16xi32>
    %add3A_1373 = arith.addi %iota3A, %add3A_1372 : vector<16xi32>
    %gather3A_1374 = arith.constant 1 : i32
    %gather3A_1375 = arith.constant 6 : i32
    %gather3A_1376 = arith.constant 0 : i32
    %gather3A_1377 = arith.constant 0 : i32
    %gather3A_1378 = tpu.memref_slice %arg6[%gather3A_1374, %gather3A_1375, %gather3A_1376, %gather3A_1377] : memref<2x8x32x128xf32, #tpu.memory_space<vmem>> -> memref<1x1x32x128xf32, #tpu.memory_space<vmem>>
    %gather3A_1379 = tpu.memref_squeeze %gather3A_1378 : memref<1x1x32x128xf32, #tpu.memory_space<vmem>> -> memref<32x128xf32, #tpu.memory_space<vmem>>
    %gather3A_1380 = tpu.vector_load_idx %gather3A_1379[%add3A_1373, %add3A_1354] : memref<32x128xf32, #tpu.memory_space<vmem>>[vector<16xi32>, vector<16xi32>], vector<16xf32>,
    %swap3A_1381 = arith.constant 1 : i32
    %swap3A_1382 = arith.constant 6 : i32
    %swap3A_1383 = arith.index_cast %swap3A_1381 : i32 to index
    %swap3A_1384 = arith.index_cast %swap3A_1382 : i32 to index
    %swap3A_1385 = arith.constant 16 : index
    %swap3A_1386 = tpu.vector_load %arg7[%swap3A_1383, %swap3A_1384, %swap3A_1385] {strides = array<i32>} : memref<2x8x32xf32, #tpu.memory_space<vmem>>, vector<16xf32>,
    tpu.vector_store %arg7[%swap3A_1383, %swap3A_1384, %swap3A_1385], %gather3A_1380 {strides = array<i32>} : memref<2x8x32xf32, #tpu.memory_space<vmem>>, vector<16xf32>,
    %broadcast_in_dim3A_1387 = arith.constant 0 : i32
    %broadcast_in_dim3A_1388 = vector.broadcast %broadcast_in_dim3A_1387 : i32 to vector<16xi32>
    %slice3A_1389 = vector.extract_strided_slice %get3A_1106 {offsets = [7], sizes = [1], strides = [1]} : vector<16xi32> to vector<1xi32>
    %squeeze3A_1390 = vector.extract %slice3A_1389[0] : i32 from vector<1xi32>
    %and3A_1391 = arith.constant 127 : i32
    %and3A_1392 = arith.andi %squeeze3A_1390, %and3A_1391 : i32
    %add3A_1393 = vector.broadcast %and3A_1392 : i32 to vector<16xi32>
    %add3A_1394 = arith.addi %broadcast_in_dim3A_1388, %add3A_1393 : vector<16xi32>
    %add3A_1395 = arith.constant 0 : i32
    %add3A_1396 = vector.broadcast %add3A_1395 : i32 to vector<16xi32>
    %add3A_1397 = arith.addi %iota3A, %add3A_1396 : vector<16xi32>
    %gather3A_1398 = arith.constant 1 : i32
    %gather3A_1399 = arith.constant 7 : i32
    %gather3A_1400 = arith.constant 0 : i32
    %gather3A_1401 = arith.constant 0 : i32
    %gather3A_1402 = tpu.memref_slice %arg6[%gather3A_1398, %gather3A_1399, %gather3A_1400, %gather3A_1401] : memref<2x8x32x128xf32, #tpu.memory_space<vmem>> -> memref<1x1x32x128xf32, #tpu.memory_space<vmem>>
    %gather3A_1403 = tpu.memref_squeeze %gather3A_1402 : memref<1x1x32x128xf32, #tpu.memory_space<vmem>> -> memref<32x128xf32, #tpu.memory_space<vmem>>
    %gather3A_1404 = tpu.vector_load_idx %gather3A_1403[%add3A_1397, %add3A_1394] : memref<32x128xf32, #tpu.memory_space<vmem>>[vector<16xi32>, vector<16xi32>], vector<16xf32>,
    %swap3A_1405 = arith.constant 1 : i32
    %swap3A_1406 = arith.constant 7 : i32
    %swap3A_1407 = arith.index_cast %swap3A_1405 : i32 to index
    %swap3A_1408 = arith.index_cast %swap3A_1406 : i32 to index
    %swap3A_1409 = arith.constant 0 : index
    %swap3A_1410 = tpu.vector_load %arg7[%swap3A_1407, %swap3A_1408, %swap3A_1409] {strides = array<i32>} : memref<2x8x32xf32, #tpu.memory_space<vmem>>, vector<16xf32>,
    tpu.vector_store %arg7[%swap3A_1407, %swap3A_1408, %swap3A_1409], %gather3A_1404 {strides = array<i32>} : memref<2x8x32xf32, #tpu.memory_space<vmem>>, vector<16xf32>,
    %add3A_1411 = arith.constant 16 : i32
    %add3A_1412 = vector.broadcast %add3A_1411 : i32 to vector<16xi32>
    %add3A_1413 = arith.addi %iota3A, %add3A_1412 : vector<16xi32>
    %gather3A_1414 = arith.constant 1 : i32
    %gather3A_1415 = arith.constant 7 : i32
    %gather3A_1416 = arith.constant 0 : i32
    %gather3A_1417 = arith.constant 0 : i32
    %gather3A_1418 = tpu.memref_slice %arg6[%gather3A_1414, %gather3A_1415, %gather3A_1416, %gather3A_1417] : memref<2x8x32x128xf32, #tpu.memory_space<vmem>> -> memref<1x1x32x128xf32, #tpu.memory_space<vmem>>
    %gather3A_1419 = tpu.memref_squeeze %gather3A_1418 : memref<1x1x32x128xf32, #tpu.memory_space<vmem>> -> memref<32x128xf32, #tpu.memory_space<vmem>>
    %gather3A_1420 = tpu.vector_load_idx %gather3A_1419[%add3A_1413, %add3A_1394] : memref<32x128xf32, #tpu.memory_space<vmem>>[vector<16xi32>, vector<16xi32>], vector<16xf32>,
    %swap3A_1421 = arith.constant 1 : i32
    %swap3A_1422 = arith.constant 7 : i32
    %swap3A_1423 = arith.index_cast %swap3A_1421 : i32 to index
    %swap3A_1424 = arith.index_cast %swap3A_1422 : i32 to index
    %swap3A_1425 = arith.constant 16 : index
    %swap3A_1426 = tpu.vector_load %arg7[%swap3A_1423, %swap3A_1424, %swap3A_1425] {strides = array<i32>} : memref<2x8x32xf32, #tpu.memory_space<vmem>>, vector<16xf32>,
    tpu.vector_store %arg7[%swap3A_1423, %swap3A_1424, %swap3A_1425], %gather3A_1420 {strides = array<i32>} : memref<2x8x32xf32, #tpu.memory_space<vmem>>, vector<16xf32>,
    %add3A_1427 = arith.constant 8 : i32
    %add3A_1428 = arith.addi %mul3A_2, %add3A_1427 : i32
    %dma_start3A_1429 = arith.constant 1 : i32
    %dma_start3A_1430 = arith.constant 0 : i32
    %dma_start3A_1431 = arith.constant 0 : i32
    %dma_start3A_1432 = tpu.memref_slice %arg7[%dma_start3A_1429, %dma_start3A_1430, %dma_start3A_1431] : memref<2x8x32xf32, #tpu.memory_space<vmem>> -> memref<1x8x32xf32, #tpu.memory_space<vmem>>
    %dma_start3A_1433 = tpu.memref_squeeze %dma_start3A_1432 : memref<1x8x32xf32, #tpu.memory_space<vmem>> -> memref<8x32xf32, #tpu.memory_space<vmem>>
    %dma_start3A_1434 = arith.constant 0 : i32
    %dma_start3A_1435 = tpu.memref_slice %arg4[%add3A_1428, %dma_start3A_1434] : memref<16384x32xf32, #tpu.memory_space<hbm>> -> memref<8x32xf32, #tpu.memory_space<hbm>>
    %dma_start3A_1436 = arith.constant 0 : i32
    %dma_start3A_1437 = tpu.memref_slice %arg4[%add3A_1428, %dma_start3A_1436] : memref<16384x32xf32, #tpu.memory_space<hbm>> -> memref<8x32xf32, #tpu.memory_space<hbm>>
    %dma_start3A_1438 = arith.constant 0 : i32
    %dma_start3A_1439 = arith.constant 0 : i32
    %dma_start3A_1440 = tpu.memref_slice %arg7[%dma_start3A_1429, %dma_start3A_1438, %dma_start3A_1439] : memref<2x8x32xf32, #tpu.memory_space<vmem>> -> memref<1x8x32xf32, #tpu.memory_space<vmem>>
    %dma_start3A_1441 = tpu.memref_squeeze %dma_start3A_1440 : memref<1x8x32xf32, #tpu.memory_space<vmem>> -> memref<8x32xf32, #tpu.memory_space<vmem>>
    tpu.enqueue_dma source(%dma_start3A_1441 : memref<8x32xf32, #tpu.memory_space<vmem>>) target(%dma_start3A_1437 : memref<8x32xf32, #tpu.memory_space<hbm>>) target_semaphore(%arg10 : memref<!tpu.dma_semaphore, #tpu.memory_space<semaphore_mem>>)
    %scan3A = arith.constant 0 : i32
    %scan3A_1442 = arith.constant 0 : i32
    %scan3A_1443 = arith.constant 31 : i32
    %scan3A_1444 = arith.addi %scan3A_1442, %scan3A_1443 : i32
    %scan3A_1445 = arith.constant 1 : i32
    %scan3A_1446 = scf.for %scan3A_1474 = %scan3A_1442 to %scan3A_1444 step %scan3A_1445 iter_args(%scan3A_1475 = %scan3A) -> (i32)  : i32 {
      %mul3A_1476 = arith.constant 2 : i32
      %mul3A_1477 = arith.muli %mul3A_1476, %scan3A_1474 : i32
      %add3A_1478 = arith.constant 3 : i32
      %add3A_1479 = arith.addi %mul3A_1477, %add3A_1478 : i32
      %mul3A_1480 = arith.constant 8 : i32
      %mul3A_1481 = arith.muli %add3A_1479, %mul3A_1480 : i32
      %multiple_of3A_1482 = tpu.assume_multiple %mul3A_1481, 8 : i32
      %get3A_1483 = arith.index_cast %multiple_of3A_1482 : i32 to index
      %get3A_1484 = tpu.vector_load %arg5[%get3A_1483] {strides = array<i32>} : memref<528xi32, #tpu.memory_space<vmem>>, vector<16xi32>,
      %slice3A_1485 = vector.extract_strided_slice %get3A_1484 {offsets = [0], sizes = [1], strides = [1]} : vector<16xi32> to vector<1xi32>
      %squeeze3A_1486 = vector.extract %slice3A_1485[0] : i32 from vector<1xi32>
      %shift_right_arithmetic3A_1487 = arith.constant 7 : i32
      %shift_right_arithmetic3A_1488 = arith.shrsi %squeeze3A_1486, %shift_right_arithmetic3A_1487 : i32
      %mul3A_1489 = arith.constant 128 : i32
      %mul3A_1490 = arith.muli %shift_right_arithmetic3A_1488, %mul3A_1489 : i32
      %multiple_of3A_1491 = tpu.assume_multiple %mul3A_1490, 128 : i32
      %dma_start3A_1492 = arith.constant 1 : i32
      %dma_start3A_1493 = arith.constant 0 : i32
      %dma_start3A_1494 = arith.constant 0 : i32
      %dma_start3A_1495 = arith.constant 0 : i32
      %dma_start3A_1496 = tpu.memref_slice %arg6[%dma_start3A_1492, %dma_start3A_1493, %dma_start3A_1494, %dma_start3A_1495] : memref<2x8x32x128xf32, #tpu.memory_space<vmem>> -> memref<1x1x32x128xf32, #tpu.memory_space<vmem>>
      %dma_start3A_1497 = tpu.memref_squeeze %dma_start3A_1496 : memref<1x1x32x128xf32, #tpu.memory_space<vmem>> -> memref<32x128xf32, #tpu.memory_space<vmem>>
      %dma_start3A_1498 = arith.constant 0 : i32
      %dma_start3A_1499 = tpu.memref_slice %arg3[%dma_start3A_1498, %multiple_of3A_1491] : memref<32x1000000xf32, #tpu.memory_space<hbm>> -> memref<32x128xf32, #tpu.memory_space<hbm>>
      %dma_start3A_1500 = arith.constant 0 : i32
      %dma_start3A_1501 = arith.constant 0 : i32
      %dma_start3A_1502 = tpu.memref_slice %arg6[%dma_start3A_1492, %dma_start3A_1493, %dma_start3A_1500, %dma_start3A_1501] : memref<2x8x32x128xf32, #tpu.memory_space<vmem>> -> memref<1x1x32x128xf32, #tpu.memory_space<vmem>>
      %dma_start3A_1503 = tpu.memref_squeeze %dma_start3A_1502 : memref<1x1x32x128xf32, #tpu.memory_space<vmem>> -> memref<32x128xf32, #tpu.memory_space<vmem>>
      %dma_start3A_1504 = arith.constant 0 : i32
      %dma_start3A_1505 = tpu.memref_slice %arg3[%dma_start3A_1504, %multiple_of3A_1491] : memref<32x1000000xf32, #tpu.memory_space<hbm>> -> memref<32x128xf32, #tpu.memory_space<hbm>>
      tpu.enqueue_dma source(%dma_start3A_1505 : memref<32x128xf32, #tpu.memory_space<hbm>>) target(%dma_start3A_1503 : memref<32x128xf32, #tpu.memory_space<vmem>>) target_semaphore(%arg9 : memref<!tpu.dma_semaphore, #tpu.memory_space<semaphore_mem>>)
      %slice3A_1506 = vector.extract_strided_slice %get3A_1484 {offsets = [1], sizes = [1], strides = [1]} : vector<16xi32> to vector<1xi32>
      %squeeze3A_1507 = vector.extract %slice3A_1506[0] : i32 from vector<1xi32>
      %shift_right_arithmetic3A_1508 = arith.constant 7 : i32
      %shift_right_arithmetic3A_1509 = arith.shrsi %squeeze3A_1507, %shift_right_arithmetic3A_1508 : i32
      %mul3A_1510 = arith.constant 128 : i32
      %mul3A_1511 = arith.muli %shift_right_arithmetic3A_1509, %mul3A_1510 : i32
      %multiple_of3A_1512 = tpu.assume_multiple %mul3A_1511, 128 : i32
      %dma_start3A_1513 = arith.constant 1 : i32
      %dma_start3A_1514 = arith.constant 1 : i32
      %dma_start3A_1515 = arith.constant 0 : i32
      %dma_start3A_1516 = arith.constant 0 : i32
      %dma_start3A_1517 = tpu.memref_slice %arg6[%dma_start3A_1513, %dma_start3A_1514, %dma_start3A_1515, %dma_start3A_1516] : memref<2x8x32x128xf32, #tpu.memory_space<vmem>> -> memref<1x1x32x128xf32, #tpu.memory_space<vmem>>
      %dma_start3A_1518 = tpu.memref_squeeze %dma_start3A_1517 : memref<1x1x32x128xf32, #tpu.memory_space<vmem>> -> memref<32x128xf32, #tpu.memory_space<vmem>>
      %dma_start3A_1519 = arith.constant 0 : i32
      %dma_start3A_1520 = tpu.memref_slice %arg3[%dma_start3A_1519, %multiple_of3A_1512] : memref<32x1000000xf32, #tpu.memory_space<hbm>> -> memref<32x128xf32, #tpu.memory_space<hbm>>
      %dma_start3A_1521 = arith.constant 0 : i32
      %dma_start3A_1522 = arith.constant 0 : i32
      %dma_start3A_1523 = tpu.memref_slice %arg6[%dma_start3A_1513, %dma_start3A_1514, %dma_start3A_1521, %dma_start3A_1522] : memref<2x8x32x128xf32, #tpu.memory_space<vmem>> -> memref<1x1x32x128xf32, #tpu.memory_space<vmem>>
      %dma_start3A_1524 = tpu.memref_squeeze %dma_start3A_1523 : memref<1x1x32x128xf32, #tpu.memory_space<vmem>> -> memref<32x128xf32, #tpu.memory_space<vmem>>
      %dma_start3A_1525 = arith.constant 0 : i32
      %dma_start3A_1526 = tpu.memref_slice %arg3[%dma_start3A_1525, %multiple_of3A_1512] : memref<32x1000000xf32, #tpu.memory_space<hbm>> -> memref<32x128xf32, #tpu.memory_space<hbm>>
      tpu.enqueue_dma source(%dma_start3A_1526 : memref<32x128xf32, #tpu.memory_space<hbm>>) target(%dma_start3A_1524 : memref<32x128xf32, #tpu.memory_space<vmem>>) target_semaphore(%arg9 : memref<!tpu.dma_semaphore, #tpu.memory_space<semaphore_mem>>)
      %slice3A_1527 = vector.extract_strided_slice %get3A_1484 {offsets = [2], sizes = [1], strides = [1]} : vector<16xi32> to vector<1xi32>
      %squeeze3A_1528 = vector.extract %slice3A_1527[0] : i32 from vector<1xi32>
      %shift_right_arithmetic3A_1529 = arith.constant 7 : i32
      %shift_right_arithmetic3A_1530 = arith.shrsi %squeeze3A_1528, %shift_right_arithmetic3A_1529 : i32
      %mul3A_1531 = arith.constant 128 : i32
      %mul3A_1532 = arith.muli %shift_right_arithmetic3A_1530, %mul3A_1531 : i32
      %multiple_of3A_1533 = tpu.assume_multiple %mul3A_1532, 128 : i32
      %dma_start3A_1534 = arith.constant 1 : i32
      %dma_start3A_1535 = arith.constant 2 : i32
      %dma_start3A_1536 = arith.constant 0 : i32
      %dma_start3A_1537 = arith.constant 0 : i32
      %dma_start3A_1538 = tpu.memref_slice %arg6[%dma_start3A_1534, %dma_start3A_1535, %dma_start3A_1536, %dma_start3A_1537] : memref<2x8x32x128xf32, #tpu.memory_space<vmem>> -> memref<1x1x32x128xf32, #tpu.memory_space<vmem>>
      %dma_start3A_1539 = tpu.memref_squeeze %dma_start3A_1538 : memref<1x1x32x128xf32, #tpu.memory_space<vmem>> -> memref<32x128xf32, #tpu.memory_space<vmem>>
      %dma_start3A_1540 = arith.constant 0 : i32
      %dma_start3A_1541 = tpu.memref_slice %arg3[%dma_start3A_1540, %multiple_of3A_1533] : memref<32x1000000xf32, #tpu.memory_space<hbm>> -> memref<32x128xf32, #tpu.memory_space<hbm>>
      %dma_start3A_1542 = arith.constant 0 : i32
      %dma_start3A_1543 = arith.constant 0 : i32
      %dma_start3A_1544 = tpu.memref_slice %arg6[%dma_start3A_1534, %dma_start3A_1535, %dma_start3A_1542, %dma_start3A_1543] : memref<2x8x32x128xf32, #tpu.memory_space<vmem>> -> memref<1x1x32x128xf32, #tpu.memory_space<vmem>>
      %dma_start3A_1545 = tpu.memref_squeeze %dma_start3A_1544 : memref<1x1x32x128xf32, #tpu.memory_space<vmem>> -> memref<32x128xf32, #tpu.memory_space<vmem>>
      %dma_start3A_1546 = arith.constant 0 : i32
      %dma_start3A_1547 = tpu.memref_slice %arg3[%dma_start3A_1546, %multiple_of3A_1533] : memref<32x1000000xf32, #tpu.memory_space<hbm>> -> memref<32x128xf32, #tpu.memory_space<hbm>>
      tpu.enqueue_dma source(%dma_start3A_1547 : memref<32x128xf32, #tpu.memory_space<hbm>>) target(%dma_start3A_1545 : memref<32x128xf32, #tpu.memory_space<vmem>>) target_semaphore(%arg9 : memref<!tpu.dma_semaphore, #tpu.memory_space<semaphore_mem>>)
      %slice3A_1548 = vector.extract_strided_slice %get3A_1484 {offsets = [3], sizes = [1], strides = [1]} : vector<16xi32> to vector<1xi32>
      %squeeze3A_1549 = vector.extract %slice3A_1548[0] : i32 from vector<1xi32>
      %shift_right_arithmetic3A_1550 = arith.constant 7 : i32
      %shift_right_arithmetic3A_1551 = arith.shrsi %squeeze3A_1549, %shift_right_arithmetic3A_1550 : i32
      %mul3A_1552 = arith.constant 128 : i32
      %mul3A_1553 = arith.muli %shift_right_arithmetic3A_1551, %mul3A_1552 : i32
      %multiple_of3A_1554 = tpu.assume_multiple %mul3A_1553, 128 : i32
      %dma_start3A_1555 = arith.constant 1 : i32
      %dma_start3A_1556 = arith.constant 3 : i32
      %dma_start3A_1557 = arith.constant 0 : i32
      %dma_start3A_1558 = arith.constant 0 : i32
      %dma_start3A_1559 = tpu.memref_slice %arg6[%dma_start3A_1555, %dma_start3A_1556, %dma_start3A_1557, %dma_start3A_1558] : memref<2x8x32x128xf32, #tpu.memory_space<vmem>> -> memref<1x1x32x128xf32, #tpu.memory_space<vmem>>
      %dma_start3A_1560 = tpu.memref_squeeze %dma_start3A_1559 : memref<1x1x32x128xf32, #tpu.memory_space<vmem>> -> memref<32x128xf32, #tpu.memory_space<vmem>>
      %dma_start3A_1561 = arith.constant 0 : i32
      %dma_start3A_1562 = tpu.memref_slice %arg3[%dma_start3A_1561, %multiple_of3A_1554] : memref<32x1000000xf32, #tpu.memory_space<hbm>> -> memref<32x128xf32, #tpu.memory_space<hbm>>
      %dma_start3A_1563 = arith.constant 0 : i32
      %dma_start3A_1564 = arith.constant 0 : i32
      %dma_start3A_1565 = tpu.memref_slice %arg6[%dma_start3A_1555, %dma_start3A_1556, %dma_start3A_1563, %dma_start3A_1564] : memref<2x8x32x128xf32, #tpu.memory_space<vmem>> -> memref<1x1x32x128xf32, #tpu.memory_space<vmem>>
      %dma_start3A_1566 = tpu.memref_squeeze %dma_start3A_1565 : memref<1x1x32x128xf32, #tpu.memory_space<vmem>> -> memref<32x128xf32, #tpu.memory_space<vmem>>
      %dma_start3A_1567 = arith.constant 0 : i32
      %dma_start3A_1568 = tpu.memref_slice %arg3[%dma_start3A_1567, %multiple_of3A_1554] : memref<32x1000000xf32, #tpu.memory_space<hbm>> -> memref<32x128xf32, #tpu.memory_space<hbm>>
      tpu.enqueue_dma source(%dma_start3A_1568 : memref<32x128xf32, #tpu.memory_space<hbm>>) target(%dma_start3A_1566 : memref<32x128xf32, #tpu.memory_space<vmem>>) target_semaphore(%arg9 : memref<!tpu.dma_semaphore, #tpu.memory_space<semaphore_mem>>)
      %slice3A_1569 = vector.extract_strided_slice %get3A_1484 {offsets = [4], sizes = [1], strides = [1]} : vector<16xi32> to vector<1xi32>
      %squeeze3A_1570 = vector.extract %slice3A_1569[0] : i32 from vector<1xi32>
      %shift_right_arithmetic3A_1571 = arith.constant 7 : i32
      %shift_right_arithmetic3A_1572 = arith.shrsi %squeeze3A_1570, %shift_right_arithmetic3A_1571 : i32
      %mul3A_1573 = arith.constant 128 : i32
      %mul3A_1574 = arith.muli %shift_right_arithmetic3A_1572, %mul3A_1573 : i32
      %multiple_of3A_1575 = tpu.assume_multiple %mul3A_1574, 128 : i32
      %dma_start3A_1576 = arith.constant 1 : i32
      %dma_start3A_1577 = arith.constant 4 : i32
      %dma_start3A_1578 = arith.constant 0 : i32
      %dma_start3A_1579 = arith.constant 0 : i32
      %dma_start3A_1580 = tpu.memref_slice %arg6[%dma_start3A_1576, %dma_start3A_1577, %dma_start3A_1578, %dma_start3A_1579] : memref<2x8x32x128xf32, #tpu.memory_space<vmem>> -> memref<1x1x32x128xf32, #tpu.memory_space<vmem>>
      %dma_start3A_1581 = tpu.memref_squeeze %dma_start3A_1580 : memref<1x1x32x128xf32, #tpu.memory_space<vmem>> -> memref<32x128xf32, #tpu.memory_space<vmem>>
      %dma_start3A_1582 = arith.constant 0 : i32
      %dma_start3A_1583 = tpu.memref_slice %arg3[%dma_start3A_1582, %multiple_of3A_1575] : memref<32x1000000xf32, #tpu.memory_space<hbm>> -> memref<32x128xf32, #tpu.memory_space<hbm>>
      %dma_start3A_1584 = arith.constant 0 : i32
      %dma_start3A_1585 = arith.constant 0 : i32
      %dma_start3A_1586 = tpu.memref_slice %arg6[%dma_start3A_1576, %dma_start3A_1577, %dma_start3A_1584, %dma_start3A_1585] : memref<2x8x32x128xf32, #tpu.memory_space<vmem>> -> memref<1x1x32x128xf32, #tpu.memory_space<vmem>>
      %dma_start3A_1587 = tpu.memref_squeeze %dma_start3A_1586 : memref<1x1x32x128xf32, #tpu.memory_space<vmem>> -> memref<32x128xf32, #tpu.memory_space<vmem>>
      %dma_start3A_1588 = arith.constant 0 : i32
      %dma_start3A_1589 = tpu.memref_slice %arg3[%dma_start3A_1588, %multiple_of3A_1575] : memref<32x1000000xf32, #tpu.memory_space<hbm>> -> memref<32x128xf32, #tpu.memory_space<hbm>>
      tpu.enqueue_dma source(%dma_start3A_1589 : memref<32x128xf32, #tpu.memory_space<hbm>>) target(%dma_start3A_1587 : memref<32x128xf32, #tpu.memory_space<vmem>>) target_semaphore(%arg9 : memref<!tpu.dma_semaphore, #tpu.memory_space<semaphore_mem>>)
      %slice3A_1590 = vector.extract_strided_slice %get3A_1484 {offsets = [5], sizes = [1], strides = [1]} : vector<16xi32> to vector<1xi32>
      %squeeze3A_1591 = vector.extract %slice3A_1590[0] : i32 from vector<1xi32>
      %shift_right_arithmetic3A_1592 = arith.constant 7 : i32
      %shift_right_arithmetic3A_1593 = arith.shrsi %squeeze3A_1591, %shift_right_arithmetic3A_1592 : i32
      %mul3A_1594 = arith.constant 128 : i32
      %mul3A_1595 = arith.muli %shift_right_arithmetic3A_1593, %mul3A_1594 : i32
      %multiple_of3A_1596 = tpu.assume_multiple %mul3A_1595, 128 : i32
      %dma_start3A_1597 = arith.constant 1 : i32
      %dma_start3A_1598 = arith.constant 5 : i32
      %dma_start3A_1599 = arith.constant 0 : i32
      %dma_start3A_1600 = arith.constant 0 : i32
      %dma_start3A_1601 = tpu.memref_slice %arg6[%dma_start3A_1597, %dma_start3A_1598, %dma_start3A_1599, %dma_start3A_1600] : memref<2x8x32x128xf32, #tpu.memory_space<vmem>> -> memref<1x1x32x128xf32, #tpu.memory_space<vmem>>
      %dma_start3A_1602 = tpu.memref_squeeze %dma_start3A_1601 : memref<1x1x32x128xf32, #tpu.memory_space<vmem>> -> memref<32x128xf32, #tpu.memory_space<vmem>>
      %dma_start3A_1603 = arith.constant 0 : i32
      %dma_start3A_1604 = tpu.memref_slice %arg3[%dma_start3A_1603, %multiple_of3A_1596] : memref<32x1000000xf32, #tpu.memory_space<hbm>> -> memref<32x128xf32, #tpu.memory_space<hbm>>
      %dma_start3A_1605 = arith.constant 0 : i32
      %dma_start3A_1606 = arith.constant 0 : i32
      %dma_start3A_1607 = tpu.memref_slice %arg6[%dma_start3A_1597, %dma_start3A_1598, %dma_start3A_1605, %dma_start3A_1606] : memref<2x8x32x128xf32, #tpu.memory_space<vmem>> -> memref<1x1x32x128xf32, #tpu.memory_space<vmem>>
      %dma_start3A_1608 = tpu.memref_squeeze %dma_start3A_1607 : memref<1x1x32x128xf32, #tpu.memory_space<vmem>> -> memref<32x128xf32, #tpu.memory_space<vmem>>
      %dma_start3A_1609 = arith.constant 0 : i32
      %dma_start3A_1610 = tpu.memref_slice %arg3[%dma_start3A_1609, %multiple_of3A_1596] : memref<32x1000000xf32, #tpu.memory_space<hbm>> -> memref<32x128xf32, #tpu.memory_space<hbm>>
      tpu.enqueue_dma source(%dma_start3A_1610 : memref<32x128xf32, #tpu.memory_space<hbm>>) target(%dma_start3A_1608 : memref<32x128xf32, #tpu.memory_space<vmem>>) target_semaphore(%arg9 : memref<!tpu.dma_semaphore, #tpu.memory_space<semaphore_mem>>)
      %slice3A_1611 = vector.extract_strided_slice %get3A_1484 {offsets = [6], sizes = [1], strides = [1]} : vector<16xi32> to vector<1xi32>
      %squeeze3A_1612 = vector.extract %slice3A_1611[0] : i32 from vector<1xi32>
      %shift_right_arithmetic3A_1613 = arith.constant 7 : i32
      %shift_right_arithmetic3A_1614 = arith.shrsi %squeeze3A_1612, %shift_right_arithmetic3A_1613 : i32
      %mul3A_1615 = arith.constant 128 : i32
      %mul3A_1616 = arith.muli %shift_right_arithmetic3A_1614, %mul3A_1615 : i32
      %multiple_of3A_1617 = tpu.assume_multiple %mul3A_1616, 128 : i32
      %dma_start3A_1618 = arith.constant 1 : i32
      %dma_start3A_1619 = arith.constant 6 : i32
      %dma_start3A_1620 = arith.constant 0 : i32
      %dma_start3A_1621 = arith.constant 0 : i32
      %dma_start3A_1622 = tpu.memref_slice %arg6[%dma_start3A_1618, %dma_start3A_1619, %dma_start3A_1620, %dma_start3A_1621] : memref<2x8x32x128xf32, #tpu.memory_space<vmem>> -> memref<1x1x32x128xf32, #tpu.memory_space<vmem>>
      %dma_start3A_1623 = tpu.memref_squeeze %dma_start3A_1622 : memref<1x1x32x128xf32, #tpu.memory_space<vmem>> -> memref<32x128xf32, #tpu.memory_space<vmem>>
      %dma_start3A_1624 = arith.constant 0 : i32
      %dma_start3A_1625 = tpu.memref_slice %arg3[%dma_start3A_1624, %multiple_of3A_1617] : memref<32x1000000xf32, #tpu.memory_space<hbm>> -> memref<32x128xf32, #tpu.memory_space<hbm>>
      %dma_start3A_1626 = arith.constant 0 : i32
      %dma_start3A_1627 = arith.constant 0 : i32
      %dma_start3A_1628 = tpu.memref_slice %arg6[%dma_start3A_1618, %dma_start3A_1619, %dma_start3A_1626, %dma_start3A_1627] : memref<2x8x32x128xf32, #tpu.memory_space<vmem>> -> memref<1x1x32x128xf32, #tpu.memory_space<vmem>>
      %dma_start3A_1629 = tpu.memref_squeeze %dma_start3A_1628 : memref<1x1x32x128xf32, #tpu.memory_space<vmem>> -> memref<32x128xf32, #tpu.memory_space<vmem>>
      %dma_start3A_1630 = arith.constant 0 : i32
      %dma_start3A_1631 = tpu.memref_slice %arg3[%dma_start3A_1630, %multiple_of3A_1617] : memref<32x1000000xf32, #tpu.memory_space<hbm>> -> memref<32x128xf32, #tpu.memory_space<hbm>>
      tpu.enqueue_dma source(%dma_start3A_1631 : memref<32x128xf32, #tpu.memory_space<hbm>>) target(%dma_start3A_1629 : memref<32x128xf32, #tpu.memory_space<vmem>>) target_semaphore(%arg9 : memref<!tpu.dma_semaphore, #tpu.memory_space<semaphore_mem>>)
      %slice3A_1632 = vector.extract_strided_slice %get3A_1484 {offsets = [7], sizes = [1], strides = [1]} : vector<16xi32> to vector<1xi32>
      %squeeze3A_1633 = vector.extract %slice3A_1632[0] : i32 from vector<1xi32>
      %shift_right_arithmetic3A_1634 = arith.constant 7 : i32
      %shift_right_arithmetic3A_1635 = arith.shrsi %squeeze3A_1633, %shift_right_arithmetic3A_1634 : i32
      %mul3A_1636 = arith.constant 128 : i32
      %mul3A_1637 = arith.muli %shift_right_arithmetic3A_1635, %mul3A_1636 : i32
      %multiple_of3A_1638 = tpu.assume_multiple %mul3A_1637, 128 : i32
      %dma_start3A_1639 = arith.constant 1 : i32
      %dma_start3A_1640 = arith.constant 7 : i32
      %dma_start3A_1641 = arith.constant 0 : i32
      %dma_start3A_1642 = arith.constant 0 : i32
      %dma_start3A_1643 = tpu.memref_slice %arg6[%dma_start3A_1639, %dma_start3A_1640, %dma_start3A_1641, %dma_start3A_1642] : memref<2x8x32x128xf32, #tpu.memory_space<vmem>> -> memref<1x1x32x128xf32, #tpu.memory_space<vmem>>
      %dma_start3A_1644 = tpu.memref_squeeze %dma_start3A_1643 : memref<1x1x32x128xf32, #tpu.memory_space<vmem>> -> memref<32x128xf32, #tpu.memory_space<vmem>>
      %dma_start3A_1645 = arith.constant 0 : i32
      %dma_start3A_1646 = tpu.memref_slice %arg3[%dma_start3A_1645, %multiple_of3A_1638] : memref<32x1000000xf32, #tpu.memory_space<hbm>> -> memref<32x128xf32, #tpu.memory_space<hbm>>
      %dma_start3A_1647 = arith.constant 0 : i32
      %dma_start3A_1648 = arith.constant 0 : i32
      %dma_start3A_1649 = tpu.memref_slice %arg6[%dma_start3A_1639, %dma_start3A_1640, %dma_start3A_1647, %dma_start3A_1648] : memref<2x8x32x128xf32, #tpu.memory_space<vmem>> -> memref<1x1x32x128xf32, #tpu.memory_space<vmem>>
      %dma_start3A_1650 = tpu.memref_squeeze %dma_start3A_1649 : memref<1x1x32x128xf32, #tpu.memory_space<vmem>> -> memref<32x128xf32, #tpu.memory_space<vmem>>
      %dma_start3A_1651 = arith.constant 0 : i32
      %dma_start3A_1652 = tpu.memref_slice %arg3[%dma_start3A_1651, %multiple_of3A_1638] : memref<32x1000000xf32, #tpu.memory_space<hbm>> -> memref<32x128xf32, #tpu.memory_space<hbm>>
      tpu.enqueue_dma source(%dma_start3A_1652 : memref<32x128xf32, #tpu.memory_space<hbm>>) target(%dma_start3A_1650 : memref<32x128xf32, #tpu.memory_space<vmem>>) target_semaphore(%arg9 : memref<!tpu.dma_semaphore, #tpu.memory_space<semaphore_mem>>)
      %dma_wait3A_1653 = arith.constant 0 : i32
      %dma_wait3A_1654 = arith.constant 0 : i32
      %dma_wait3A_1655 = arith.constant 0 : i32
      %dma_wait3A_1656 = arith.constant 0 : i32
      %dma_wait3A_1657 = tpu.memref_slice %arg6[%dma_wait3A_1653, %dma_wait3A_1654, %dma_wait3A_1655, %dma_wait3A_1656] : memref<2x8x32x128xf32, #tpu.memory_space<vmem>> -> memref<1x1x32x128xf32, #tpu.memory_space<vmem>>
      %dma_wait3A_1658 = tpu.memref_squeeze %dma_wait3A_1657 : memref<1x1x32x128xf32, #tpu.memory_space<vmem>> -> memref<32x128xf32, #tpu.memory_space<vmem>>
      %dma_wait3A_1659 = arith.constant 0 : i32
      %dma_wait3A_1660 = arith.constant 0 : i32
      %dma_wait3A_1661 = tpu.memref_slice %arg3[%dma_wait3A_1659, %dma_wait3A_1660] : memref<32x1000000xf32, #tpu.memory_space<hbm>> -> memref<32x128xf32, #tpu.memory_space<hbm>>
      %dma_wait3A_1662 = arith.constant 0 : i32
      %dma_wait3A_1663 = arith.constant 0 : i32
      %dma_wait3A_1664 = tpu.memref_slice %arg6[%dma_wait3A_1653, %dma_wait3A_1654, %dma_wait3A_1662, %dma_wait3A_1663] : memref<2x8x32x128xf32, #tpu.memory_space<vmem>> -> memref<1x1x32x128xf32, #tpu.memory_space<vmem>>
      %dma_wait3A_1665 = tpu.memref_squeeze %dma_wait3A_1664 : memref<1x1x32x128xf32, #tpu.memory_space<vmem>> -> memref<32x128xf32, #tpu.memory_space<vmem>>
      %dma_wait3A_1666 = arith.constant 0 : i32
      %dma_wait3A_1667 = arith.constant 0 : i32
      %dma_wait3A_1668 = tpu.memref_slice %arg3[%dma_wait3A_1666, %dma_wait3A_1667] : memref<32x1000000xf32, #tpu.memory_space<hbm>> -> memref<32x128xf32, #tpu.memory_space<hbm>>
      tpu.wait_dma2 semaphore(%arg8 : memref<!tpu.dma_semaphore, #tpu.memory_space<semaphore_mem>>) src(%dma_wait3A_1668 : memref<32x128xf32, #tpu.memory_space<hbm>>) dst(%dma_wait3A_1665 : memref<32x128xf32, #tpu.memory_space<vmem>>)
      %dma_wait3A_1669 = arith.constant 0 : i32
      %dma_wait3A_1670 = arith.constant 1 : i32
      %dma_wait3A_1671 = arith.constant 0 : i32
      %dma_wait3A_1672 = arith.constant 0 : i32
      %dma_wait3A_1673 = tpu.memref_slice %arg6[%dma_wait3A_1669, %dma_wait3A_1670, %dma_wait3A_1671, %dma_wait3A_1672] : memref<2x8x32x128xf32, #tpu.memory_space<vmem>> -> memref<1x1x32x128xf32, #tpu.memory_space<vmem>>
      %dma_wait3A_1674 = tpu.memref_squeeze %dma_wait3A_1673 : memref<1x1x32x128xf32, #tpu.memory_space<vmem>> -> memref<32x128xf32, #tpu.memory_space<vmem>>
      %dma_wait3A_1675 = arith.constant 0 : i32
      %dma_wait3A_1676 = arith.constant 0 : i32
      %dma_wait3A_1677 = tpu.memref_slice %arg3[%dma_wait3A_1675, %dma_wait3A_1676] : memref<32x1000000xf32, #tpu.memory_space<hbm>> -> memref<32x128xf32, #tpu.memory_space<hbm>>
      %dma_wait3A_1678 = arith.constant 0 : i32
      %dma_wait3A_1679 = arith.constant 0 : i32
      %dma_wait3A_1680 = tpu.memref_slice %arg6[%dma_wait3A_1669, %dma_wait3A_1670, %dma_wait3A_1678, %dma_wait3A_1679] : memref<2x8x32x128xf32, #tpu.memory_space<vmem>> -> memref<1x1x32x128xf32, #tpu.memory_space<vmem>>
      %dma_wait3A_1681 = tpu.memref_squeeze %dma_wait3A_1680 : memref<1x1x32x128xf32, #tpu.memory_space<vmem>> -> memref<32x128xf32, #tpu.memory_space<vmem>>
      %dma_wait3A_1682 = arith.constant 0 : i32
      %dma_wait3A_1683 = arith.constant 0 : i32
      %dma_wait3A_1684 = tpu.memref_slice %arg3[%dma_wait3A_1682, %dma_wait3A_1683] : memref<32x1000000xf32, #tpu.memory_space<hbm>> -> memref<32x128xf32, #tpu.memory_space<hbm>>
      tpu.wait_dma2 semaphore(%arg8 : memref<!tpu.dma_semaphore, #tpu.memory_space<semaphore_mem>>) src(%dma_wait3A_1684 : memref<32x128xf32, #tpu.memory_space<hbm>>) dst(%dma_wait3A_1681 : memref<32x128xf32, #tpu.memory_space<vmem>>)
      %dma_wait3A_1685 = arith.constant 0 : i32
      %dma_wait3A_1686 = arith.constant 2 : i32
      %dma_wait3A_1687 = arith.constant 0 : i32
      %dma_wait3A_1688 = arith.constant 0 : i32
      %dma_wait3A_1689 = tpu.memref_slice %arg6[%dma_wait3A_1685, %dma_wait3A_1686, %dma_wait3A_1687, %dma_wait3A_1688] : memref<2x8x32x128xf32, #tpu.memory_space<vmem>> -> memref<1x1x32x128xf32, #tpu.memory_space<vmem>>
      %dma_wait3A_1690 = tpu.memref_squeeze %dma_wait3A_1689 : memref<1x1x32x128xf32, #tpu.memory_space<vmem>> -> memref<32x128xf32, #tpu.memory_space<vmem>>
      %dma_wait3A_1691 = arith.constant 0 : i32
      %dma_wait3A_1692 = arith.constant 0 : i32
      %dma_wait3A_1693 = tpu.memref_slice %arg3[%dma_wait3A_1691, %dma_wait3A_1692] : memref<32x1000000xf32, #tpu.memory_space<hbm>> -> memref<32x128xf32, #tpu.memory_space<hbm>>
      %dma_wait3A_1694 = arith.constant 0 : i32
      %dma_wait3A_1695 = arith.constant 0 : i32
      %dma_wait3A_1696 = tpu.memref_slice %arg6[%dma_wait3A_1685, %dma_wait3A_1686, %dma_wait3A_1694, %dma_wait3A_1695] : memref<2x8x32x128xf32, #tpu.memory_space<vmem>> -> memref<1x1x32x128xf32, #tpu.memory_space<vmem>>
      %dma_wait3A_1697 = tpu.memref_squeeze %dma_wait3A_1696 : memref<1x1x32x128xf32, #tpu.memory_space<vmem>> -> memref<32x128xf32, #tpu.memory_space<vmem>>
      %dma_wait3A_1698 = arith.constant 0 : i32
      %dma_wait3A_1699 = arith.constant 0 : i32
      %dma_wait3A_1700 = tpu.memref_slice %arg3[%dma_wait3A_1698, %dma_wait3A_1699] : memref<32x1000000xf32, #tpu.memory_space<hbm>> -> memref<32x128xf32, #tpu.memory_space<hbm>>
      tpu.wait_dma2 semaphore(%arg8 : memref<!tpu.dma_semaphore, #tpu.memory_space<semaphore_mem>>) src(%dma_wait3A_1700 : memref<32x128xf32, #tpu.memory_space<hbm>>) dst(%dma_wait3A_1697 : memref<32x128xf32, #tpu.memory_space<vmem>>)
      %dma_wait3A_1701 = arith.constant 0 : i32
      %dma_wait3A_1702 = arith.constant 3 : i32
      %dma_wait3A_1703 = arith.constant 0 : i32
      %dma_wait3A_1704 = arith.constant 0 : i32
      %dma_wait3A_1705 = tpu.memref_slice %arg6[%dma_wait3A_1701, %dma_wait3A_1702, %dma_wait3A_1703, %dma_wait3A_1704] : memref<2x8x32x128xf32, #tpu.memory_space<vmem>> -> memref<1x1x32x128xf32, #tpu.memory_space<vmem>>
      %dma_wait3A_1706 = tpu.memref_squeeze %dma_wait3A_1705 : memref<1x1x32x128xf32, #tpu.memory_space<vmem>> -> memref<32x128xf32, #tpu.memory_space<vmem>>
      %dma_wait3A_1707 = arith.constant 0 : i32
      %dma_wait3A_1708 = arith.constant 0 : i32
      %dma_wait3A_1709 = tpu.memref_slice %arg3[%dma_wait3A_1707, %dma_wait3A_1708] : memref<32x1000000xf32, #tpu.memory_space<hbm>> -> memref<32x128xf32, #tpu.memory_space<hbm>>
      %dma_wait3A_1710 = arith.constant 0 : i32
      %dma_wait3A_1711 = arith.constant 0 : i32
      %dma_wait3A_1712 = tpu.memref_slice %arg6[%dma_wait3A_1701, %dma_wait3A_1702, %dma_wait3A_1710, %dma_wait3A_1711] : memref<2x8x32x128xf32, #tpu.memory_space<vmem>> -> memref<1x1x32x128xf32, #tpu.memory_space<vmem>>
      %dma_wait3A_1713 = tpu.memref_squeeze %dma_wait3A_1712 : memref<1x1x32x128xf32, #tpu.memory_space<vmem>> -> memref<32x128xf32, #tpu.memory_space<vmem>>
      %dma_wait3A_1714 = arith.constant 0 : i32
      %dma_wait3A_1715 = arith.constant 0 : i32
      %dma_wait3A_1716 = tpu.memref_slice %arg3[%dma_wait3A_1714, %dma_wait3A_1715] : memref<32x1000000xf32, #tpu.memory_space<hbm>> -> memref<32x128xf32, #tpu.memory_space<hbm>>
      tpu.wait_dma2 semaphore(%arg8 : memref<!tpu.dma_semaphore, #tpu.memory_space<semaphore_mem>>) src(%dma_wait3A_1716 : memref<32x128xf32, #tpu.memory_space<hbm>>) dst(%dma_wait3A_1713 : memref<32x128xf32, #tpu.memory_space<vmem>>)
      %dma_wait3A_1717 = arith.constant 0 : i32
      %dma_wait3A_1718 = arith.constant 4 : i32
      %dma_wait3A_1719 = arith.constant 0 : i32
      %dma_wait3A_1720 = arith.constant 0 : i32
      %dma_wait3A_1721 = tpu.memref_slice %arg6[%dma_wait3A_1717, %dma_wait3A_1718, %dma_wait3A_1719, %dma_wait3A_1720] : memref<2x8x32x128xf32, #tpu.memory_space<vmem>> -> memref<1x1x32x128xf32, #tpu.memory_space<vmem>>
      %dma_wait3A_1722 = tpu.memref_squeeze %dma_wait3A_1721 : memref<1x1x32x128xf32, #tpu.memory_space<vmem>> -> memref<32x128xf32, #tpu.memory_space<vmem>>
      %dma_wait3A_1723 = arith.constant 0 : i32
      %dma_wait3A_1724 = arith.constant 0 : i32
      %dma_wait3A_1725 = tpu.memref_slice %arg3[%dma_wait3A_1723, %dma_wait3A_1724] : memref<32x1000000xf32, #tpu.memory_space<hbm>> -> memref<32x128xf32, #tpu.memory_space<hbm>>
      %dma_wait3A_1726 = arith.constant 0 : i32
      %dma_wait3A_1727 = arith.constant 0 : i32
      %dma_wait3A_1728 = tpu.memref_slice %arg6[%dma_wait3A_1717, %dma_wait3A_1718, %dma_wait3A_1726, %dma_wait3A_1727] : memref<2x8x32x128xf32, #tpu.memory_space<vmem>> -> memref<1x1x32x128xf32, #tpu.memory_space<vmem>>
      %dma_wait3A_1729 = tpu.memref_squeeze %dma_wait3A_1728 : memref<1x1x32x128xf32, #tpu.memory_space<vmem>> -> memref<32x128xf32, #tpu.memory_space<vmem>>
      %dma_wait3A_1730 = arith.constant 0 : i32
      %dma_wait3A_1731 = arith.constant 0 : i32
      %dma_wait3A_1732 = tpu.memref_slice %arg3[%dma_wait3A_1730, %dma_wait3A_1731] : memref<32x1000000xf32, #tpu.memory_space<hbm>> -> memref<32x128xf32, #tpu.memory_space<hbm>>
      tpu.wait_dma2 semaphore(%arg8 : memref<!tpu.dma_semaphore, #tpu.memory_space<semaphore_mem>>) src(%dma_wait3A_1732 : memref<32x128xf32, #tpu.memory_space<hbm>>) dst(%dma_wait3A_1729 : memref<32x128xf32, #tpu.memory_space<vmem>>)
      %dma_wait3A_1733 = arith.constant 0 : i32
      %dma_wait3A_1734 = arith.constant 5 : i32
      %dma_wait3A_1735 = arith.constant 0 : i32
      %dma_wait3A_1736 = arith.constant 0 : i32
      %dma_wait3A_1737 = tpu.memref_slice %arg6[%dma_wait3A_1733, %dma_wait3A_1734, %dma_wait3A_1735, %dma_wait3A_1736] : memref<2x8x32x128xf32, #tpu.memory_space<vmem>> -> memref<1x1x32x128xf32, #tpu.memory_space<vmem>>
      %dma_wait3A_1738 = tpu.memref_squeeze %dma_wait3A_1737 : memref<1x1x32x128xf32, #tpu.memory_space<vmem>> -> memref<32x128xf32, #tpu.memory_space<vmem>>
      %dma_wait3A_1739 = arith.constant 0 : i32
      %dma_wait3A_1740 = arith.constant 0 : i32
      %dma_wait3A_1741 = tpu.memref_slice %arg3[%dma_wait3A_1739, %dma_wait3A_1740] : memref<32x1000000xf32, #tpu.memory_space<hbm>> -> memref<32x128xf32, #tpu.memory_space<hbm>>
      %dma_wait3A_1742 = arith.constant 0 : i32
      %dma_wait3A_1743 = arith.constant 0 : i32
      %dma_wait3A_1744 = tpu.memref_slice %arg6[%dma_wait3A_1733, %dma_wait3A_1734, %dma_wait3A_1742, %dma_wait3A_1743] : memref<2x8x32x128xf32, #tpu.memory_space<vmem>> -> memref<1x1x32x128xf32, #tpu.memory_space<vmem>>
      %dma_wait3A_1745 = tpu.memref_squeeze %dma_wait3A_1744 : memref<1x1x32x128xf32, #tpu.memory_space<vmem>> -> memref<32x128xf32, #tpu.memory_space<vmem>>
      %dma_wait3A_1746 = arith.constant 0 : i32
      %dma_wait3A_1747 = arith.constant 0 : i32
      %dma_wait3A_1748 = tpu.memref_slice %arg3[%dma_wait3A_1746, %dma_wait3A_1747] : memref<32x1000000xf32, #tpu.memory_space<hbm>> -> memref<32x128xf32, #tpu.memory_space<hbm>>
      tpu.wait_dma2 semaphore(%arg8 : memref<!tpu.dma_semaphore, #tpu.memory_space<semaphore_mem>>) src(%dma_wait3A_1748 : memref<32x128xf32, #tpu.memory_space<hbm>>) dst(%dma_wait3A_1745 : memref<32x128xf32, #tpu.memory_space<vmem>>)
      %dma_wait3A_1749 = arith.constant 0 : i32
      %dma_wait3A_1750 = arith.constant 6 : i32
      %dma_wait3A_1751 = arith.constant 0 : i32
      %dma_wait3A_1752 = arith.constant 0 : i32
      %dma_wait3A_1753 = tpu.memref_slice %arg6[%dma_wait3A_1749, %dma_wait3A_1750, %dma_wait3A_1751, %dma_wait3A_1752] : memref<2x8x32x128xf32, #tpu.memory_space<vmem>> -> memref<1x1x32x128xf32, #tpu.memory_space<vmem>>
      %dma_wait3A_1754 = tpu.memref_squeeze %dma_wait3A_1753 : memref<1x1x32x128xf32, #tpu.memory_space<vmem>> -> memref<32x128xf32, #tpu.memory_space<vmem>>
      %dma_wait3A_1755 = arith.constant 0 : i32
      %dma_wait3A_1756 = arith.constant 0 : i32
      %dma_wait3A_1757 = tpu.memref_slice %arg3[%dma_wait3A_1755, %dma_wait3A_1756] : memref<32x1000000xf32, #tpu.memory_space<hbm>> -> memref<32x128xf32, #tpu.memory_space<hbm>>
      %dma_wait3A_1758 = arith.constant 0 : i32
      %dma_wait3A_1759 = arith.constant 0 : i32
      %dma_wait3A_1760 = tpu.memref_slice %arg6[%dma_wait3A_1749, %dma_wait3A_1750, %dma_wait3A_1758, %dma_wait3A_1759] : memref<2x8x32x128xf32, #tpu.memory_space<vmem>> -> memref<1x1x32x128xf32, #tpu.memory_space<vmem>>
      %dma_wait3A_1761 = tpu.memref_squeeze %dma_wait3A_1760 : memref<1x1x32x128xf32, #tpu.memory_space<vmem>> -> memref<32x128xf32, #tpu.memory_space<vmem>>
      %dma_wait3A_1762 = arith.constant 0 : i32
      %dma_wait3A_1763 = arith.constant 0 : i32
      %dma_wait3A_1764 = tpu.memref_slice %arg3[%dma_wait3A_1762, %dma_wait3A_1763] : memref<32x1000000xf32, #tpu.memory_space<hbm>> -> memref<32x128xf32, #tpu.memory_space<hbm>>
      tpu.wait_dma2 semaphore(%arg8 : memref<!tpu.dma_semaphore, #tpu.memory_space<semaphore_mem>>) src(%dma_wait3A_1764 : memref<32x128xf32, #tpu.memory_space<hbm>>) dst(%dma_wait3A_1761 : memref<32x128xf32, #tpu.memory_space<vmem>>)
      %dma_wait3A_1765 = arith.constant 0 : i32
      %dma_wait3A_1766 = arith.constant 7 : i32
      %dma_wait3A_1767 = arith.constant 0 : i32
      %dma_wait3A_1768 = arith.constant 0 : i32
      %dma_wait3A_1769 = tpu.memref_slice %arg6[%dma_wait3A_1765, %dma_wait3A_1766, %dma_wait3A_1767, %dma_wait3A_1768] : memref<2x8x32x128xf32, #tpu.memory_space<vmem>> -> memref<1x1x32x128xf32, #tpu.memory_space<vmem>>
      %dma_wait3A_1770 = tpu.memref_squeeze %dma_wait3A_1769 : memref<1x1x32x128xf32, #tpu.memory_space<vmem>> -> memref<32x128xf32, #tpu.memory_space<vmem>>
      %dma_wait3A_1771 = arith.constant 0 : i32
      %dma_wait3A_1772 = arith.constant 0 : i32
      %dma_wait3A_1773 = tpu.memref_slice %arg3[%dma_wait3A_1771, %dma_wait3A_1772] : memref<32x1000000xf32, #tpu.memory_space<hbm>> -> memref<32x128xf32, #tpu.memory_space<hbm>>
      %dma_wait3A_1774 = arith.constant 0 : i32
      %dma_wait3A_1775 = arith.constant 0 : i32
      %dma_wait3A_1776 = tpu.memref_slice %arg6[%dma_wait3A_1765, %dma_wait3A_1766, %dma_wait3A_1774, %dma_wait3A_1775] : memref<2x8x32x128xf32, #tpu.memory_space<vmem>> -> memref<1x1x32x128xf32, #tpu.memory_space<vmem>>
      %dma_wait3A_1777 = tpu.memref_squeeze %dma_wait3A_1776 : memref<1x1x32x128xf32, #tpu.memory_space<vmem>> -> memref<32x128xf32, #tpu.memory_space<vmem>>
      %dma_wait3A_1778 = arith.constant 0 : i32
      %dma_wait3A_1779 = arith.constant 0 : i32
      %dma_wait3A_1780 = tpu.memref_slice %arg3[%dma_wait3A_1778, %dma_wait3A_1779] : memref<32x1000000xf32, #tpu.memory_space<hbm>> -> memref<32x128xf32, #tpu.memory_space<hbm>>
      tpu.wait_dma2 semaphore(%arg8 : memref<!tpu.dma_semaphore, #tpu.memory_space<semaphore_mem>>) src(%dma_wait3A_1780 : memref<32x128xf32, #tpu.memory_space<hbm>>) dst(%dma_wait3A_1777 : memref<32x128xf32, #tpu.memory_space<vmem>>)
      %mul3A_1781 = arith.constant 2 : i32
      %mul3A_1782 = arith.muli %mul3A_1781, %scan3A_1474 : i32
      %add3A_1783 = arith.constant 2 : i32
      %add3A_1784 = arith.addi %mul3A_1782, %add3A_1783 : i32
      %mul3A_1785 = arith.constant 8 : i32
      %mul3A_1786 = arith.muli %add3A_1784, %mul3A_1785 : i32
      %multiple_of3A_1787 = tpu.assume_multiple %mul3A_1786, 8 : i32
      %get3A_1788 = arith.index_cast %multiple_of3A_1787 : i32 to index
      %get3A_1789 = tpu.vector_load %arg5[%get3A_1788] {strides = array<i32>} : memref<528xi32, #tpu.memory_space<vmem>>, vector<16xi32>,
      %dma_wait3A_1790 = arith.constant 0 : i32
      %dma_wait3A_1791 = arith.constant 0 : i32
      %dma_wait3A_1792 = arith.constant 0 : i32
      %dma_wait3A_1793 = tpu.memref_slice %arg7[%dma_wait3A_1790, %dma_wait3A_1791, %dma_wait3A_1792] : memref<2x8x32xf32, #tpu.memory_space<vmem>> -> memref<1x8x32xf32, #tpu.memory_space<vmem>>
      %dma_wait3A_1794 = tpu.memref_squeeze %dma_wait3A_1793 : memref<1x8x32xf32, #tpu.memory_space<vmem>> -> memref<8x32xf32, #tpu.memory_space<vmem>>
      %dma_wait3A_1795 = arith.constant 0 : i32
      %dma_wait3A_1796 = tpu.memref_slice %arg4[%mul3A_2, %dma_wait3A_1795] : memref<16384x32xf32, #tpu.memory_space<hbm>> -> memref<8x32xf32, #tpu.memory_space<hbm>>
      %dma_wait3A_1797 = arith.constant 0 : i32
      %dma_wait3A_1798 = tpu.memref_slice %arg4[%mul3A_2, %dma_wait3A_1797] : memref<16384x32xf32, #tpu.memory_space<hbm>> -> memref<8x32xf32, #tpu.memory_space<hbm>>
      %dma_wait3A_1799 = arith.constant 0 : i32
      %dma_wait3A_1800 = arith.constant 0 : i32
      %dma_wait3A_1801 = tpu.memref_slice %arg7[%dma_wait3A_1790, %dma_wait3A_1799, %dma_wait3A_1800] : memref<2x8x32xf32, #tpu.memory_space<vmem>> -> memref<1x8x32xf32, #tpu.memory_space<vmem>>
      %dma_wait3A_1802 = tpu.memref_squeeze %dma_wait3A_1801 : memref<1x8x32xf32, #tpu.memory_space<vmem>> -> memref<8x32xf32, #tpu.memory_space<vmem>>
      tpu.wait_dma2 semaphore(%arg10 : memref<!tpu.dma_semaphore, #tpu.memory_space<semaphore_mem>>) src(%dma_wait3A_1802 : memref<8x32xf32, #tpu.memory_space<vmem>>) dst(%dma_wait3A_1798 : memref<8x32xf32, #tpu.memory_space<hbm>>)
      %broadcast_in_dim3A_1803 = arith.constant 0 : i32
      %broadcast_in_dim3A_1804 = vector.broadcast %broadcast_in_dim3A_1803 : i32 to vector<16xi32>
      %slice3A_1805 = vector.extract_strided_slice %get3A_1789 {offsets = [0], sizes = [1], strides = [1]} : vector<16xi32> to vector<1xi32>
      %squeeze3A_1806 = vector.extract %slice3A_1805[0] : i32 from vector<1xi32>
      %and3A_1807 = arith.constant 127 : i32
      %and3A_1808 = arith.andi %squeeze3A_1806, %and3A_1807 : i32
      %add3A_1809 = vector.broadcast %and3A_1808 : i32 to vector<16xi32>
      %add3A_1810 = arith.addi %broadcast_in_dim3A_1804, %add3A_1809 : vector<16xi32>
      %add3A_1811 = arith.constant 0 : i32
      %add3A_1812 = vector.broadcast %add3A_1811 : i32 to vector<16xi32>
      %add3A_1813 = arith.addi %iota3A, %add3A_1812 : vector<16xi32>
      %gather3A_1814 = arith.constant 0 : i32
      %gather3A_1815 = arith.constant 0 : i32
      %gather3A_1816 = arith.constant 0 : i32
      %gather3A_1817 = arith.constant 0 : i32
      %gather3A_1818 = tpu.memref_slice %arg6[%gather3A_1814, %gather3A_1815, %gather3A_1816, %gather3A_1817] : memref<2x8x32x128xf32, #tpu.memory_space<vmem>> -> memref<1x1x32x128xf32, #tpu.memory_space<vmem>>
      %gather3A_1819 = tpu.memref_squeeze %gather3A_1818 : memref<1x1x32x128xf32, #tpu.memory_space<vmem>> -> memref<32x128xf32, #tpu.memory_space<vmem>>
      %gather3A_1820 = tpu.vector_load_idx %gather3A_1819[%add3A_1813, %add3A_1810] : memref<32x128xf32, #tpu.memory_space<vmem>>[vector<16xi32>, vector<16xi32>], vector<16xf32>,
      %swap3A_1821 = arith.constant 0 : i32
      %swap3A_1822 = arith.constant 0 : i32
      %swap3A_1823 = arith.index_cast %swap3A_1821 : i32 to index
      %swap3A_1824 = arith.index_cast %swap3A_1822 : i32 to index
      %swap3A_1825 = arith.constant 0 : index
      %swap3A_1826 = tpu.vector_load %arg7[%swap3A_1823, %swap3A_1824, %swap3A_1825] {strides = array<i32>} : memref<2x8x32xf32, #tpu.memory_space<vmem>>, vector<16xf32>,
      tpu.vector_store %arg7[%swap3A_1823, %swap3A_1824, %swap3A_1825], %gather3A_1820 {strides = array<i32>} : memref<2x8x32xf32, #tpu.memory_space<vmem>>, vector<16xf32>,
      %add3A_1827 = arith.constant 16 : i32
      %add3A_1828 = vector.broadcast %add3A_1827 : i32 to vector<16xi32>
      %add3A_1829 = arith.addi %iota3A, %add3A_1828 : vector<16xi32>
      %gather3A_1830 = arith.constant 0 : i32
      %gather3A_1831 = arith.constant 0 : i32
      %gather3A_1832 = arith.constant 0 : i32
      %gather3A_1833 = arith.constant 0 : i32
      %gather3A_1834 = tpu.memref_slice %arg6[%gather3A_1830, %gather3A_1831, %gather3A_1832, %gather3A_1833] : memref<2x8x32x128xf32, #tpu.memory_space<vmem>> -> memref<1x1x32x128xf32, #tpu.memory_space<vmem>>
      %gather3A_1835 = tpu.memref_squeeze %gather3A_1834 : memref<1x1x32x128xf32, #tpu.memory_space<vmem>> -> memref<32x128xf32, #tpu.memory_space<vmem>>
      %gather3A_1836 = tpu.vector_load_idx %gather3A_1835[%add3A_1829, %add3A_1810] : memref<32x128xf32, #tpu.memory_space<vmem>>[vector<16xi32>, vector<16xi32>], vector<16xf32>,
      %swap3A_1837 = arith.constant 0 : i32
      %swap3A_1838 = arith.constant 0 : i32
      %swap3A_1839 = arith.index_cast %swap3A_1837 : i32 to index
      %swap3A_1840 = arith.index_cast %swap3A_1838 : i32 to index
      %swap3A_1841 = arith.constant 16 : index
      %swap3A_1842 = tpu.vector_load %arg7[%swap3A_1839, %swap3A_1840, %swap3A_1841] {strides = array<i32>} : memref<2x8x32xf32, #tpu.memory_space<vmem>>, vector<16xf32>,
      tpu.vector_store %arg7[%swap3A_1839, %swap3A_1840, %swap3A_1841], %gather3A_1836 {strides = array<i32>} : memref<2x8x32xf32, #tpu.memory_space<vmem>>, vector<16xf32>,
      %broadcast_in_dim3A_1843 = arith.constant 0 : i32
      %broadcast_in_dim3A_1844 = vector.broadcast %broadcast_in_dim3A_1843 : i32 to vector<16xi32>
      %slice3A_1845 = vector.extract_strided_slice %get3A_1789 {offsets = [1], sizes = [1], strides = [1]} : vector<16xi32> to vector<1xi32>
      %squeeze3A_1846 = vector.extract %slice3A_1845[0] : i32 from vector<1xi32>
      %and3A_1847 = arith.constant 127 : i32
      %and3A_1848 = arith.andi %squeeze3A_1846, %and3A_1847 : i32
      %add3A_1849 = vector.broadcast %and3A_1848 : i32 to vector<16xi32>
      %add3A_1850 = arith.addi %broadcast_in_dim3A_1844, %add3A_1849 : vector<16xi32>
      %add3A_1851 = arith.constant 0 : i32
      %add3A_1852 = vector.broadcast %add3A_1851 : i32 to vector<16xi32>
      %add3A_1853 = arith.addi %iota3A, %add3A_1852 : vector<16xi32>
      %gather3A_1854 = arith.constant 0 : i32
      %gather3A_1855 = arith.constant 1 : i32
      %gather3A_1856 = arith.constant 0 : i32
      %gather3A_1857 = arith.constant 0 : i32
      %gather3A_1858 = tpu.memref_slice %arg6[%gather3A_1854, %gather3A_1855, %gather3A_1856, %gather3A_1857] : memref<2x8x32x128xf32, #tpu.memory_space<vmem>> -> memref<1x1x32x128xf32, #tpu.memory_space<vmem>>
      %gather3A_1859 = tpu.memref_squeeze %gather3A_1858 : memref<1x1x32x128xf32, #tpu.memory_space<vmem>> -> memref<32x128xf32, #tpu.memory_space<vmem>>
      %gather3A_1860 = tpu.vector_load_idx %gather3A_1859[%add3A_1853, %add3A_1850] : memref<32x128xf32, #tpu.memory_space<vmem>>[vector<16xi32>, vector<16xi32>], vector<16xf32>,
      %swap3A_1861 = arith.constant 0 : i32
      %swap3A_1862 = arith.constant 1 : i32
      %swap3A_1863 = arith.index_cast %swap3A_1861 : i32 to index
      %swap3A_1864 = arith.index_cast %swap3A_1862 : i32 to index
      %swap3A_1865 = arith.constant 0 : index
      %swap3A_1866 = tpu.vector_load %arg7[%swap3A_1863, %swap3A_1864, %swap3A_1865] {strides = array<i32>} : memref<2x8x32xf32, #tpu.memory_space<vmem>>, vector<16xf32>,
      tpu.vector_store %arg7[%swap3A_1863, %swap3A_1864, %swap3A_1865], %gather3A_1860 {strides = array<i32>} : memref<2x8x32xf32, #tpu.memory_space<vmem>>, vector<16xf32>,
      %add3A_1867 = arith.constant 16 : i32
      %add3A_1868 = vector.broadcast %add3A_1867 : i32 to vector<16xi32>
      %add3A_1869 = arith.addi %iota3A, %add3A_1868 : vector<16xi32>
      %gather3A_1870 = arith.constant 0 : i32
      %gather3A_1871 = arith.constant 1 : i32
      %gather3A_1872 = arith.constant 0 : i32
      %gather3A_1873 = arith.constant 0 : i32
      %gather3A_1874 = tpu.memref_slice %arg6[%gather3A_1870, %gather3A_1871, %gather3A_1872, %gather3A_1873] : memref<2x8x32x128xf32, #tpu.memory_space<vmem>> -> memref<1x1x32x128xf32, #tpu.memory_space<vmem>>
      %gather3A_1875 = tpu.memref_squeeze %gather3A_1874 : memref<1x1x32x128xf32, #tpu.memory_space<vmem>> -> memref<32x128xf32, #tpu.memory_space<vmem>>
      %gather3A_1876 = tpu.vector_load_idx %gather3A_1875[%add3A_1869, %add3A_1850] : memref<32x128xf32, #tpu.memory_space<vmem>>[vector<16xi32>, vector<16xi32>], vector<16xf32>,
      %swap3A_1877 = arith.constant 0 : i32
      %swap3A_1878 = arith.constant 1 : i32
      %swap3A_1879 = arith.index_cast %swap3A_1877 : i32 to index
      %swap3A_1880 = arith.index_cast %swap3A_1878 : i32 to index
      %swap3A_1881 = arith.constant 16 : index
      %swap3A_1882 = tpu.vector_load %arg7[%swap3A_1879, %swap3A_1880, %swap3A_1881] {strides = array<i32>} : memref<2x8x32xf32, #tpu.memory_space<vmem>>, vector<16xf32>,
      tpu.vector_store %arg7[%swap3A_1879, %swap3A_1880, %swap3A_1881], %gather3A_1876 {strides = array<i32>} : memref<2x8x32xf32, #tpu.memory_space<vmem>>, vector<16xf32>,
      %broadcast_in_dim3A_1883 = arith.constant 0 : i32
      %broadcast_in_dim3A_1884 = vector.broadcast %broadcast_in_dim3A_1883 : i32 to vector<16xi32>
      %slice3A_1885 = vector.extract_strided_slice %get3A_1789 {offsets = [2], sizes = [1], strides = [1]} : vector<16xi32> to vector<1xi32>
      %squeeze3A_1886 = vector.extract %slice3A_1885[0] : i32 from vector<1xi32>
      %and3A_1887 = arith.constant 127 : i32
      %and3A_1888 = arith.andi %squeeze3A_1886, %and3A_1887 : i32
      %add3A_1889 = vector.broadcast %and3A_1888 : i32 to vector<16xi32>
      %add3A_1890 = arith.addi %broadcast_in_dim3A_1884, %add3A_1889 : vector<16xi32>
      %add3A_1891 = arith.constant 0 : i32
      %add3A_1892 = vector.broadcast %add3A_1891 : i32 to vector<16xi32>
      %add3A_1893 = arith.addi %iota3A, %add3A_1892 : vector<16xi32>
      %gather3A_1894 = arith.constant 0 : i32
      %gather3A_1895 = arith.constant 2 : i32
      %gather3A_1896 = arith.constant 0 : i32
      %gather3A_1897 = arith.constant 0 : i32
      %gather3A_1898 = tpu.memref_slice %arg6[%gather3A_1894, %gather3A_1895, %gather3A_1896, %gather3A_1897] : memref<2x8x32x128xf32, #tpu.memory_space<vmem>> -> memref<1x1x32x128xf32, #tpu.memory_space<vmem>>
      %gather3A_1899 = tpu.memref_squeeze %gather3A_1898 : memref<1x1x32x128xf32, #tpu.memory_space<vmem>> -> memref<32x128xf32, #tpu.memory_space<vmem>>
      %gather3A_1900 = tpu.vector_load_idx %gather3A_1899[%add3A_1893, %add3A_1890] : memref<32x128xf32, #tpu.memory_space<vmem>>[vector<16xi32>, vector<16xi32>], vector<16xf32>,
      %swap3A_1901 = arith.constant 0 : i32
      %swap3A_1902 = arith.constant 2 : i32
      %swap3A_1903 = arith.index_cast %swap3A_1901 : i32 to index
      %swap3A_1904 = arith.index_cast %swap3A_1902 : i32 to index
      %swap3A_1905 = arith.constant 0 : index
      %swap3A_1906 = tpu.vector_load %arg7[%swap3A_1903, %swap3A_1904, %swap3A_1905] {strides = array<i32>} : memref<2x8x32xf32, #tpu.memory_space<vmem>>, vector<16xf32>,
      tpu.vector_store %arg7[%swap3A_1903, %swap3A_1904, %swap3A_1905], %gather3A_1900 {strides = array<i32>} : memref<2x8x32xf32, #tpu.memory_space<vmem>>, vector<16xf32>,
      %add3A_1907 = arith.constant 16 : i32
      %add3A_1908 = vector.broadcast %add3A_1907 : i32 to vector<16xi32>
      %add3A_1909 = arith.addi %iota3A, %add3A_1908 : vector<16xi32>
      %gather3A_1910 = arith.constant 0 : i32
      %gather3A_1911 = arith.constant 2 : i32
      %gather3A_1912 = arith.constant 0 : i32
      %gather3A_1913 = arith.constant 0 : i32
      %gather3A_1914 = tpu.memref_slice %arg6[%gather3A_1910, %gather3A_1911, %gather3A_1912, %gather3A_1913] : memref<2x8x32x128xf32, #tpu.memory_space<vmem>> -> memref<1x1x32x128xf32, #tpu.memory_space<vmem>>
      %gather3A_1915 = tpu.memref_squeeze %gather3A_1914 : memref<1x1x32x128xf32, #tpu.memory_space<vmem>> -> memref<32x128xf32, #tpu.memory_space<vmem>>
      %gather3A_1916 = tpu.vector_load_idx %gather3A_1915[%add3A_1909, %add3A_1890] : memref<32x128xf32, #tpu.memory_space<vmem>>[vector<16xi32>, vector<16xi32>], vector<16xf32>,
      %swap3A_1917 = arith.constant 0 : i32
      %swap3A_1918 = arith.constant 2 : i32
      %swap3A_1919 = arith.index_cast %swap3A_1917 : i32 to index
      %swap3A_1920 = arith.index_cast %swap3A_1918 : i32 to index
      %swap3A_1921 = arith.constant 16 : index
      %swap3A_1922 = tpu.vector_load %arg7[%swap3A_1919, %swap3A_1920, %swap3A_1921] {strides = array<i32>} : memref<2x8x32xf32, #tpu.memory_space<vmem>>, vector<16xf32>,
      tpu.vector_store %arg7[%swap3A_1919, %swap3A_1920, %swap3A_1921], %gather3A_1916 {strides = array<i32>} : memref<2x8x32xf32, #tpu.memory_space<vmem>>, vector<16xf32>,
      %broadcast_in_dim3A_1923 = arith.constant 0 : i32
      %broadcast_in_dim3A_1924 = vector.broadcast %broadcast_in_dim3A_1923 : i32 to vector<16xi32>
      %slice3A_1925 = vector.extract_strided_slice %get3A_1789 {offsets = [3], sizes = [1], strides = [1]} : vector<16xi32> to vector<1xi32>
      %squeeze3A_1926 = vector.extract %slice3A_1925[0] : i32 from vector<1xi32>
      %and3A_1927 = arith.constant 127 : i32
      %and3A_1928 = arith.andi %squeeze3A_1926, %and3A_1927 : i32
      %add3A_1929 = vector.broadcast %and3A_1928 : i32 to vector<16xi32>
      %add3A_1930 = arith.addi %broadcast_in_dim3A_1924, %add3A_1929 : vector<16xi32>
      %add3A_1931 = arith.constant 0 : i32
      %add3A_1932 = vector.broadcast %add3A_1931 : i32 to vector<16xi32>
      %add3A_1933 = arith.addi %iota3A, %add3A_1932 : vector<16xi32>
      %gather3A_1934 = arith.constant 0 : i32
      %gather3A_1935 = arith.constant 3 : i32
      %gather3A_1936 = arith.constant 0 : i32
      %gather3A_1937 = arith.constant 0 : i32
      %gather3A_1938 = tpu.memref_slice %arg6[%gather3A_1934, %gather3A_1935, %gather3A_1936, %gather3A_1937] : memref<2x8x32x128xf32, #tpu.memory_space<vmem>> -> memref<1x1x32x128xf32, #tpu.memory_space<vmem>>
      %gather3A_1939 = tpu.memref_squeeze %gather3A_1938 : memref<1x1x32x128xf32, #tpu.memory_space<vmem>> -> memref<32x128xf32, #tpu.memory_space<vmem>>
      %gather3A_1940 = tpu.vector_load_idx %gather3A_1939[%add3A_1933, %add3A_1930] : memref<32x128xf32, #tpu.memory_space<vmem>>[vector<16xi32>, vector<16xi32>], vector<16xf32>,
      %swap3A_1941 = arith.constant 0 : i32
      %swap3A_1942 = arith.constant 3 : i32
      %swap3A_1943 = arith.index_cast %swap3A_1941 : i32 to index
      %swap3A_1944 = arith.index_cast %swap3A_1942 : i32 to index
      %swap3A_1945 = arith.constant 0 : index
      %swap3A_1946 = tpu.vector_load %arg7[%swap3A_1943, %swap3A_1944, %swap3A_1945] {strides = array<i32>} : memref<2x8x32xf32, #tpu.memory_space<vmem>>, vector<16xf32>,
      tpu.vector_store %arg7[%swap3A_1943, %swap3A_1944, %swap3A_1945], %gather3A_1940 {strides = array<i32>} : memref<2x8x32xf32, #tpu.memory_space<vmem>>, vector<16xf32>,
      %add3A_1947 = arith.constant 16 : i32
      %add3A_1948 = vector.broadcast %add3A_1947 : i32 to vector<16xi32>
      %add3A_1949 = arith.addi %iota3A, %add3A_1948 : vector<16xi32>
      %gather3A_1950 = arith.constant 0 : i32
      %gather3A_1951 = arith.constant 3 : i32
      %gather3A_1952 = arith.constant 0 : i32
      %gather3A_1953 = arith.constant 0 : i32
      %gather3A_1954 = tpu.memref_slice %arg6[%gather3A_1950, %gather3A_1951, %gather3A_1952, %gather3A_1953] : memref<2x8x32x128xf32, #tpu.memory_space<vmem>> -> memref<1x1x32x128xf32, #tpu.memory_space<vmem>>
      %gather3A_1955 = tpu.memref_squeeze %gather3A_1954 : memref<1x1x32x128xf32, #tpu.memory_space<vmem>> -> memref<32x128xf32, #tpu.memory_space<vmem>>
      %gather3A_1956 = tpu.vector_load_idx %gather3A_1955[%add3A_1949, %add3A_1930] : memref<32x128xf32, #tpu.memory_space<vmem>>[vector<16xi32>, vector<16xi32>], vector<16xf32>,
      %swap3A_1957 = arith.constant 0 : i32
      %swap3A_1958 = arith.constant 3 : i32
      %swap3A_1959 = arith.index_cast %swap3A_1957 : i32 to index
      %swap3A_1960 = arith.index_cast %swap3A_1958 : i32 to index
      %swap3A_1961 = arith.constant 16 : index
      %swap3A_1962 = tpu.vector_load %arg7[%swap3A_1959, %swap3A_1960, %swap3A_1961] {strides = array<i32>} : memref<2x8x32xf32, #tpu.memory_space<vmem>>, vector<16xf32>,
      tpu.vector_store %arg7[%swap3A_1959, %swap3A_1960, %swap3A_1961], %gather3A_1956 {strides = array<i32>} : memref<2x8x32xf32, #tpu.memory_space<vmem>>, vector<16xf32>,
      %broadcast_in_dim3A_1963 = arith.constant 0 : i32
      %broadcast_in_dim3A_1964 = vector.broadcast %broadcast_in_dim3A_1963 : i32 to vector<16xi32>
      %slice3A_1965 = vector.extract_strided_slice %get3A_1789 {offsets = [4], sizes = [1], strides = [1]} : vector<16xi32> to vector<1xi32>
      %squeeze3A_1966 = vector.extract %slice3A_1965[0] : i32 from vector<1xi32>
      %and3A_1967 = arith.constant 127 : i32
      %and3A_1968 = arith.andi %squeeze3A_1966, %and3A_1967 : i32
      %add3A_1969 = vector.broadcast %and3A_1968 : i32 to vector<16xi32>
      %add3A_1970 = arith.addi %broadcast_in_dim3A_1964, %add3A_1969 : vector<16xi32>
      %add3A_1971 = arith.constant 0 : i32
      %add3A_1972 = vector.broadcast %add3A_1971 : i32 to vector<16xi32>
      %add3A_1973 = arith.addi %iota3A, %add3A_1972 : vector<16xi32>
      %gather3A_1974 = arith.constant 0 : i32
      %gather3A_1975 = arith.constant 4 : i32
      %gather3A_1976 = arith.constant 0 : i32
      %gather3A_1977 = arith.constant 0 : i32
      %gather3A_1978 = tpu.memref_slice %arg6[%gather3A_1974, %gather3A_1975, %gather3A_1976, %gather3A_1977] : memref<2x8x32x128xf32, #tpu.memory_space<vmem>> -> memref<1x1x32x128xf32, #tpu.memory_space<vmem>>
      %gather3A_1979 = tpu.memref_squeeze %gather3A_1978 : memref<1x1x32x128xf32, #tpu.memory_space<vmem>> -> memref<32x128xf32, #tpu.memory_space<vmem>>
      %gather3A_1980 = tpu.vector_load_idx %gather3A_1979[%add3A_1973, %add3A_1970] : memref<32x128xf32, #tpu.memory_space<vmem>>[vector<16xi32>, vector<16xi32>], vector<16xf32>,
      %swap3A_1981 = arith.constant 0 : i32
      %swap3A_1982 = arith.constant 4 : i32
      %swap3A_1983 = arith.index_cast %swap3A_1981 : i32 to index
      %swap3A_1984 = arith.index_cast %swap3A_1982 : i32 to index
      %swap3A_1985 = arith.constant 0 : index
      %swap3A_1986 = tpu.vector_load %arg7[%swap3A_1983, %swap3A_1984, %swap3A_1985] {strides = array<i32>} : memref<2x8x32xf32, #tpu.memory_space<vmem>>, vector<16xf32>,
      tpu.vector_store %arg7[%swap3A_1983, %swap3A_1984, %swap3A_1985], %gather3A_1980 {strides = array<i32>} : memref<2x8x32xf32, #tpu.memory_space<vmem>>, vector<16xf32>,
      %add3A_1987 = arith.constant 16 : i32
      %add3A_1988 = vector.broadcast %add3A_1987 : i32 to vector<16xi32>
      %add3A_1989 = arith.addi %iota3A, %add3A_1988 : vector<16xi32>
      %gather3A_1990 = arith.constant 0 : i32
      %gather3A_1991 = arith.constant 4 : i32
      %gather3A_1992 = arith.constant 0 : i32
      %gather3A_1993 = arith.constant 0 : i32
      %gather3A_1994 = tpu.memref_slice %arg6[%gather3A_1990, %gather3A_1991, %gather3A_1992, %gather3A_1993] : memref<2x8x32x128xf32, #tpu.memory_space<vmem>> -> memref<1x1x32x128xf32, #tpu.memory_space<vmem>>
      %gather3A_1995 = tpu.memref_squeeze %gather3A_1994 : memref<1x1x32x128xf32, #tpu.memory_space<vmem>> -> memref<32x128xf32, #tpu.memory_space<vmem>>
      %gather3A_1996 = tpu.vector_load_idx %gather3A_1995[%add3A_1989, %add3A_1970] : memref<32x128xf32, #tpu.memory_space<vmem>>[vector<16xi32>, vector<16xi32>], vector<16xf32>,
      %swap3A_1997 = arith.constant 0 : i32
      %swap3A_1998 = arith.constant 4 : i32
      %swap3A_1999 = arith.index_cast %swap3A_1997 : i32 to index
      %swap3A_2000 = arith.index_cast %swap3A_1998 : i32 to index
      %swap3A_2001 = arith.constant 16 : index
      %swap3A_2002 = tpu.vector_load %arg7[%swap3A_1999, %swap3A_2000, %swap3A_2001] {strides = array<i32>} : memref<2x8x32xf32, #tpu.memory_space<vmem>>, vector<16xf32>,
      tpu.vector_store %arg7[%swap3A_1999, %swap3A_2000, %swap3A_2001], %gather3A_1996 {strides = array<i32>} : memref<2x8x32xf32, #tpu.memory_space<vmem>>, vector<16xf32>,
      %broadcast_in_dim3A_2003 = arith.constant 0 : i32
      %broadcast_in_dim3A_2004 = vector.broadcast %broadcast_in_dim3A_2003 : i32 to vector<16xi32>
      %slice3A_2005 = vector.extract_strided_slice %get3A_1789 {offsets = [5], sizes = [1], strides = [1]} : vector<16xi32> to vector<1xi32>
      %squeeze3A_2006 = vector.extract %slice3A_2005[0] : i32 from vector<1xi32>
      %and3A_2007 = arith.constant 127 : i32
      %and3A_2008 = arith.andi %squeeze3A_2006, %and3A_2007 : i32
      %add3A_2009 = vector.broadcast %and3A_2008 : i32 to vector<16xi32>
      %add3A_2010 = arith.addi %broadcast_in_dim3A_2004, %add3A_2009 : vector<16xi32>
      %add3A_2011 = arith.constant 0 : i32
      %add3A_2012 = vector.broadcast %add3A_2011 : i32 to vector<16xi32>
      %add3A_2013 = arith.addi %iota3A, %add3A_2012 : vector<16xi32>
      %gather3A_2014 = arith.constant 0 : i32
      %gather3A_2015 = arith.constant 5 : i32
      %gather3A_2016 = arith.constant 0 : i32
      %gather3A_2017 = arith.constant 0 : i32
      %gather3A_2018 = tpu.memref_slice %arg6[%gather3A_2014, %gather3A_2015, %gather3A_2016, %gather3A_2017] : memref<2x8x32x128xf32, #tpu.memory_space<vmem>> -> memref<1x1x32x128xf32, #tpu.memory_space<vmem>>
      %gather3A_2019 = tpu.memref_squeeze %gather3A_2018 : memref<1x1x32x128xf32, #tpu.memory_space<vmem>> -> memref<32x128xf32, #tpu.memory_space<vmem>>
      %gather3A_2020 = tpu.vector_load_idx %gather3A_2019[%add3A_2013, %add3A_2010] : memref<32x128xf32, #tpu.memory_space<vmem>>[vector<16xi32>, vector<16xi32>], vector<16xf32>,
      %swap3A_2021 = arith.constant 0 : i32
      %swap3A_2022 = arith.constant 5 : i32
      %swap3A_2023 = arith.index_cast %swap3A_2021 : i32 to index
      %swap3A_2024 = arith.index_cast %swap3A_2022 : i32 to index
      %swap3A_2025 = arith.constant 0 : index
      %swap3A_2026 = tpu.vector_load %arg7[%swap3A_2023, %swap3A_2024, %swap3A_2025] {strides = array<i32>} : memref<2x8x32xf32, #tpu.memory_space<vmem>>, vector<16xf32>,
      tpu.vector_store %arg7[%swap3A_2023, %swap3A_2024, %swap3A_2025], %gather3A_2020 {strides = array<i32>} : memref<2x8x32xf32, #tpu.memory_space<vmem>>, vector<16xf32>,
      %add3A_2027 = arith.constant 16 : i32
      %add3A_2028 = vector.broadcast %add3A_2027 : i32 to vector<16xi32>
      %add3A_2029 = arith.addi %iota3A, %add3A_2028 : vector<16xi32>
      %gather3A_2030 = arith.constant 0 : i32
      %gather3A_2031 = arith.constant 5 : i32
      %gather3A_2032 = arith.constant 0 : i32
      %gather3A_2033 = arith.constant 0 : i32
      %gather3A_2034 = tpu.memref_slice %arg6[%gather3A_2030, %gather3A_2031, %gather3A_2032, %gather3A_2033] : memref<2x8x32x128xf32, #tpu.memory_space<vmem>> -> memref<1x1x32x128xf32, #tpu.memory_space<vmem>>
      %gather3A_2035 = tpu.memref_squeeze %gather3A_2034 : memref<1x1x32x128xf32, #tpu.memory_space<vmem>> -> memref<32x128xf32, #tpu.memory_space<vmem>>
      %gather3A_2036 = tpu.vector_load_idx %gather3A_2035[%add3A_2029, %add3A_2010] : memref<32x128xf32, #tpu.memory_space<vmem>>[vector<16xi32>, vector<16xi32>], vector<16xf32>,
      %swap3A_2037 = arith.constant 0 : i32
      %swap3A_2038 = arith.constant 5 : i32
      %swap3A_2039 = arith.index_cast %swap3A_2037 : i32 to index
      %swap3A_2040 = arith.index_cast %swap3A_2038 : i32 to index
      %swap3A_2041 = arith.constant 16 : index
      %swap3A_2042 = tpu.vector_load %arg7[%swap3A_2039, %swap3A_2040, %swap3A_2041] {strides = array<i32>} : memref<2x8x32xf32, #tpu.memory_space<vmem>>, vector<16xf32>,
      tpu.vector_store %arg7[%swap3A_2039, %swap3A_2040, %swap3A_2041], %gather3A_2036 {strides = array<i32>} : memref<2x8x32xf32, #tpu.memory_space<vmem>>, vector<16xf32>,
      %broadcast_in_dim3A_2043 = arith.constant 0 : i32
      %broadcast_in_dim3A_2044 = vector.broadcast %broadcast_in_dim3A_2043 : i32 to vector<16xi32>
      %slice3A_2045 = vector.extract_strided_slice %get3A_1789 {offsets = [6], sizes = [1], strides = [1]} : vector<16xi32> to vector<1xi32>
      %squeeze3A_2046 = vector.extract %slice3A_2045[0] : i32 from vector<1xi32>
      %and3A_2047 = arith.constant 127 : i32
      %and3A_2048 = arith.andi %squeeze3A_2046, %and3A_2047 : i32
      %add3A_2049 = vector.broadcast %and3A_2048 : i32 to vector<16xi32>
      %add3A_2050 = arith.addi %broadcast_in_dim3A_2044, %add3A_2049 : vector<16xi32>
      %add3A_2051 = arith.constant 0 : i32
      %add3A_2052 = vector.broadcast %add3A_2051 : i32 to vector<16xi32>
      %add3A_2053 = arith.addi %iota3A, %add3A_2052 : vector<16xi32>
      %gather3A_2054 = arith.constant 0 : i32
      %gather3A_2055 = arith.constant 6 : i32
      %gather3A_2056 = arith.constant 0 : i32
      %gather3A_2057 = arith.constant 0 : i32
      %gather3A_2058 = tpu.memref_slice %arg6[%gather3A_2054, %gather3A_2055, %gather3A_2056, %gather3A_2057] : memref<2x8x32x128xf32, #tpu.memory_space<vmem>> -> memref<1x1x32x128xf32, #tpu.memory_space<vmem>>
      %gather3A_2059 = tpu.memref_squeeze %gather3A_2058 : memref<1x1x32x128xf32, #tpu.memory_space<vmem>> -> memref<32x128xf32, #tpu.memory_space<vmem>>
      %gather3A_2060 = tpu.vector_load_idx %gather3A_2059[%add3A_2053, %add3A_2050] : memref<32x128xf32, #tpu.memory_space<vmem>>[vector<16xi32>, vector<16xi32>], vector<16xf32>,
      %swap3A_2061 = arith.constant 0 : i32
      %swap3A_2062 = arith.constant 6 : i32
      %swap3A_2063 = arith.index_cast %swap3A_2061 : i32 to index
      %swap3A_2064 = arith.index_cast %swap3A_2062 : i32 to index
      %swap3A_2065 = arith.constant 0 : index
      %swap3A_2066 = tpu.vector_load %arg7[%swap3A_2063, %swap3A_2064, %swap3A_2065] {strides = array<i32>} : memref<2x8x32xf32, #tpu.memory_space<vmem>>, vector<16xf32>,
      tpu.vector_store %arg7[%swap3A_2063, %swap3A_2064, %swap3A_2065], %gather3A_2060 {strides = array<i32>} : memref<2x8x32xf32, #tpu.memory_space<vmem>>, vector<16xf32>,
      %add3A_2067 = arith.constant 16 : i32
      %add3A_2068 = vector.broadcast %add3A_2067 : i32 to vector<16xi32>
      %add3A_2069 = arith.addi %iota3A, %add3A_2068 : vector<16xi32>
      %gather3A_2070 = arith.constant 0 : i32
      %gather3A_2071 = arith.constant 6 : i32
      %gather3A_2072 = arith.constant 0 : i32
      %gather3A_2073 = arith.constant 0 : i32
      %gather3A_2074 = tpu.memref_slice %arg6[%gather3A_2070, %gather3A_2071, %gather3A_2072, %gather3A_2073] : memref<2x8x32x128xf32, #tpu.memory_space<vmem>> -> memref<1x1x32x128xf32, #tpu.memory_space<vmem>>
      %gather3A_2075 = tpu.memref_squeeze %gather3A_2074 : memref<1x1x32x128xf32, #tpu.memory_space<vmem>> -> memref<32x128xf32, #tpu.memory_space<vmem>>
      %gather3A_2076 = tpu.vector_load_idx %gather3A_2075[%add3A_2069, %add3A_2050] : memref<32x128xf32, #tpu.memory_space<vmem>>[vector<16xi32>, vector<16xi32>], vector<16xf32>,
      %swap3A_2077 = arith.constant 0 : i32
      %swap3A_2078 = arith.constant 6 : i32
      %swap3A_2079 = arith.index_cast %swap3A_2077 : i32 to index
      %swap3A_2080 = arith.index_cast %swap3A_2078 : i32 to index
      %swap3A_2081 = arith.constant 16 : index
      %swap3A_2082 = tpu.vector_load %arg7[%swap3A_2079, %swap3A_2080, %swap3A_2081] {strides = array<i32>} : memref<2x8x32xf32, #tpu.memory_space<vmem>>, vector<16xf32>,
      tpu.vector_store %arg7[%swap3A_2079, %swap3A_2080, %swap3A_2081], %gather3A_2076 {strides = array<i32>} : memref<2x8x32xf32, #tpu.memory_space<vmem>>, vector<16xf32>,
      %broadcast_in_dim3A_2083 = arith.constant 0 : i32
      %broadcast_in_dim3A_2084 = vector.broadcast %broadcast_in_dim3A_2083 : i32 to vector<16xi32>
      %slice3A_2085 = vector.extract_strided_slice %get3A_1789 {offsets = [7], sizes = [1], strides = [1]} : vector<16xi32> to vector<1xi32>
      %squeeze3A_2086 = vector.extract %slice3A_2085[0] : i32 from vector<1xi32>
      %and3A_2087 = arith.constant 127 : i32
      %and3A_2088 = arith.andi %squeeze3A_2086, %and3A_2087 : i32
      %add3A_2089 = vector.broadcast %and3A_2088 : i32 to vector<16xi32>
      %add3A_2090 = arith.addi %broadcast_in_dim3A_2084, %add3A_2089 : vector<16xi32>
      %add3A_2091 = arith.constant 0 : i32
      %add3A_2092 = vector.broadcast %add3A_2091 : i32 to vector<16xi32>
      %add3A_2093 = arith.addi %iota3A, %add3A_2092 : vector<16xi32>
      %gather3A_2094 = arith.constant 0 : i32
      %gather3A_2095 = arith.constant 7 : i32
      %gather3A_2096 = arith.constant 0 : i32
      %gather3A_2097 = arith.constant 0 : i32
      %gather3A_2098 = tpu.memref_slice %arg6[%gather3A_2094, %gather3A_2095, %gather3A_2096, %gather3A_2097] : memref<2x8x32x128xf32, #tpu.memory_space<vmem>> -> memref<1x1x32x128xf32, #tpu.memory_space<vmem>>
      %gather3A_2099 = tpu.memref_squeeze %gather3A_2098 : memref<1x1x32x128xf32, #tpu.memory_space<vmem>> -> memref<32x128xf32, #tpu.memory_space<vmem>>
      %gather3A_2100 = tpu.vector_load_idx %gather3A_2099[%add3A_2093, %add3A_2090] : memref<32x128xf32, #tpu.memory_space<vmem>>[vector<16xi32>, vector<16xi32>], vector<16xf32>,
      %swap3A_2101 = arith.constant 0 : i32
      %swap3A_2102 = arith.constant 7 : i32
      %swap3A_2103 = arith.index_cast %swap3A_2101 : i32 to index
      %swap3A_2104 = arith.index_cast %swap3A_2102 : i32 to index
      %swap3A_2105 = arith.constant 0 : index
      %swap3A_2106 = tpu.vector_load %arg7[%swap3A_2103, %swap3A_2104, %swap3A_2105] {strides = array<i32>} : memref<2x8x32xf32, #tpu.memory_space<vmem>>, vector<16xf32>,
      tpu.vector_store %arg7[%swap3A_2103, %swap3A_2104, %swap3A_2105], %gather3A_2100 {strides = array<i32>} : memref<2x8x32xf32, #tpu.memory_space<vmem>>, vector<16xf32>,
      %add3A_2107 = arith.constant 16 : i32
      %add3A_2108 = vector.broadcast %add3A_2107 : i32 to vector<16xi32>
      %add3A_2109 = arith.addi %iota3A, %add3A_2108 : vector<16xi32>
      %gather3A_2110 = arith.constant 0 : i32
      %gather3A_2111 = arith.constant 7 : i32
      %gather3A_2112 = arith.constant 0 : i32
      %gather3A_2113 = arith.constant 0 : i32
      %gather3A_2114 = tpu.memref_slice %arg6[%gather3A_2110, %gather3A_2111, %gather3A_2112, %gather3A_2113] : memref<2x8x32x128xf32, #tpu.memory_space<vmem>> -> memref<1x1x32x128xf32, #tpu.memory_space<vmem>>
      %gather3A_2115 = tpu.memref_squeeze %gather3A_2114 : memref<1x1x32x128xf32, #tpu.memory_space<vmem>> -> memref<32x128xf32, #tpu.memory_space<vmem>>
      %gather3A_2116 = tpu.vector_load_idx %gather3A_2115[%add3A_2109, %add3A_2090] : memref<32x128xf32, #tpu.memory_space<vmem>>[vector<16xi32>, vector<16xi32>], vector<16xf32>,
      %swap3A_2117 = arith.constant 0 : i32
      %swap3A_2118 = arith.constant 7 : i32
      %swap3A_2119 = arith.index_cast %swap3A_2117 : i32 to index
      %swap3A_2120 = arith.index_cast %swap3A_2118 : i32 to index
      %swap3A_2121 = arith.constant 16 : index
      %swap3A_2122 = tpu.vector_load %arg7[%swap3A_2119, %swap3A_2120, %swap3A_2121] {strides = array<i32>} : memref<2x8x32xf32, #tpu.memory_space<vmem>>, vector<16xf32>,
      tpu.vector_store %arg7[%swap3A_2119, %swap3A_2120, %swap3A_2121], %gather3A_2116 {strides = array<i32>} : memref<2x8x32xf32, #tpu.memory_space<vmem>>, vector<16xf32>,
      %mul3A_2123 = arith.constant 8 : i32
      %mul3A_2124 = arith.muli %add3A_1784, %mul3A_2123 : i32
      %add3A_2125 = arith.addi %mul3A_2, %mul3A_2124 : i32
      %dma_start3A_2126 = arith.constant 0 : i32
      %dma_start3A_2127 = arith.constant 0 : i32
      %dma_start3A_2128 = arith.constant 0 : i32
      %dma_start3A_2129 = tpu.memref_slice %arg7[%dma_start3A_2126, %dma_start3A_2127, %dma_start3A_2128] : memref<2x8x32xf32, #tpu.memory_space<vmem>> -> memref<1x8x32xf32, #tpu.memory_space<vmem>>
      %dma_start3A_2130 = tpu.memref_squeeze %dma_start3A_2129 : memref<1x8x32xf32, #tpu.memory_space<vmem>> -> memref<8x32xf32, #tpu.memory_space<vmem>>
      %dma_start3A_2131 = arith.constant 0 : i32
      %dma_start3A_2132 = tpu.memref_slice %arg4[%add3A_2125, %dma_start3A_2131] : memref<16384x32xf32, #tpu.memory_space<hbm>> -> memref<8x32xf32, #tpu.memory_space<hbm>>
      %dma_start3A_2133 = arith.constant 0 : i32
      %dma_start3A_2134 = tpu.memref_slice %arg4[%add3A_2125, %dma_start3A_2133] : memref<16384x32xf32, #tpu.memory_space<hbm>> -> memref<8x32xf32, #tpu.memory_space<hbm>>
      %dma_start3A_2135 = arith.constant 0 : i32
      %dma_start3A_2136 = arith.constant 0 : i32
      %dma_start3A_2137 = tpu.memref_slice %arg7[%dma_start3A_2126, %dma_start3A_2135, %dma_start3A_2136] : memref<2x8x32xf32, #tpu.memory_space<vmem>> -> memref<1x8x32xf32, #tpu.memory_space<vmem>>
      %dma_start3A_2138 = tpu.memref_squeeze %dma_start3A_2137 : memref<1x8x32xf32, #tpu.memory_space<vmem>> -> memref<8x32xf32, #tpu.memory_space<vmem>>
      tpu.enqueue_dma source(%dma_start3A_2138 : memref<8x32xf32, #tpu.memory_space<vmem>>) target(%dma_start3A_2134 : memref<8x32xf32, #tpu.memory_space<hbm>>) target_semaphore(%arg10 : memref<!tpu.dma_semaphore, #tpu.memory_space<semaphore_mem>>)
      %lt3A = arith.constant 30 : i32
      %lt3A_2139 = arith.cmpi slt, %scan3A_1474, %lt3A : i32
      %convert_element_type3A = arith.extui %lt3A_2139 : i1 to i32
      %cond3A = arith.constant 0 : i32
      %cond3A_2140 = arith.cmpi ne, %convert_element_type3A, %cond3A : i32
      scf.if %cond3A_2140 {
        %mul3A_2628 = arith.constant 2 : i32
        %mul3A_2629 = arith.muli %mul3A_2628, %scan3A_1474 : i32
        %add3A_2630 = arith.constant 4 : i32
        %add3A_2631 = arith.addi %mul3A_2629, %add3A_2630 : i32
        %mul3A_2632 = arith.constant 8 : i32
        %mul3A_2633 = arith.muli %add3A_2631, %mul3A_2632 : i32
        %multiple_of3A_2634 = tpu.assume_multiple %mul3A_2633, 8 : i32
        %get3A_2635 = arith.index_cast %multiple_of3A_2634 : i32 to index
        %get3A_2636 = tpu.vector_load %arg5[%get3A_2635] {strides = array<i32>} : memref<528xi32, #tpu.memory_space<vmem>>, vector<16xi32>,
        %slice3A_2637 = vector.extract_strided_slice %get3A_2636 {offsets = [0], sizes = [1], strides = [1]} : vector<16xi32> to vector<1xi32>
        %squeeze3A_2638 = vector.extract %slice3A_2637[0] : i32 from vector<1xi32>
        %shift_right_arithmetic3A_2639 = arith.constant 7 : i32
        %shift_right_arithmetic3A_2640 = arith.shrsi %squeeze3A_2638, %shift_right_arithmetic3A_2639 : i32
        %mul3A_2641 = arith.constant 128 : i32
        %mul3A_2642 = arith.muli %shift_right_arithmetic3A_2640, %mul3A_2641 : i32
        %multiple_of3A_2643 = tpu.assume_multiple %mul3A_2642, 128 : i32
        %dma_start3A_2644 = arith.constant 0 : i32
        %dma_start3A_2645 = arith.constant 0 : i32
        %dma_start3A_2646 = arith.constant 0 : i32
        %dma_start3A_2647 = arith.constant 0 : i32
        %dma_start3A_2648 = tpu.memref_slice %arg6[%dma_start3A_2644, %dma_start3A_2645, %dma_start3A_2646, %dma_start3A_2647] : memref<2x8x32x128xf32, #tpu.memory_space<vmem>> -> memref<1x1x32x128xf32, #tpu.memory_space<vmem>>
        %dma_start3A_2649 = tpu.memref_squeeze %dma_start3A_2648 : memref<1x1x32x128xf32, #tpu.memory_space<vmem>> -> memref<32x128xf32, #tpu.memory_space<vmem>>
        %dma_start3A_2650 = arith.constant 0 : i32
        %dma_start3A_2651 = tpu.memref_slice %arg3[%dma_start3A_2650, %multiple_of3A_2643] : memref<32x1000000xf32, #tpu.memory_space<hbm>> -> memref<32x128xf32, #tpu.memory_space<hbm>>
        %dma_start3A_2652 = arith.constant 0 : i32
        %dma_start3A_2653 = arith.constant 0 : i32
        %dma_start3A_2654 = tpu.memref_slice %arg6[%dma_start3A_2644, %dma_start3A_2645, %dma_start3A_2652, %dma_start3A_2653] : memref<2x8x32x128xf32, #tpu.memory_space<vmem>> -> memref<1x1x32x128xf32, #tpu.memory_space<vmem>>
        %dma_start3A_2655 = tpu.memref_squeeze %dma_start3A_2654 : memref<1x1x32x128xf32, #tpu.memory_space<vmem>> -> memref<32x128xf32, #tpu.memory_space<vmem>>
        %dma_start3A_2656 = arith.constant 0 : i32
        %dma_start3A_2657 = tpu.memref_slice %arg3[%dma_start3A_2656, %multiple_of3A_2643] : memref<32x1000000xf32, #tpu.memory_space<hbm>> -> memref<32x128xf32, #tpu.memory_space<hbm>>
        tpu.enqueue_dma source(%dma_start3A_2657 : memref<32x128xf32, #tpu.memory_space<hbm>>) target(%dma_start3A_2655 : memref<32x128xf32, #tpu.memory_space<vmem>>) target_semaphore(%arg8 : memref<!tpu.dma_semaphore, #tpu.memory_space<semaphore_mem>>)
        %slice3A_2658 = vector.extract_strided_slice %get3A_2636 {offsets = [1], sizes = [1], strides = [1]} : vector<16xi32> to vector<1xi32>
        %squeeze3A_2659 = vector.extract %slice3A_2658[0] : i32 from vector<1xi32>
        %shift_right_arithmetic3A_2660 = arith.constant 7 : i32
        %shift_right_arithmetic3A_2661 = arith.shrsi %squeeze3A_2659, %shift_right_arithmetic3A_2660 : i32
        %mul3A_2662 = arith.constant 128 : i32
        %mul3A_2663 = arith.muli %shift_right_arithmetic3A_2661, %mul3A_2662 : i32
        %multiple_of3A_2664 = tpu.assume_multiple %mul3A_2663, 128 : i32
        %dma_start3A_2665 = arith.constant 0 : i32
        %dma_start3A_2666 = arith.constant 1 : i32
        %dma_start3A_2667 = arith.constant 0 : i32
        %dma_start3A_2668 = arith.constant 0 : i32
        %dma_start3A_2669 = tpu.memref_slice %arg6[%dma_start3A_2665, %dma_start3A_2666, %dma_start3A_2667, %dma_start3A_2668] : memref<2x8x32x128xf32, #tpu.memory_space<vmem>> -> memref<1x1x32x128xf32, #tpu.memory_space<vmem>>
        %dma_start3A_2670 = tpu.memref_squeeze %dma_start3A_2669 : memref<1x1x32x128xf32, #tpu.memory_space<vmem>> -> memref<32x128xf32, #tpu.memory_space<vmem>>
        %dma_start3A_2671 = arith.constant 0 : i32
        %dma_start3A_2672 = tpu.memref_slice %arg3[%dma_start3A_2671, %multiple_of3A_2664] : memref<32x1000000xf32, #tpu.memory_space<hbm>> -> memref<32x128xf32, #tpu.memory_space<hbm>>
        %dma_start3A_2673 = arith.constant 0 : i32
        %dma_start3A_2674 = arith.constant 0 : i32
        %dma_start3A_2675 = tpu.memref_slice %arg6[%dma_start3A_2665, %dma_start3A_2666, %dma_start3A_2673, %dma_start3A_2674] : memref<2x8x32x128xf32, #tpu.memory_space<vmem>> -> memref<1x1x32x128xf32, #tpu.memory_space<vmem>>
        %dma_start3A_2676 = tpu.memref_squeeze %dma_start3A_2675 : memref<1x1x32x128xf32, #tpu.memory_space<vmem>> -> memref<32x128xf32, #tpu.memory_space<vmem>>
        %dma_start3A_2677 = arith.constant 0 : i32
        %dma_start3A_2678 = tpu.memref_slice %arg3[%dma_start3A_2677, %multiple_of3A_2664] : memref<32x1000000xf32, #tpu.memory_space<hbm>> -> memref<32x128xf32, #tpu.memory_space<hbm>>
        tpu.enqueue_dma source(%dma_start3A_2678 : memref<32x128xf32, #tpu.memory_space<hbm>>) target(%dma_start3A_2676 : memref<32x128xf32, #tpu.memory_space<vmem>>) target_semaphore(%arg8 : memref<!tpu.dma_semaphore, #tpu.memory_space<semaphore_mem>>)
        %slice3A_2679 = vector.extract_strided_slice %get3A_2636 {offsets = [2], sizes = [1], strides = [1]} : vector<16xi32> to vector<1xi32>
        %squeeze3A_2680 = vector.extract %slice3A_2679[0] : i32 from vector<1xi32>
        %shift_right_arithmetic3A_2681 = arith.constant 7 : i32
        %shift_right_arithmetic3A_2682 = arith.shrsi %squeeze3A_2680, %shift_right_arithmetic3A_2681 : i32
        %mul3A_2683 = arith.constant 128 : i32
        %mul3A_2684 = arith.muli %shift_right_arithmetic3A_2682, %mul3A_2683 : i32
        %multiple_of3A_2685 = tpu.assume_multiple %mul3A_2684, 128 : i32
        %dma_start3A_2686 = arith.constant 0 : i32
        %dma_start3A_2687 = arith.constant 2 : i32
        %dma_start3A_2688 = arith.constant 0 : i32
        %dma_start3A_2689 = arith.constant 0 : i32
        %dma_start3A_2690 = tpu.memref_slice %arg6[%dma_start3A_2686, %dma_start3A_2687, %dma_start3A_2688, %dma_start3A_2689] : memref<2x8x32x128xf32, #tpu.memory_space<vmem>> -> memref<1x1x32x128xf32, #tpu.memory_space<vmem>>
        %dma_start3A_2691 = tpu.memref_squeeze %dma_start3A_2690 : memref<1x1x32x128xf32, #tpu.memory_space<vmem>> -> memref<32x128xf32, #tpu.memory_space<vmem>>
        %dma_start3A_2692 = arith.constant 0 : i32
        %dma_start3A_2693 = tpu.memref_slice %arg3[%dma_start3A_2692, %multiple_of3A_2685] : memref<32x1000000xf32, #tpu.memory_space<hbm>> -> memref<32x128xf32, #tpu.memory_space<hbm>>
        %dma_start3A_2694 = arith.constant 0 : i32
        %dma_start3A_2695 = arith.constant 0 : i32
        %dma_start3A_2696 = tpu.memref_slice %arg6[%dma_start3A_2686, %dma_start3A_2687, %dma_start3A_2694, %dma_start3A_2695] : memref<2x8x32x128xf32, #tpu.memory_space<vmem>> -> memref<1x1x32x128xf32, #tpu.memory_space<vmem>>
        %dma_start3A_2697 = tpu.memref_squeeze %dma_start3A_2696 : memref<1x1x32x128xf32, #tpu.memory_space<vmem>> -> memref<32x128xf32, #tpu.memory_space<vmem>>
        %dma_start3A_2698 = arith.constant 0 : i32
        %dma_start3A_2699 = tpu.memref_slice %arg3[%dma_start3A_2698, %multiple_of3A_2685] : memref<32x1000000xf32, #tpu.memory_space<hbm>> -> memref<32x128xf32, #tpu.memory_space<hbm>>
        tpu.enqueue_dma source(%dma_start3A_2699 : memref<32x128xf32, #tpu.memory_space<hbm>>) target(%dma_start3A_2697 : memref<32x128xf32, #tpu.memory_space<vmem>>) target_semaphore(%arg8 : memref<!tpu.dma_semaphore, #tpu.memory_space<semaphore_mem>>)
        %slice3A_2700 = vector.extract_strided_slice %get3A_2636 {offsets = [3], sizes = [1], strides = [1]} : vector<16xi32> to vector<1xi32>
        %squeeze3A_2701 = vector.extract %slice3A_2700[0] : i32 from vector<1xi32>
        %shift_right_arithmetic3A_2702 = arith.constant 7 : i32
        %shift_right_arithmetic3A_2703 = arith.shrsi %squeeze3A_2701, %shift_right_arithmetic3A_2702 : i32
        %mul3A_2704 = arith.constant 128 : i32
        %mul3A_2705 = arith.muli %shift_right_arithmetic3A_2703, %mul3A_2704 : i32
        %multiple_of3A_2706 = tpu.assume_multiple %mul3A_2705, 128 : i32
        %dma_start3A_2707 = arith.constant 0 : i32
        %dma_start3A_2708 = arith.constant 3 : i32
        %dma_start3A_2709 = arith.constant 0 : i32
        %dma_start3A_2710 = arith.constant 0 : i32
        %dma_start3A_2711 = tpu.memref_slice %arg6[%dma_start3A_2707, %dma_start3A_2708, %dma_start3A_2709, %dma_start3A_2710] : memref<2x8x32x128xf32, #tpu.memory_space<vmem>> -> memref<1x1x32x128xf32, #tpu.memory_space<vmem>>
        %dma_start3A_2712 = tpu.memref_squeeze %dma_start3A_2711 : memref<1x1x32x128xf32, #tpu.memory_space<vmem>> -> memref<32x128xf32, #tpu.memory_space<vmem>>
        %dma_start3A_2713 = arith.constant 0 : i32
        %dma_start3A_2714 = tpu.memref_slice %arg3[%dma_start3A_2713, %multiple_of3A_2706] : memref<32x1000000xf32, #tpu.memory_space<hbm>> -> memref<32x128xf32, #tpu.memory_space<hbm>>
        %dma_start3A_2715 = arith.constant 0 : i32
        %dma_start3A_2716 = arith.constant 0 : i32
        %dma_start3A_2717 = tpu.memref_slice %arg6[%dma_start3A_2707, %dma_start3A_2708, %dma_start3A_2715, %dma_start3A_2716] : memref<2x8x32x128xf32, #tpu.memory_space<vmem>> -> memref<1x1x32x128xf32, #tpu.memory_space<vmem>>
        %dma_start3A_2718 = tpu.memref_squeeze %dma_start3A_2717 : memref<1x1x32x128xf32, #tpu.memory_space<vmem>> -> memref<32x128xf32, #tpu.memory_space<vmem>>
        %dma_start3A_2719 = arith.constant 0 : i32
        %dma_start3A_2720 = tpu.memref_slice %arg3[%dma_start3A_2719, %multiple_of3A_2706] : memref<32x1000000xf32, #tpu.memory_space<hbm>> -> memref<32x128xf32, #tpu.memory_space<hbm>>
        tpu.enqueue_dma source(%dma_start3A_2720 : memref<32x128xf32, #tpu.memory_space<hbm>>) target(%dma_start3A_2718 : memref<32x128xf32, #tpu.memory_space<vmem>>) target_semaphore(%arg8 : memref<!tpu.dma_semaphore, #tpu.memory_space<semaphore_mem>>)
        %slice3A_2721 = vector.extract_strided_slice %get3A_2636 {offsets = [4], sizes = [1], strides = [1]} : vector<16xi32> to vector<1xi32>
        %squeeze3A_2722 = vector.extract %slice3A_2721[0] : i32 from vector<1xi32>
        %shift_right_arithmetic3A_2723 = arith.constant 7 : i32
        %shift_right_arithmetic3A_2724 = arith.shrsi %squeeze3A_2722, %shift_right_arithmetic3A_2723 : i32
        %mul3A_2725 = arith.constant 128 : i32
        %mul3A_2726 = arith.muli %shift_right_arithmetic3A_2724, %mul3A_2725 : i32
        %multiple_of3A_2727 = tpu.assume_multiple %mul3A_2726, 128 : i32
        %dma_start3A_2728 = arith.constant 0 : i32
        %dma_start3A_2729 = arith.constant 4 : i32
        %dma_start3A_2730 = arith.constant 0 : i32
        %dma_start3A_2731 = arith.constant 0 : i32
        %dma_start3A_2732 = tpu.memref_slice %arg6[%dma_start3A_2728, %dma_start3A_2729, %dma_start3A_2730, %dma_start3A_2731] : memref<2x8x32x128xf32, #tpu.memory_space<vmem>> -> memref<1x1x32x128xf32, #tpu.memory_space<vmem>>
        %dma_start3A_2733 = tpu.memref_squeeze %dma_start3A_2732 : memref<1x1x32x128xf32, #tpu.memory_space<vmem>> -> memref<32x128xf32, #tpu.memory_space<vmem>>
        %dma_start3A_2734 = arith.constant 0 : i32
        %dma_start3A_2735 = tpu.memref_slice %arg3[%dma_start3A_2734, %multiple_of3A_2727] : memref<32x1000000xf32, #tpu.memory_space<hbm>> -> memref<32x128xf32, #tpu.memory_space<hbm>>
        %dma_start3A_2736 = arith.constant 0 : i32
        %dma_start3A_2737 = arith.constant 0 : i32
        %dma_start3A_2738 = tpu.memref_slice %arg6[%dma_start3A_2728, %dma_start3A_2729, %dma_start3A_2736, %dma_start3A_2737] : memref<2x8x32x128xf32, #tpu.memory_space<vmem>> -> memref<1x1x32x128xf32, #tpu.memory_space<vmem>>
        %dma_start3A_2739 = tpu.memref_squeeze %dma_start3A_2738 : memref<1x1x32x128xf32, #tpu.memory_space<vmem>> -> memref<32x128xf32, #tpu.memory_space<vmem>>
        %dma_start3A_2740 = arith.constant 0 : i32
        %dma_start3A_2741 = tpu.memref_slice %arg3[%dma_start3A_2740, %multiple_of3A_2727] : memref<32x1000000xf32, #tpu.memory_space<hbm>> -> memref<32x128xf32, #tpu.memory_space<hbm>>
        tpu.enqueue_dma source(%dma_start3A_2741 : memref<32x128xf32, #tpu.memory_space<hbm>>) target(%dma_start3A_2739 : memref<32x128xf32, #tpu.memory_space<vmem>>) target_semaphore(%arg8 : memref<!tpu.dma_semaphore, #tpu.memory_space<semaphore_mem>>)
        %slice3A_2742 = vector.extract_strided_slice %get3A_2636 {offsets = [5], sizes = [1], strides = [1]} : vector<16xi32> to vector<1xi32>
        %squeeze3A_2743 = vector.extract %slice3A_2742[0] : i32 from vector<1xi32>
        %shift_right_arithmetic3A_2744 = arith.constant 7 : i32
        %shift_right_arithmetic3A_2745 = arith.shrsi %squeeze3A_2743, %shift_right_arithmetic3A_2744 : i32
        %mul3A_2746 = arith.constant 128 : i32
        %mul3A_2747 = arith.muli %shift_right_arithmetic3A_2745, %mul3A_2746 : i32
        %multiple_of3A_2748 = tpu.assume_multiple %mul3A_2747, 128 : i32
        %dma_start3A_2749 = arith.constant 0 : i32
        %dma_start3A_2750 = arith.constant 5 : i32
        %dma_start3A_2751 = arith.constant 0 : i32
        %dma_start3A_2752 = arith.constant 0 : i32
        %dma_start3A_2753 = tpu.memref_slice %arg6[%dma_start3A_2749, %dma_start3A_2750, %dma_start3A_2751, %dma_start3A_2752] : memref<2x8x32x128xf32, #tpu.memory_space<vmem>> -> memref<1x1x32x128xf32, #tpu.memory_space<vmem>>
        %dma_start3A_2754 = tpu.memref_squeeze %dma_start3A_2753 : memref<1x1x32x128xf32, #tpu.memory_space<vmem>> -> memref<32x128xf32, #tpu.memory_space<vmem>>
        %dma_start3A_2755 = arith.constant 0 : i32
        %dma_start3A_2756 = tpu.memref_slice %arg3[%dma_start3A_2755, %multiple_of3A_2748] : memref<32x1000000xf32, #tpu.memory_space<hbm>> -> memref<32x128xf32, #tpu.memory_space<hbm>>
        %dma_start3A_2757 = arith.constant 0 : i32
        %dma_start3A_2758 = arith.constant 0 : i32
        %dma_start3A_2759 = tpu.memref_slice %arg6[%dma_start3A_2749, %dma_start3A_2750, %dma_start3A_2757, %dma_start3A_2758] : memref<2x8x32x128xf32, #tpu.memory_space<vmem>> -> memref<1x1x32x128xf32, #tpu.memory_space<vmem>>
        %dma_start3A_2760 = tpu.memref_squeeze %dma_start3A_2759 : memref<1x1x32x128xf32, #tpu.memory_space<vmem>> -> memref<32x128xf32, #tpu.memory_space<vmem>>
        %dma_start3A_2761 = arith.constant 0 : i32
        %dma_start3A_2762 = tpu.memref_slice %arg3[%dma_start3A_2761, %multiple_of3A_2748] : memref<32x1000000xf32, #tpu.memory_space<hbm>> -> memref<32x128xf32, #tpu.memory_space<hbm>>
        tpu.enqueue_dma source(%dma_start3A_2762 : memref<32x128xf32, #tpu.memory_space<hbm>>) target(%dma_start3A_2760 : memref<32x128xf32, #tpu.memory_space<vmem>>) target_semaphore(%arg8 : memref<!tpu.dma_semaphore, #tpu.memory_space<semaphore_mem>>)
        %slice3A_2763 = vector.extract_strided_slice %get3A_2636 {offsets = [6], sizes = [1], strides = [1]} : vector<16xi32> to vector<1xi32>
        %squeeze3A_2764 = vector.extract %slice3A_2763[0] : i32 from vector<1xi32>
        %shift_right_arithmetic3A_2765 = arith.constant 7 : i32
        %shift_right_arithmetic3A_2766 = arith.shrsi %squeeze3A_2764, %shift_right_arithmetic3A_2765 : i32
        %mul3A_2767 = arith.constant 128 : i32
        %mul3A_2768 = arith.muli %shift_right_arithmetic3A_2766, %mul3A_2767 : i32
        %multiple_of3A_2769 = tpu.assume_multiple %mul3A_2768, 128 : i32
        %dma_start3A_2770 = arith.constant 0 : i32
        %dma_start3A_2771 = arith.constant 6 : i32
        %dma_start3A_2772 = arith.constant 0 : i32
        %dma_start3A_2773 = arith.constant 0 : i32
        %dma_start3A_2774 = tpu.memref_slice %arg6[%dma_start3A_2770, %dma_start3A_2771, %dma_start3A_2772, %dma_start3A_2773] : memref<2x8x32x128xf32, #tpu.memory_space<vmem>> -> memref<1x1x32x128xf32, #tpu.memory_space<vmem>>
        %dma_start3A_2775 = tpu.memref_squeeze %dma_start3A_2774 : memref<1x1x32x128xf32, #tpu.memory_space<vmem>> -> memref<32x128xf32, #tpu.memory_space<vmem>>
        %dma_start3A_2776 = arith.constant 0 : i32
        %dma_start3A_2777 = tpu.memref_slice %arg3[%dma_start3A_2776, %multiple_of3A_2769] : memref<32x1000000xf32, #tpu.memory_space<hbm>> -> memref<32x128xf32, #tpu.memory_space<hbm>>
        %dma_start3A_2778 = arith.constant 0 : i32
        %dma_start3A_2779 = arith.constant 0 : i32
        %dma_start3A_2780 = tpu.memref_slice %arg6[%dma_start3A_2770, %dma_start3A_2771, %dma_start3A_2778, %dma_start3A_2779] : memref<2x8x32x128xf32, #tpu.memory_space<vmem>> -> memref<1x1x32x128xf32, #tpu.memory_space<vmem>>
        %dma_start3A_2781 = tpu.memref_squeeze %dma_start3A_2780 : memref<1x1x32x128xf32, #tpu.memory_space<vmem>> -> memref<32x128xf32, #tpu.memory_space<vmem>>
        %dma_start3A_2782 = arith.constant 0 : i32
        %dma_start3A_2783 = tpu.memref_slice %arg3[%dma_start3A_2782, %multiple_of3A_2769] : memref<32x1000000xf32, #tpu.memory_space<hbm>> -> memref<32x128xf32, #tpu.memory_space<hbm>>
        tpu.enqueue_dma source(%dma_start3A_2783 : memref<32x128xf32, #tpu.memory_space<hbm>>) target(%dma_start3A_2781 : memref<32x128xf32, #tpu.memory_space<vmem>>) target_semaphore(%arg8 : memref<!tpu.dma_semaphore, #tpu.memory_space<semaphore_mem>>)
        %slice3A_2784 = vector.extract_strided_slice %get3A_2636 {offsets = [7], sizes = [1], strides = [1]} : vector<16xi32> to vector<1xi32>
        %squeeze3A_2785 = vector.extract %slice3A_2784[0] : i32 from vector<1xi32>
        %shift_right_arithmetic3A_2786 = arith.constant 7 : i32
        %shift_right_arithmetic3A_2787 = arith.shrsi %squeeze3A_2785, %shift_right_arithmetic3A_2786 : i32
        %mul3A_2788 = arith.constant 128 : i32
        %mul3A_2789 = arith.muli %shift_right_arithmetic3A_2787, %mul3A_2788 : i32
        %multiple_of3A_2790 = tpu.assume_multiple %mul3A_2789, 128 : i32
        %dma_start3A_2791 = arith.constant 0 : i32
        %dma_start3A_2792 = arith.constant 7 : i32
        %dma_start3A_2793 = arith.constant 0 : i32
        %dma_start3A_2794 = arith.constant 0 : i32
        %dma_start3A_2795 = tpu.memref_slice %arg6[%dma_start3A_2791, %dma_start3A_2792, %dma_start3A_2793, %dma_start3A_2794] : memref<2x8x32x128xf32, #tpu.memory_space<vmem>> -> memref<1x1x32x128xf32, #tpu.memory_space<vmem>>
        %dma_start3A_2796 = tpu.memref_squeeze %dma_start3A_2795 : memref<1x1x32x128xf32, #tpu.memory_space<vmem>> -> memref<32x128xf32, #tpu.memory_space<vmem>>
        %dma_start3A_2797 = arith.constant 0 : i32
        %dma_start3A_2798 = tpu.memref_slice %arg3[%dma_start3A_2797, %multiple_of3A_2790] : memref<32x1000000xf32, #tpu.memory_space<hbm>> -> memref<32x128xf32, #tpu.memory_space<hbm>>
        %dma_start3A_2799 = arith.constant 0 : i32
        %dma_start3A_2800 = arith.constant 0 : i32
        %dma_start3A_2801 = tpu.memref_slice %arg6[%dma_start3A_2791, %dma_start3A_2792, %dma_start3A_2799, %dma_start3A_2800] : memref<2x8x32x128xf32, #tpu.memory_space<vmem>> -> memref<1x1x32x128xf32, #tpu.memory_space<vmem>>
        %dma_start3A_2802 = tpu.memref_squeeze %dma_start3A_2801 : memref<1x1x32x128xf32, #tpu.memory_space<vmem>> -> memref<32x128xf32, #tpu.memory_space<vmem>>
        %dma_start3A_2803 = arith.constant 0 : i32
        %dma_start3A_2804 = tpu.memref_slice %arg3[%dma_start3A_2803, %multiple_of3A_2790] : memref<32x1000000xf32, #tpu.memory_space<hbm>> -> memref<32x128xf32, #tpu.memory_space<hbm>>
        tpu.enqueue_dma source(%dma_start3A_2804 : memref<32x128xf32, #tpu.memory_space<hbm>>) target(%dma_start3A_2802 : memref<32x128xf32, #tpu.memory_space<vmem>>) target_semaphore(%arg8 : memref<!tpu.dma_semaphore, #tpu.memory_space<semaphore_mem>>)
      } else {
      }
      %dma_wait3A_2141 = arith.constant 1 : i32
      %dma_wait3A_2142 = arith.constant 0 : i32
      %dma_wait3A_2143 = arith.constant 0 : i32
      %dma_wait3A_2144 = arith.constant 0 : i32
      %dma_wait3A_2145 = tpu.memref_slice %arg6[%dma_wait3A_2141, %dma_wait3A_2142, %dma_wait3A_2143, %dma_wait3A_2144] : memref<2x8x32x128xf32, #tpu.memory_space<vmem>> -> memref<1x1x32x128xf32, #tpu.memory_space<vmem>>
      %dma_wait3A_2146 = tpu.memref_squeeze %dma_wait3A_2145 : memref<1x1x32x128xf32, #tpu.memory_space<vmem>> -> memref<32x128xf32, #tpu.memory_space<vmem>>
      %dma_wait3A_2147 = arith.constant 0 : i32
      %dma_wait3A_2148 = arith.constant 0 : i32
      %dma_wait3A_2149 = tpu.memref_slice %arg3[%dma_wait3A_2147, %dma_wait3A_2148] : memref<32x1000000xf32, #tpu.memory_space<hbm>> -> memref<32x128xf32, #tpu.memory_space<hbm>>
      %dma_wait3A_2150 = arith.constant 0 : i32
      %dma_wait3A_2151 = arith.constant 0 : i32
      %dma_wait3A_2152 = tpu.memref_slice %arg6[%dma_wait3A_2141, %dma_wait3A_2142, %dma_wait3A_2150, %dma_wait3A_2151] : memref<2x8x32x128xf32, #tpu.memory_space<vmem>> -> memref<1x1x32x128xf32, #tpu.memory_space<vmem>>
      %dma_wait3A_2153 = tpu.memref_squeeze %dma_wait3A_2152 : memref<1x1x32x128xf32, #tpu.memory_space<vmem>> -> memref<32x128xf32, #tpu.memory_space<vmem>>
      %dma_wait3A_2154 = arith.constant 0 : i32
      %dma_wait3A_2155 = arith.constant 0 : i32
      %dma_wait3A_2156 = tpu.memref_slice %arg3[%dma_wait3A_2154, %dma_wait3A_2155] : memref<32x1000000xf32, #tpu.memory_space<hbm>> -> memref<32x128xf32, #tpu.memory_space<hbm>>
      tpu.wait_dma2 semaphore(%arg9 : memref<!tpu.dma_semaphore, #tpu.memory_space<semaphore_mem>>) src(%dma_wait3A_2156 : memref<32x128xf32, #tpu.memory_space<hbm>>) dst(%dma_wait3A_2153 : memref<32x128xf32, #tpu.memory_space<vmem>>)
      %dma_wait3A_2157 = arith.constant 1 : i32
      %dma_wait3A_2158 = arith.constant 1 : i32
      %dma_wait3A_2159 = arith.constant 0 : i32
      %dma_wait3A_2160 = arith.constant 0 : i32
      %dma_wait3A_2161 = tpu.memref_slice %arg6[%dma_wait3A_2157, %dma_wait3A_2158, %dma_wait3A_2159, %dma_wait3A_2160] : memref<2x8x32x128xf32, #tpu.memory_space<vmem>> -> memref<1x1x32x128xf32, #tpu.memory_space<vmem>>
      %dma_wait3A_2162 = tpu.memref_squeeze %dma_wait3A_2161 : memref<1x1x32x128xf32, #tpu.memory_space<vmem>> -> memref<32x128xf32, #tpu.memory_space<vmem>>
      %dma_wait3A_2163 = arith.constant 0 : i32
      %dma_wait3A_2164 = arith.constant 0 : i32
      %dma_wait3A_2165 = tpu.memref_slice %arg3[%dma_wait3A_2163, %dma_wait3A_2164] : memref<32x1000000xf32, #tpu.memory_space<hbm>> -> memref<32x128xf32, #tpu.memory_space<hbm>>
      %dma_wait3A_2166 = arith.constant 0 : i32
      %dma_wait3A_2167 = arith.constant 0 : i32
      %dma_wait3A_2168 = tpu.memref_slice %arg6[%dma_wait3A_2157, %dma_wait3A_2158, %dma_wait3A_2166, %dma_wait3A_2167] : memref<2x8x32x128xf32, #tpu.memory_space<vmem>> -> memref<1x1x32x128xf32, #tpu.memory_space<vmem>>
      %dma_wait3A_2169 = tpu.memref_squeeze %dma_wait3A_2168 : memref<1x1x32x128xf32, #tpu.memory_space<vmem>> -> memref<32x128xf32, #tpu.memory_space<vmem>>
      %dma_wait3A_2170 = arith.constant 0 : i32
      %dma_wait3A_2171 = arith.constant 0 : i32
      %dma_wait3A_2172 = tpu.memref_slice %arg3[%dma_wait3A_2170, %dma_wait3A_2171] : memref<32x1000000xf32, #tpu.memory_space<hbm>> -> memref<32x128xf32, #tpu.memory_space<hbm>>
      tpu.wait_dma2 semaphore(%arg9 : memref<!tpu.dma_semaphore, #tpu.memory_space<semaphore_mem>>) src(%dma_wait3A_2172 : memref<32x128xf32, #tpu.memory_space<hbm>>) dst(%dma_wait3A_2169 : memref<32x128xf32, #tpu.memory_space<vmem>>)
      %dma_wait3A_2173 = arith.constant 1 : i32
      %dma_wait3A_2174 = arith.constant 2 : i32
      %dma_wait3A_2175 = arith.constant 0 : i32
      %dma_wait3A_2176 = arith.constant 0 : i32
      %dma_wait3A_2177 = tpu.memref_slice %arg6[%dma_wait3A_2173, %dma_wait3A_2174, %dma_wait3A_2175, %dma_wait3A_2176] : memref<2x8x32x128xf32, #tpu.memory_space<vmem>> -> memref<1x1x32x128xf32, #tpu.memory_space<vmem>>
      %dma_wait3A_2178 = tpu.memref_squeeze %dma_wait3A_2177 : memref<1x1x32x128xf32, #tpu.memory_space<vmem>> -> memref<32x128xf32, #tpu.memory_space<vmem>>
      %dma_wait3A_2179 = arith.constant 0 : i32
      %dma_wait3A_2180 = arith.constant 0 : i32
      %dma_wait3A_2181 = tpu.memref_slice %arg3[%dma_wait3A_2179, %dma_wait3A_2180] : memref<32x1000000xf32, #tpu.memory_space<hbm>> -> memref<32x128xf32, #tpu.memory_space<hbm>>
      %dma_wait3A_2182 = arith.constant 0 : i32
      %dma_wait3A_2183 = arith.constant 0 : i32
      %dma_wait3A_2184 = tpu.memref_slice %arg6[%dma_wait3A_2173, %dma_wait3A_2174, %dma_wait3A_2182, %dma_wait3A_2183] : memref<2x8x32x128xf32, #tpu.memory_space<vmem>> -> memref<1x1x32x128xf32, #tpu.memory_space<vmem>>
      %dma_wait3A_2185 = tpu.memref_squeeze %dma_wait3A_2184 : memref<1x1x32x128xf32, #tpu.memory_space<vmem>> -> memref<32x128xf32, #tpu.memory_space<vmem>>
      %dma_wait3A_2186 = arith.constant 0 : i32
      %dma_wait3A_2187 = arith.constant 0 : i32
      %dma_wait3A_2188 = tpu.memref_slice %arg3[%dma_wait3A_2186, %dma_wait3A_2187] : memref<32x1000000xf32, #tpu.memory_space<hbm>> -> memref<32x128xf32, #tpu.memory_space<hbm>>
      tpu.wait_dma2 semaphore(%arg9 : memref<!tpu.dma_semaphore, #tpu.memory_space<semaphore_mem>>) src(%dma_wait3A_2188 : memref<32x128xf32, #tpu.memory_space<hbm>>) dst(%dma_wait3A_2185 : memref<32x128xf32, #tpu.memory_space<vmem>>)
      %dma_wait3A_2189 = arith.constant 1 : i32
      %dma_wait3A_2190 = arith.constant 3 : i32
      %dma_wait3A_2191 = arith.constant 0 : i32
      %dma_wait3A_2192 = arith.constant 0 : i32
      %dma_wait3A_2193 = tpu.memref_slice %arg6[%dma_wait3A_2189, %dma_wait3A_2190, %dma_wait3A_2191, %dma_wait3A_2192] : memref<2x8x32x128xf32, #tpu.memory_space<vmem>> -> memref<1x1x32x128xf32, #tpu.memory_space<vmem>>
      %dma_wait3A_2194 = tpu.memref_squeeze %dma_wait3A_2193 : memref<1x1x32x128xf32, #tpu.memory_space<vmem>> -> memref<32x128xf32, #tpu.memory_space<vmem>>
      %dma_wait3A_2195 = arith.constant 0 : i32
      %dma_wait3A_2196 = arith.constant 0 : i32
      %dma_wait3A_2197 = tpu.memref_slice %arg3[%dma_wait3A_2195, %dma_wait3A_2196] : memref<32x1000000xf32, #tpu.memory_space<hbm>> -> memref<32x128xf32, #tpu.memory_space<hbm>>
      %dma_wait3A_2198 = arith.constant 0 : i32
      %dma_wait3A_2199 = arith.constant 0 : i32
      %dma_wait3A_2200 = tpu.memref_slice %arg6[%dma_wait3A_2189, %dma_wait3A_2190, %dma_wait3A_2198, %dma_wait3A_2199] : memref<2x8x32x128xf32, #tpu.memory_space<vmem>> -> memref<1x1x32x128xf32, #tpu.memory_space<vmem>>
      %dma_wait3A_2201 = tpu.memref_squeeze %dma_wait3A_2200 : memref<1x1x32x128xf32, #tpu.memory_space<vmem>> -> memref<32x128xf32, #tpu.memory_space<vmem>>
      %dma_wait3A_2202 = arith.constant 0 : i32
      %dma_wait3A_2203 = arith.constant 0 : i32
      %dma_wait3A_2204 = tpu.memref_slice %arg3[%dma_wait3A_2202, %dma_wait3A_2203] : memref<32x1000000xf32, #tpu.memory_space<hbm>> -> memref<32x128xf32, #tpu.memory_space<hbm>>
      tpu.wait_dma2 semaphore(%arg9 : memref<!tpu.dma_semaphore, #tpu.memory_space<semaphore_mem>>) src(%dma_wait3A_2204 : memref<32x128xf32, #tpu.memory_space<hbm>>) dst(%dma_wait3A_2201 : memref<32x128xf32, #tpu.memory_space<vmem>>)
      %dma_wait3A_2205 = arith.constant 1 : i32
      %dma_wait3A_2206 = arith.constant 4 : i32
      %dma_wait3A_2207 = arith.constant 0 : i32
      %dma_wait3A_2208 = arith.constant 0 : i32
      %dma_wait3A_2209 = tpu.memref_slice %arg6[%dma_wait3A_2205, %dma_wait3A_2206, %dma_wait3A_2207, %dma_wait3A_2208] : memref<2x8x32x128xf32, #tpu.memory_space<vmem>> -> memref<1x1x32x128xf32, #tpu.memory_space<vmem>>
      %dma_wait3A_2210 = tpu.memref_squeeze %dma_wait3A_2209 : memref<1x1x32x128xf32, #tpu.memory_space<vmem>> -> memref<32x128xf32, #tpu.memory_space<vmem>>
      %dma_wait3A_2211 = arith.constant 0 : i32
      %dma_wait3A_2212 = arith.constant 0 : i32
      %dma_wait3A_2213 = tpu.memref_slice %arg3[%dma_wait3A_2211, %dma_wait3A_2212] : memref<32x1000000xf32, #tpu.memory_space<hbm>> -> memref<32x128xf32, #tpu.memory_space<hbm>>
      %dma_wait3A_2214 = arith.constant 0 : i32
      %dma_wait3A_2215 = arith.constant 0 : i32
      %dma_wait3A_2216 = tpu.memref_slice %arg6[%dma_wait3A_2205, %dma_wait3A_2206, %dma_wait3A_2214, %dma_wait3A_2215] : memref<2x8x32x128xf32, #tpu.memory_space<vmem>> -> memref<1x1x32x128xf32, #tpu.memory_space<vmem>>
      %dma_wait3A_2217 = tpu.memref_squeeze %dma_wait3A_2216 : memref<1x1x32x128xf32, #tpu.memory_space<vmem>> -> memref<32x128xf32, #tpu.memory_space<vmem>>
      %dma_wait3A_2218 = arith.constant 0 : i32
      %dma_wait3A_2219 = arith.constant 0 : i32
      %dma_wait3A_2220 = tpu.memref_slice %arg3[%dma_wait3A_2218, %dma_wait3A_2219] : memref<32x1000000xf32, #tpu.memory_space<hbm>> -> memref<32x128xf32, #tpu.memory_space<hbm>>
      tpu.wait_dma2 semaphore(%arg9 : memref<!tpu.dma_semaphore, #tpu.memory_space<semaphore_mem>>) src(%dma_wait3A_2220 : memref<32x128xf32, #tpu.memory_space<hbm>>) dst(%dma_wait3A_2217 : memref<32x128xf32, #tpu.memory_space<vmem>>)
      %dma_wait3A_2221 = arith.constant 1 : i32
      %dma_wait3A_2222 = arith.constant 5 : i32
      %dma_wait3A_2223 = arith.constant 0 : i32
      %dma_wait3A_2224 = arith.constant 0 : i32
      %dma_wait3A_2225 = tpu.memref_slice %arg6[%dma_wait3A_2221, %dma_wait3A_2222, %dma_wait3A_2223, %dma_wait3A_2224] : memref<2x8x32x128xf32, #tpu.memory_space<vmem>> -> memref<1x1x32x128xf32, #tpu.memory_space<vmem>>
      %dma_wait3A_2226 = tpu.memref_squeeze %dma_wait3A_2225 : memref<1x1x32x128xf32, #tpu.memory_space<vmem>> -> memref<32x128xf32, #tpu.memory_space<vmem>>
      %dma_wait3A_2227 = arith.constant 0 : i32
      %dma_wait3A_2228 = arith.constant 0 : i32
      %dma_wait3A_2229 = tpu.memref_slice %arg3[%dma_wait3A_2227, %dma_wait3A_2228] : memref<32x1000000xf32, #tpu.memory_space<hbm>> -> memref<32x128xf32, #tpu.memory_space<hbm>>
      %dma_wait3A_2230 = arith.constant 0 : i32
      %dma_wait3A_2231 = arith.constant 0 : i32
      %dma_wait3A_2232 = tpu.memref_slice %arg6[%dma_wait3A_2221, %dma_wait3A_2222, %dma_wait3A_2230, %dma_wait3A_2231] : memref<2x8x32x128xf32, #tpu.memory_space<vmem>> -> memref<1x1x32x128xf32, #tpu.memory_space<vmem>>
      %dma_wait3A_2233 = tpu.memref_squeeze %dma_wait3A_2232 : memref<1x1x32x128xf32, #tpu.memory_space<vmem>> -> memref<32x128xf32, #tpu.memory_space<vmem>>
      %dma_wait3A_2234 = arith.constant 0 : i32
      %dma_wait3A_2235 = arith.constant 0 : i32
      %dma_wait3A_2236 = tpu.memref_slice %arg3[%dma_wait3A_2234, %dma_wait3A_2235] : memref<32x1000000xf32, #tpu.memory_space<hbm>> -> memref<32x128xf32, #tpu.memory_space<hbm>>
      tpu.wait_dma2 semaphore(%arg9 : memref<!tpu.dma_semaphore, #tpu.memory_space<semaphore_mem>>) src(%dma_wait3A_2236 : memref<32x128xf32, #tpu.memory_space<hbm>>) dst(%dma_wait3A_2233 : memref<32x128xf32, #tpu.memory_space<vmem>>)
      %dma_wait3A_2237 = arith.constant 1 : i32
      %dma_wait3A_2238 = arith.constant 6 : i32
      %dma_wait3A_2239 = arith.constant 0 : i32
      %dma_wait3A_2240 = arith.constant 0 : i32
      %dma_wait3A_2241 = tpu.memref_slice %arg6[%dma_wait3A_2237, %dma_wait3A_2238, %dma_wait3A_2239, %dma_wait3A_2240] : memref<2x8x32x128xf32, #tpu.memory_space<vmem>> -> memref<1x1x32x128xf32, #tpu.memory_space<vmem>>
      %dma_wait3A_2242 = tpu.memref_squeeze %dma_wait3A_2241 : memref<1x1x32x128xf32, #tpu.memory_space<vmem>> -> memref<32x128xf32, #tpu.memory_space<vmem>>
      %dma_wait3A_2243 = arith.constant 0 : i32
      %dma_wait3A_2244 = arith.constant 0 : i32
      %dma_wait3A_2245 = tpu.memref_slice %arg3[%dma_wait3A_2243, %dma_wait3A_2244] : memref<32x1000000xf32, #tpu.memory_space<hbm>> -> memref<32x128xf32, #tpu.memory_space<hbm>>
      %dma_wait3A_2246 = arith.constant 0 : i32
      %dma_wait3A_2247 = arith.constant 0 : i32
      %dma_wait3A_2248 = tpu.memref_slice %arg6[%dma_wait3A_2237, %dma_wait3A_2238, %dma_wait3A_2246, %dma_wait3A_2247] : memref<2x8x32x128xf32, #tpu.memory_space<vmem>> -> memref<1x1x32x128xf32, #tpu.memory_space<vmem>>
      %dma_wait3A_2249 = tpu.memref_squeeze %dma_wait3A_2248 : memref<1x1x32x128xf32, #tpu.memory_space<vmem>> -> memref<32x128xf32, #tpu.memory_space<vmem>>
      %dma_wait3A_2250 = arith.constant 0 : i32
      %dma_wait3A_2251 = arith.constant 0 : i32
      %dma_wait3A_2252 = tpu.memref_slice %arg3[%dma_wait3A_2250, %dma_wait3A_2251] : memref<32x1000000xf32, #tpu.memory_space<hbm>> -> memref<32x128xf32, #tpu.memory_space<hbm>>
      tpu.wait_dma2 semaphore(%arg9 : memref<!tpu.dma_semaphore, #tpu.memory_space<semaphore_mem>>) src(%dma_wait3A_2252 : memref<32x128xf32, #tpu.memory_space<hbm>>) dst(%dma_wait3A_2249 : memref<32x128xf32, #tpu.memory_space<vmem>>)
      %dma_wait3A_2253 = arith.constant 1 : i32
      %dma_wait3A_2254 = arith.constant 7 : i32
      %dma_wait3A_2255 = arith.constant 0 : i32
      %dma_wait3A_2256 = arith.constant 0 : i32
      %dma_wait3A_2257 = tpu.memref_slice %arg6[%dma_wait3A_2253, %dma_wait3A_2254, %dma_wait3A_2255, %dma_wait3A_2256] : memref<2x8x32x128xf32, #tpu.memory_space<vmem>> -> memref<1x1x32x128xf32, #tpu.memory_space<vmem>>
      %dma_wait3A_2258 = tpu.memref_squeeze %dma_wait3A_2257 : memref<1x1x32x128xf32, #tpu.memory_space<vmem>> -> memref<32x128xf32, #tpu.memory_space<vmem>>
      %dma_wait3A_2259 = arith.constant 0 : i32
      %dma_wait3A_2260 = arith.constant 0 : i32
      %dma_wait3A_2261 = tpu.memref_slice %arg3[%dma_wait3A_2259, %dma_wait3A_2260] : memref<32x1000000xf32, #tpu.memory_space<hbm>> -> memref<32x128xf32, #tpu.memory_space<hbm>>
      %dma_wait3A_2262 = arith.constant 0 : i32
      %dma_wait3A_2263 = arith.constant 0 : i32
      %dma_wait3A_2264 = tpu.memref_slice %arg6[%dma_wait3A_2253, %dma_wait3A_2254, %dma_wait3A_2262, %dma_wait3A_2263] : memref<2x8x32x128xf32, #tpu.memory_space<vmem>> -> memref<1x1x32x128xf32, #tpu.memory_space<vmem>>
      %dma_wait3A_2265 = tpu.memref_squeeze %dma_wait3A_2264 : memref<1x1x32x128xf32, #tpu.memory_space<vmem>> -> memref<32x128xf32, #tpu.memory_space<vmem>>
      %dma_wait3A_2266 = arith.constant 0 : i32
      %dma_wait3A_2267 = arith.constant 0 : i32
      %dma_wait3A_2268 = tpu.memref_slice %arg3[%dma_wait3A_2266, %dma_wait3A_2267] : memref<32x1000000xf32, #tpu.memory_space<hbm>> -> memref<32x128xf32, #tpu.memory_space<hbm>>
      tpu.wait_dma2 semaphore(%arg9 : memref<!tpu.dma_semaphore, #tpu.memory_space<semaphore_mem>>) src(%dma_wait3A_2268 : memref<32x128xf32, #tpu.memory_space<hbm>>) dst(%dma_wait3A_2265 : memref<32x128xf32, #tpu.memory_space<vmem>>)
      %mul3A_2269 = arith.constant 2 : i32
      %mul3A_2270 = arith.muli %mul3A_2269, %scan3A_1474 : i32
      %add3A_2271 = arith.constant 3 : i32
      %add3A_2272 = arith.addi %mul3A_2270, %add3A_2271 : i32
      %mul3A_2273 = arith.constant 8 : i32
      %mul3A_2274 = arith.muli %add3A_2272, %mul3A_2273 : i32
      %multiple_of3A_2275 = tpu.assume_multiple %mul3A_2274, 8 : i32
      %get3A_2276 = arith.index_cast %multiple_of3A_2275 : i32 to index
      %get3A_2277 = tpu.vector_load %arg5[%get3A_2276] {strides = array<i32>} : memref<528xi32, #tpu.memory_space<vmem>>, vector<16xi32>,
      %dma_wait3A_2278 = arith.constant 1 : i32
      %dma_wait3A_2279 = arith.constant 0 : i32
      %dma_wait3A_2280 = arith.constant 0 : i32
      %dma_wait3A_2281 = tpu.memref_slice %arg7[%dma_wait3A_2278, %dma_wait3A_2279, %dma_wait3A_2280] : memref<2x8x32xf32, #tpu.memory_space<vmem>> -> memref<1x8x32xf32, #tpu.memory_space<vmem>>
      %dma_wait3A_2282 = tpu.memref_squeeze %dma_wait3A_2281 : memref<1x8x32xf32, #tpu.memory_space<vmem>> -> memref<8x32xf32, #tpu.memory_space<vmem>>
      %dma_wait3A_2283 = arith.constant 0 : i32
      %dma_wait3A_2284 = tpu.memref_slice %arg4[%mul3A_2, %dma_wait3A_2283] : memref<16384x32xf32, #tpu.memory_space<hbm>> -> memref<8x32xf32, #tpu.memory_space<hbm>>
      %dma_wait3A_2285 = arith.constant 0 : i32
      %dma_wait3A_2286 = tpu.memref_slice %arg4[%mul3A_2, %dma_wait3A_2285] : memref<16384x32xf32, #tpu.memory_space<hbm>> -> memref<8x32xf32, #tpu.memory_space<hbm>>
      %dma_wait3A_2287 = arith.constant 0 : i32
      %dma_wait3A_2288 = arith.constant 0 : i32
      %dma_wait3A_2289 = tpu.memref_slice %arg7[%dma_wait3A_2278, %dma_wait3A_2287, %dma_wait3A_2288] : memref<2x8x32xf32, #tpu.memory_space<vmem>> -> memref<1x8x32xf32, #tpu.memory_space<vmem>>
      %dma_wait3A_2290 = tpu.memref_squeeze %dma_wait3A_2289 : memref<1x8x32xf32, #tpu.memory_space<vmem>> -> memref<8x32xf32, #tpu.memory_space<vmem>>
      tpu.wait_dma2 semaphore(%arg10 : memref<!tpu.dma_semaphore, #tpu.memory_space<semaphore_mem>>) src(%dma_wait3A_2290 : memref<8x32xf32, #tpu.memory_space<vmem>>) dst(%dma_wait3A_2286 : memref<8x32xf32, #tpu.memory_space<hbm>>)
      %broadcast_in_dim3A_2291 = arith.constant 0 : i32
      %broadcast_in_dim3A_2292 = vector.broadcast %broadcast_in_dim3A_2291 : i32 to vector<16xi32>
      %slice3A_2293 = vector.extract_strided_slice %get3A_2277 {offsets = [0], sizes = [1], strides = [1]} : vector<16xi32> to vector<1xi32>
      %squeeze3A_2294 = vector.extract %slice3A_2293[0] : i32 from vector<1xi32>
      %and3A_2295 = arith.constant 127 : i32
      %and3A_2296 = arith.andi %squeeze3A_2294, %and3A_2295 : i32
      %add3A_2297 = vector.broadcast %and3A_2296 : i32 to vector<16xi32>
      %add3A_2298 = arith.addi %broadcast_in_dim3A_2292, %add3A_2297 : vector<16xi32>
      %add3A_2299 = arith.constant 0 : i32
      %add3A_2300 = vector.broadcast %add3A_2299 : i32 to vector<16xi32>
      %add3A_2301 = arith.addi %iota3A, %add3A_2300 : vector<16xi32>
      %gather3A_2302 = arith.constant 1 : i32
      %gather3A_2303 = arith.constant 0 : i32
      %gather3A_2304 = arith.constant 0 : i32
      %gather3A_2305 = arith.constant 0 : i32
      %gather3A_2306 = tpu.memref_slice %arg6[%gather3A_2302, %gather3A_2303, %gather3A_2304, %gather3A_2305] : memref<2x8x32x128xf32, #tpu.memory_space<vmem>> -> memref<1x1x32x128xf32, #tpu.memory_space<vmem>>
      %gather3A_2307 = tpu.memref_squeeze %gather3A_2306 : memref<1x1x32x128xf32, #tpu.memory_space<vmem>> -> memref<32x128xf32, #tpu.memory_space<vmem>>
      %gather3A_2308 = tpu.vector_load_idx %gather3A_2307[%add3A_2301, %add3A_2298] : memref<32x128xf32, #tpu.memory_space<vmem>>[vector<16xi32>, vector<16xi32>], vector<16xf32>,
      %swap3A_2309 = arith.constant 1 : i32
      %swap3A_2310 = arith.constant 0 : i32
      %swap3A_2311 = arith.index_cast %swap3A_2309 : i32 to index
      %swap3A_2312 = arith.index_cast %swap3A_2310 : i32 to index
      %swap3A_2313 = arith.constant 0 : index
      %swap3A_2314 = tpu.vector_load %arg7[%swap3A_2311, %swap3A_2312, %swap3A_2313] {strides = array<i32>} : memref<2x8x32xf32, #tpu.memory_space<vmem>>, vector<16xf32>,
      tpu.vector_store %arg7[%swap3A_2311, %swap3A_2312, %swap3A_2313], %gather3A_2308 {strides = array<i32>} : memref<2x8x32xf32, #tpu.memory_space<vmem>>, vector<16xf32>,
      %add3A_2315 = arith.constant 16 : i32
      %add3A_2316 = vector.broadcast %add3A_2315 : i32 to vector<16xi32>
      %add3A_2317 = arith.addi %iota3A, %add3A_2316 : vector<16xi32>
      %gather3A_2318 = arith.constant 1 : i32
      %gather3A_2319 = arith.constant 0 : i32
      %gather3A_2320 = arith.constant 0 : i32
      %gather3A_2321 = arith.constant 0 : i32
      %gather3A_2322 = tpu.memref_slice %arg6[%gather3A_2318, %gather3A_2319, %gather3A_2320, %gather3A_2321] : memref<2x8x32x128xf32, #tpu.memory_space<vmem>> -> memref<1x1x32x128xf32, #tpu.memory_space<vmem>>
      %gather3A_2323 = tpu.memref_squeeze %gather3A_2322 : memref<1x1x32x128xf32, #tpu.memory_space<vmem>> -> memref<32x128xf32, #tpu.memory_space<vmem>>
      %gather3A_2324 = tpu.vector_load_idx %gather3A_2323[%add3A_2317, %add3A_2298] : memref<32x128xf32, #tpu.memory_space<vmem>>[vector<16xi32>, vector<16xi32>], vector<16xf32>,
      %swap3A_2325 = arith.constant 1 : i32
      %swap3A_2326 = arith.constant 0 : i32
      %swap3A_2327 = arith.index_cast %swap3A_2325 : i32 to index
      %swap3A_2328 = arith.index_cast %swap3A_2326 : i32 to index
      %swap3A_2329 = arith.constant 16 : index
      %swap3A_2330 = tpu.vector_load %arg7[%swap3A_2327, %swap3A_2328, %swap3A_2329] {strides = array<i32>} : memref<2x8x32xf32, #tpu.memory_space<vmem>>, vector<16xf32>,
      tpu.vector_store %arg7[%swap3A_2327, %swap3A_2328, %swap3A_2329], %gather3A_2324 {strides = array<i32>} : memref<2x8x32xf32, #tpu.memory_space<vmem>>, vector<16xf32>,
      %broadcast_in_dim3A_2331 = arith.constant 0 : i32
      %broadcast_in_dim3A_2332 = vector.broadcast %broadcast_in_dim3A_2331 : i32 to vector<16xi32>
      %slice3A_2333 = vector.extract_strided_slice %get3A_2277 {offsets = [1], sizes = [1], strides = [1]} : vector<16xi32> to vector<1xi32>
      %squeeze3A_2334 = vector.extract %slice3A_2333[0] : i32 from vector<1xi32>
      %and3A_2335 = arith.constant 127 : i32
      %and3A_2336 = arith.andi %squeeze3A_2334, %and3A_2335 : i32
      %add3A_2337 = vector.broadcast %and3A_2336 : i32 to vector<16xi32>
      %add3A_2338 = arith.addi %broadcast_in_dim3A_2332, %add3A_2337 : vector<16xi32>
      %add3A_2339 = arith.constant 0 : i32
      %add3A_2340 = vector.broadcast %add3A_2339 : i32 to vector<16xi32>
      %add3A_2341 = arith.addi %iota3A, %add3A_2340 : vector<16xi32>
      %gather3A_2342 = arith.constant 1 : i32
      %gather3A_2343 = arith.constant 1 : i32
      %gather3A_2344 = arith.constant 0 : i32
      %gather3A_2345 = arith.constant 0 : i32
      %gather3A_2346 = tpu.memref_slice %arg6[%gather3A_2342, %gather3A_2343, %gather3A_2344, %gather3A_2345] : memref<2x8x32x128xf32, #tpu.memory_space<vmem>> -> memref<1x1x32x128xf32, #tpu.memory_space<vmem>>
      %gather3A_2347 = tpu.memref_squeeze %gather3A_2346 : memref<1x1x32x128xf32, #tpu.memory_space<vmem>> -> memref<32x128xf32, #tpu.memory_space<vmem>>
      %gather3A_2348 = tpu.vector_load_idx %gather3A_2347[%add3A_2341, %add3A_2338] : memref<32x128xf32, #tpu.memory_space<vmem>>[vector<16xi32>, vector<16xi32>], vector<16xf32>,
      %swap3A_2349 = arith.constant 1 : i32
      %swap3A_2350 = arith.constant 1 : i32
      %swap3A_2351 = arith.index_cast %swap3A_2349 : i32 to index
      %swap3A_2352 = arith.index_cast %swap3A_2350 : i32 to index
      %swap3A_2353 = arith.constant 0 : index
      %swap3A_2354 = tpu.vector_load %arg7[%swap3A_2351, %swap3A_2352, %swap3A_2353] {strides = array<i32>} : memref<2x8x32xf32, #tpu.memory_space<vmem>>, vector<16xf32>,
      tpu.vector_store %arg7[%swap3A_2351, %swap3A_2352, %swap3A_2353], %gather3A_2348 {strides = array<i32>} : memref<2x8x32xf32, #tpu.memory_space<vmem>>, vector<16xf32>,
      %add3A_2355 = arith.constant 16 : i32
      %add3A_2356 = vector.broadcast %add3A_2355 : i32 to vector<16xi32>
      %add3A_2357 = arith.addi %iota3A, %add3A_2356 : vector<16xi32>
      %gather3A_2358 = arith.constant 1 : i32
      %gather3A_2359 = arith.constant 1 : i32
      %gather3A_2360 = arith.constant 0 : i32
      %gather3A_2361 = arith.constant 0 : i32
      %gather3A_2362 = tpu.memref_slice %arg6[%gather3A_2358, %gather3A_2359, %gather3A_2360, %gather3A_2361] : memref<2x8x32x128xf32, #tpu.memory_space<vmem>> -> memref<1x1x32x128xf32, #tpu.memory_space<vmem>>
      %gather3A_2363 = tpu.memref_squeeze %gather3A_2362 : memref<1x1x32x128xf32, #tpu.memory_space<vmem>> -> memref<32x128xf32, #tpu.memory_space<vmem>>
      %gather3A_2364 = tpu.vector_load_idx %gather3A_2363[%add3A_2357, %add3A_2338] : memref<32x128xf32, #tpu.memory_space<vmem>>[vector<16xi32>, vector<16xi32>], vector<16xf32>,
      %swap3A_2365 = arith.constant 1 : i32
      %swap3A_2366 = arith.constant 1 : i32
      %swap3A_2367 = arith.index_cast %swap3A_2365 : i32 to index
      %swap3A_2368 = arith.index_cast %swap3A_2366 : i32 to index
      %swap3A_2369 = arith.constant 16 : index
      %swap3A_2370 = tpu.vector_load %arg7[%swap3A_2367, %swap3A_2368, %swap3A_2369] {strides = array<i32>} : memref<2x8x32xf32, #tpu.memory_space<vmem>>, vector<16xf32>,
      tpu.vector_store %arg7[%swap3A_2367, %swap3A_2368, %swap3A_2369], %gather3A_2364 {strides = array<i32>} : memref<2x8x32xf32, #tpu.memory_space<vmem>>, vector<16xf32>,
      %broadcast_in_dim3A_2371 = arith.constant 0 : i32
      %broadcast_in_dim3A_2372 = vector.broadcast %broadcast_in_dim3A_2371 : i32 to vector<16xi32>
      %slice3A_2373 = vector.extract_strided_slice %get3A_2277 {offsets = [2], sizes = [1], strides = [1]} : vector<16xi32> to vector<1xi32>
      %squeeze3A_2374 = vector.extract %slice3A_2373[0] : i32 from vector<1xi32>
      %and3A_2375 = arith.constant 127 : i32
      %and3A_2376 = arith.andi %squeeze3A_2374, %and3A_2375 : i32
      %add3A_2377 = vector.broadcast %and3A_2376 : i32 to vector<16xi32>
      %add3A_2378 = arith.addi %broadcast_in_dim3A_2372, %add3A_2377 : vector<16xi32>
      %add3A_2379 = arith.constant 0 : i32
      %add3A_2380 = vector.broadcast %add3A_2379 : i32 to vector<16xi32>
      %add3A_2381 = arith.addi %iota3A, %add3A_2380 : vector<16xi32>
      %gather3A_2382 = arith.constant 1 : i32
      %gather3A_2383 = arith.constant 2 : i32
      %gather3A_2384 = arith.constant 0 : i32
      %gather3A_2385 = arith.constant 0 : i32
      %gather3A_2386 = tpu.memref_slice %arg6[%gather3A_2382, %gather3A_2383, %gather3A_2384, %gather3A_2385] : memref<2x8x32x128xf32, #tpu.memory_space<vmem>> -> memref<1x1x32x128xf32, #tpu.memory_space<vmem>>
      %gather3A_2387 = tpu.memref_squeeze %gather3A_2386 : memref<1x1x32x128xf32, #tpu.memory_space<vmem>> -> memref<32x128xf32, #tpu.memory_space<vmem>>
      %gather3A_2388 = tpu.vector_load_idx %gather3A_2387[%add3A_2381, %add3A_2378] : memref<32x128xf32, #tpu.memory_space<vmem>>[vector<16xi32>, vector<16xi32>], vector<16xf32>,
      %swap3A_2389 = arith.constant 1 : i32
      %swap3A_2390 = arith.constant 2 : i32
      %swap3A_2391 = arith.index_cast %swap3A_2389 : i32 to index
      %swap3A_2392 = arith.index_cast %swap3A_2390 : i32 to index
      %swap3A_2393 = arith.constant 0 : index
      %swap3A_2394 = tpu.vector_load %arg7[%swap3A_2391, %swap3A_2392, %swap3A_2393] {strides = array<i32>} : memref<2x8x32xf32, #tpu.memory_space<vmem>>, vector<16xf32>,
      tpu.vector_store %arg7[%swap3A_2391, %swap3A_2392, %swap3A_2393], %gather3A_2388 {strides = array<i32>} : memref<2x8x32xf32, #tpu.memory_space<vmem>>, vector<16xf32>,
      %add3A_2395 = arith.constant 16 : i32
      %add3A_2396 = vector.broadcast %add3A_2395 : i32 to vector<16xi32>
      %add3A_2397 = arith.addi %iota3A, %add3A_2396 : vector<16xi32>
      %gather3A_2398 = arith.constant 1 : i32
      %gather3A_2399 = arith.constant 2 : i32
      %gather3A_2400 = arith.constant 0 : i32
      %gather3A_2401 = arith.constant 0 : i32
      %gather3A_2402 = tpu.memref_slice %arg6[%gather3A_2398, %gather3A_2399, %gather3A_2400, %gather3A_2401] : memref<2x8x32x128xf32, #tpu.memory_space<vmem>> -> memref<1x1x32x128xf32, #tpu.memory_space<vmem>>
      %gather3A_2403 = tpu.memref_squeeze %gather3A_2402 : memref<1x1x32x128xf32, #tpu.memory_space<vmem>> -> memref<32x128xf32, #tpu.memory_space<vmem>>
      %gather3A_2404 = tpu.vector_load_idx %gather3A_2403[%add3A_2397, %add3A_2378] : memref<32x128xf32, #tpu.memory_space<vmem>>[vector<16xi32>, vector<16xi32>], vector<16xf32>,
      %swap3A_2405 = arith.constant 1 : i32
      %swap3A_2406 = arith.constant 2 : i32
      %swap3A_2407 = arith.index_cast %swap3A_2405 : i32 to index
      %swap3A_2408 = arith.index_cast %swap3A_2406 : i32 to index
      %swap3A_2409 = arith.constant 16 : index
      %swap3A_2410 = tpu.vector_load %arg7[%swap3A_2407, %swap3A_2408, %swap3A_2409] {strides = array<i32>} : memref<2x8x32xf32, #tpu.memory_space<vmem>>, vector<16xf32>,
      tpu.vector_store %arg7[%swap3A_2407, %swap3A_2408, %swap3A_2409], %gather3A_2404 {strides = array<i32>} : memref<2x8x32xf32, #tpu.memory_space<vmem>>, vector<16xf32>,
      %broadcast_in_dim3A_2411 = arith.constant 0 : i32
      %broadcast_in_dim3A_2412 = vector.broadcast %broadcast_in_dim3A_2411 : i32 to vector<16xi32>
      %slice3A_2413 = vector.extract_strided_slice %get3A_2277 {offsets = [3], sizes = [1], strides = [1]} : vector<16xi32> to vector<1xi32>
      %squeeze3A_2414 = vector.extract %slice3A_2413[0] : i32 from vector<1xi32>
      %and3A_2415 = arith.constant 127 : i32
      %and3A_2416 = arith.andi %squeeze3A_2414, %and3A_2415 : i32
      %add3A_2417 = vector.broadcast %and3A_2416 : i32 to vector<16xi32>
      %add3A_2418 = arith.addi %broadcast_in_dim3A_2412, %add3A_2417 : vector<16xi32>
      %add3A_2419 = arith.constant 0 : i32
      %add3A_2420 = vector.broadcast %add3A_2419 : i32 to vector<16xi32>
      %add3A_2421 = arith.addi %iota3A, %add3A_2420 : vector<16xi32>
      %gather3A_2422 = arith.constant 1 : i32
      %gather3A_2423 = arith.constant 3 : i32
      %gather3A_2424 = arith.constant 0 : i32
      %gather3A_2425 = arith.constant 0 : i32
      %gather3A_2426 = tpu.memref_slice %arg6[%gather3A_2422, %gather3A_2423, %gather3A_2424, %gather3A_2425] : memref<2x8x32x128xf32, #tpu.memory_space<vmem>> -> memref<1x1x32x128xf32, #tpu.memory_space<vmem>>
      %gather3A_2427 = tpu.memref_squeeze %gather3A_2426 : memref<1x1x32x128xf32, #tpu.memory_space<vmem>> -> memref<32x128xf32, #tpu.memory_space<vmem>>
      %gather3A_2428 = tpu.vector_load_idx %gather3A_2427[%add3A_2421, %add3A_2418] : memref<32x128xf32, #tpu.memory_space<vmem>>[vector<16xi32>, vector<16xi32>], vector<16xf32>,
      %swap3A_2429 = arith.constant 1 : i32
      %swap3A_2430 = arith.constant 3 : i32
      %swap3A_2431 = arith.index_cast %swap3A_2429 : i32 to index
      %swap3A_2432 = arith.index_cast %swap3A_2430 : i32 to index
      %swap3A_2433 = arith.constant 0 : index
      %swap3A_2434 = tpu.vector_load %arg7[%swap3A_2431, %swap3A_2432, %swap3A_2433] {strides = array<i32>} : memref<2x8x32xf32, #tpu.memory_space<vmem>>, vector<16xf32>,
      tpu.vector_store %arg7[%swap3A_2431, %swap3A_2432, %swap3A_2433], %gather3A_2428 {strides = array<i32>} : memref<2x8x32xf32, #tpu.memory_space<vmem>>, vector<16xf32>,
      %add3A_2435 = arith.constant 16 : i32
      %add3A_2436 = vector.broadcast %add3A_2435 : i32 to vector<16xi32>
      %add3A_2437 = arith.addi %iota3A, %add3A_2436 : vector<16xi32>
      %gather3A_2438 = arith.constant 1 : i32
      %gather3A_2439 = arith.constant 3 : i32
      %gather3A_2440 = arith.constant 0 : i32
      %gather3A_2441 = arith.constant 0 : i32
      %gather3A_2442 = tpu.memref_slice %arg6[%gather3A_2438, %gather3A_2439, %gather3A_2440, %gather3A_2441] : memref<2x8x32x128xf32, #tpu.memory_space<vmem>> -> memref<1x1x32x128xf32, #tpu.memory_space<vmem>>
      %gather3A_2443 = tpu.memref_squeeze %gather3A_2442 : memref<1x1x32x128xf32, #tpu.memory_space<vmem>> -> memref<32x128xf32, #tpu.memory_space<vmem>>
      %gather3A_2444 = tpu.vector_load_idx %gather3A_2443[%add3A_2437, %add3A_2418] : memref<32x128xf32, #tpu.memory_space<vmem>>[vector<16xi32>, vector<16xi32>], vector<16xf32>,
      %swap3A_2445 = arith.constant 1 : i32
      %swap3A_2446 = arith.constant 3 : i32
      %swap3A_2447 = arith.index_cast %swap3A_2445 : i32 to index
      %swap3A_2448 = arith.index_cast %swap3A_2446 : i32 to index
      %swap3A_2449 = arith.constant 16 : index
      %swap3A_2450 = tpu.vector_load %arg7[%swap3A_2447, %swap3A_2448, %swap3A_2449] {strides = array<i32>} : memref<2x8x32xf32, #tpu.memory_space<vmem>>, vector<16xf32>,
      tpu.vector_store %arg7[%swap3A_2447, %swap3A_2448, %swap3A_2449], %gather3A_2444 {strides = array<i32>} : memref<2x8x32xf32, #tpu.memory_space<vmem>>, vector<16xf32>,
      %broadcast_in_dim3A_2451 = arith.constant 0 : i32
      %broadcast_in_dim3A_2452 = vector.broadcast %broadcast_in_dim3A_2451 : i32 to vector<16xi32>
      %slice3A_2453 = vector.extract_strided_slice %get3A_2277 {offsets = [4], sizes = [1], strides = [1]} : vector<16xi32> to vector<1xi32>
      %squeeze3A_2454 = vector.extract %slice3A_2453[0] : i32 from vector<1xi32>
      %and3A_2455 = arith.constant 127 : i32
      %and3A_2456 = arith.andi %squeeze3A_2454, %and3A_2455 : i32
      %add3A_2457 = vector.broadcast %and3A_2456 : i32 to vector<16xi32>
      %add3A_2458 = arith.addi %broadcast_in_dim3A_2452, %add3A_2457 : vector<16xi32>
      %add3A_2459 = arith.constant 0 : i32
      %add3A_2460 = vector.broadcast %add3A_2459 : i32 to vector<16xi32>
      %add3A_2461 = arith.addi %iota3A, %add3A_2460 : vector<16xi32>
      %gather3A_2462 = arith.constant 1 : i32
      %gather3A_2463 = arith.constant 4 : i32
      %gather3A_2464 = arith.constant 0 : i32
      %gather3A_2465 = arith.constant 0 : i32
      %gather3A_2466 = tpu.memref_slice %arg6[%gather3A_2462, %gather3A_2463, %gather3A_2464, %gather3A_2465] : memref<2x8x32x128xf32, #tpu.memory_space<vmem>> -> memref<1x1x32x128xf32, #tpu.memory_space<vmem>>
      %gather3A_2467 = tpu.memref_squeeze %gather3A_2466 : memref<1x1x32x128xf32, #tpu.memory_space<vmem>> -> memref<32x128xf32, #tpu.memory_space<vmem>>
      %gather3A_2468 = tpu.vector_load_idx %gather3A_2467[%add3A_2461, %add3A_2458] : memref<32x128xf32, #tpu.memory_space<vmem>>[vector<16xi32>, vector<16xi32>], vector<16xf32>,
      %swap3A_2469 = arith.constant 1 : i32
      %swap3A_2470 = arith.constant 4 : i32
      %swap3A_2471 = arith.index_cast %swap3A_2469 : i32 to index
      %swap3A_2472 = arith.index_cast %swap3A_2470 : i32 to index
      %swap3A_2473 = arith.constant 0 : index
      %swap3A_2474 = tpu.vector_load %arg7[%swap3A_2471, %swap3A_2472, %swap3A_2473] {strides = array<i32>} : memref<2x8x32xf32, #tpu.memory_space<vmem>>, vector<16xf32>,
      tpu.vector_store %arg7[%swap3A_2471, %swap3A_2472, %swap3A_2473], %gather3A_2468 {strides = array<i32>} : memref<2x8x32xf32, #tpu.memory_space<vmem>>, vector<16xf32>,
      %add3A_2475 = arith.constant 16 : i32
      %add3A_2476 = vector.broadcast %add3A_2475 : i32 to vector<16xi32>
      %add3A_2477 = arith.addi %iota3A, %add3A_2476 : vector<16xi32>
      %gather3A_2478 = arith.constant 1 : i32
      %gather3A_2479 = arith.constant 4 : i32
      %gather3A_2480 = arith.constant 0 : i32
      %gather3A_2481 = arith.constant 0 : i32
      %gather3A_2482 = tpu.memref_slice %arg6[%gather3A_2478, %gather3A_2479, %gather3A_2480, %gather3A_2481] : memref<2x8x32x128xf32, #tpu.memory_space<vmem>> -> memref<1x1x32x128xf32, #tpu.memory_space<vmem>>
      %gather3A_2483 = tpu.memref_squeeze %gather3A_2482 : memref<1x1x32x128xf32, #tpu.memory_space<vmem>> -> memref<32x128xf32, #tpu.memory_space<vmem>>
      %gather3A_2484 = tpu.vector_load_idx %gather3A_2483[%add3A_2477, %add3A_2458] : memref<32x128xf32, #tpu.memory_space<vmem>>[vector<16xi32>, vector<16xi32>], vector<16xf32>,
      %swap3A_2485 = arith.constant 1 : i32
      %swap3A_2486 = arith.constant 4 : i32
      %swap3A_2487 = arith.index_cast %swap3A_2485 : i32 to index
      %swap3A_2488 = arith.index_cast %swap3A_2486 : i32 to index
      %swap3A_2489 = arith.constant 16 : index
      %swap3A_2490 = tpu.vector_load %arg7[%swap3A_2487, %swap3A_2488, %swap3A_2489] {strides = array<i32>} : memref<2x8x32xf32, #tpu.memory_space<vmem>>, vector<16xf32>,
      tpu.vector_store %arg7[%swap3A_2487, %swap3A_2488, %swap3A_2489], %gather3A_2484 {strides = array<i32>} : memref<2x8x32xf32, #tpu.memory_space<vmem>>, vector<16xf32>,
      %broadcast_in_dim3A_2491 = arith.constant 0 : i32
      %broadcast_in_dim3A_2492 = vector.broadcast %broadcast_in_dim3A_2491 : i32 to vector<16xi32>
      %slice3A_2493 = vector.extract_strided_slice %get3A_2277 {offsets = [5], sizes = [1], strides = [1]} : vector<16xi32> to vector<1xi32>
      %squeeze3A_2494 = vector.extract %slice3A_2493[0] : i32 from vector<1xi32>
      %and3A_2495 = arith.constant 127 : i32
      %and3A_2496 = arith.andi %squeeze3A_2494, %and3A_2495 : i32
      %add3A_2497 = vector.broadcast %and3A_2496 : i32 to vector<16xi32>
      %add3A_2498 = arith.addi %broadcast_in_dim3A_2492, %add3A_2497 : vector<16xi32>
      %add3A_2499 = arith.constant 0 : i32
      %add3A_2500 = vector.broadcast %add3A_2499 : i32 to vector<16xi32>
      %add3A_2501 = arith.addi %iota3A, %add3A_2500 : vector<16xi32>
      %gather3A_2502 = arith.constant 1 : i32
      %gather3A_2503 = arith.constant 5 : i32
      %gather3A_2504 = arith.constant 0 : i32
      %gather3A_2505 = arith.constant 0 : i32
      %gather3A_2506 = tpu.memref_slice %arg6[%gather3A_2502, %gather3A_2503, %gather3A_2504, %gather3A_2505] : memref<2x8x32x128xf32, #tpu.memory_space<vmem>> -> memref<1x1x32x128xf32, #tpu.memory_space<vmem>>
      %gather3A_2507 = tpu.memref_squeeze %gather3A_2506 : memref<1x1x32x128xf32, #tpu.memory_space<vmem>> -> memref<32x128xf32, #tpu.memory_space<vmem>>
      %gather3A_2508 = tpu.vector_load_idx %gather3A_2507[%add3A_2501, %add3A_2498] : memref<32x128xf32, #tpu.memory_space<vmem>>[vector<16xi32>, vector<16xi32>], vector<16xf32>,
      %swap3A_2509 = arith.constant 1 : i32
      %swap3A_2510 = arith.constant 5 : i32
      %swap3A_2511 = arith.index_cast %swap3A_2509 : i32 to index
      %swap3A_2512 = arith.index_cast %swap3A_2510 : i32 to index
      %swap3A_2513 = arith.constant 0 : index
      %swap3A_2514 = tpu.vector_load %arg7[%swap3A_2511, %swap3A_2512, %swap3A_2513] {strides = array<i32>} : memref<2x8x32xf32, #tpu.memory_space<vmem>>, vector<16xf32>,
      tpu.vector_store %arg7[%swap3A_2511, %swap3A_2512, %swap3A_2513], %gather3A_2508 {strides = array<i32>} : memref<2x8x32xf32, #tpu.memory_space<vmem>>, vector<16xf32>,
      %add3A_2515 = arith.constant 16 : i32
      %add3A_2516 = vector.broadcast %add3A_2515 : i32 to vector<16xi32>
      %add3A_2517 = arith.addi %iota3A, %add3A_2516 : vector<16xi32>
      %gather3A_2518 = arith.constant 1 : i32
      %gather3A_2519 = arith.constant 5 : i32
      %gather3A_2520 = arith.constant 0 : i32
      %gather3A_2521 = arith.constant 0 : i32
      %gather3A_2522 = tpu.memref_slice %arg6[%gather3A_2518, %gather3A_2519, %gather3A_2520, %gather3A_2521] : memref<2x8x32x128xf32, #tpu.memory_space<vmem>> -> memref<1x1x32x128xf32, #tpu.memory_space<vmem>>
      %gather3A_2523 = tpu.memref_squeeze %gather3A_2522 : memref<1x1x32x128xf32, #tpu.memory_space<vmem>> -> memref<32x128xf32, #tpu.memory_space<vmem>>
      %gather3A_2524 = tpu.vector_load_idx %gather3A_2523[%add3A_2517, %add3A_2498] : memref<32x128xf32, #tpu.memory_space<vmem>>[vector<16xi32>, vector<16xi32>], vector<16xf32>,
      %swap3A_2525 = arith.constant 1 : i32
      %swap3A_2526 = arith.constant 5 : i32
      %swap3A_2527 = arith.index_cast %swap3A_2525 : i32 to index
      %swap3A_2528 = arith.index_cast %swap3A_2526 : i32 to index
      %swap3A_2529 = arith.constant 16 : index
      %swap3A_2530 = tpu.vector_load %arg7[%swap3A_2527, %swap3A_2528, %swap3A_2529] {strides = array<i32>} : memref<2x8x32xf32, #tpu.memory_space<vmem>>, vector<16xf32>,
      tpu.vector_store %arg7[%swap3A_2527, %swap3A_2528, %swap3A_2529], %gather3A_2524 {strides = array<i32>} : memref<2x8x32xf32, #tpu.memory_space<vmem>>, vector<16xf32>,
      %broadcast_in_dim3A_2531 = arith.constant 0 : i32
      %broadcast_in_dim3A_2532 = vector.broadcast %broadcast_in_dim3A_2531 : i32 to vector<16xi32>
      %slice3A_2533 = vector.extract_strided_slice %get3A_2277 {offsets = [6], sizes = [1], strides = [1]} : vector<16xi32> to vector<1xi32>
      %squeeze3A_2534 = vector.extract %slice3A_2533[0] : i32 from vector<1xi32>
      %and3A_2535 = arith.constant 127 : i32
      %and3A_2536 = arith.andi %squeeze3A_2534, %and3A_2535 : i32
      %add3A_2537 = vector.broadcast %and3A_2536 : i32 to vector<16xi32>
      %add3A_2538 = arith.addi %broadcast_in_dim3A_2532, %add3A_2537 : vector<16xi32>
      %add3A_2539 = arith.constant 0 : i32
      %add3A_2540 = vector.broadcast %add3A_2539 : i32 to vector<16xi32>
      %add3A_2541 = arith.addi %iota3A, %add3A_2540 : vector<16xi32>
      %gather3A_2542 = arith.constant 1 : i32
      %gather3A_2543 = arith.constant 6 : i32
      %gather3A_2544 = arith.constant 0 : i32
      %gather3A_2545 = arith.constant 0 : i32
      %gather3A_2546 = tpu.memref_slice %arg6[%gather3A_2542, %gather3A_2543, %gather3A_2544, %gather3A_2545] : memref<2x8x32x128xf32, #tpu.memory_space<vmem>> -> memref<1x1x32x128xf32, #tpu.memory_space<vmem>>
      %gather3A_2547 = tpu.memref_squeeze %gather3A_2546 : memref<1x1x32x128xf32, #tpu.memory_space<vmem>> -> memref<32x128xf32, #tpu.memory_space<vmem>>
      %gather3A_2548 = tpu.vector_load_idx %gather3A_2547[%add3A_2541, %add3A_2538] : memref<32x128xf32, #tpu.memory_space<vmem>>[vector<16xi32>, vector<16xi32>], vector<16xf32>,
      %swap3A_2549 = arith.constant 1 : i32
      %swap3A_2550 = arith.constant 6 : i32
      %swap3A_2551 = arith.index_cast %swap3A_2549 : i32 to index
      %swap3A_2552 = arith.index_cast %swap3A_2550 : i32 to index
      %swap3A_2553 = arith.constant 0 : index
      %swap3A_2554 = tpu.vector_load %arg7[%swap3A_2551, %swap3A_2552, %swap3A_2553] {strides = array<i32>} : memref<2x8x32xf32, #tpu.memory_space<vmem>>, vector<16xf32>,
      tpu.vector_store %arg7[%swap3A_2551, %swap3A_2552, %swap3A_2553], %gather3A_2548 {strides = array<i32>} : memref<2x8x32xf32, #tpu.memory_space<vmem>>, vector<16xf32>,
      %add3A_2555 = arith.constant 16 : i32
      %add3A_2556 = vector.broadcast %add3A_2555 : i32 to vector<16xi32>
      %add3A_2557 = arith.addi %iota3A, %add3A_2556 : vector<16xi32>
      %gather3A_2558 = arith.constant 1 : i32
      %gather3A_2559 = arith.constant 6 : i32
      %gather3A_2560 = arith.constant 0 : i32
      %gather3A_2561 = arith.constant 0 : i32
      %gather3A_2562 = tpu.memref_slice %arg6[%gather3A_2558, %gather3A_2559, %gather3A_2560, %gather3A_2561] : memref<2x8x32x128xf32, #tpu.memory_space<vmem>> -> memref<1x1x32x128xf32, #tpu.memory_space<vmem>>
      %gather3A_2563 = tpu.memref_squeeze %gather3A_2562 : memref<1x1x32x128xf32, #tpu.memory_space<vmem>> -> memref<32x128xf32, #tpu.memory_space<vmem>>
      %gather3A_2564 = tpu.vector_load_idx %gather3A_2563[%add3A_2557, %add3A_2538] : memref<32x128xf32, #tpu.memory_space<vmem>>[vector<16xi32>, vector<16xi32>], vector<16xf32>,
      %swap3A_2565 = arith.constant 1 : i32
      %swap3A_2566 = arith.constant 6 : i32
      %swap3A_2567 = arith.index_cast %swap3A_2565 : i32 to index
      %swap3A_2568 = arith.index_cast %swap3A_2566 : i32 to index
      %swap3A_2569 = arith.constant 16 : index
      %swap3A_2570 = tpu.vector_load %arg7[%swap3A_2567, %swap3A_2568, %swap3A_2569] {strides = array<i32>} : memref<2x8x32xf32, #tpu.memory_space<vmem>>, vector<16xf32>,
      tpu.vector_store %arg7[%swap3A_2567, %swap3A_2568, %swap3A_2569], %gather3A_2564 {strides = array<i32>} : memref<2x8x32xf32, #tpu.memory_space<vmem>>, vector<16xf32>,
      %broadcast_in_dim3A_2571 = arith.constant 0 : i32
      %broadcast_in_dim3A_2572 = vector.broadcast %broadcast_in_dim3A_2571 : i32 to vector<16xi32>
      %slice3A_2573 = vector.extract_strided_slice %get3A_2277 {offsets = [7], sizes = [1], strides = [1]} : vector<16xi32> to vector<1xi32>
      %squeeze3A_2574 = vector.extract %slice3A_2573[0] : i32 from vector<1xi32>
      %and3A_2575 = arith.constant 127 : i32
      %and3A_2576 = arith.andi %squeeze3A_2574, %and3A_2575 : i32
      %add3A_2577 = vector.broadcast %and3A_2576 : i32 to vector<16xi32>
      %add3A_2578 = arith.addi %broadcast_in_dim3A_2572, %add3A_2577 : vector<16xi32>
      %add3A_2579 = arith.constant 0 : i32
      %add3A_2580 = vector.broadcast %add3A_2579 : i32 to vector<16xi32>
      %add3A_2581 = arith.addi %iota3A, %add3A_2580 : vector<16xi32>
      %gather3A_2582 = arith.constant 1 : i32
      %gather3A_2583 = arith.constant 7 : i32
      %gather3A_2584 = arith.constant 0 : i32
      %gather3A_2585 = arith.constant 0 : i32
      %gather3A_2586 = tpu.memref_slice %arg6[%gather3A_2582, %gather3A_2583, %gather3A_2584, %gather3A_2585] : memref<2x8x32x128xf32, #tpu.memory_space<vmem>> -> memref<1x1x32x128xf32, #tpu.memory_space<vmem>>
      %gather3A_2587 = tpu.memref_squeeze %gather3A_2586 : memref<1x1x32x128xf32, #tpu.memory_space<vmem>> -> memref<32x128xf32, #tpu.memory_space<vmem>>
      %gather3A_2588 = tpu.vector_load_idx %gather3A_2587[%add3A_2581, %add3A_2578] : memref<32x128xf32, #tpu.memory_space<vmem>>[vector<16xi32>, vector<16xi32>], vector<16xf32>,
      %swap3A_2589 = arith.constant 1 : i32
      %swap3A_2590 = arith.constant 7 : i32
      %swap3A_2591 = arith.index_cast %swap3A_2589 : i32 to index
      %swap3A_2592 = arith.index_cast %swap3A_2590 : i32 to index
      %swap3A_2593 = arith.constant 0 : index
      %swap3A_2594 = tpu.vector_load %arg7[%swap3A_2591, %swap3A_2592, %swap3A_2593] {strides = array<i32>} : memref<2x8x32xf32, #tpu.memory_space<vmem>>, vector<16xf32>,
      tpu.vector_store %arg7[%swap3A_2591, %swap3A_2592, %swap3A_2593], %gather3A_2588 {strides = array<i32>} : memref<2x8x32xf32, #tpu.memory_space<vmem>>, vector<16xf32>,
      %add3A_2595 = arith.constant 16 : i32
      %add3A_2596 = vector.broadcast %add3A_2595 : i32 to vector<16xi32>
      %add3A_2597 = arith.addi %iota3A, %add3A_2596 : vector<16xi32>
      %gather3A_2598 = arith.constant 1 : i32
      %gather3A_2599 = arith.constant 7 : i32
      %gather3A_2600 = arith.constant 0 : i32
      %gather3A_2601 = arith.constant 0 : i32
      %gather3A_2602 = tpu.memref_slice %arg6[%gather3A_2598, %gather3A_2599, %gather3A_2600, %gather3A_2601] : memref<2x8x32x128xf32, #tpu.memory_space<vmem>> -> memref<1x1x32x128xf32, #tpu.memory_space<vmem>>
      %gather3A_2603 = tpu.memref_squeeze %gather3A_2602 : memref<1x1x32x128xf32, #tpu.memory_space<vmem>> -> memref<32x128xf32, #tpu.memory_space<vmem>>
      %gather3A_2604 = tpu.vector_load_idx %gather3A_2603[%add3A_2597, %add3A_2578] : memref<32x128xf32, #tpu.memory_space<vmem>>[vector<16xi32>, vector<16xi32>], vector<16xf32>,
      %swap3A_2605 = arith.constant 1 : i32
      %swap3A_2606 = arith.constant 7 : i32
      %swap3A_2607 = arith.index_cast %swap3A_2605 : i32 to index
      %swap3A_2608 = arith.index_cast %swap3A_2606 : i32 to index
      %swap3A_2609 = arith.constant 16 : index
      %swap3A_2610 = tpu.vector_load %arg7[%swap3A_2607, %swap3A_2608, %swap3A_2609] {strides = array<i32>} : memref<2x8x32xf32, #tpu.memory_space<vmem>>, vector<16xf32>,
      tpu.vector_store %arg7[%swap3A_2607, %swap3A_2608, %swap3A_2609], %gather3A_2604 {strides = array<i32>} : memref<2x8x32xf32, #tpu.memory_space<vmem>>, vector<16xf32>,
      %mul3A_2611 = arith.constant 8 : i32
      %mul3A_2612 = arith.muli %add3A_2272, %mul3A_2611 : i32
      %add3A_2613 = arith.addi %mul3A_2, %mul3A_2612 : i32
      %dma_start3A_2614 = arith.constant 1 : i32
      %dma_start3A_2615 = arith.constant 0 : i32
      %dma_start3A_2616 = arith.constant 0 : i32
      %dma_start3A_2617 = tpu.memref_slice %arg7[%dma_start3A_2614, %dma_start3A_2615, %dma_start3A_2616] : memref<2x8x32xf32, #tpu.memory_space<vmem>> -> memref<1x8x32xf32, #tpu.memory_space<vmem>>
      %dma_start3A_2618 = tpu.memref_squeeze %dma_start3A_2617 : memref<1x8x32xf32, #tpu.memory_space<vmem>> -> memref<8x32xf32, #tpu.memory_space<vmem>>
      %dma_start3A_2619 = arith.constant 0 : i32
      %dma_start3A_2620 = tpu.memref_slice %arg4[%add3A_2613, %dma_start3A_2619] : memref<16384x32xf32, #tpu.memory_space<hbm>> -> memref<8x32xf32, #tpu.memory_space<hbm>>
      %dma_start3A_2621 = arith.constant 0 : i32
      %dma_start3A_2622 = tpu.memref_slice %arg4[%add3A_2613, %dma_start3A_2621] : memref<16384x32xf32, #tpu.memory_space<hbm>> -> memref<8x32xf32, #tpu.memory_space<hbm>>
      %dma_start3A_2623 = arith.constant 0 : i32
      %dma_start3A_2624 = arith.constant 0 : i32
      %dma_start3A_2625 = tpu.memref_slice %arg7[%dma_start3A_2614, %dma_start3A_2623, %dma_start3A_2624] : memref<2x8x32xf32, #tpu.memory_space<vmem>> -> memref<1x8x32xf32, #tpu.memory_space<vmem>>
      %dma_start3A_2626 = tpu.memref_squeeze %dma_start3A_2625 : memref<1x8x32xf32, #tpu.memory_space<vmem>> -> memref<8x32xf32, #tpu.memory_space<vmem>>
      tpu.enqueue_dma source(%dma_start3A_2626 : memref<8x32xf32, #tpu.memory_space<vmem>>) target(%dma_start3A_2622 : memref<8x32xf32, #tpu.memory_space<hbm>>) target_semaphore(%arg10 : memref<!tpu.dma_semaphore, #tpu.memory_space<semaphore_mem>>)
      %scan3A_2627 = arith.constant 0 : i32
      scf.yield %scan3A_2627 : i32
    }
    %scan3A_1447 = arith.constant 31 : i32
    %dma_wait3A_1448 = arith.constant 0 : i32
    %dma_wait3A_1449 = arith.constant 0 : i32
    %dma_wait3A_1450 = arith.constant 0 : i32
    %dma_wait3A_1451 = tpu.memref_slice %arg7[%dma_wait3A_1448, %dma_wait3A_1449, %dma_wait3A_1450] : memref<2x8x32xf32, #tpu.memory_space<vmem>> -> memref<1x8x32xf32, #tpu.memory_space<vmem>>
    %dma_wait3A_1452 = tpu.memref_squeeze %dma_wait3A_1451 : memref<1x8x32xf32, #tpu.memory_space<vmem>> -> memref<8x32xf32, #tpu.memory_space<vmem>>
    %dma_wait3A_1453 = arith.constant 0 : i32
    %dma_wait3A_1454 = tpu.memref_slice %arg4[%mul3A_2, %dma_wait3A_1453] : memref<16384x32xf32, #tpu.memory_space<hbm>> -> memref<8x32xf32, #tpu.memory_space<hbm>>
    %dma_wait3A_1455 = arith.constant 0 : i32
    %dma_wait3A_1456 = tpu.memref_slice %arg4[%mul3A_2, %dma_wait3A_1455] : memref<16384x32xf32, #tpu.memory_space<hbm>> -> memref<8x32xf32, #tpu.memory_space<hbm>>
    %dma_wait3A_1457 = arith.constant 0 : i32
    %dma_wait3A_1458 = arith.constant 0 : i32
    %dma_wait3A_1459 = tpu.memref_slice %arg7[%dma_wait3A_1448, %dma_wait3A_1457, %dma_wait3A_1458] : memref<2x8x32xf32, #tpu.memory_space<vmem>> -> memref<1x8x32xf32, #tpu.memory_space<vmem>>
    %dma_wait3A_1460 = tpu.memref_squeeze %dma_wait3A_1459 : memref<1x8x32xf32, #tpu.memory_space<vmem>> -> memref<8x32xf32, #tpu.memory_space<vmem>>
    tpu.wait_dma2 semaphore(%arg10 : memref<!tpu.dma_semaphore, #tpu.memory_space<semaphore_mem>>) src(%dma_wait3A_1460 : memref<8x32xf32, #tpu.memory_space<vmem>>) dst(%dma_wait3A_1456 : memref<8x32xf32, #tpu.memory_space<hbm>>)
    %dma_wait3A_1461 = arith.constant 1 : i32
    %dma_wait3A_1462 = arith.constant 0 : i32
    %dma_wait3A_1463 = arith.constant 0 : i32
    %dma_wait3A_1464 = tpu.memref_slice %arg7[%dma_wait3A_1461, %dma_wait3A_1462, %dma_wait3A_1463] : memref<2x8x32xf32, #tpu.memory_space<vmem>> -> memref<1x8x32xf32, #tpu.memory_space<vmem>>
    %dma_wait3A_1465 = tpu.memref_squeeze %dma_wait3A_1464 : memref<1x8x32xf32, #tpu.memory_space<vmem>> -> memref<8x32xf32, #tpu.memory_space<vmem>>
    %dma_wait3A_1466 = arith.constant 0 : i32
    %dma_wait3A_1467 = tpu.memref_slice %arg4[%mul3A_2, %dma_wait3A_1466] : memref<16384x32xf32, #tpu.memory_space<hbm>> -> memref<8x32xf32, #tpu.memory_space<hbm>>
    %dma_wait3A_1468 = arith.constant 0 : i32
    %dma_wait3A_1469 = tpu.memref_slice %arg4[%mul3A_2, %dma_wait3A_1468] : memref<16384x32xf32, #tpu.memory_space<hbm>> -> memref<8x32xf32, #tpu.memory_space<hbm>>
    %dma_wait3A_1470 = arith.constant 0 : i32
    %dma_wait3A_1471 = arith.constant 0 : i32
    %dma_wait3A_1472 = tpu.memref_slice %arg7[%dma_wait3A_1461, %dma_wait3A_1470, %dma_wait3A_1471] : memref<2x8x32xf32, #tpu.memory_space<vmem>> -> memref<1x8x32xf32, #tpu.memory_space<vmem>>
    %dma_wait3A_1473 = tpu.memref_squeeze %dma_wait3A_1472 : memref<1x8x32xf32, #tpu.memory_space<vmem>> -> memref<8x32xf32, #tpu.memory_space<vmem>>
    tpu.wait_dma2 semaphore(%arg10 : memref<!tpu.dma_semaphore, #tpu.memory_space<semaphore_mem>>) src(%dma_wait3A_1473 : memref<8x32xf32, #tpu.memory_space<vmem>>) dst(%dma_wait3A_1469 : memref<8x32xf32, #tpu.memory_space<hbm>>)
    return
  }
}

</mosaic_0001>

<sc_bundles>
// kernel: kernel.3.cloned.1.call-start
scs
__scs_entry_jumppad:
0x0: {  	(pc) =	sbr.rel $0x88, $3  }
0x1: {  	(tag) =	ssettag $0x0;
	lr =	simm.s32 $0x1  }
0x2: {  	[smem:$0x3F9F] =	sst lr;
	_ =	strace $0xD0000000  }
0x3: {  	_ = 	snop  }
0x4: {  	_ = 	snop  }
0x5: {  	_ = 	snop  }
0x6: {  	_ = 	snop  }
0x7: {  	_ = 	snop  }
__scs_overlays_trampoline_lowered:
0x8: {  	[smem:$0x3FAE] =	sst s0  }
0x9: {  	[smem:$0x3FAF] =	sst s1  }
0xa: {  	[smem:$0x3FB0] =	sst s2  }
0xb: {  	[smem:$0x3FB1] =	sst s3  }
0xc: {  	[smem:$0x3FB2] =	sst s4  }
0xd: {  	[smem:$0x3FB3] =	sst s5  }
0xe: {  	[smem:$0x3FB4] =	sst s6  }
0xf: {  	[smem:$0x3FB5] =	sst s7  }
0x10: {  	[smem:$0x3FB6] =	sst s8  }
0x11: {  	[smem:$0x3FB7] =	sst s9;
	s0 =	simm.s32 @!p0 $0x0  }
0x12: {  	s1 =	sld [smem:$0x3F9D];
	s0 =	simm.s32 @p0 $0x1  }
0x13: {  	[smem:$0x3FB8] =	sst s0;
	s0 =	simm.s32 @!p1 $0x0  }
0x14: {  	s2 =	sld [smem:$0x3F9C];
	s0 =	simm.s32 @p1 $0x1  }
0x15: {  	[smem:$0x3FB9] =	sst s0;
	s0 =	simm.s32 @!p2 $0x0  }
0x16: {  	s3 =	sld [smem:$0x3FDB];
	s0 =	simm.s32 @p2 $0x1  }
0x17: {  	s4 =	simm.s32 $0x1BF5;
	[smem:$0x3FBB] =	sst s0  }
0x18: {  	s0 =	sld [smem:$0x3F9E];
	_ =	swait.ge [sflag:s4], $0x0  }
0x19: {  	s7 =	sld [smem:$0x3F9F]  }
0x1a: {  	s8 =	sadd.s32 $0xFFFFE003, lr  }
0x1b: {  	s9 =	sadd.s32 $0xFFFFFEF7, lr;
	s5 =	simm.s32 $0xFFFFFFFF;
	p2 =	slt.u32 s8, $0xFFFFF086  }
0x1c: {  	p1 =	slt.u32 s9, $0xF7A;
	s5 =	simm.s32 @!p2 $0x0  }
0x1d: {  	s5 =	simm.s32 @p1 $0x1;
	p0 =	seq.s32 s7, s2  }
0x1e: {  	s7 =	smul.u32 @!p0 $0xF7A, s2;
	p2 =	seq.s32 @!p0 s5, $0x0  }
0x1f: {  	s9 =	smul.u32 $0xF7A, s1;
	s8 =	simm.s32 @!p0 $0x1BF5;
	p2 =	por !p2, p0  }
0x20: {  	[sflag:s8] =	ssyncset.s32 @!p0 $0xFFFFF086;
	s6 =	sadd.s32 @!p0 s3, s7;
	s7 =	simm.s32 @!p0 $0x108  }
0x21: {  	s3 =	sadd.s32 s3, s9;
	s6 =	sadd.s32 @!p0 $0x88, s6;
	s7 =	simm.s32 @p2 $0x1082  }
0x22: {  	[simem:s7], [sflag:s8] =	dma.local @!p0 [hbm:s6], $0xF7A  }
0x23: {  	s9 =	sor.u32 $0xD0000000, s2;
	s6 =	simm.s32 $0x108;
	_ =	swait.ge @!p0 [sflag:s8], $0x0  }
0x24: {  	s3 =	sadd.s32 $0x88, s3;
	s6 =	simm.s32 @!p1 $0x1082;
	[sflag:s4] =	ssyncset.s32 $0xFFFFF086  }
0x25: {  	[simem:s6], [sflag:s4] =	dma.local [hbm:s3], $0xF7A  }
0x26: {  	[smem:$0x3F9F] =	sst s1;
	(tag) =	ssettag s2;
	_ =	strace s9  }
0x27: {  	s1 =	sld [smem:$0x3FAF]  }
0x28: {  	s2 =	sld [smem:$0x3FB0]  }
0x29: {  	s4 =	sld [smem:$0x3FB2]  }
0x2a: {  	p0 =	seq.s32 s5, $0x0;
	s5 =	sld [smem:$0x3FB3]  }
0x2b: {  	s6 =	sld [smem:$0x3FB4]  }
0x2c: {  	s7 =	sld [smem:$0x3FB5]  }
0x2d: {  	s3 =	simm.s32 $0x108;
	s8 =	sld [smem:$0x3FB6]  }
0x2e: {  	s3 =	simm.s32 @!p0 $0x1082;
	s9 =	sld [smem:$0x3FB7]  }
0x2f: {  	lr =	sadd.s32 s0, s3;
	s0 =	sld [smem:$0x3FAE]  }
0x30: {  	s3 =	sld [smem:$0x3FB1]  }
0x31: {  	[smem:$0x3FBA] =	sst s10  }
0x32: {  	s10 =	sld [smem:$0x3FB8];
	_ =	sdelay $0x3  }
0x33: {  	p0 =	seq.s32 s10, $0x1;
	s10 =	sld [smem:$0x3FBA];
	_ =	sdelay $0x3  }
0x34: {  	[smem:$0x3FBA] =	sst s10  }
0x35: {  	s10 =	sld [smem:$0x3FB9];
	_ =	sdelay $0x3  }
0x36: {  	p1 =	seq.s32 s10, $0x1;
	s10 =	sld [smem:$0x3FBA];
	_ =	sdelay $0x3  }
0x37: {  	[smem:$0x3FBA] =	sst s10  }
0x38: {  	s10 =	sld [smem:$0x3FBB]  }
0x39: {  	_ = 	snop;
	(pc) =	sbr.ind lr, $3  }
0x3a: {  	_ = 	snop  }
0x3b: {  	_ = 	snop  }
0x3c: {  	p2 =	seq.s32 s10, $0x1;
	s10 =	sld [smem:$0x3FBA]  }
0x3d: {  	_ =	shalt  }
0x3e: {  	_ =	shalt  }
0x3f: {  	_ =	shalt  }
0x40: {  	_ =	shalt  }
0x41: {  	_ =	shalt  }
0x42: {  	_ =	shalt  }
0x43: {  	_ =	shalt  }
0x44: {  	_ =	shalt  }
0x45: {  	_ =	shalt  }
0x46: {  	_ =	shalt  }
0x47: {  	_ =	shalt  }
0x48: {  	_ =	shalt  }
0x49: {  	_ =	shalt  }
0x4a: {  	_ =	shalt  }
0x4b: {  	_ =	shalt  }
0x4c: {  	_ =	shalt  }
0x4d: {  	_ =	shalt  }
0x4e: {  	_ =	shalt  }
0x4f: {  	_ =	shalt  }
0x50: {  	_ =	shalt  }
0x51: {  	_ =	shalt  }
0x52: {  	_ =	shalt  }
0x53: {  	_ =	shalt  }
0x54: {  	_ =	shalt  }
0x55: {  	_ =	shalt  }
0x56: {  	_ =	shalt  }
0x57: {  	_ =	shalt  }
0x58: {  	_ =	shalt  }
0x59: {  	_ =	shalt  }
0x5a: {  	_ =	shalt  }
0x5b: {  	_ =	shalt  }
0x5c: {  	_ =	shalt  }
0x5d: {  	_ =	shalt  }
0x5e: {  	_ =	shalt  }
0x5f: {  	_ =	shalt  }
0x60: {  	_ =	shalt  }
0x61: {  	_ =	shalt  }
0x62: {  	_ =	shalt  }
0x63: {  	_ =	shalt  }
0x64: {  	_ =	shalt  }
0x65: {  	_ =	shalt  }
0x66: {  	_ =	shalt  }
0x67: {  	_ =	shalt  }
0x68: {  	_ =	shalt  }
0x69: {  	_ =	shalt  }
0x6a: {  	_ =	shalt  }
0x6b: {  	_ =	shalt  }
0x6c: {  	_ =	shalt  }
0x6d: {  	_ =	shalt  }
0x6e: {  	_ =	shalt  }
0x6f: {  	_ =	shalt  }
0x70: {  	_ =	shalt  }
0x71: {  	_ =	shalt  }
0x72: {  	_ =	shalt  }
0x73: {  	_ =	shalt  }
0x74: {  	_ =	shalt  }
0x75: {  	_ =	shalt  }
0x76: {  	_ =	shalt  }
0x77: {  	_ =	shalt  }
0x78: {  	_ =	shalt  }
0x79: {  	_ =	shalt  }
0x7a: {  	_ =	shalt  }
0x7b: {  	_ =	shalt  }
0x7c: {  	_ =	shalt  }
0x7d: {  	_ =	shalt  }
0x7e: {  	_ =	shalt  }
0x7f: {  	_ =	shalt  }
0x80: {  	_ =	shalt  }
0x81: {  	_ =	shalt  }
0x82: {  	_ =	shalt  }
0x83: {  	_ =	shalt  }
0x84: {  	_ =	shalt  }
0x85: {  	_ =	shalt  }
0x86: {  	_ =	shalt  }
0x87: {  	_ =	shalt  }
.Lfunc_end0:
.L_simem_size_0:
called_computation_lowered:
.L_overlay_start_0:
0x88: {  	s2 =	sld [smem:$0x3FD9]  }
0x89: {  	s3 =	sld [smem:$0x3FFE];
	_ =	sdelay $0x1  }
0x8a: {  	s1 =	srdreg.scid  }
0x8b: {  	s0 =	sand.u32 $0x1, s1  }
0x8c: {  	s17 =	sshll.u32 s0, $0xA;
	s2 =	sadd.s32 s3, s2  }
0x8d: {  	s2 =	sadd.s32 s2, s17  }
0x8e: {  	[smem:$0x3FC6] =	sst s2  }
0x8f: {  	_ = 	snop  }
0x90: {  	s2 =	sld [smem:$0x3FC8]  }
0x91: {  	s18 =	sld [smem:$0x3FD0];
	(tm) =	ssettm $0x1  }
0x92: {  	s4 =	sld [smem:$0x3FFB];
	_ =	sdelay $0x3  }
0x93: {  	_ =	strace s4  }
0x94: {  	s4 =	sld [smem:$0x3FFC];
	_ =	sdelay $0x3  }
0x95: {  	_ =	strace s4  }
0x96: {  	s4 =	sld [smem:$0x3FFD];
	_ =	sdelay $0x3  }
0x97: {  	_ =	strace s4  }
0x98: {  	_ =	strace $0x8FFFFFFF  }
0x99: {  	s19 =	sld [smem:$0x3FDB];
	_ =	sdelay $0x1  }
0x9a: {  	s5 =	simm.s32 $_scs_section_size  }
0x9b: {  	s6 =	simm.s32 $_size__tile_overlayer_lowered;
	s7 =	simm.s32 $_tile_overlayer_lowered  }
0x9c: {  	s22 =	simm.s32 $0x1BFF;
	s21 =	sshll.u32 s7, $0x1;
	s4 =	sadd.s32 s5, s19  }
0x9d: {  	s8 =	simm.s32 $0x0;
	s20 =	sshll.u32 s6, $0x1;
	s6 =	sadd.s32 s21, s4  }
0x9e: {  	[timem:s8], [sflag:s22] =	dma.local [hbm:s6], s20  }
0x9f: {  	_ =	swait.ge [sflag:s22], s20  }
0xa0: {  	s5 =	ssub.s32 $0x0, s20;
	[sflag:s22] =	ssyncset.done $0x0  }
0xa1: {  	[sflag:s22] =	ssyncadd.s32 s5;
	_ =	sdelay $0x1  }
0xa2: {  	s23 =	simm.s32 $0x1B8B  }
0xa3: {  	_ =	swait.ge [sflag:s23], $0x1  }
0xa4: {  	[sflag:s23] =	ssyncset.done $0x0  }
0xa5: {  	s25 =	simm.s32 $0x1B8E;
	s24 =	sld [smem:$0x3FFE];
	[sflag:s23] =	ssyncadd.s32 $0xFFFFFFFF  }
0xa6: {  	s26 =	simm.s32 $execute0_lowered;
	[smem:$0x3FD2] =	sst s25  }
0xa7: {  	s6 =	sshll.u32 s26, $0x1;
	_ =	strace $0x80000046;
	[dreg:$0x1] =	wrdreg $0xFFFFFFFF  }
0xa8: {  	s28 =	simm.s32 $_size_execute0_lowered;
	s4 =	sadd.s32 s4, s6;
	[dreg:$0x0] =	wrdreg $0x0  }
0xa9: {  	s6 =	sshll.u32 s28, $0x1;
	[dreg:$0x2] =	wrdreg s4  }
0xaa: {  	[dreg:$0x3] =	wrdreg s6  }
0xab: {  	[dreg:$0x4] =	wrdreg $0xC0  }
0xac: {  	_ =	task [dreg:s8], $0x5FFFF  }
0xad: {  	[dreg:$0x1] =	wrdreg $0xFFFFFFFF  }
0xae: {  	[dreg:$0x0] =	wrdreg $0x60  }
0xaf: {  	[dreg:$0x2] =	wrdreg s18  }
0xb0: {  	[dreg:$0x3] =	wrdreg s2  }
0xb1: {  	[dreg:$0x4] =	wrdreg s24  }
0xb2: {  	[dreg:$0x5] =	wrdreg $0x9  }
0xb3: {  	_ =	task.clear_ibuf [dreg:s8], $0x6FFFF;
	_ =	strace $0x90000046  }
0xb4: {  	s29 =	simm.s32 $0x9;
	_ =	strace $0x80000048  }
0xb5: {  	_ =	swait.ge [sflag:s29], $0x1  }
0xb6: {  	[sflag:s29] =	ssyncadd.s32 $0xFFFFFFFF  }
0xb7: {  	_ =	strace $0x90000048  }
0xb8: {  	_ =	sfence  }
0xb9: {  	s30 =	sld [smem:$0x0];
	_ =	sdelay $0x2  }
0xba: {  	s31 =	sshll.u32 s1, $0xD;
	s1 =	sshrl.u32 s1, $0x2  }
0xbb: {  	s3 =	sand.u32 $0x4000, s31;
	s1 =	sadd.s32 s1, s30  }
0xbc: {  	s0 =	sor.u32 s3, s0;
	s1 =	sshll.u32 s1, $0x11  }
0xbd: {  	s0 =	sor.u32 s1, s0  }
0xbe: {  	s0 =	sadd.s32 $0x8F2B, s0  }
0xbf: {  	[sflag:s0] =	ssyncadd.remote.s32 $0x1  }
0xc0: {  	_ =	sfence.sel $0xFFFF  }
0xc1: {  	[dreg:$0x0] =	wrdreg $0xFFFFFFFF;
	(pc) =	sbr.abs _section_cstart, $3  }
0xc2: {  	[dreg:$0x1] =	wrdreg $0xFFFFFFFF  }
0xc3: {  	_ =	task.clear_ibuf [dreg:s8], $0x2FFFF;
	_ =	strace $0x9FFFFFFF  }
0xc4: {  	(tm) =	ssettm $0x7FFFFFFF  }
0xc5: {  	_ =	shalt  }
tec
execute0_lowered:
.L_overlay_start_1:
0x0: {  	(tag) =	ssettag $0x1  }
0x1: {  	s0 =	rddreg [dreg:$0x0]  }
0x2: {  	s1 =	rddreg [dreg:$0x1]  }
0x3: {  	s3 =	rddreg [dreg:$0x2];
	s2 =	simm.s32 $0x0  }
0x4: {  	s4 =	srdreg.scid;
	s9 =	stileid.u32;
	s10 =	simm.s32 $0x7A1400  }
0x5: {  	s11 =	simm.s32 $0x280;
	s12 =	simm.s32 $0x1280;
	s13 =	simm.s32 $0x2280  }
0x6: {  	s14 =	simm.s32 $0x3280;
	s15 =	simm.s32 $0x4280;
	s16 =	simm.s32 $0x5280  }
0x7: {  	s17 =	simm.s32 $0x6280;
	s18 =	simm.s32 $0x7280;
	s19 =	simm.s32 $0x8280  }
0x8: {  	s20 =	simm.s32 $0x9280;
	s21 =	simm.s32 $0xA280;
	s22 =	simm.s32 $0xB280  }
0x9: {  	s28 =	simm.s32 $0x1;
	s30 =	simm.s32 $0x2;
	s31 =	simm.s32 $0x10680  }
0xa: {  	[smem:$0x7FF] =	sst s2;
	s5 =	sand.u32 $0x1, s4;
	s7 =	sshll.u32 s9, $0xA  }
0xb: {  	s3 =	sadd.s32 $0x400, s3;
	s24 =	sshll.u32 s9, $0xE;
	s9 =	simm.s32 $0x400  }
0xc: {  	_ =	strace $0x80000047;
	s4 =	ssub.s32 $0x2, s5;
	s8 =	sshll.u32 s5, $0x9  }
0xd: {  	s5 =	sshll.u32 s5, $0xD;
	s6 =	sshrl.u32 s4, $0x1;
	s23 =	sor.u32 s8, s7  }
0xe: {  	s8 =	simm.s32 $0x10280;
	s6 =	ssub.s32 s4, s6;
	s7 =	sshrl.u32 s23, $0x3  }
0xf: {  	s4 =	sshll.u32 s23, $0x4;
	s23 =	simm.s32 $0xC280;
	s0 =	sadd.s32 s0, s7  }
0x10: {  	s4 =	sadd.s32 s3, s4;
	s3 =	sadd.s32 s24, s3;
	[dreg:$0x6] =	wrdreg s0  }
0x11: {  	v0 =	vlaneseq.u32;
	s29 =	smax.u32 s6, $0x1;
	s24 =	simm.s32 $0xD280;
	[dreg:$0x5] =	wrdreg s4  }
0x12: {  	v0 =	vmul.u32 $0x80, v0;
	s25 =	sadd.s32 $0x80, s4;
	s26 =	sadd.s32 s5, s3;
	[dreg:$0x8] =	wrdreg s29  }
0x13: {  	s0 =	simm.s32 $0x3;
	s4 =	simm.s32 $0x0;
	[dreg:$0x7] =	wrdreg s25  }
0x14: {  	v1 =	vor.u32 $0x800, v0;
	[dreg:$0x4] =	wrdreg s26;
	s25 =	simm.s32 $0xE280;
	s26 =	simm.s32 $0xF280  }
.LBB2_1:
0x15: {  	[dreg:$0x9] =	wrdreg s4  }
0x16: {  	s3 =	rddreg [dreg:$0x6];
	s7 =	simm.s32 $0x4  }
0x17: {  	[tilespmem:s2], [sflag:$0x4] =	stream.linear.gather [hbm4b:s3+s2], $0x200, $0x38;
	[tilespmem:$0x10A80] =	vst v63  }
0x18: {  	_ =	swait.ge [sflag:s7], $0x200  }
0x19: {  	[sflag:s7] =	ssyncset.done $0x0  }
0x1a: {  	[sflag:s7] =	ssyncadd.s32 $0xFFFFFE00  }
0x1b: {  	v2 =	vld [tilespmem:$0x0];
	_ =	sdelay $0x4  }
0x1c: {  	(v2sf) =	vpush v2, $0x0;
	_ =	sdelay $0x1  }
0x1d: {  	(v2sf) =	vpush v2, $0x1;
	_ =	sdelay $0x1  }
0x1e: {  	(v2sf) =	vpush v2, $0x2;
	_ =	sdelay $0x5  }
0x1f: {  	(v2sf) =	vpush v2, $0x3;
	_ =	sdelay $0x4  }
0x20: {  	s5 =	spop (v2sf);
	(v2sf) =	vpush v2, $0x4;
	_ =	sdelay $0x1  }
0x21: {  	s29 =	spop (v2sf);
	(v2sf) =	vpush v2, $0x5  }
0x22: {  	s5 =	sand.u32 $0xFFFFF80, s5  }
0x23: {  	s5 =	sadd.s32 s1, s5;
	s3 =	spop (v2sf)  }
0x24: {  	(v2sf) =	vpush v2, $0x6;
	[tilespmem:s11], [sflag:$0x1] =	stream.strided.gather [hbm4b:s5+s9], $0x1000, s10, s9, $0x38;
	[tilespmem:$0x10A80] =	vst v63  }
0x25: {  	s5 =	sand.u32 $0xFFFFF80, s29  }
0x26: {  	s5 =	sadd.s32 s1, s5  }
0x27: {  	(v2sf) =	vpush v2, $0x7;
	[tilespmem:s12], [sflag:$0x1] =	stream.strided.gather [hbm4b:s5+s9], $0x1000, s10, s9, $0x38;
	[tilespmem:$0x10A80] =	vst v63  }
0x28: {  	s5 =	sand.u32 $0xFFFFF80, s3  }
0x29: {  	s4 =	spop (v2sf);
	s5 =	sadd.s32 s1, s5  }
0x2a: {  	[tilespmem:s13], [sflag:$0x1] =	stream.strided.gather [hbm4b:s5+s9], $0x1000, s10, s9, $0x38;
	[tilespmem:$0x10A80] =	vst v63  }
0x2b: {  	s5 =	sand.u32 $0xFFFFF80, s4  }
0x2c: {  	s5 =	sadd.s32 s1, s5  }
0x2d: {  	[tilespmem:s14], [sflag:$0x1] =	stream.strided.gather [hbm4b:s5+s9], $0x1000, s10, s9, $0x38;
	[tilespmem:$0x10A80] =	vst v63  }
0x2e: {  	s6 =	spop (v2sf)  }
0x2f: {  	s5 =	sand.u32 $0xFFFFF80, s6  }
0x30: {  	s7 =	spop (v2sf);
	s5 =	sadd.s32 s1, s5  }
0x31: {  	[tilespmem:s15], [sflag:$0x1] =	stream.strided.gather [hbm4b:s5+s9], $0x1000, s10, s9, $0x38;
	[tilespmem:$0x10A80] =	vst v63  }
0x32: {  	s5 =	sand.u32 $0xFFFFF80, s7  }
0x33: {  	s29 =	spop (v2sf);
	s5 =	sadd.s32 s1, s5  }
0x34: {  	[tilespmem:s16], [sflag:$0x1] =	stream.strided.gather [hbm4b:s5+s9], $0x1000, s10, s9, $0x38;
	[tilespmem:$0x10A80] =	vst v63  }
0x35: {  	s5 =	sand.u32 $0xFFFFF80, s29  }
0x36: {  	s3 =	spop (v2sf);
	s5 =	sadd.s32 s1, s5  }
0x37: {  	[tilespmem:s17], [sflag:$0x1] =	stream.strided.gather [hbm4b:s5+s9], $0x1000, s10, s9, $0x38;
	[tilespmem:$0x10A80] =	vst v63  }
0x38: {  	s5 =	sand.u32 $0xFFFFF80, s3  }
0x39: {  	s5 =	sadd.s32 s1, s5  }
0x3a: {  	[tilespmem:s18], [sflag:$0x1] =	stream.strided.gather [hbm4b:s5+s9], $0x1000, s10, s9, $0x38;
	[tilespmem:$0x10A80] =	vst v63  }
0x3b: {  	v2 =	vld [tilespmem:$0x8];
	_ =	sdelay $0x4  }
0x3c: {  	(v2sf) =	vpush v2, $0x0;
	_ =	sdelay $0x1  }
0x3d: {  	(v2sf) =	vpush v2, $0x1;
	_ =	sdelay $0x1  }
0x3e: {  	(v2sf) =	vpush v2, $0x2  }
0x3f: {  	(v2sf) =	vpush v2, $0x3;
	_ =	sdelay $0x5  }
0x40: {  	(v2sf) =	vpush v2, $0x4;
	_ =	sdelay $0x3  }
0x41: {  	s4 =	spop (v2sf)  }
0x42: {  	(v2sf) =	vpush v2, $0x5;
	s5 =	sand.u32 $0xFFFFF80, s4  }
0x43: {  	s6 =	spop (v2sf);
	s5 =	sadd.s32 s1, s5  }
0x44: {  	(v2sf) =	vpush v2, $0x6;
	[tilespmem:s19], [sflag:$0x2] =	stream.strided.gather [hbm4b:s5+s9], $0x1000, s10, s9, $0x38;
	[tilespmem:$0x10A80] =	vst v63  }
0x45: {  	s7 =	spop (v2sf);
	s5 =	sand.u32 $0xFFFFF80, s6  }
0x46: {  	s29 =	spop (v2sf);
	s5 =	sadd.s32 s1, s5  }
0x47: {  	(v2sf) =	vpush v2, $0x7;
	[tilespmem:s20], [sflag:$0x2] =	stream.strided.gather [hbm4b:s5+s9], $0x1000, s10, s9, $0x38;
	[tilespmem:$0x10A80] =	vst v63  }
0x48: {  	s5 =	sand.u32 $0xFFFFF80, s7  }
0x49: {  	s5 =	sadd.s32 s1, s5  }
0x4a: {  	[tilespmem:s21], [sflag:$0x2] =	stream.strided.gather [hbm4b:s5+s9], $0x1000, s10, s9, $0x38;
	[tilespmem:$0x10A80] =	vst v63  }
0x4b: {  	s5 =	sand.u32 $0xFFFFF80, s29  }
0x4c: {  	s3 =	spop (v2sf);
	s5 =	sadd.s32 s1, s5  }
0x4d: {  	[tilespmem:s22], [sflag:$0x2] =	stream.strided.gather [hbm4b:s5+s9], $0x1000, s10, s9, $0x38;
	[tilespmem:$0x10A80] =	vst v63  }
0x4e: {  	s5 =	sand.u32 $0xFFFFF80, s3  }
0x4f: {  	s5 =	sadd.s32 s1, s5  }
0x50: {  	[tilespmem:s23], [sflag:$0x2] =	stream.strided.gather [hbm4b:s5+s9], $0x1000, s10, s9, $0x38;
	[tilespmem:$0x10A80] =	vst v63  }
0x51: {  	s4 =	spop (v2sf)  }
0x52: {  	s5 =	sand.u32 $0xFFFFF80, s4  }
0x53: {  	s6 =	spop (v2sf);
	s5 =	sadd.s32 s1, s5  }
0x54: {  	[tilespmem:s24], [sflag:$0x2] =	stream.strided.gather [hbm4b:s5+s9], $0x1000, s10, s9, $0x38;
	[tilespmem:$0x10A80] =	vst v63  }
0x55: {  	s5 =	sand.u32 $0xFFFFF80, s6  }
0x56: {  	s7 =	spop (v2sf);
	s5 =	sadd.s32 s1, s5  }
0x57: {  	[tilespmem:s25], [sflag:$0x2] =	stream.strided.gather [hbm4b:s5+s9], $0x1000, s10, s9, $0x38;
	[tilespmem:$0x10A80] =	vst v63  }
0x58: {  	s5 =	sand.u32 $0xFFFFF80, s7  }
0x59: {  	s5 =	sadd.s32 s1, s5  }
0x5a: {  	[tilespmem:s26], [sflag:$0x2] =	stream.strided.gather [hbm4b:s5+s9], $0x1000, s10, s9, $0x38;
	[tilespmem:$0x10A80] =	vst v63  }
0x5b: {  	_ =	swait.ge [sflag:s28], $0x1000  }
0x5c: {  	[sflag:s28] =	ssyncset.done $0x0  }
0x5d: {  	[sflag:s28] =	ssyncadd.s32 $0xFFFFF000  }
0x5e: {  	_ =	swait.ge [sflag:s28], $0x1000  }
0x5f: {  	[sflag:s28] =	ssyncset.done $0x0  }
0x60: {  	[sflag:s28] =	ssyncadd.s32 $0xFFFFF000  }
0x61: {  	_ =	swait.ge [sflag:s28], $0x1000  }
0x62: {  	[sflag:s28] =	ssyncset.done $0x0  }
0x63: {  	[sflag:s28] =	ssyncadd.s32 $0xFFFFF000  }
0x64: {  	_ =	swait.ge [sflag:s28], $0x1000  }
0x65: {  	[sflag:s28] =	ssyncset.done $0x0  }
0x66: {  	[sflag:s28] =	ssyncadd.s32 $0xFFFFF000  }
0x67: {  	_ =	swait.ge [sflag:s28], $0x1000  }
0x68: {  	[sflag:s28] =	ssyncset.done $0x0  }
0x69: {  	[sflag:s28] =	ssyncadd.s32 $0xFFFFF000  }
0x6a: {  	_ =	swait.ge [sflag:s28], $0x1000  }
0x6b: {  	[sflag:s28] =	ssyncset.done $0x0  }
0x6c: {  	[sflag:s28] =	ssyncadd.s32 $0xFFFFF000  }
0x6d: {  	_ =	swait.ge [sflag:s28], $0x1000  }
0x6e: {  	[sflag:s28] =	ssyncset.done $0x0  }
0x6f: {  	[sflag:s28] =	ssyncadd.s32 $0xFFFFF000  }
0x70: {  	_ =	swait.ge [sflag:s28], $0x1000  }
0x71: {  	[sflag:s28] =	ssyncset.done $0x0  }
0x72: {  	[sflag:s28] =	ssyncadd.s32 $0xFFFFF000  }
0x73: {  	v2 =	vld [tilespmem:$0x0];
	_ =	sdelay $0x4  }
0x74: {  	(v2sf) =	vpush v2, $0x0;
	_ =	sdelay $0xb  }
0x75: {  	(v2sf) =	vpush v2, $0x1;
	_ =	sdelay $0x2  }
0x76: {  	s29 =	spop (v2sf)  }
0x77: {  	s5 =	sand.u32 $0x7F, s29  }
0x78: {  	v3 =	vor.u32 s5, v0;
	_ =	sdelay $0x4  }
0x79: {  	v3 =	vld.idx.msk [tilespmem:v3+s11+$0x0], $0xffff  }
0x7a: {  	v4 =	vor.u32 s5, v1  }
0x7b: {  	(v2sf) =	vpush v2, $0x2;
	_ =	sdelay $0x2  }
0x7c: {  	s3 =	spop (v2sf);
	[tilespmem:$0x10280] =	vst v3  }
0x7d: {  	s5 =	sand.u32 $0x7F, s3;
	v3 =	vld.idx.msk [tilespmem:v4+s11+$0x0], $0xffff  }
0x7e: {  	v43 =	vor.u32 s5, v0;
	_ =	sdelay $0x3  }
0x7f: {  	[tilespmem:$0x10290] =	vst v3  }
0x80: {  	v3 =	vld.idx.msk [tilespmem:v43+s12+$0x0], $0xffff  }
0x81: {  	v44 =	vor.u32 s5, v1  }
0x82: {  	(v2sf) =	vpush v2, $0x3;
	_ =	sdelay $0x2  }
0x83: {  	s4 =	spop (v2sf);
	[tilespmem:$0x10300] =	vst v3  }
0x84: {  	s5 =	sand.u32 $0x7F, s4;
	v3 =	vld.idx.msk [tilespmem:v44+s12+$0x0], $0xffff  }
0x85: {  	v45 =	vor.u32 s5, v0;
	_ =	sdelay $0x3  }
0x86: {  	[tilespmem:$0x10310] =	vst v3  }
0x87: {  	v3 =	vld.idx.msk [tilespmem:v45+s13+$0x0], $0xffff  }
0x88: {  	v46 =	vor.u32 s5, v1  }
0x89: {  	(v2sf) =	vpush v2, $0x4;
	_ =	sdelay $0x2  }
0x8a: {  	s6 =	spop (v2sf);
	[tilespmem:$0x10380] =	vst v3  }
0x8b: {  	s5 =	sand.u32 $0x7F, s6;
	v3 =	vld.idx.msk [tilespmem:v46+s13+$0x0], $0xffff  }
0x8c: {  	v47 =	vor.u32 s5, v0;
	_ =	sdelay $0x3  }
0x8d: {  	[tilespmem:$0x10390] =	vst v3  }
0x8e: {  	v3 =	vld.idx.msk [tilespmem:v47+s14+$0x0], $0xffff  }
0x8f: {  	v48 =	vor.u32 s5, v1  }
0x90: {  	(v2sf) =	vpush v2, $0x5;
	_ =	sdelay $0x2  }
0x91: {  	s7 =	spop (v2sf);
	[tilespmem:$0x10400] =	vst v3  }
0x92: {  	s5 =	sand.u32 $0x7F, s7;
	v3 =	vld.idx.msk [tilespmem:v48+s14+$0x0], $0xffff  }
0x93: {  	v49 =	vor.u32 s5, v0;
	_ =	sdelay $0x3  }
0x94: {  	[tilespmem:$0x10410] =	vst v3  }
0x95: {  	v3 =	vld.idx.msk [tilespmem:v49+s15+$0x0], $0xffff  }
0x96: {  	v50 =	vor.u32 s5, v1  }
0x97: {  	(v2sf) =	vpush v2, $0x6;
	_ =	sdelay $0x2  }
0x98: {  	s29 =	spop (v2sf);
	[tilespmem:$0x10480] =	vst v3  }
0x99: {  	s5 =	sand.u32 $0x7F, s29;
	v3 =	vld.idx.msk [tilespmem:v50+s15+$0x0], $0xffff  }
0x9a: {  	v51 =	vor.u32 s5, v0;
	_ =	sdelay $0x3  }
0x9b: {  	[tilespmem:$0x10490] =	vst v3  }
0x9c: {  	v3 =	vld.idx.msk [tilespmem:v51+s16+$0x0], $0xffff  }
0x9d: {  	v52 =	vor.u32 s5, v1  }
0x9e: {  	(v2sf) =	vpush v2, $0x7;
	_ =	sdelay $0x2  }
0x9f: {  	s3 =	spop (v2sf);
	[tilespmem:$0x10500] =	vst v3  }
0xa0: {  	s5 =	sand.u32 $0x7F, s3;
	v2 =	vld.idx.msk [tilespmem:v52+s16+$0x0], $0xffff  }
0xa1: {  	v3 =	vor.u32 s5, v0;
	_ =	sdelay $0x3  }
0xa2: {  	[tilespmem:$0x10510] =	vst v2  }
0xa3: {  	v2 =	vld.idx.msk [tilespmem:v3+s17+$0x0], $0xffff  }
0xa4: {  	v3 =	vor.u32 s5, v1;
	_ =	sdelay $0x3  }
0xa5: {  	s4 =	spop (v2sf);
	[tilespmem:$0x10580] =	vst v2  }
0xa6: {  	s5 =	sand.u32 $0x7F, s4;
	v2 =	vld.idx.msk [tilespmem:v3+s17+$0x0], $0xffff  }
0xa7: {  	v3 =	vor.u32 s5, v0;
	_ =	sdelay $0x3  }
0xa8: {  	[tilespmem:$0x10590] =	vst v2  }
0xa9: {  	v2 =	vld.idx.msk [tilespmem:v3+s18+$0x0], $0xffff  }
0xaa: {  	v3 =	vor.u32 s5, v1;
	_ =	sdelay $0x3  }
0xab: {  	[tilespmem:$0x10600] =	vst v2  }
0xac: {  	v2 =	vld.idx.msk [tilespmem:v3+s18+$0x0], $0xffff;
	_ =	sdelay $0x4  }
0xad: {  	s6 =	rddreg [dreg:$0x5];
	[tilespmem:$0x10610] =	vst v2  }
0xae: {  	[hbm4b:s6+s2] =	stream.linear.scatter [tilespmem:s8], [sflag:$0x3], $0x400, $0x38;
	[tilespmem:$0x10A80] =	vst v63  }
0xaf: {  	v2 =	vld [tilespmem:$0x10];
	_ =	sdelay $0x4  }
0xb0: {  	(v2sf) =	vpush v2, $0x0;
	_ =	sdelay $0x1  }
0xb1: {  	(v2sf) =	vpush v2, $0x1;
	_ =	sdelay $0x1  }
0xb2: {  	(v2sf) =	vpush v2, $0x2;
	_ =	sdelay $0x2  }
0xb3: {  	(v2sf) =	vpush v2, $0x3;
	_ =	sdelay $0x1  }
0xb4: {  	(v2sf) =	vpush v2, $0x4;
	_ =	sdelay $0x5  }
0xb5: {  	s7 =	spop (v2sf);
	(v2sf) =	vpush v2, $0x5;
	_ =	sdelay $0x1  }
0xb6: {  	s29 =	spop (v2sf);
	(v2sf) =	vpush v2, $0x6  }
0xb7: {  	s5 =	sand.u32 $0xFFFFF80, s7  }
0xb8: {  	s5 =	sadd.s32 s1, s5;
	s6 =	spop (v2sf)  }
0xb9: {  	(v2sf) =	vpush v2, $0x7;
	[tilespmem:s11], [sflag:$0x1] =	stream.strided.gather [hbm4b:s5+s9], $0x1000, s10, s9, $0x38;
	[tilespmem:$0x10A80] =	vst v63  }
0xba: {  	s5 =	sand.u32 $0xFFFFF80, s29  }
0xbb: {  	s3 =	sand.u32 $0xFFFFF80, s6;
	s4 =	spop (v2sf);
	s5 =	sadd.s32 s1, s5  }
0xbc: {  	[tilespmem:s12], [sflag:$0x1] =	stream.strided.gather [hbm4b:s5+s9], $0x1000, s10, s9, $0x38;
	[tilespmem:$0x10A80] =	vst v63  }
0xbd: {  	s7 =	sand.u32 $0xFFFFF80, s4;
	s29 =	spop (v2sf);
	s5 =	sadd.s32 s1, s3  }
0xbe: {  	[tilespmem:s13], [sflag:$0x1] =	stream.strided.gather [hbm4b:s5+s9], $0x1000, s10, s9, $0x38;
	[tilespmem:$0x10A80] =	vst v63  }
0xbf: {  	s3 =	sand.u32 $0xFFFFF80, s29;
	s5 =	sadd.s32 s1, s7  }
0xc0: {  	[tilespmem:s14], [sflag:$0x1] =	stream.strided.gather [hbm4b:s5+s9], $0x1000, s10, s9, $0x38;
	[tilespmem:$0x10A80] =	vst v63  }
0xc1: {  	s5 =	sadd.s32 s1, s3  }
0xc2: {  	[tilespmem:s15], [sflag:$0x1] =	stream.strided.gather [hbm4b:s5+s9], $0x1000, s10, s9, $0x38;
	[tilespmem:$0x10A80] =	vst v63  }
0xc3: {  	s4 =	spop (v2sf)  }
0xc4: {  	s7 =	sand.u32 $0xFFFFF80, s4  }
0xc5: {  	s29 =	spop (v2sf);
	s5 =	sadd.s32 s1, s7  }
0xc6: {  	[tilespmem:s16], [sflag:$0x1] =	stream.strided.gather [hbm4b:s5+s9], $0x1000, s10, s9, $0x38;
	[tilespmem:$0x10A80] =	vst v63  }
0xc7: {  	s5 =	sand.u32 $0xFFFFF80, s29  }
0xc8: {  	s3 =	spop (v2sf);
	s5 =	sadd.s32 s1, s5  }
0xc9: {  	[tilespmem:s17], [sflag:$0x1] =	stream.strided.gather [hbm4b:s5+s9], $0x1000, s10, s9, $0x38;
	[tilespmem:$0x10A80] =	vst v63  }
0xca: {  	s5 =	sand.u32 $0xFFFFF80, s3  }
0xcb: {  	s5 =	sadd.s32 s1, s5  }
0xcc: {  	[tilespmem:s18], [sflag:$0x1] =	stream.strided.gather [hbm4b:s5+s9], $0x1000, s10, s9, $0x38;
	[tilespmem:$0x10A80] =	vst v63  }
0xcd: {  	_ =	swait.ge [sflag:s30], $0x1000  }
0xce: {  	[sflag:s30] =	ssyncset.done $0x0  }
0xcf: {  	[sflag:s30] =	ssyncadd.s32 $0xFFFFF000  }
0xd0: {  	_ =	swait.ge [sflag:s30], $0x1000  }
0xd1: {  	[sflag:s30] =	ssyncset.done $0x0  }
0xd2: {  	[sflag:s30] =	ssyncadd.s32 $0xFFFFF000  }
0xd3: {  	_ =	swait.ge [sflag:s30], $0x1000  }
0xd4: {  	[sflag:s30] =	ssyncset.done $0x0  }
0xd5: {  	[sflag:s30] =	ssyncadd.s32 $0xFFFFF000  }
0xd6: {  	_ =	swait.ge [sflag:s30], $0x1000  }
0xd7: {  	[sflag:s30] =	ssyncset.done $0x0  }
0xd8: {  	[sflag:s30] =	ssyncadd.s32 $0xFFFFF000  }
0xd9: {  	_ =	swait.ge [sflag:s30], $0x1000  }
0xda: {  	[sflag:s30] =	ssyncset.done $0x0  }
0xdb: {  	[sflag:s30] =	ssyncadd.s32 $0xFFFFF000  }
0xdc: {  	_ =	swait.ge [sflag:s30], $0x1000  }
0xdd: {  	[sflag:s30] =	ssyncset.done $0x0  }
0xde: {  	[sflag:s30] =	ssyncadd.s32 $0xFFFFF000  }
0xdf: {  	_ =	swait.ge [sflag:s30], $0x1000  }
0xe0: {  	[sflag:s30] =	ssyncset.done $0x0  }
0xe1: {  	[sflag:s30] =	ssyncadd.s32 $0xFFFFF000  }
0xe2: {  	_ =	swait.ge [sflag:s30], $0x1000  }
0xe3: {  	[sflag:s30] =	ssyncset.done $0x0  }
0xe4: {  	[sflag:s30] =	ssyncadd.s32 $0xFFFFF000  }
0xe5: {  	v2 =	vld [tilespmem:$0x8];
	_ =	sdelay $0x4  }
0xe6: {  	(v2sf) =	vpush v2, $0x0;
	_ =	sdelay $0xb  }
0xe7: {  	(v2sf) =	vpush v2, $0x1;
	_ =	sdelay $0x2  }
0xe8: {  	s4 =	spop (v2sf)  }
0xe9: {  	s5 =	sand.u32 $0x7F, s4  }
0xea: {  	v3 =	vor.u32 s5, v0;
	_ =	sdelay $0x4  }
0xeb: {  	v3 =	vld.idx.msk [tilespmem:v3+s19+$0x0], $0xffff  }
0xec: {  	v53 =	vor.u32 s5, v1  }
0xed: {  	(v2sf) =	vpush v2, $0x2;
	_ =	sdelay $0x2  }
0xee: {  	s6 =	spop (v2sf);
	[tilespmem:$0x10680] =	vst v3  }
0xef: {  	s5 =	sand.u32 $0x7F, s6;
	v3 =	vld.idx.msk [tilespmem:v53+s19+$0x0], $0xffff  }
0xf0: {  	v54 =	vor.u32 s5, v0;
	_ =	sdelay $0x3  }
0xf1: {  	[tilespmem:$0x10690] =	vst v3  }
0xf2: {  	v3 =	vld.idx.msk [tilespmem:v54+s20+$0x0], $0xffff  }
0xf3: {  	v55 =	vor.u32 s5, v1  }
0xf4: {  	(v2sf) =	vpush v2, $0x3;
	_ =	sdelay $0x2  }
0xf5: {  	s7 =	spop (v2sf);
	[tilespmem:$0x10700] =	vst v3  }
0xf6: {  	s5 =	sand.u32 $0x7F, s7;
	v3 =	vld.idx.msk [tilespmem:v55+s20+$0x0], $0xffff  }
0xf7: {  	v56 =	vor.u32 s5, v0;
	_ =	sdelay $0x3  }
0xf8: {  	[tilespmem:$0x10710] =	vst v3  }
0xf9: {  	v3 =	vld.idx.msk [tilespmem:v56+s21+$0x0], $0xffff  }
0xfa: {  	v57 =	vor.u32 s5, v1  }
0xfb: {  	(v2sf) =	vpush v2, $0x4;
	_ =	sdelay $0x2  }
0xfc: {  	s29 =	spop (v2sf);
	[tilespmem:$0x10780] =	vst v3  }
0xfd: {  	s5 =	sand.u32 $0x7F, s29;
	v3 =	vld.idx.msk [tilespmem:v57+s21+$0x0], $0xffff  }
0xfe: {  	v58 =	vor.u32 s5, v0;
	_ =	sdelay $0x3  }
0xff: {  	[tilespmem:$0x10790] =	vst v3  }
0x100: {  	v3 =	vld.idx.msk [tilespmem:v58+s22+$0x0], $0xffff  }
0x101: {  	v59 =	vor.u32 s5, v1  }
0x102: {  	(v2sf) =	vpush v2, $0x5;
	_ =	sdelay $0x2  }
0x103: {  	s3 =	spop (v2sf);
	[tilespmem:$0x10800] =	vst v3  }
0x104: {  	s5 =	sand.u32 $0x7F, s3;
	v3 =	vld.idx.msk [tilespmem:v59+s22+$0x0], $0xffff  }
0x105: {  	v60 =	vor.u32 s5, v0;
	_ =	sdelay $0x3  }
0x106: {  	[tilespmem:$0x10810] =	vst v3  }
0x107: {  	v3 =	vld.idx.msk [tilespmem:v60+s23+$0x0], $0xffff  }
0x108: {  	v61 =	vor.u32 s5, v1  }
0x109: {  	(v2sf) =	vpush v2, $0x6;
	_ =	sdelay $0x2  }
0x10a: {  	s4 =	spop (v2sf);
	[tilespmem:$0x10880] =	vst v3  }
0x10b: {  	s5 =	sand.u32 $0x7F, s4;
	v3 =	vld.idx.msk [tilespmem:v61+s23+$0x0], $0xffff  }
0x10c: {  	v62 =	vor.u32 s5, v0;
	_ =	sdelay $0x3  }
0x10d: {  	[tilespmem:$0x10890] =	vst v3  }
0x10e: {  	v3 =	vld.idx.msk [tilespmem:v62+s24+$0x0], $0xffff  }
0x10f: {  	v63 =	vor.u32 s5, v1  }
0x110: {  	(v2sf) =	vpush v2, $0x7;
	_ =	sdelay $0x2  }
0x111: {  	s6 =	spop (v2sf);
	[tilespmem:$0x10900] =	vst v3  }
0x112: {  	s5 =	sand.u32 $0x7F, s6;
	v2 =	vld.idx.msk [tilespmem:v63+s24+$0x0], $0xffff  }
0x113: {  	v3 =	vor.u32 s5, v0;
	_ =	sdelay $0x3  }
0x114: {  	[tilespmem:$0x10910] =	vst v2  }
0x115: {  	v2 =	vld.idx.msk [tilespmem:v3+s25+$0x0], $0xffff  }
0x116: {  	v3 =	vor.u32 s5, v1;
	_ =	sdelay $0x3  }
0x117: {  	s7 =	spop (v2sf);
	[tilespmem:$0x10980] =	vst v2  }
0x118: {  	s5 =	sand.u32 $0x7F, s7;
	v2 =	vld.idx.msk [tilespmem:v3+s25+$0x0], $0xffff  }
0x119: {  	v3 =	vor.u32 s5, v0;
	_ =	sdelay $0x3  }
0x11a: {  	[tilespmem:$0x10990] =	vst v2  }
0x11b: {  	v2 =	vld.idx.msk [tilespmem:v3+s26+$0x0], $0xffff  }
0x11c: {  	v3 =	vor.u32 s5, v1;
	_ =	sdelay $0x3  }
0x11d: {  	[tilespmem:$0x10A00] =	vst v2  }
0x11e: {  	v2 =	vld.idx.msk [tilespmem:v3+s26+$0x0], $0xffff;
	_ =	sdelay $0x4  }
0x11f: {  	s29 =	rddreg [dreg:$0x7];
	s6 =	simm.s32 $0x0;
	s5 =	simm.s32 $0x20;
	[tilespmem:$0x10A10] =	vst v2  }
0x120: {  	[hbm4b:s29+s2] =	stream.linear.scatter [tilespmem:s31], [sflag:$0x3], $0x400, $0x38;
	[tilespmem:$0x10A80] =	vst v63  }
.LBB2_2:
0x121: {  	v2 =	vld [tilespmem:s5+$0xFFFFFFF8];
	_ =	sdelay $0x4  }
0x122: {  	(v2sf) =	vpush v2, $0x0;
	_ =	sdelay $0x1  }
0x123: {  	(v2sf) =	vpush v2, $0x1;
	_ =	sdelay $0x1  }
0x124: {  	(v2sf) =	vpush v2, $0x2;
	_ =	sdelay $0x2  }
0x125: {  	(v2sf) =	vpush v2, $0x3;
	_ =	sdelay $0x7  }
0x126: {  	s7 =	spop (v2sf);
	(v2sf) =	vpush v2, $0x4;
	_ =	sdelay $0x1  }
0x127: {  	s4 =	spop (v2sf);
	(v2sf) =	vpush v2, $0x5  }
0x128: {  	s7 =	sand.u32 $0xFFFFF80, s7  }
0x129: {  	s7 =	sadd.s32 s1, s7;
	s29 =	spop (v2sf)  }
0x12a: {  	(v2sf) =	vpush v2, $0x6;
	[tilespmem:s19], [sflag:$0x2] =	stream.strided.gather [hbm4b:s7+s9], $0x1000, s10, s9, $0x38;
	[tilespmem:$0x10A80] =	vst v63  }
0x12b: {  	s7 =	sand.u32 $0xFFFFF80, s4  }
0x12c: {  	s3 =	spop (v2sf);
	s7 =	sadd.s32 s1, s7  }
0x12d: {  	(v2sf) =	vpush v2, $0x7;
	[tilespmem:s20], [sflag:$0x2] =	stream.strided.gather [hbm4b:s7+s9], $0x1000, s10, s9, $0x38;
	[tilespmem:$0x10A80] =	vst v63  }
0x12e: {  	s7 =	sand.u32 $0xFFFFF80, s29  }
0x12f: {  	s7 =	sadd.s32 s1, s7  }
0x130: {  	[tilespmem:s21], [sflag:$0x2] =	stream.strided.gather [hbm4b:s7+s9], $0x1000, s10, s9, $0x38;
	[tilespmem:$0x10A80] =	vst v63  }
0x131: {  	s7 =	sand.u32 $0xFFFFF80, s3  }
0x132: {  	s7 =	sadd.s32 s1, s7  }
0x133: {  	[tilespmem:s22], [sflag:$0x2] =	stream.strided.gather [hbm4b:s7+s9], $0x1000, s10, s9, $0x38;
	[tilespmem:$0x10A80] =	vst v63  }
0x134: {  	s4 =	spop (v2sf)  }
0x135: {  	s7 =	sand.u32 $0xFFFFF80, s4  }
0x136: {  	s29 =	spop (v2sf);
	s7 =	sadd.s32 s1, s7  }
0x137: {  	[tilespmem:s23], [sflag:$0x2] =	stream.strided.gather [hbm4b:s7+s9], $0x1000, s10, s9, $0x38;
	[tilespmem:$0x10A80] =	vst v63  }
0x138: {  	s7 =	sand.u32 $0xFFFFF80, s29  }
0x139: {  	s3 =	spop (v2sf);
	s7 =	sadd.s32 s1, s7  }
0x13a: {  	[tilespmem:s24], [sflag:$0x2] =	stream.strided.gather [hbm4b:s7+s9], $0x1000, s10, s9, $0x38;
	[tilespmem:$0x10A80] =	vst v63  }
0x13b: {  	s7 =	sand.u32 $0xFFFFF80, s3  }
0x13c: {  	s4 =	spop (v2sf);
	s7 =	sadd.s32 s1, s7  }
0x13d: {  	[tilespmem:s25], [sflag:$0x2] =	stream.strided.gather [hbm4b:s7+s9], $0x1000, s10, s9, $0x38;
	[tilespmem:$0x10A80] =	vst v63  }
0x13e: {  	s7 =	sand.u32 $0xFFFFF80, s4  }
0x13f: {  	s7 =	sadd.s32 s1, s7  }
0x140: {  	[tilespmem:s26], [sflag:$0x2] =	stream.strided.gather [hbm4b:s7+s9], $0x1000, s10, s9, $0x38;
	[tilespmem:$0x10A80] =	vst v63  }
0x141: {  	_ =	swait.ge [sflag:s28], $0x1000  }
0x142: {  	[sflag:s28] =	ssyncset.done $0x0  }
0x143: {  	[sflag:s28] =	ssyncadd.s32 $0xFFFFF000  }
0x144: {  	_ =	swait.ge [sflag:s28], $0x1000  }
0x145: {  	[sflag:s28] =	ssyncset.done $0x0  }
0x146: {  	[sflag:s28] =	ssyncadd.s32 $0xFFFFF000  }
0x147: {  	_ =	swait.ge [sflag:s28], $0x1000  }
0x148: {  	[sflag:s28] =	ssyncset.done $0x0  }
0x149: {  	[sflag:s28] =	ssyncadd.s32 $0xFFFFF000  }
0x14a: {  	_ =	swait.ge [sflag:s28], $0x1000  }
0x14b: {  	[sflag:s28] =	ssyncset.done $0x0  }
0x14c: {  	[sflag:s28] =	ssyncadd.s32 $0xFFFFF000  }
0x14d: {  	_ =	swait.ge [sflag:s28], $0x1000  }
0x14e: {  	[sflag:s28] =	ssyncset.done $0x0  }
0x14f: {  	[sflag:s28] =	ssyncadd.s32 $0xFFFFF000  }
0x150: {  	_ =	swait.ge [sflag:s28], $0x1000  }
0x151: {  	[sflag:s28] =	ssyncset.done $0x0  }
0x152: {  	[sflag:s28] =	ssyncadd.s32 $0xFFFFF000  }
0x153: {  	_ =	swait.ge [sflag:s28], $0x1000  }
0x154: {  	[sflag:s28] =	ssyncset.done $0x0  }
0x155: {  	[sflag:s28] =	ssyncadd.s32 $0xFFFFF000  }
0x156: {  	_ =	swait.ge [sflag:s28], $0x1000  }
0x157: {  	[sflag:s28] =	ssyncset.done $0x0  }
0x158: {  	[sflag:s28] =	ssyncadd.s32 $0xFFFFF000  }
0x159: {  	v2 =	vld [tilespmem:s5+$0xFFFFFFF0];
	_ =	sdelay $0x3  }
0x15a: {  	_ =	swait.ge [sflag:s0], $0x400  }
0x15b: {  	(v2sf) =	vpush v2, $0x0;
	_ =	sdelay $0xb  }
0x15c: {  	(v2sf) =	vpush v2, $0x1;
	_ =	sdelay $0x2  }
0x15d: {  	s29 =	spop (v2sf)  }
0x15e: {  	s7 =	sand.u32 $0x7F, s29  }
0x15f: {  	v3 =	vor.u32 s7, v0;
	_ =	sdelay $0x2  }
0x160: {  	[sflag:s0] =	ssyncset.done $0x0  }
0x161: {  	[sflag:s0] =	ssyncadd.s32 $0xFFFFFC00  }
0x162: {  	v3 =	vld.idx.msk [tilespmem:v3+s11+$0x0], $0xffff  }
0x163: {  	v4 =	vor.u32 s7, v1  }
0x164: {  	(v2sf) =	vpush v2, $0x2;
	_ =	sdelay $0x2  }
0x165: {  	s3 =	spop (v2sf);
	[tilespmem:$0x10280] =	vst v3  }
0x166: {  	s7 =	sand.u32 $0x7F, s3;
	v3 =	vld.idx.msk [tilespmem:v4+s11+$0x0], $0xffff  }
0x167: {  	v43 =	vor.u32 s7, v0;
	_ =	sdelay $0x3  }
0x168: {  	[tilespmem:$0x10290] =	vst v3  }
0x169: {  	v3 =	vld.idx.msk [tilespmem:v43+s12+$0x0], $0xffff  }
0x16a: {  	v44 =	vor.u32 s7, v1  }
0x16b: {  	(v2sf) =	vpush v2, $0x3;
	_ =	sdelay $0x2  }
0x16c: {  	s4 =	spop (v2sf);
	[tilespmem:$0x10300] =	vst v3  }
0x16d: {  	s7 =	sand.u32 $0x7F, s4;
	v3 =	vld.idx.msk [tilespmem:v44+s12+$0x0], $0xffff  }
0x16e: {  	v45 =	vor.u32 s7, v0;
	_ =	sdelay $0x3  }
0x16f: {  	[tilespmem:$0x10310] =	vst v3  }
0x170: {  	v3 =	vld.idx.msk [tilespmem:v45+s13+$0x0], $0xffff  }
0x171: {  	v46 =	vor.u32 s7, v1  }
0x172: {  	(v2sf) =	vpush v2, $0x4;
	_ =	sdelay $0x2  }
0x173: {  	s29 =	spop (v2sf);
	[tilespmem:$0x10380] =	vst v3  }
0x174: {  	s7 =	sand.u32 $0x7F, s29;
	v3 =	vld.idx.msk [tilespmem:v46+s13+$0x0], $0xffff  }
0x175: {  	v47 =	vor.u32 s7, v0;
	_ =	sdelay $0x3  }
0x176: {  	[tilespmem:$0x10390] =	vst v3  }
0x177: {  	v3 =	vld.idx.msk [tilespmem:v47+s14+$0x0], $0xffff  }
0x178: {  	v48 =	vor.u32 s7, v1  }
0x179: {  	(v2sf) =	vpush v2, $0x5;
	_ =	sdelay $0x2  }
0x17a: {  	s3 =	spop (v2sf);
	[tilespmem:$0x10400] =	vst v3  }
0x17b: {  	s7 =	sand.u32 $0x7F, s3;
	v3 =	vld.idx.msk [tilespmem:v48+s14+$0x0], $0xffff  }
0x17c: {  	v49 =	vor.u32 s7, v0;
	_ =	sdelay $0x3  }
0x17d: {  	[tilespmem:$0x10410] =	vst v3  }
0x17e: {  	v3 =	vld.idx.msk [tilespmem:v49+s15+$0x0], $0xffff  }
0x17f: {  	v50 =	vor.u32 s7, v1  }
0x180: {  	(v2sf) =	vpush v2, $0x6;
	_ =	sdelay $0x2  }
0x181: {  	s4 =	spop (v2sf);
	[tilespmem:$0x10480] =	vst v3  }
0x182: {  	s7 =	sand.u32 $0x7F, s4;
	v3 =	vld.idx.msk [tilespmem:v50+s15+$0x0], $0xffff  }
0x183: {  	v51 =	vor.u32 s7, v0;
	_ =	sdelay $0x3  }
0x184: {  	[tilespmem:$0x10490] =	vst v3  }
0x185: {  	v3 =	vld.idx.msk [tilespmem:v51+s16+$0x0], $0xffff  }
0x186: {  	v52 =	vor.u32 s7, v1  }
0x187: {  	(v2sf) =	vpush v2, $0x7;
	_ =	sdelay $0x2  }
0x188: {  	s29 =	spop (v2sf);
	[tilespmem:$0x10500] =	vst v3  }
0x189: {  	s7 =	sand.u32 $0x7F, s29;
	v2 =	vld.idx.msk [tilespmem:v52+s16+$0x0], $0xffff  }
0x18a: {  	v3 =	vor.u32 s7, v0;
	_ =	sdelay $0x3  }
0x18b: {  	[tilespmem:$0x10510] =	vst v2  }
0x18c: {  	v2 =	vld.idx.msk [tilespmem:v3+s17+$0x0], $0xffff  }
0x18d: {  	v3 =	vor.u32 s7, v1;
	_ =	sdelay $0x3  }
0x18e: {  	s3 =	spop (v2sf);
	[tilespmem:$0x10580] =	vst v2  }
0x18f: {  	s7 =	sand.u32 $0x7F, s3;
	v2 =	vld.idx.msk [tilespmem:v3+s17+$0x0], $0xffff  }
0x190: {  	v3 =	vor.u32 s7, v0;
	_ =	sdelay $0x3  }
0x191: {  	[tilespmem:$0x10590] =	vst v2  }
0x192: {  	v2 =	vld.idx.msk [tilespmem:v3+s18+$0x0], $0xffff  }
0x193: {  	v3 =	vor.u32 s7, v1;
	_ =	sdelay $0x3  }
0x194: {  	[tilespmem:$0x10600] =	vst v2  }
0x195: {  	v2 =	vld.idx.msk [tilespmem:v3+s18+$0x0], $0xffff;
	_ =	sdelay $0x2  }
0x196: {  	s4 =	rddreg [dreg:$0x4]  }
0x197: {  	s7 =	sadd.s32 s6, s4  }
0x198: {  	p0 =	seq.s32 s6, $0x1E00;
	s4 =	sadd.s32 $0x100, s7;
	[tilespmem:$0x10610] =	vst v2  }
0x199: {  	[hbm4b:s4+s2] =	stream.linear.scatter [tilespmem:s8], [sflag:$0x3], $0x400, $0x38;
	[tilespmem:$0x10A80] =	vst v63  }
0x19a: {  	v2 =	vld @!p0 [tilespmem:s5+$0x0];
	_ =	sdelay $0x4  }
0x19b: {  	(v2sf) =	vpush @!p0 v2, $0x0;
	_ =	sdelay $0x3  }
0x19c: {  	(v2sf) =	vpush @!p0 v2, $0x1;
	_ =	sdelay $0x3  }
0x19d: {  	(v2sf) =	vpush @!p0 v2, $0x2;
	_ =	sdelay $0x3  }
0x19e: {  	(v2sf) =	vpush @!p0 v2, $0x3;
	_ =	sdelay $0x2  }
0x19f: {  	s4 =	spop @!p0 (v2sf)  }
0x1a0: {  	s29 =	simm.s32 @!p0 $0x280;
	(v2sf) =	vpush @!p0 v2, $0x4;
	s4 =	sand.u32 @!p0 $0xFFFFF80, s4  }
0x1a1: {  	s3 =	simm.s32 @!p0 $0x7A1400;
	s8 =	simm.s32 @!p0 $0x400;
	s4 =	sadd.s32 @!p0 s1, s4  }
0x1a2: {  	[tilespmem:s29], [sflag:$0x1] =	stream.strided.gather @!p0 [hbm4b:s4+s8], $0x1000, s3, s8, $0x38;
	[tilespmem:$0x10A80] =	vst v63  }
0x1a3: {  	s4 =	spop @!p0 (v2sf)  }
0x1a4: {  	(v2sf) =	vpush @!p0 v2, $0x5;
	s4 =	sand.u32 @!p0 $0xFFFFF80, s4  }
0x1a5: {  	s29 =	simm.s32 @!p0 $0x1280;
	s4 =	sadd.s32 @!p0 s1, s4  }
0x1a6: {  	[tilespmem:s29], [sflag:$0x1] =	stream.strided.gather @!p0 [hbm4b:s4+s8], $0x1000, s3, s8, $0x38;
	[tilespmem:$0x10A80] =	vst v63  }
0x1a7: {  	s4 =	spop @!p0 (v2sf)  }
0x1a8: {  	(v2sf) =	vpush @!p0 v2, $0x6;
	s4 =	sand.u32 @!p0 $0xFFFFF80, s4  }
0x1a9: {  	s29 =	simm.s32 @!p0 $0x2280;
	s4 =	sadd.s32 @!p0 s1, s4  }
0x1aa: {  	[tilespmem:s29], [sflag:$0x1] =	stream.strided.gather @!p0 [hbm4b:s4+s8], $0x1000, s3, s8, $0x38;
	[tilespmem:$0x10A80] =	vst v63  }
0x1ab: {  	s4 =	spop @!p0 (v2sf)  }
0x1ac: {  	(v2sf) =	vpush @!p0 v2, $0x7;
	s4 =	sand.u32 @!p0 $0xFFFFF80, s4  }
0x1ad: {  	s29 =	simm.s32 @!p0 $0x3280;
	s4 =	sadd.s32 @!p0 s1, s4  }
0x1ae: {  	[tilespmem:s29], [sflag:$0x1] =	stream.strided.gather @!p0 [hbm4b:s4+s8], $0x1000, s3, s8, $0x38;
	[tilespmem:$0x10A80] =	vst v63  }
0x1af: {  	s4 =	spop @!p0 (v2sf)  }
0x1b0: {  	s4 =	sand.u32 @!p0 $0xFFFFF80, s4  }
0x1b1: {  	s29 =	simm.s32 @!p0 $0x4280;
	s4 =	sadd.s32 @!p0 s1, s4  }
0x1b2: {  	[tilespmem:s29], [sflag:$0x1] =	stream.strided.gather @!p0 [hbm4b:s4+s8], $0x1000, s3, s8, $0x38;
	[tilespmem:$0x10A80] =	vst v63  }
0x1b3: {  	s4 =	spop @!p0 (v2sf)  }
0x1b4: {  	s4 =	sand.u32 @!p0 $0xFFFFF80, s4  }
0x1b5: {  	s29 =	simm.s32 @!p0 $0x5280;
	s4 =	sadd.s32 @!p0 s1, s4  }
0x1b6: {  	[tilespmem:s29], [sflag:$0x1] =	stream.strided.gather @!p0 [hbm4b:s4+s8], $0x1000, s3, s8, $0x38;
	[tilespmem:$0x10A80] =	vst v63  }
0x1b7: {  	s4 =	spop @!p0 (v2sf)  }
0x1b8: {  	s4 =	sand.u32 @!p0 $0xFFFFF80, s4  }
0x1b9: {  	s29 =	simm.s32 @!p0 $0x6280;
	s4 =	sadd.s32 @!p0 s1, s4  }
0x1ba: {  	[tilespmem:s29], [sflag:$0x1] =	stream.strided.gather @!p0 [hbm4b:s4+s8], $0x1000, s3, s8, $0x38;
	[tilespmem:$0x10A80] =	vst v63  }
0x1bb: {  	s4 =	spop @!p0 (v2sf)  }
0x1bc: {  	s4 =	sand.u32 @!p0 $0xFFFFF80, s4  }
0x1bd: {  	s29 =	simm.s32 @!p0 $0x7280;
	s4 =	sadd.s32 @!p0 s1, s4  }
0x1be: {  	[tilespmem:s29], [sflag:$0x1] =	stream.strided.gather @!p0 [hbm4b:s4+s8], $0x1000, s3, s8, $0x38;
	[tilespmem:$0x10A80] =	vst v63  }
0x1bf: {  	_ =	swait.ge [sflag:s30], $0x1000  }
0x1c0: {  	[sflag:s30] =	ssyncset.done $0x0  }
0x1c1: {  	[sflag:s30] =	ssyncadd.s32 $0xFFFFF000  }
0x1c2: {  	_ =	swait.ge [sflag:s30], $0x1000  }
0x1c3: {  	[sflag:s30] =	ssyncset.done $0x0  }
0x1c4: {  	[sflag:s30] =	ssyncadd.s32 $0xFFFFF000  }
0x1c5: {  	_ =	swait.ge [sflag:s30], $0x1000  }
0x1c6: {  	[sflag:s30] =	ssyncset.done $0x0  }
0x1c7: {  	[sflag:s30] =	ssyncadd.s32 $0xFFFFF000  }
0x1c8: {  	_ =	swait.ge [sflag:s30], $0x1000  }
0x1c9: {  	[sflag:s30] =	ssyncset.done $0x0  }
0x1ca: {  	[sflag:s30] =	ssyncadd.s32 $0xFFFFF000  }
0x1cb: {  	_ =	swait.ge [sflag:s30], $0x1000  }
0x1cc: {  	[sflag:s30] =	ssyncset.done $0x0  }
0x1cd: {  	[sflag:s30] =	ssyncadd.s32 $0xFFFFF000  }
0x1ce: {  	_ =	swait.ge [sflag:s30], $0x1000  }
0x1cf: {  	[sflag:s30] =	ssyncset.done $0x0  }
0x1d0: {  	[sflag:s30] =	ssyncadd.s32 $0xFFFFF000  }
0x1d1: {  	_ =	swait.ge [sflag:s30], $0x1000  }
0x1d2: {  	[sflag:s30] =	ssyncset.done $0x0  }
0x1d3: {  	[sflag:s30] =	ssyncadd.s32 $0xFFFFF000  }
0x1d4: {  	_ =	swait.ge [sflag:s30], $0x1000  }
0x1d5: {  	[sflag:s30] =	ssyncset.done $0x0  }
0x1d6: {  	[sflag:s30] =	ssyncadd.s32 $0xFFFFF000  }
0x1d7: {  	v2 =	vld [tilespmem:s5+$0xFFFFFFF8];
	_ =	sdelay $0x3  }
0x1d8: {  	_ =	swait.ge [sflag:s0], $0x400  }
0x1d9: {  	(v2sf) =	vpush v2, $0x0;
	_ =	sdelay $0xb  }
0x1da: {  	(v2sf) =	vpush v2, $0x1;
	_ =	sdelay $0x2  }
0x1db: {  	s29 =	spop (v2sf)  }
0x1dc: {  	s3 =	sand.u32 $0x7F, s29  }
0x1dd: {  	v3 =	vor.u32 s3, v0;
	_ =	sdelay $0x2  }
0x1de: {  	[sflag:s0] =	ssyncset.done $0x0  }
0x1df: {  	[sflag:s0] =	ssyncadd.s32 $0xFFFFFC00  }
0x1e0: {  	v3 =	vld.idx.msk [tilespmem:v3+s19+$0x0], $0xffff  }
0x1e1: {  	v53 =	vor.u32 s3, v1  }
0x1e2: {  	(v2sf) =	vpush v2, $0x2;
	_ =	sdelay $0x2  }
0x1e3: {  	s4 =	spop (v2sf);
	[tilespmem:$0x10680] =	vst v3  }
0x1e4: {  	s3 =	sand.u32 $0x7F, s4;
	v3 =	vld.idx.msk [tilespmem:v53+s19+$0x0], $0xffff  }
0x1e5: {  	v54 =	vor.u32 s3, v0;
	_ =	sdelay $0x3  }
0x1e6: {  	[tilespmem:$0x10690] =	vst v3  }
0x1e7: {  	v3 =	vld.idx.msk [tilespmem:v54+s20+$0x0], $0xffff  }
0x1e8: {  	v55 =	vor.u32 s3, v1  }
0x1e9: {  	(v2sf) =	vpush v2, $0x3;
	_ =	sdelay $0x2  }
0x1ea: {  	s29 =	spop (v2sf);
	[tilespmem:$0x10700] =	vst v3  }
0x1eb: {  	s3 =	sand.u32 $0x7F, s29;
	v3 =	vld.idx.msk [tilespmem:v55+s20+$0x0], $0xffff  }
0x1ec: {  	v56 =	vor.u32 s3, v0;
	_ =	sdelay $0x3  }
0x1ed: {  	[tilespmem:$0x10710] =	vst v3  }
0x1ee: {  	v3 =	vld.idx.msk [tilespmem:v56+s21+$0x0], $0xffff  }
0x1ef: {  	v57 =	vor.u32 s3, v1  }
0x1f0: {  	(v2sf) =	vpush v2, $0x4;
	_ =	sdelay $0x2  }
0x1f1: {  	s4 =	spop (v2sf);
	[tilespmem:$0x10780] =	vst v3  }
0x1f2: {  	s3 =	sand.u32 $0x7F, s4;
	v3 =	vld.idx.msk [tilespmem:v57+s21+$0x0], $0xffff  }
0x1f3: {  	v58 =	vor.u32 s3, v0;
	_ =	sdelay $0x3  }
0x1f4: {  	[tilespmem:$0x10790] =	vst v3  }
0x1f5: {  	v3 =	vld.idx.msk [tilespmem:v58+s22+$0x0], $0xffff  }
0x1f6: {  	v59 =	vor.u32 s3, v1  }
0x1f7: {  	(v2sf) =	vpush v2, $0x5;
	_ =	sdelay $0x2  }
0x1f8: {  	s29 =	spop (v2sf);
	[tilespmem:$0x10800] =	vst v3  }
0x1f9: {  	s3 =	sand.u32 $0x7F, s29;
	v3 =	vld.idx.msk [tilespmem:v59+s22+$0x0], $0xffff  }
0x1fa: {  	v60 =	vor.u32 s3, v0;
	_ =	sdelay $0x3  }
0x1fb: {  	[tilespmem:$0x10810] =	vst v3  }
0x1fc: {  	v3 =	vld.idx.msk [tilespmem:v60+s23+$0x0], $0xffff  }
0x1fd: {  	v61 =	vor.u32 s3, v1  }
0x1fe: {  	(v2sf) =	vpush v2, $0x6;
	_ =	sdelay $0x2  }
0x1ff: {  	s4 =	spop (v2sf);
	[tilespmem:$0x10880] =	vst v3  }
0x200: {  	s3 =	sand.u32 $0x7F, s4;
	v3 =	vld.idx.msk [tilespmem:v61+s23+$0x0], $0xffff  }
0x201: {  	v62 =	vor.u32 s3, v0;
	_ =	sdelay $0x3  }
0x202: {  	[tilespmem:$0x10890] =	vst v3  }
0x203: {  	v3 =	vld.idx.msk [tilespmem:v62+s24+$0x0], $0xffff  }
0x204: {  	v63 =	vor.u32 s3, v1  }
0x205: {  	(v2sf) =	vpush v2, $0x7;
	_ =	sdelay $0x2  }
0x206: {  	s29 =	spop (v2sf);
	[tilespmem:$0x10900] =	vst v3  }
0x207: {  	s3 =	sand.u32 $0x7F, s29;
	v2 =	vld.idx.msk [tilespmem:v63+s24+$0x0], $0xffff  }
0x208: {  	v3 =	vor.u32 s3, v0;
	_ =	sdelay $0x3  }
0x209: {  	[tilespmem:$0x10910] =	vst v2  }
0x20a: {  	v2 =	vld.idx.msk [tilespmem:v3+s25+$0x0], $0xffff  }
0x20b: {  	v3 =	vor.u32 s3, v1;
	_ =	sdelay $0x3  }
0x20c: {  	s4 =	spop (v2sf);
	[tilespmem:$0x10980] =	vst v2  }
0x20d: {  	s3 =	sand.u32 $0x7F, s4;
	v2 =	vld.idx.msk [tilespmem:v3+s25+$0x0], $0xffff  }
0x20e: {  	v3 =	vor.u32 s3, v0;
	_ =	sdelay $0x3  }
0x20f: {  	[tilespmem:$0x10990] =	vst v2  }
0x210: {  	v2 =	vld.idx.msk [tilespmem:v3+s26+$0x0], $0xffff  }
0x211: {  	v3 =	vor.u32 s3, v1;
	_ =	sdelay $0x3  }
0x212: {  	[tilespmem:$0x10A00] =	vst v2  }
0x213: {  	s6 =	sadd.s32 $0x100, s6;
	v2 =	vld.idx.msk [tilespmem:v3+s26+$0x0], $0xffff  }
0x214: {  	p0 =	sne.s32 s6, $0x1F00  }
.Ltmp0:
0x215: {  	_ = 	snop;
	(pc) =	sbr.rel @p0 .LBB2_2-.Ltmp0, $3  }
0x216: {  	_ =	sdelay $0x1  }
0x217: {  	s8 =	simm.s32 $0x10280;
	s5 =	sadd.s32 $0x10, s5;
	s29 =	sadd.s32 $0x180, s7;
	[tilespmem:$0x10A10] =	vst v2  }
0x218: {  	[hbm4b:s29+s2] =	stream.linear.scatter [tilespmem:s31], [sflag:$0x3], $0x400, $0x38;
	[tilespmem:$0x10A80] =	vst v63  }
0x219: {  	_ =	swait.ge [sflag:s0], $0x400  }
0x21a: {  	[sflag:s0] =	ssyncset.done $0x0  }
0x21b: {  	[sflag:s0] =	ssyncadd.s32 $0xFFFFFC00  }
0x21c: {  	_ =	swait.ge [sflag:s0], $0x400  }
0x21d: {  	s4 =	rddreg [dreg:$0x9]  }
0x21e: {  	s3 =	rddreg [dreg:$0x8];
	s4 =	sadd.s32 $0x1, s4  }
0x21f: {  	p0 =	sne.s32 s4, s3  }
.Ltmp1:
0x220: {  	_ = 	snop;
	(pc) =	sbr.rel @p0 .LBB2_1-.Ltmp1, $3  }
0x221: {  	_ =	sdelay $0x1  }
0x222: {  	[sflag:s0] =	ssyncset.done $0x0  }
0x223: {  	[sflag:s0] =	ssyncadd.s32 $0xFFFFFC00  }
0x224: {  	_ =	sfence.sel $0x180000  }
0x225: {  	[bflag:$0x0] =	sbarrier.arrive $0xFFFF  }
0x226: {  	_ =	strace $0x90000047  }
0x227: {  	s0 =	stileid.u32;
	[bflag:$0x2] =	sbarrier.arrive $0xFFFF  }
0x228: {  	p0 =	sne.s32 s0, $0x0;
	s0 =	rddreg [dreg:$0x3]  }
0x229: {  	s0 =	sadd.s32 @!p0 $0x100000, s0  }
0x22a: {  	[sflag:s0] =	ssyncadd.tile.s32 @!p0 $0x1;
	_ =	shalt  }
.Lfunc_end2:
_tile_overlayer_lowered:
.L_overlay_start_2:
0x22b: {  	(tag) =	ssettag $0x2  }
0x22c: {  	s0 =	rddreg [dreg:$0x0];
	s2 =	stileid.u32  }
0x22d: {  	s1 =	rddreg [dreg:$0x1];
	p0 =	sne.s32 s2, $0x0  }
0x22e: {  	s3 =	rddreg [dreg:$0x2];
	[bflag:$0x3] =	sbarrier.arrive $0xFFFF;
	s2 =	simm.s32 @!p0 $0x1C04  }
0x22f: {  	[timem:s3], [sflag:s2] =	dma.local @!p0 [hbm:s0], s1  }
0x230: {  	s0 =	simm.s32 @!p0 $0x4  }
0x231: {  	_ =	swait.ge @!p0 [sflag:s0], s1  }
0x232: {  	s1 =	ssub.s32 @!p0 $0x0, s1;
	[sflag:s0] =	ssyncset.done @!p0 $0x0  }
0x233: {  	[sflag:s0] =	ssyncadd.s32 @!p0 s1  }
0x234: {  	[bflag:$0x3] =	sbarrier.arrive $0xFFFF  }
0x235: {  	_ =	shalt  }

</sc_bundles>
